<compile_context>
chip_gen: v7x
topology: tpu7x:2x2x1
jax: 0.10.2.dev20260603
libtpu: 0.0.44.dev20260713+nightly
codegen_flags: <defaults>
</compile_context>

<pallas_src>
import jax
import jax.numpy as jnp
from jax import lax
from jax.experimental import pallas as pl
from jax.experimental.pallas import tpu as pltpu
from jax.experimental.pallas import tpu_sc as plsc

B, F, L, D = 1024, 26, 50, 32
NW = 32
BT = B // 128
LSTEP = 5
NLQ = L // LSTEP
STAGES = F * BT * NLQ
SPW = STAGES // NW
NR = 128 * LSTEP
RP = D + 1


def _sc_body(idx_hbm, table_hbm, out_hbm, idxr_v, idxt_v, rows_v, rowsp_v,
             out_v, gs0, gs1, os0, os1, isem):
    wid = lax.axis_index("s") * 2 + lax.axis_index("c")
    s0 = wid * SPW
    gsems = (gs0, gs1)
    osems = (os0, os1)
    iota = lax.iota(jnp.int32, 16)
    iota_rp = iota * RP

    def decode(st):
        lq = st % NLQ
        fb = st // NLQ
        return fb // BT, fb % BT, lq

    def issue_idx(st):
        f, bh, lq = decode(st)
        pltpu.async_copy(
            idx_hbm.at[pl.ds(bh * 128, 128), f],
            idxr_v,
            isem,
        )

    def wait_idx():
        pltpu.make_async_copy(
            idx_hbm.at[pl.ds(0, 128), 0],
            idxr_v,
            isem,
        ).wait()

    def issue_gather(st, slot):
        _, _, lq = decode(st)
        raw = idxr_v
        tr = idxt_v.at[slot]
        for c in range(LSTEP):
            cv = iota * 0 + (lq * LSTEP + c)
            for r0 in range(0, 128, 16):
                v = plsc.load_gather(raw, [iota + r0, cv])
                tr[c, pl.ds(r0, 16)] = v
        for c in range(LSTEP):
            pltpu.async_copy(
                table_hbm.at[tr.at[c]],
                rows_v.at[slot].at[pl.ds(c * 128, 128)],
                gsems[slot],
            )

    def wait_gather(slot):
        pltpu.make_async_copy(
            table_hbm.at[pl.ds(0, NR)],
            rows_v.at[slot],
            gsems[slot],
        ).wait()

    def out_view(st):
        f, bh, lq = decode(st)
        return out_hbm.at[f, pl.ds(lq * LSTEP, LSTEP), :, bh]

    def shuffle(slot):
        rows = rows_v.at[slot]
        outs = out_v.at[slot]

        @plsc.parallel_loop(0, NR, unroll=2)
        def _(r):
            base = r * RP
            for d0 in (0, 16):
                sv = iota + (base + d0)
                plsc.store_scatter(rowsp_v, [sv], rows[r, pl.ds(d0, 16)])

        @plsc.parallel_loop(0, LSTEP * D, unroll=2)
        def _(i):
            lrel = i // D
            d = i - lrel * D
            for k in range(8):
                gv = iota_rp + ((lrel * 128 + k * 16) * RP + d)
                v = plsc.load_gather(rowsp_v, [gv])
                outs[lrel, d // 8, d % 8, pl.ds(k * 16, 16)] = v

    issue_idx(s0)
    wait_idx()
    issue_gather(s0, 0)

    @pl.loop(0, SPW + 1, step=2)
    def _(t):
        for b in range(2):
            st = t + b

            @pl.when(st + 1 < SPW)
            def _():
                @pl.when((s0 + st + 1) % NLQ == 0)
                def _():
                    issue_idx(s0 + st + 1)
                    wait_idx()

                issue_gather(s0 + st + 1, 1 - b)

            @pl.when(st < SPW)
            def _():
                wait_gather(b)

                @pl.when(st >= 2)
                def _():
                    pltpu.make_async_copy(
                        out_v.at[b], out_view(s0 + st - 2), osems[b]
                    ).wait()

                shuffle(b)
                pltpu.async_copy(out_v.at[b], out_view(s0 + st), osems[b])

    sl0 = (SPW - 2) % 2
    sl1 = (SPW - 1) % 2
    pltpu.make_async_copy(out_v.at[sl0], out_view(s0 + SPW - 2), osems[sl0]).wait()
    pltpu.make_async_copy(out_v.at[sl1], out_view(s0 + SPW - 1), osems[sl1]).wait()


def kernel(inputs, table):
    assert inputs.shape == (B, F, L) and table.shape[1] == D
    idx = inputs.astype(jnp.int32)

    mesh = plsc.VectorSubcoreMesh(core_axis_name="c", subcore_axis_name="s")
    out6 = pl.kernel(
        _sc_body,
        out_type=jax.ShapeDtypeStruct((F, L, 4, 8, 8, 128), jnp.float32),
        mesh=mesh,
        compiler_params=pltpu.CompilerParams(
            needs_layout_passes=False, use_tc_tiling_on_sc=False
        ),
        scratch_types=[
            pltpu.VMEM((128, L), jnp.int32),
            pltpu.VMEM((2, LSTEP, 128), jnp.int32),
            pltpu.VMEM((2, NR, D), jnp.float32),
            pltpu.VMEM((NR * RP,), jnp.float32),
            pltpu.VMEM((2, LSTEP, 4, 8, 128), jnp.float32),
            pltpu.SemaphoreType.DMA,
            pltpu.SemaphoreType.DMA,
            pltpu.SemaphoreType.DMA,
            pltpu.SemaphoreType.DMA,
            pltpu.SemaphoreType.DMA,
        ],
    )(idx, table)
    return out6.transpose(3, 5, 0, 2, 4, 1).reshape(B, F, D, L)

# --- scband reference (transcript-rebuilt; emitter-appended) ---
"""Pipeline reference for scband-text-embedding-4492535791869 (READ-ONLY COPY).

The authoritative reference and input builder live on the scoring server;
editing this copy changes nothing except your own understanding.
"""

import jax, jax.numpy as jnp
import numpy as np

VOCAB = 1000000
EMBED_DIM = 32
BATCH = 1024
FIELDS = 26
MAXLEN = 50


def setup_inputs(seed: int = 0) -> dict:
    key = jax.random.key(seed)
    k1, k2 = jax.random.split(key)
    inputs = jax.random.randint(k1, (BATCH, FIELDS, MAXLEN), 0, VOCAB, dtype=jnp.int64 if jax.config.jax_enable_x64 else jnp.int32)
    table = jax.random.normal(k2, (VOCAB, EMBED_DIM), dtype=jnp.float32) * 0.05
    return {"inputs": inputs, "table": table}


def reference(inputs, table):
    # Embedding lookup: [B, F, L] -> [B, F, L, D]
    emb = jnp.take(table, inputs, axis=0)
    # transpose [0, 1, 3, 2]: [B, F, L, D] -> [B, F, D, L]
    emb = jnp.transpose(emb, (0, 1, 3, 2))
    return emb

if __name__ == "__main__":
    import jax
    _d = setup_inputs()
    print(jax.jit(kernel)(*tuple(_d.values())))

</pallas_src>

<mosaic_0001>
#map = affine_map<(d0, d1) -> (0, 0, 0)>
#map1 = affine_map<(d0, d1) -> (0, 0)>
#map2 = affine_map<(d0, d1) -> (0, 0, 0, 0, 0, 0)>
module attributes {stable_mosaic.version = 14 : i64} {
  func.func @_sc_body(%arg0: i32, %arg1: i32, %arg2: memref<1024x26x50xi32, #tpu.memory_space<hbm>>, %arg3: memref<1000000x32xf32, #tpu.memory_space<hbm>>, %arg4: memref<26x50x4x8x8x128xf32, #tpu.memory_space<hbm>>, %arg5: memref<128x50xi32, #tpu.memory_space<vmem>>, %arg6: memref<2x5x128xi32, #tpu.memory_space<vmem>>, %arg7: memref<2x640x32xf32, #tpu.memory_space<vmem>>, %arg8: memref<21120xf32, #tpu.memory_space<vmem>>, %arg9: memref<2x5x4x8x128xf32, #tpu.memory_space<vmem>>, %arg10: memref<!tpu.dma_semaphore, #tpu.memory_space<semaphore_mem>>, %arg11: memref<!tpu.dma_semaphore, #tpu.memory_space<semaphore_mem>>, %arg12: memref<!tpu.dma_semaphore, #tpu.memory_space<semaphore_mem>>, %arg13: memref<!tpu.dma_semaphore, #tpu.memory_space<semaphore_mem>>, %arg14: memref<!tpu.dma_semaphore, #tpu.memory_space<semaphore_mem>>) attributes {dimension_semantics = [#tpu.dimension_semantics<core_parallel>, #tpu.dimension_semantics<subcore_parallel>], iteration_bounds = array<i64: 2, 16>, scalar_prefetch = 0 : i64, scratch_operands = 10 : i64, tpu.core_type = #tpu.core_type<sc_vector_subcore>, window_params = [{transform_indices = #map}, {transform_indices = #map1}, {transform_indices = #map2}]} {
    %mul3A = arith.constant 2 : i32
    %mul3A_0 = arith.muli %arg1, %mul3A : i32
    %add3A = arith.addi %mul3A_0, %arg0 : i32
    %mul3A_1 = arith.constant 65 : i32
    %mul3A_2 = arith.muli %add3A, %mul3A_1 : i32
    %iota3A = tpu.iota {dimensions = array<i32: 0>} : vector<16xi32>
    %mul3A_3 = arith.constant 33 : i32
    %mul3A_4 = vector.broadcast %mul3A_3 : i32 to vector<16xi32>
    %mul3A_5 = arith.muli %iota3A, %mul3A_4 : vector<16xi32>
    %jit3A = arith.constant 10 : i32
    %eq3A = arith.constant 0 : i32
    %eq3A_6 = arith.cmpi eq, %jit3A, %eq3A : i32
    %jit3A_7 = arith.constant 1 : i32
    %select_n3A = arith.select %eq3A_6, %jit3A_7, %jit3A : i32
    %rem3A = arith.remsi %mul3A_2, %select_n3A : i32
    %ne3A = arith.constant 0 : i32
    %ne3A_8 = arith.cmpi ne, %rem3A, %ne3A : i32
    %lt3A = arith.constant 0 : i32
    %lt3A_9 = arith.cmpi slt, %rem3A, %lt3A : i32
    %lt3A_10 = arith.constant 0 : i32
    %lt3A_11 = arith.cmpi slt, %select_n3A, %lt3A_10 : i32
    %ne3A_12 = arith.xori %lt3A_9, %lt3A_11 : i1
    %and3A = arith.andi %ne3A_12, %ne3A_8 : i1
    %add3A_13 = arith.addi %rem3A, %select_n3A : i32
    %select_n3A_14 = arith.select %and3A, %add3A_13, %rem3A : i32
    %jit3A_15 = arith.constant 10 : i32
    %div3A = arith.divsi %mul3A_2, %jit3A_15 : i32
    %sign3A = arith.constant 0 : i32
    %sign3A_16 = arith.cmpi sgt, %mul3A_2, %sign3A : i32
    %sign3A_17 = arith.extui %sign3A_16 : i1 to i32
    %sign3A_18 = arith.constant 0 : i32
    %sign3A_19 = arith.cmpi slt, %mul3A_2, %sign3A_18 : i32
    %sign3A_20 = arith.extui %sign3A_19 : i1 to i32
    %sign3A_21 = arith.subi %sign3A_17, %sign3A_20 : i32
    %sign3A_22 = arith.constant 0 : i32
    %sign3A_23 = arith.cmpi sgt, %jit3A_15, %sign3A_22 : i32
    %sign3A_24 = arith.extui %sign3A_23 : i1 to i32
    %sign3A_25 = arith.constant 0 : i32
    %sign3A_26 = arith.cmpi slt, %jit3A_15, %sign3A_25 : i32
    %sign3A_27 = arith.extui %sign3A_26 : i1 to i32
    %sign3A_28 = arith.subi %sign3A_24, %sign3A_27 : i32
    %ne3A_29 = arith.cmpi ne, %sign3A_21, %sign3A_28 : i32
    %rem3A_30 = arith.remsi %mul3A_2, %jit3A_15 : i32
    %ne3A_31 = arith.constant 0 : i32
    %ne3A_32 = arith.cmpi ne, %rem3A_30, %ne3A_31 : i32
    %and3A_33 = arith.andi %ne3A_29, %ne3A_32 : i1
    %sub3A = arith.constant 1 : i32
    %sub3A_34 = arith.subi %div3A, %sub3A : i32
    %select_n3A_35 = arith.select %and3A_33, %sub3A_34, %div3A : i32
    %jit3A_36 = arith.constant 8 : i32
    %div3A_37 = arith.divsi %select_n3A_35, %jit3A_36 : i32
    %sign3A_38 = arith.constant 0 : i32
    %sign3A_39 = arith.cmpi sgt, %select_n3A_35, %sign3A_38 : i32
    %sign3A_40 = arith.extui %sign3A_39 : i1 to i32
    %sign3A_41 = arith.constant 0 : i32
    %sign3A_42 = arith.cmpi slt, %select_n3A_35, %sign3A_41 : i32
    %sign3A_43 = arith.extui %sign3A_42 : i1 to i32
    %sign3A_44 = arith.subi %sign3A_40, %sign3A_43 : i32
    %sign3A_45 = arith.constant 0 : i32
    %sign3A_46 = arith.cmpi sgt, %jit3A_36, %sign3A_45 : i32
    %sign3A_47 = arith.extui %sign3A_46 : i1 to i32
    %sign3A_48 = arith.constant 0 : i32
    %sign3A_49 = arith.cmpi slt, %jit3A_36, %sign3A_48 : i32
    %sign3A_50 = arith.extui %sign3A_49 : i1 to i32
    %sign3A_51 = arith.subi %sign3A_47, %sign3A_50 : i32
    %ne3A_52 = arith.cmpi ne, %sign3A_44, %sign3A_51 : i32
    %rem3A_53 = arith.remsi %select_n3A_35, %jit3A_36 : i32
    %ne3A_54 = arith.constant 0 : i32
    %ne3A_55 = arith.cmpi ne, %rem3A_53, %ne3A_54 : i32
    %and3A_56 = arith.andi %ne3A_52, %ne3A_55 : i1
    %sub3A_57 = arith.constant 1 : i32
    %sub3A_58 = arith.subi %div3A_37, %sub3A_57 : i32
    %select_n3A_59 = arith.select %and3A_56, %sub3A_58, %div3A_37 : i32
    %jit3A_60 = arith.constant 8 : i32
    %eq3A_61 = arith.constant 0 : i32
    %eq3A_62 = arith.cmpi eq, %jit3A_60, %eq3A_61 : i32
    %jit3A_63 = arith.constant 1 : i32
    %select_n3A_64 = arith.select %eq3A_62, %jit3A_63, %jit3A_60 : i32
    %rem3A_65 = arith.remsi %select_n3A_35, %select_n3A_64 : i32
    %ne3A_66 = arith.constant 0 : i32
    %ne3A_67 = arith.cmpi ne, %rem3A_65, %ne3A_66 : i32
    %lt3A_68 = arith.constant 0 : i32
    %lt3A_69 = arith.cmpi slt, %rem3A_65, %lt3A_68 : i32
    %lt3A_70 = arith.constant 0 : i32
    %lt3A_71 = arith.cmpi slt, %select_n3A_64, %lt3A_70 : i32
    %ne3A_72 = arith.xori %lt3A_69, %lt3A_71 : i1
    %and3A_73 = arith.andi %ne3A_72, %ne3A_67 : i1
    %add3A_74 = arith.addi %rem3A_65, %select_n3A_64 : i32
    %select_n3A_75 = arith.select %and3A_73, %add3A_74, %rem3A_65 : i32
    %mul3A_76 = arith.constant 128 : i32
    %mul3A_77 = arith.muli %select_n3A_75, %mul3A_76 : i32
    %dma_start3A = arith.constant 0 : i32
    %dma_start3A_78 = tpu.memref_slice %arg2[%mul3A_77, %select_n3A_59, %dma_start3A] : memref<1024x26x50xi32, #tpu.memory_space<hbm>> -> memref<128x1x50xi32, #tpu.memory_space<hbm>>
    %dma_start3A_79 = tpu.memref_squeeze %dma_start3A_78 : memref<128x1x50xi32, #tpu.memory_space<hbm>> -> memref<128x50xi32, #tpu.memory_space<hbm>>
    %dma_start3A_80 = arith.constant 0 : i32
    %dma_start3A_81 = tpu.memref_slice %arg2[%mul3A_77, %select_n3A_59, %dma_start3A_80] : memref<1024x26x50xi32, #tpu.memory_space<hbm>> -> memref<128x1x50xi32, #tpu.memory_space<hbm>>
    %dma_start3A_82 = tpu.memref_squeeze %dma_start3A_81 : memref<128x1x50xi32, #tpu.memory_space<hbm>> -> memref<128x50xi32, #tpu.memory_space<hbm>>
    tpu.enqueue_dma source(%dma_start3A_82 : memref<128x50xi32, #tpu.memory_space<hbm>>) target(%arg5 : memref<128x50xi32, #tpu.memory_space<vmem>>) target_semaphore(%arg14 : memref<!tpu.dma_semaphore, #tpu.memory_space<semaphore_mem>>)
    %dma_wait3A = arith.constant 0 : i32
    %dma_wait3A_83 = arith.constant 0 : i32
    %dma_wait3A_84 = arith.constant 0 : i32
    %dma_wait3A_85 = tpu.memref_slice %arg2[%dma_wait3A_83, %dma_wait3A, %dma_wait3A_84] : memref<1024x26x50xi32, #tpu.memory_space<hbm>> -> memref<128x1x50xi32, #tpu.memory_space<hbm>>
    %dma_wait3A_86 = tpu.memref_squeeze %dma_wait3A_85 : memref<128x1x50xi32, #tpu.memory_space<hbm>> -> memref<128x50xi32, #tpu.memory_space<hbm>>
    %dma_wait3A_87 = arith.constant 0 : i32
    %dma_wait3A_88 = arith.constant 0 : i32
    %dma_wait3A_89 = tpu.memref_slice %arg2[%dma_wait3A_87, %dma_wait3A, %dma_wait3A_88] : memref<1024x26x50xi32, #tpu.memory_space<hbm>> -> memref<128x1x50xi32, #tpu.memory_space<hbm>>
    %dma_wait3A_90 = tpu.memref_squeeze %dma_wait3A_89 : memref<128x1x50xi32, #tpu.memory_space<hbm>> -> memref<128x50xi32, #tpu.memory_space<hbm>>
    tpu.wait_dma2 semaphore(%arg14 : memref<!tpu.dma_semaphore, #tpu.memory_space<semaphore_mem>>) src(%dma_wait3A_90 : memref<128x50xi32, #tpu.memory_space<hbm>>) dst(%arg5 : memref<128x50xi32, #tpu.memory_space<vmem>>)
    %jit3A_91 = arith.constant 10 : i32
    %eq3A_92 = arith.constant 0 : i32
    %eq3A_93 = arith.cmpi eq, %jit3A_91, %eq3A_92 : i32
    %jit3A_94 = arith.constant 1 : i32
    %select_n3A_95 = arith.select %eq3A_93, %jit3A_94, %jit3A_91 : i32
    %rem3A_96 = arith.remsi %mul3A_2, %select_n3A_95 : i32
    %ne3A_97 = arith.constant 0 : i32
    %ne3A_98 = arith.cmpi ne, %rem3A_96, %ne3A_97 : i32
    %lt3A_99 = arith.constant 0 : i32
    %lt3A_100 = arith.cmpi slt, %rem3A_96, %lt3A_99 : i32
    %lt3A_101 = arith.constant 0 : i32
    %lt3A_102 = arith.cmpi slt, %select_n3A_95, %lt3A_101 : i32
    %ne3A_103 = arith.xori %lt3A_100, %lt3A_102 : i1
    %and3A_104 = arith.andi %ne3A_103, %ne3A_98 : i1
    %add3A_105 = arith.addi %rem3A_96, %select_n3A_95 : i32
    %select_n3A_106 = arith.select %and3A_104, %add3A_105, %rem3A_96 : i32
    %jit3A_107 = arith.constant 10 : i32
    %div3A_108 = arith.divsi %mul3A_2, %jit3A_107 : i32
    %sign3A_109 = arith.constant 0 : i32
    %sign3A_110 = arith.cmpi sgt, %mul3A_2, %sign3A_109 : i32
    %sign3A_111 = arith.extui %sign3A_110 : i1 to i32
    %sign3A_112 = arith.constant 0 : i32
    %sign3A_113 = arith.cmpi slt, %mul3A_2, %sign3A_112 : i32
    %sign3A_114 = arith.extui %sign3A_113 : i1 to i32
    %sign3A_115 = arith.subi %sign3A_111, %sign3A_114 : i32
    %sign3A_116 = arith.constant 0 : i32
    %sign3A_117 = arith.cmpi sgt, %jit3A_107, %sign3A_116 : i32
    %sign3A_118 = arith.extui %sign3A_117 : i1 to i32
    %sign3A_119 = arith.constant 0 : i32
    %sign3A_120 = arith.cmpi slt, %jit3A_107, %sign3A_119 : i32
    %sign3A_121 = arith.extui %sign3A_120 : i1 to i32
    %sign3A_122 = arith.subi %sign3A_118, %sign3A_121 : i32
    %ne3A_123 = arith.cmpi ne, %sign3A_115, %sign3A_122 : i32
    %rem3A_124 = arith.remsi %mul3A_2, %jit3A_107 : i32
    %ne3A_125 = arith.constant 0 : i32
    %ne3A_126 = arith.cmpi ne, %rem3A_124, %ne3A_125 : i32
    %and3A_127 = arith.andi %ne3A_123, %ne3A_126 : i1
    %sub3A_128 = arith.constant 1 : i32
    %sub3A_129 = arith.subi %div3A_108, %sub3A_128 : i32
    %select_n3A_130 = arith.select %and3A_127, %sub3A_129, %div3A_108 : i32
    %jit3A_131 = arith.constant 8 : i32
    %div3A_132 = arith.divsi %select_n3A_130, %jit3A_131 : i32
    %sign3A_133 = arith.constant 0 : i32
    %sign3A_134 = arith.cmpi sgt, %select_n3A_130, %sign3A_133 : i32
    %sign3A_135 = arith.extui %sign3A_134 : i1 to i32
    %sign3A_136 = arith.constant 0 : i32
    %sign3A_137 = arith.cmpi slt, %select_n3A_130, %sign3A_136 : i32
    %sign3A_138 = arith.extui %sign3A_137 : i1 to i32
    %sign3A_139 = arith.subi %sign3A_135, %sign3A_138 : i32
    %sign3A_140 = arith.constant 0 : i32
    %sign3A_141 = arith.cmpi sgt, %jit3A_131, %sign3A_140 : i32
    %sign3A_142 = arith.extui %sign3A_141 : i1 to i32
    %sign3A_143 = arith.constant 0 : i32
    %sign3A_144 = arith.cmpi slt, %jit3A_131, %sign3A_143 : i32
    %sign3A_145 = arith.extui %sign3A_144 : i1 to i32
    %sign3A_146 = arith.subi %sign3A_142, %sign3A_145 : i32
    %ne3A_147 = arith.cmpi ne, %sign3A_139, %sign3A_146 : i32
    %rem3A_148 = arith.remsi %select_n3A_130, %jit3A_131 : i32
    %ne3A_149 = arith.constant 0 : i32
    %ne3A_150 = arith.cmpi ne, %rem3A_148, %ne3A_149 : i32
    %and3A_151 = arith.andi %ne3A_147, %ne3A_150 : i1
    %sub3A_152 = arith.constant 1 : i32
    %sub3A_153 = arith.subi %div3A_132, %sub3A_152 : i32
    %select_n3A_154 = arith.select %and3A_151, %sub3A_153, %div3A_132 : i32
    %jit3A_155 = arith.constant 8 : i32
    %eq3A_156 = arith.constant 0 : i32
    %eq3A_157 = arith.cmpi eq, %jit3A_155, %eq3A_156 : i32
    %jit3A_158 = arith.constant 1 : i32
    %select_n3A_159 = arith.select %eq3A_157, %jit3A_158, %jit3A_155 : i32
    %rem3A_160 = arith.remsi %select_n3A_130, %select_n3A_159 : i32
    %ne3A_161 = arith.constant 0 : i32
    %ne3A_162 = arith.cmpi ne, %rem3A_160, %ne3A_161 : i32
    %lt3A_163 = arith.constant 0 : i32
    %lt3A_164 = arith.cmpi slt, %rem3A_160, %lt3A_163 : i32
    %lt3A_165 = arith.constant 0 : i32
    %lt3A_166 = arith.cmpi slt, %select_n3A_159, %lt3A_165 : i32
    %ne3A_167 = arith.xori %lt3A_164, %lt3A_166 : i1
    %and3A_168 = arith.andi %ne3A_167, %ne3A_162 : i1
    %add3A_169 = arith.addi %rem3A_160, %select_n3A_159 : i32
    %select_n3A_170 = arith.select %and3A_168, %add3A_169, %rem3A_160 : i32
    %mul3A_171 = arith.constant 0 : i32
    %mul3A_172 = vector.broadcast %mul3A_171 : i32 to vector<16xi32>
    %mul3A_173 = arith.muli %iota3A, %mul3A_172 : vector<16xi32>
    %mul3A_174 = arith.constant 5 : i32
    %mul3A_175 = arith.muli %select_n3A_106, %mul3A_174 : i32
    %add3A_176 = arith.constant 0 : i32
    %add3A_177 = arith.addi %mul3A_175, %add3A_176 : i32
    %add3A_178 = vector.broadcast %add3A_177 : i32 to vector<16xi32>
    %add3A_179 = arith.addi %mul3A_173, %add3A_178 : vector<16xi32>
    %add3A_180 = arith.constant 0 : i32
    %add3A_181 = vector.broadcast %add3A_180 : i32 to vector<16xi32>
    %add3A_182 = arith.addi %iota3A, %add3A_181 : vector<16xi32>
    %gather3A = tpu.vector_load_idx %arg5[%add3A_182, %add3A_179] : memref<128x50xi32, #tpu.memory_space<vmem>>[vector<16xi32>, vector<16xi32>], vector<16xi32>,
    %swap3A = arith.constant 0 : i32
    %swap3A_183 = arith.constant 0 : i32
    %swap3A_184 = arith.constant 0 : i32
    %swap3A_185 = arith.constant 0 : i32
    %swap3A_186 = tpu.memref_slice %arg6[%swap3A, %swap3A_184, %swap3A_185] : memref<2x5x128xi32, #tpu.memory_space<vmem>> -> memref<1x5x128xi32, #tpu.memory_space<vmem>>
    %swap3A_187 = tpu.memref_squeeze %swap3A_186 : memref<1x5x128xi32, #tpu.memory_space<vmem>> -> memref<5x128xi32, #tpu.memory_space<vmem>>
    %swap3A_188 = arith.index_cast %swap3A_183 : i32 to index
    %swap3A_189 = arith.constant 0 : index
    %swap3A_190 = tpu.vector_load %swap3A_187[%swap3A_188, %swap3A_189] {strides = array<i32>} : memref<5x128xi32, #tpu.memory_space<vmem>>, vector<16xi32>,
    tpu.vector_store %swap3A_187[%swap3A_188, %swap3A_189], %gather3A {strides = array<i32>} : memref<5x128xi32, #tpu.memory_space<vmem>>, vector<16xi32>,
    %add3A_191 = arith.constant 16 : i32
    %add3A_192 = vector.broadcast %add3A_191 : i32 to vector<16xi32>
    %add3A_193 = arith.addi %iota3A, %add3A_192 : vector<16xi32>
    %gather3A_194 = tpu.vector_load_idx %arg5[%add3A_193, %add3A_179] : memref<128x50xi32, #tpu.memory_space<vmem>>[vector<16xi32>, vector<16xi32>], vector<16xi32>,
    %swap3A_195 = arith.constant 0 : i32
    %swap3A_196 = arith.constant 0 : i32
    %swap3A_197 = arith.constant 0 : i32
    %swap3A_198 = arith.constant 0 : i32
    %swap3A_199 = tpu.memref_slice %arg6[%swap3A_195, %swap3A_197, %swap3A_198] : memref<2x5x128xi32, #tpu.memory_space<vmem>> -> memref<1x5x128xi32, #tpu.memory_space<vmem>>
    %swap3A_200 = tpu.memref_squeeze %swap3A_199 : memref<1x5x128xi32, #tpu.memory_space<vmem>> -> memref<5x128xi32, #tpu.memory_space<vmem>>
    %swap3A_201 = arith.index_cast %swap3A_196 : i32 to index
    %swap3A_202 = arith.constant 16 : index
    %swap3A_203 = tpu.vector_load %swap3A_200[%swap3A_201, %swap3A_202] {strides = array<i32>} : memref<5x128xi32, #tpu.memory_space<vmem>>, vector<16xi32>,
    tpu.vector_store %swap3A_200[%swap3A_201, %swap3A_202], %gather3A_194 {strides = array<i32>} : memref<5x128xi32, #tpu.memory_space<vmem>>, vector<16xi32>,
    %add3A_204 = arith.constant 32 : i32
    %add3A_205 = vector.broadcast %add3A_204 : i32 to vector<16xi32>
    %add3A_206 = arith.addi %iota3A, %add3A_205 : vector<16xi32>
    %gather3A_207 = tpu.vector_load_idx %arg5[%add3A_206, %add3A_179] : memref<128x50xi32, #tpu.memory_space<vmem>>[vector<16xi32>, vector<16xi32>], vector<16xi32>,
    %swap3A_208 = arith.constant 0 : i32
    %swap3A_209 = arith.constant 0 : i32
    %swap3A_210 = arith.constant 0 : i32
    %swap3A_211 = arith.constant 0 : i32
    %swap3A_212 = tpu.memref_slice %arg6[%swap3A_208, %swap3A_210, %swap3A_211] : memref<2x5x128xi32, #tpu.memory_space<vmem>> -> memref<1x5x128xi32, #tpu.memory_space<vmem>>
    %swap3A_213 = tpu.memref_squeeze %swap3A_212 : memref<1x5x128xi32, #tpu.memory_space<vmem>> -> memref<5x128xi32, #tpu.memory_space<vmem>>
    %swap3A_214 = arith.index_cast %swap3A_209 : i32 to index
    %swap3A_215 = arith.constant 32 : index
    %swap3A_216 = tpu.vector_load %swap3A_213[%swap3A_214, %swap3A_215] {strides = array<i32>} : memref<5x128xi32, #tpu.memory_space<vmem>>, vector<16xi32>,
    tpu.vector_store %swap3A_213[%swap3A_214, %swap3A_215], %gather3A_207 {strides = array<i32>} : memref<5x128xi32, #tpu.memory_space<vmem>>, vector<16xi32>,
    %add3A_217 = arith.constant 48 : i32
    %add3A_218 = vector.broadcast %add3A_217 : i32 to vector<16xi32>
    %add3A_219 = arith.addi %iota3A, %add3A_218 : vector<16xi32>
    %gather3A_220 = tpu.vector_load_idx %arg5[%add3A_219, %add3A_179] : memref<128x50xi32, #tpu.memory_space<vmem>>[vector<16xi32>, vector<16xi32>], vector<16xi32>,
    %swap3A_221 = arith.constant 0 : i32
    %swap3A_222 = arith.constant 0 : i32
    %swap3A_223 = arith.constant 0 : i32
    %swap3A_224 = arith.constant 0 : i32
    %swap3A_225 = tpu.memref_slice %arg6[%swap3A_221, %swap3A_223, %swap3A_224] : memref<2x5x128xi32, #tpu.memory_space<vmem>> -> memref<1x5x128xi32, #tpu.memory_space<vmem>>
    %swap3A_226 = tpu.memref_squeeze %swap3A_225 : memref<1x5x128xi32, #tpu.memory_space<vmem>> -> memref<5x128xi32, #tpu.memory_space<vmem>>
    %swap3A_227 = arith.index_cast %swap3A_222 : i32 to index
    %swap3A_228 = arith.constant 48 : index
    %swap3A_229 = tpu.vector_load %swap3A_226[%swap3A_227, %swap3A_228] {strides = array<i32>} : memref<5x128xi32, #tpu.memory_space<vmem>>, vector<16xi32>,
    tpu.vector_store %swap3A_226[%swap3A_227, %swap3A_228], %gather3A_220 {strides = array<i32>} : memref<5x128xi32, #tpu.memory_space<vmem>>, vector<16xi32>,
    %add3A_230 = arith.constant 64 : i32
    %add3A_231 = vector.broadcast %add3A_230 : i32 to vector<16xi32>
    %add3A_232 = arith.addi %iota3A, %add3A_231 : vector<16xi32>
    %gather3A_233 = tpu.vector_load_idx %arg5[%add3A_232, %add3A_179] : memref<128x50xi32, #tpu.memory_space<vmem>>[vector<16xi32>, vector<16xi32>], vector<16xi32>,
    %swap3A_234 = arith.constant 0 : i32
    %swap3A_235 = arith.constant 0 : i32
    %swap3A_236 = arith.constant 0 : i32
    %swap3A_237 = arith.constant 0 : i32
    %swap3A_238 = tpu.memref_slice %arg6[%swap3A_234, %swap3A_236, %swap3A_237] : memref<2x5x128xi32, #tpu.memory_space<vmem>> -> memref<1x5x128xi32, #tpu.memory_space<vmem>>
    %swap3A_239 = tpu.memref_squeeze %swap3A_238 : memref<1x5x128xi32, #tpu.memory_space<vmem>> -> memref<5x128xi32, #tpu.memory_space<vmem>>
    %swap3A_240 = arith.index_cast %swap3A_235 : i32 to index
    %swap3A_241 = arith.constant 64 : index
    %swap3A_242 = tpu.vector_load %swap3A_239[%swap3A_240, %swap3A_241] {strides = array<i32>} : memref<5x128xi32, #tpu.memory_space<vmem>>, vector<16xi32>,
    tpu.vector_store %swap3A_239[%swap3A_240, %swap3A_241], %gather3A_233 {strides = array<i32>} : memref<5x128xi32, #tpu.memory_space<vmem>>, vector<16xi32>,
    %add3A_243 = arith.constant 80 : i32
    %add3A_244 = vector.broadcast %add3A_243 : i32 to vector<16xi32>
    %add3A_245 = arith.addi %iota3A, %add3A_244 : vector<16xi32>
    %gather3A_246 = tpu.vector_load_idx %arg5[%add3A_245, %add3A_179] : memref<128x50xi32, #tpu.memory_space<vmem>>[vector<16xi32>, vector<16xi32>], vector<16xi32>,
    %swap3A_247 = arith.constant 0 : i32
    %swap3A_248 = arith.constant 0 : i32
    %swap3A_249 = arith.constant 0 : i32
    %swap3A_250 = arith.constant 0 : i32
    %swap3A_251 = tpu.memref_slice %arg6[%swap3A_247, %swap3A_249, %swap3A_250] : memref<2x5x128xi32, #tpu.memory_space<vmem>> -> memref<1x5x128xi32, #tpu.memory_space<vmem>>
    %swap3A_252 = tpu.memref_squeeze %swap3A_251 : memref<1x5x128xi32, #tpu.memory_space<vmem>> -> memref<5x128xi32, #tpu.memory_space<vmem>>
    %swap3A_253 = arith.index_cast %swap3A_248 : i32 to index
    %swap3A_254 = arith.constant 80 : index
    %swap3A_255 = tpu.vector_load %swap3A_252[%swap3A_253, %swap3A_254] {strides = array<i32>} : memref<5x128xi32, #tpu.memory_space<vmem>>, vector<16xi32>,
    tpu.vector_store %swap3A_252[%swap3A_253, %swap3A_254], %gather3A_246 {strides = array<i32>} : memref<5x128xi32, #tpu.memory_space<vmem>>, vector<16xi32>,
    %add3A_256 = arith.constant 96 : i32
    %add3A_257 = vector.broadcast %add3A_256 : i32 to vector<16xi32>
    %add3A_258 = arith.addi %iota3A, %add3A_257 : vector<16xi32>
    %gather3A_259 = tpu.vector_load_idx %arg5[%add3A_258, %add3A_179] : memref<128x50xi32, #tpu.memory_space<vmem>>[vector<16xi32>, vector<16xi32>], vector<16xi32>,
    %swap3A_260 = arith.constant 0 : i32
    %swap3A_261 = arith.constant 0 : i32
    %swap3A_262 = arith.constant 0 : i32
    %swap3A_263 = arith.constant 0 : i32
    %swap3A_264 = tpu.memref_slice %arg6[%swap3A_260, %swap3A_262, %swap3A_263] : memref<2x5x128xi32, #tpu.memory_space<vmem>> -> memref<1x5x128xi32, #tpu.memory_space<vmem>>
    %swap3A_265 = tpu.memref_squeeze %swap3A_264 : memref<1x5x128xi32, #tpu.memory_space<vmem>> -> memref<5x128xi32, #tpu.memory_space<vmem>>
    %swap3A_266 = arith.index_cast %swap3A_261 : i32 to index
    %swap3A_267 = arith.constant 96 : index
    %swap3A_268 = tpu.vector_load %swap3A_265[%swap3A_266, %swap3A_267] {strides = array<i32>} : memref<5x128xi32, #tpu.memory_space<vmem>>, vector<16xi32>,
    tpu.vector_store %swap3A_265[%swap3A_266, %swap3A_267], %gather3A_259 {strides = array<i32>} : memref<5x128xi32, #tpu.memory_space<vmem>>, vector<16xi32>,
    %add3A_269 = arith.constant 112 : i32
    %add3A_270 = vector.broadcast %add3A_269 : i32 to vector<16xi32>
    %add3A_271 = arith.addi %iota3A, %add3A_270 : vector<16xi32>
    %gather3A_272 = tpu.vector_load_idx %arg5[%add3A_271, %add3A_179] : memref<128x50xi32, #tpu.memory_space<vmem>>[vector<16xi32>, vector<16xi32>], vector<16xi32>,
    %swap3A_273 = arith.constant 0 : i32
    %swap3A_274 = arith.constant 0 : i32
    %swap3A_275 = arith.constant 0 : i32
    %swap3A_276 = arith.constant 0 : i32
    %swap3A_277 = tpu.memref_slice %arg6[%swap3A_273, %swap3A_275, %swap3A_276] : memref<2x5x128xi32, #tpu.memory_space<vmem>> -> memref<1x5x128xi32, #tpu.memory_space<vmem>>
    %swap3A_278 = tpu.memref_squeeze %swap3A_277 : memref<1x5x128xi32, #tpu.memory_space<vmem>> -> memref<5x128xi32, #tpu.memory_space<vmem>>
    %swap3A_279 = arith.index_cast %swap3A_274 : i32 to index
    %swap3A_280 = arith.constant 112 : index
    %swap3A_281 = tpu.vector_load %swap3A_278[%swap3A_279, %swap3A_280] {strides = array<i32>} : memref<5x128xi32, #tpu.memory_space<vmem>>, vector<16xi32>,
    tpu.vector_store %swap3A_278[%swap3A_279, %swap3A_280], %gather3A_272 {strides = array<i32>} : memref<5x128xi32, #tpu.memory_space<vmem>>, vector<16xi32>,
    %mul3A_282 = arith.constant 0 : i32
    %mul3A_283 = vector.broadcast %mul3A_282 : i32 to vector<16xi32>
    %mul3A_284 = arith.muli %iota3A, %mul3A_283 : vector<16xi32>
    %mul3A_285 = arith.constant 5 : i32
    %mul3A_286 = arith.muli %select_n3A_106, %mul3A_285 : i32
    %add3A_287 = arith.constant 1 : i32
    %add3A_288 = arith.addi %mul3A_286, %add3A_287 : i32
    %add3A_289 = vector.broadcast %add3A_288 : i32 to vector<16xi32>
    %add3A_290 = arith.addi %mul3A_284, %add3A_289 : vector<16xi32>
    %add3A_291 = arith.constant 0 : i32
    %add3A_292 = vector.broadcast %add3A_291 : i32 to vector<16xi32>
    %add3A_293 = arith.addi %iota3A, %add3A_292 : vector<16xi32>
    %gather3A_294 = tpu.vector_load_idx %arg5[%add3A_293, %add3A_290] : memref<128x50xi32, #tpu.memory_space<vmem>>[vector<16xi32>, vector<16xi32>], vector<16xi32>,
    %swap3A_295 = arith.constant 0 : i32
    %swap3A_296 = arith.constant 1 : i32
    %swap3A_297 = arith.constant 0 : i32
    %swap3A_298 = arith.constant 0 : i32
    %swap3A_299 = tpu.memref_slice %arg6[%swap3A_295, %swap3A_297, %swap3A_298] : memref<2x5x128xi32, #tpu.memory_space<vmem>> -> memref<1x5x128xi32, #tpu.memory_space<vmem>>
    %swap3A_300 = tpu.memref_squeeze %swap3A_299 : memref<1x5x128xi32, #tpu.memory_space<vmem>> -> memref<5x128xi32, #tpu.memory_space<vmem>>
    %swap3A_301 = arith.index_cast %swap3A_296 : i32 to index
    %swap3A_302 = arith.constant 0 : index
    %swap3A_303 = tpu.vector_load %swap3A_300[%swap3A_301, %swap3A_302] {strides = array<i32>} : memref<5x128xi32, #tpu.memory_space<vmem>>, vector<16xi32>,
    tpu.vector_store %swap3A_300[%swap3A_301, %swap3A_302], %gather3A_294 {strides = array<i32>} : memref<5x128xi32, #tpu.memory_space<vmem>>, vector<16xi32>,
    %add3A_304 = arith.constant 16 : i32
    %add3A_305 = vector.broadcast %add3A_304 : i32 to vector<16xi32>
    %add3A_306 = arith.addi %iota3A, %add3A_305 : vector<16xi32>
    %gather3A_307 = tpu.vector_load_idx %arg5[%add3A_306, %add3A_290] : memref<128x50xi32, #tpu.memory_space<vmem>>[vector<16xi32>, vector<16xi32>], vector<16xi32>,
    %swap3A_308 = arith.constant 0 : i32
    %swap3A_309 = arith.constant 1 : i32
    %swap3A_310 = arith.constant 0 : i32
    %swap3A_311 = arith.constant 0 : i32
    %swap3A_312 = tpu.memref_slice %arg6[%swap3A_308, %swap3A_310, %swap3A_311] : memref<2x5x128xi32, #tpu.memory_space<vmem>> -> memref<1x5x128xi32, #tpu.memory_space<vmem>>
    %swap3A_313 = tpu.memref_squeeze %swap3A_312 : memref<1x5x128xi32, #tpu.memory_space<vmem>> -> memref<5x128xi32, #tpu.memory_space<vmem>>
    %swap3A_314 = arith.index_cast %swap3A_309 : i32 to index
    %swap3A_315 = arith.constant 16 : index
    %swap3A_316 = tpu.vector_load %swap3A_313[%swap3A_314, %swap3A_315] {strides = array<i32>} : memref<5x128xi32, #tpu.memory_space<vmem>>, vector<16xi32>,
    tpu.vector_store %swap3A_313[%swap3A_314, %swap3A_315], %gather3A_307 {strides = array<i32>} : memref<5x128xi32, #tpu.memory_space<vmem>>, vector<16xi32>,
    %add3A_317 = arith.constant 32 : i32
    %add3A_318 = vector.broadcast %add3A_317 : i32 to vector<16xi32>
    %add3A_319 = arith.addi %iota3A, %add3A_318 : vector<16xi32>
    %gather3A_320 = tpu.vector_load_idx %arg5[%add3A_319, %add3A_290] : memref<128x50xi32, #tpu.memory_space<vmem>>[vector<16xi32>, vector<16xi32>], vector<16xi32>,
    %swap3A_321 = arith.constant 0 : i32
    %swap3A_322 = arith.constant 1 : i32
    %swap3A_323 = arith.constant 0 : i32
    %swap3A_324 = arith.constant 0 : i32
    %swap3A_325 = tpu.memref_slice %arg6[%swap3A_321, %swap3A_323, %swap3A_324] : memref<2x5x128xi32, #tpu.memory_space<vmem>> -> memref<1x5x128xi32, #tpu.memory_space<vmem>>
    %swap3A_326 = tpu.memref_squeeze %swap3A_325 : memref<1x5x128xi32, #tpu.memory_space<vmem>> -> memref<5x128xi32, #tpu.memory_space<vmem>>
    %swap3A_327 = arith.index_cast %swap3A_322 : i32 to index
    %swap3A_328 = arith.constant 32 : index
    %swap3A_329 = tpu.vector_load %swap3A_326[%swap3A_327, %swap3A_328] {strides = array<i32>} : memref<5x128xi32, #tpu.memory_space<vmem>>, vector<16xi32>,
    tpu.vector_store %swap3A_326[%swap3A_327, %swap3A_328], %gather3A_320 {strides = array<i32>} : memref<5x128xi32, #tpu.memory_space<vmem>>, vector<16xi32>,
    %add3A_330 = arith.constant 48 : i32
    %add3A_331 = vector.broadcast %add3A_330 : i32 to vector<16xi32>
    %add3A_332 = arith.addi %iota3A, %add3A_331 : vector<16xi32>
    %gather3A_333 = tpu.vector_load_idx %arg5[%add3A_332, %add3A_290] : memref<128x50xi32, #tpu.memory_space<vmem>>[vector<16xi32>, vector<16xi32>], vector<16xi32>,
    %swap3A_334 = arith.constant 0 : i32
    %swap3A_335 = arith.constant 1 : i32
    %swap3A_336 = arith.constant 0 : i32
    %swap3A_337 = arith.constant 0 : i32
    %swap3A_338 = tpu.memref_slice %arg6[%swap3A_334, %swap3A_336, %swap3A_337] : memref<2x5x128xi32, #tpu.memory_space<vmem>> -> memref<1x5x128xi32, #tpu.memory_space<vmem>>
    %swap3A_339 = tpu.memref_squeeze %swap3A_338 : memref<1x5x128xi32, #tpu.memory_space<vmem>> -> memref<5x128xi32, #tpu.memory_space<vmem>>
    %swap3A_340 = arith.index_cast %swap3A_335 : i32 to index
    %swap3A_341 = arith.constant 48 : index
    %swap3A_342 = tpu.vector_load %swap3A_339[%swap3A_340, %swap3A_341] {strides = array<i32>} : memref<5x128xi32, #tpu.memory_space<vmem>>, vector<16xi32>,
    tpu.vector_store %swap3A_339[%swap3A_340, %swap3A_341], %gather3A_333 {strides = array<i32>} : memref<5x128xi32, #tpu.memory_space<vmem>>, vector<16xi32>,
    %add3A_343 = arith.constant 64 : i32
    %add3A_344 = vector.broadcast %add3A_343 : i32 to vector<16xi32>
    %add3A_345 = arith.addi %iota3A, %add3A_344 : vector<16xi32>
    %gather3A_346 = tpu.vector_load_idx %arg5[%add3A_345, %add3A_290] : memref<128x50xi32, #tpu.memory_space<vmem>>[vector<16xi32>, vector<16xi32>], vector<16xi32>,
    %swap3A_347 = arith.constant 0 : i32
    %swap3A_348 = arith.constant 1 : i32
    %swap3A_349 = arith.constant 0 : i32
    %swap3A_350 = arith.constant 0 : i32
    %swap3A_351 = tpu.memref_slice %arg6[%swap3A_347, %swap3A_349, %swap3A_350] : memref<2x5x128xi32, #tpu.memory_space<vmem>> -> memref<1x5x128xi32, #tpu.memory_space<vmem>>
    %swap3A_352 = tpu.memref_squeeze %swap3A_351 : memref<1x5x128xi32, #tpu.memory_space<vmem>> -> memref<5x128xi32, #tpu.memory_space<vmem>>
    %swap3A_353 = arith.index_cast %swap3A_348 : i32 to index
    %swap3A_354 = arith.constant 64 : index
    %swap3A_355 = tpu.vector_load %swap3A_352[%swap3A_353, %swap3A_354] {strides = array<i32>} : memref<5x128xi32, #tpu.memory_space<vmem>>, vector<16xi32>,
    tpu.vector_store %swap3A_352[%swap3A_353, %swap3A_354], %gather3A_346 {strides = array<i32>} : memref<5x128xi32, #tpu.memory_space<vmem>>, vector<16xi32>,
    %add3A_356 = arith.constant 80 : i32
    %add3A_357 = vector.broadcast %add3A_356 : i32 to vector<16xi32>
    %add3A_358 = arith.addi %iota3A, %add3A_357 : vector<16xi32>
    %gather3A_359 = tpu.vector_load_idx %arg5[%add3A_358, %add3A_290] : memref<128x50xi32, #tpu.memory_space<vmem>>[vector<16xi32>, vector<16xi32>], vector<16xi32>,
    %swap3A_360 = arith.constant 0 : i32
    %swap3A_361 = arith.constant 1 : i32
    %swap3A_362 = arith.constant 0 : i32
    %swap3A_363 = arith.constant 0 : i32
    %swap3A_364 = tpu.memref_slice %arg6[%swap3A_360, %swap3A_362, %swap3A_363] : memref<2x5x128xi32, #tpu.memory_space<vmem>> -> memref<1x5x128xi32, #tpu.memory_space<vmem>>
    %swap3A_365 = tpu.memref_squeeze %swap3A_364 : memref<1x5x128xi32, #tpu.memory_space<vmem>> -> memref<5x128xi32, #tpu.memory_space<vmem>>
    %swap3A_366 = arith.index_cast %swap3A_361 : i32 to index
    %swap3A_367 = arith.constant 80 : index
    %swap3A_368 = tpu.vector_load %swap3A_365[%swap3A_366, %swap3A_367] {strides = array<i32>} : memref<5x128xi32, #tpu.memory_space<vmem>>, vector<16xi32>,
    tpu.vector_store %swap3A_365[%swap3A_366, %swap3A_367], %gather3A_359 {strides = array<i32>} : memref<5x128xi32, #tpu.memory_space<vmem>>, vector<16xi32>,
    %add3A_369 = arith.constant 96 : i32
    %add3A_370 = vector.broadcast %add3A_369 : i32 to vector<16xi32>
    %add3A_371 = arith.addi %iota3A, %add3A_370 : vector<16xi32>
    %gather3A_372 = tpu.vector_load_idx %arg5[%add3A_371, %add3A_290] : memref<128x50xi32, #tpu.memory_space<vmem>>[vector<16xi32>, vector<16xi32>], vector<16xi32>,
    %swap3A_373 = arith.constant 0 : i32
    %swap3A_374 = arith.constant 1 : i32
    %swap3A_375 = arith.constant 0 : i32
    %swap3A_376 = arith.constant 0 : i32
    %swap3A_377 = tpu.memref_slice %arg6[%swap3A_373, %swap3A_375, %swap3A_376] : memref<2x5x128xi32, #tpu.memory_space<vmem>> -> memref<1x5x128xi32, #tpu.memory_space<vmem>>
    %swap3A_378 = tpu.memref_squeeze %swap3A_377 : memref<1x5x128xi32, #tpu.memory_space<vmem>> -> memref<5x128xi32, #tpu.memory_space<vmem>>
    %swap3A_379 = arith.index_cast %swap3A_374 : i32 to index
    %swap3A_380 = arith.constant 96 : index
    %swap3A_381 = tpu.vector_load %swap3A_378[%swap3A_379, %swap3A_380] {strides = array<i32>} : memref<5x128xi32, #tpu.memory_space<vmem>>, vector<16xi32>,
    tpu.vector_store %swap3A_378[%swap3A_379, %swap3A_380], %gather3A_372 {strides = array<i32>} : memref<5x128xi32, #tpu.memory_space<vmem>>, vector<16xi32>,
    %add3A_382 = arith.constant 112 : i32
    %add3A_383 = vector.broadcast %add3A_382 : i32 to vector<16xi32>
    %add3A_384 = arith.addi %iota3A, %add3A_383 : vector<16xi32>
    %gather3A_385 = tpu.vector_load_idx %arg5[%add3A_384, %add3A_290] : memref<128x50xi32, #tpu.memory_space<vmem>>[vector<16xi32>, vector<16xi32>], vector<16xi32>,
    %swap3A_386 = arith.constant 0 : i32
    %swap3A_387 = arith.constant 1 : i32
    %swap3A_388 = arith.constant 0 : i32
    %swap3A_389 = arith.constant 0 : i32
    %swap3A_390 = tpu.memref_slice %arg6[%swap3A_386, %swap3A_388, %swap3A_389] : memref<2x5x128xi32, #tpu.memory_space<vmem>> -> memref<1x5x128xi32, #tpu.memory_space<vmem>>
    %swap3A_391 = tpu.memref_squeeze %swap3A_390 : memref<1x5x128xi32, #tpu.memory_space<vmem>> -> memref<5x128xi32, #tpu.memory_space<vmem>>
    %swap3A_392 = arith.index_cast %swap3A_387 : i32 to index
    %swap3A_393 = arith.constant 112 : index
    %swap3A_394 = tpu.vector_load %swap3A_391[%swap3A_392, %swap3A_393] {strides = array<i32>} : memref<5x128xi32, #tpu.memory_space<vmem>>, vector<16xi32>,
    tpu.vector_store %swap3A_391[%swap3A_392, %swap3A_393], %gather3A_385 {strides = array<i32>} : memref<5x128xi32, #tpu.memory_space<vmem>>, vector<16xi32>,
    %mul3A_395 = arith.constant 0 : i32
    %mul3A_396 = vector.broadcast %mul3A_395 : i32 to vector<16xi32>
    %mul3A_397 = arith.muli %iota3A, %mul3A_396 : vector<16xi32>
    %mul3A_398 = arith.constant 5 : i32
    %mul3A_399 = arith.muli %select_n3A_106, %mul3A_398 : i32
    %add3A_400 = arith.constant 2 : i32
    %add3A_401 = arith.addi %mul3A_399, %add3A_400 : i32
    %add3A_402 = vector.broadcast %add3A_401 : i32 to vector<16xi32>
    %add3A_403 = arith.addi %mul3A_397, %add3A_402 : vector<16xi32>
    %add3A_404 = arith.constant 0 : i32
    %add3A_405 = vector.broadcast %add3A_404 : i32 to vector<16xi32>
    %add3A_406 = arith.addi %iota3A, %add3A_405 : vector<16xi32>
    %gather3A_407 = tpu.vector_load_idx %arg5[%add3A_406, %add3A_403] : memref<128x50xi32, #tpu.memory_space<vmem>>[vector<16xi32>, vector<16xi32>], vector<16xi32>,
    %swap3A_408 = arith.constant 0 : i32
    %swap3A_409 = arith.constant 2 : i32
    %swap3A_410 = arith.constant 0 : i32
    %swap3A_411 = arith.constant 0 : i32
    %swap3A_412 = tpu.memref_slice %arg6[%swap3A_408, %swap3A_410, %swap3A_411] : memref<2x5x128xi32, #tpu.memory_space<vmem>> -> memref<1x5x128xi32, #tpu.memory_space<vmem>>
    %swap3A_413 = tpu.memref_squeeze %swap3A_412 : memref<1x5x128xi32, #tpu.memory_space<vmem>> -> memref<5x128xi32, #tpu.memory_space<vmem>>
    %swap3A_414 = arith.index_cast %swap3A_409 : i32 to index
    %swap3A_415 = arith.constant 0 : index
    %swap3A_416 = tpu.vector_load %swap3A_413[%swap3A_414, %swap3A_415] {strides = array<i32>} : memref<5x128xi32, #tpu.memory_space<vmem>>, vector<16xi32>,
    tpu.vector_store %swap3A_413[%swap3A_414, %swap3A_415], %gather3A_407 {strides = array<i32>} : memref<5x128xi32, #tpu.memory_space<vmem>>, vector<16xi32>,
    %add3A_417 = arith.constant 16 : i32
    %add3A_418 = vector.broadcast %add3A_417 : i32 to vector<16xi32>
    %add3A_419 = arith.addi %iota3A, %add3A_418 : vector<16xi32>
    %gather3A_420 = tpu.vector_load_idx %arg5[%add3A_419, %add3A_403] : memref<128x50xi32, #tpu.memory_space<vmem>>[vector<16xi32>, vector<16xi32>], vector<16xi32>,
    %swap3A_421 = arith.constant 0 : i32
    %swap3A_422 = arith.constant 2 : i32
    %swap3A_423 = arith.constant 0 : i32
    %swap3A_424 = arith.constant 0 : i32
    %swap3A_425 = tpu.memref_slice %arg6[%swap3A_421, %swap3A_423, %swap3A_424] : memref<2x5x128xi32, #tpu.memory_space<vmem>> -> memref<1x5x128xi32, #tpu.memory_space<vmem>>
    %swap3A_426 = tpu.memref_squeeze %swap3A_425 : memref<1x5x128xi32, #tpu.memory_space<vmem>> -> memref<5x128xi32, #tpu.memory_space<vmem>>
    %swap3A_427 = arith.index_cast %swap3A_422 : i32 to index
    %swap3A_428 = arith.constant 16 : index
    %swap3A_429 = tpu.vector_load %swap3A_426[%swap3A_427, %swap3A_428] {strides = array<i32>} : memref<5x128xi32, #tpu.memory_space<vmem>>, vector<16xi32>,
    tpu.vector_store %swap3A_426[%swap3A_427, %swap3A_428], %gather3A_420 {strides = array<i32>} : memref<5x128xi32, #tpu.memory_space<vmem>>, vector<16xi32>,
    %add3A_430 = arith.constant 32 : i32
    %add3A_431 = vector.broadcast %add3A_430 : i32 to vector<16xi32>
    %add3A_432 = arith.addi %iota3A, %add3A_431 : vector<16xi32>
    %gather3A_433 = tpu.vector_load_idx %arg5[%add3A_432, %add3A_403] : memref<128x50xi32, #tpu.memory_space<vmem>>[vector<16xi32>, vector<16xi32>], vector<16xi32>,
    %swap3A_434 = arith.constant 0 : i32
    %swap3A_435 = arith.constant 2 : i32
    %swap3A_436 = arith.constant 0 : i32
    %swap3A_437 = arith.constant 0 : i32
    %swap3A_438 = tpu.memref_slice %arg6[%swap3A_434, %swap3A_436, %swap3A_437] : memref<2x5x128xi32, #tpu.memory_space<vmem>> -> memref<1x5x128xi32, #tpu.memory_space<vmem>>
    %swap3A_439 = tpu.memref_squeeze %swap3A_438 : memref<1x5x128xi32, #tpu.memory_space<vmem>> -> memref<5x128xi32, #tpu.memory_space<vmem>>
    %swap3A_440 = arith.index_cast %swap3A_435 : i32 to index
    %swap3A_441 = arith.constant 32 : index
    %swap3A_442 = tpu.vector_load %swap3A_439[%swap3A_440, %swap3A_441] {strides = array<i32>} : memref<5x128xi32, #tpu.memory_space<vmem>>, vector<16xi32>,
    tpu.vector_store %swap3A_439[%swap3A_440, %swap3A_441], %gather3A_433 {strides = array<i32>} : memref<5x128xi32, #tpu.memory_space<vmem>>, vector<16xi32>,
    %add3A_443 = arith.constant 48 : i32
    %add3A_444 = vector.broadcast %add3A_443 : i32 to vector<16xi32>
    %add3A_445 = arith.addi %iota3A, %add3A_444 : vector<16xi32>
    %gather3A_446 = tpu.vector_load_idx %arg5[%add3A_445, %add3A_403] : memref<128x50xi32, #tpu.memory_space<vmem>>[vector<16xi32>, vector<16xi32>], vector<16xi32>,
    %swap3A_447 = arith.constant 0 : i32
    %swap3A_448 = arith.constant 2 : i32
    %swap3A_449 = arith.constant 0 : i32
    %swap3A_450 = arith.constant 0 : i32
    %swap3A_451 = tpu.memref_slice %arg6[%swap3A_447, %swap3A_449, %swap3A_450] : memref<2x5x128xi32, #tpu.memory_space<vmem>> -> memref<1x5x128xi32, #tpu.memory_space<vmem>>
    %swap3A_452 = tpu.memref_squeeze %swap3A_451 : memref<1x5x128xi32, #tpu.memory_space<vmem>> -> memref<5x128xi32, #tpu.memory_space<vmem>>
    %swap3A_453 = arith.index_cast %swap3A_448 : i32 to index
    %swap3A_454 = arith.constant 48 : index
    %swap3A_455 = tpu.vector_load %swap3A_452[%swap3A_453, %swap3A_454] {strides = array<i32>} : memref<5x128xi32, #tpu.memory_space<vmem>>, vector<16xi32>,
    tpu.vector_store %swap3A_452[%swap3A_453, %swap3A_454], %gather3A_446 {strides = array<i32>} : memref<5x128xi32, #tpu.memory_space<vmem>>, vector<16xi32>,
    %add3A_456 = arith.constant 64 : i32
    %add3A_457 = vector.broadcast %add3A_456 : i32 to vector<16xi32>
    %add3A_458 = arith.addi %iota3A, %add3A_457 : vector<16xi32>
    %gather3A_459 = tpu.vector_load_idx %arg5[%add3A_458, %add3A_403] : memref<128x50xi32, #tpu.memory_space<vmem>>[vector<16xi32>, vector<16xi32>], vector<16xi32>,
    %swap3A_460 = arith.constant 0 : i32
    %swap3A_461 = arith.constant 2 : i32
    %swap3A_462 = arith.constant 0 : i32
    %swap3A_463 = arith.constant 0 : i32
    %swap3A_464 = tpu.memref_slice %arg6[%swap3A_460, %swap3A_462, %swap3A_463] : memref<2x5x128xi32, #tpu.memory_space<vmem>> -> memref<1x5x128xi32, #tpu.memory_space<vmem>>
    %swap3A_465 = tpu.memref_squeeze %swap3A_464 : memref<1x5x128xi32, #tpu.memory_space<vmem>> -> memref<5x128xi32, #tpu.memory_space<vmem>>
    %swap3A_466 = arith.index_cast %swap3A_461 : i32 to index
    %swap3A_467 = arith.constant 64 : index
    %swap3A_468 = tpu.vector_load %swap3A_465[%swap3A_466, %swap3A_467] {strides = array<i32>} : memref<5x128xi32, #tpu.memory_space<vmem>>, vector<16xi32>,
    tpu.vector_store %swap3A_465[%swap3A_466, %swap3A_467], %gather3A_459 {strides = array<i32>} : memref<5x128xi32, #tpu.memory_space<vmem>>, vector<16xi32>,
    %add3A_469 = arith.constant 80 : i32
    %add3A_470 = vector.broadcast %add3A_469 : i32 to vector<16xi32>
    %add3A_471 = arith.addi %iota3A, %add3A_470 : vector<16xi32>
    %gather3A_472 = tpu.vector_load_idx %arg5[%add3A_471, %add3A_403] : memref<128x50xi32, #tpu.memory_space<vmem>>[vector<16xi32>, vector<16xi32>], vector<16xi32>,
    %swap3A_473 = arith.constant 0 : i32
    %swap3A_474 = arith.constant 2 : i32
    %swap3A_475 = arith.constant 0 : i32
    %swap3A_476 = arith.constant 0 : i32
    %swap3A_477 = tpu.memref_slice %arg6[%swap3A_473, %swap3A_475, %swap3A_476] : memref<2x5x128xi32, #tpu.memory_space<vmem>> -> memref<1x5x128xi32, #tpu.memory_space<vmem>>
    %swap3A_478 = tpu.memref_squeeze %swap3A_477 : memref<1x5x128xi32, #tpu.memory_space<vmem>> -> memref<5x128xi32, #tpu.memory_space<vmem>>
    %swap3A_479 = arith.index_cast %swap3A_474 : i32 to index
    %swap3A_480 = arith.constant 80 : index
    %swap3A_481 = tpu.vector_load %swap3A_478[%swap3A_479, %swap3A_480] {strides = array<i32>} : memref<5x128xi32, #tpu.memory_space<vmem>>, vector<16xi32>,
    tpu.vector_store %swap3A_478[%swap3A_479, %swap3A_480], %gather3A_472 {strides = array<i32>} : memref<5x128xi32, #tpu.memory_space<vmem>>, vector<16xi32>,
    %add3A_482 = arith.constant 96 : i32
    %add3A_483 = vector.broadcast %add3A_482 : i32 to vector<16xi32>
    %add3A_484 = arith.addi %iota3A, %add3A_483 : vector<16xi32>
    %gather3A_485 = tpu.vector_load_idx %arg5[%add3A_484, %add3A_403] : memref<128x50xi32, #tpu.memory_space<vmem>>[vector<16xi32>, vector<16xi32>], vector<16xi32>,
    %swap3A_486 = arith.constant 0 : i32
    %swap3A_487 = arith.constant 2 : i32
    %swap3A_488 = arith.constant 0 : i32
    %swap3A_489 = arith.constant 0 : i32
    %swap3A_490 = tpu.memref_slice %arg6[%swap3A_486, %swap3A_488, %swap3A_489] : memref<2x5x128xi32, #tpu.memory_space<vmem>> -> memref<1x5x128xi32, #tpu.memory_space<vmem>>
    %swap3A_491 = tpu.memref_squeeze %swap3A_490 : memref<1x5x128xi32, #tpu.memory_space<vmem>> -> memref<5x128xi32, #tpu.memory_space<vmem>>
    %swap3A_492 = arith.index_cast %swap3A_487 : i32 to index
    %swap3A_493 = arith.constant 96 : index
    %swap3A_494 = tpu.vector_load %swap3A_491[%swap3A_492, %swap3A_493] {strides = array<i32>} : memref<5x128xi32, #tpu.memory_space<vmem>>, vector<16xi32>,
    tpu.vector_store %swap3A_491[%swap3A_492, %swap3A_493], %gather3A_485 {strides = array<i32>} : memref<5x128xi32, #tpu.memory_space<vmem>>, vector<16xi32>,
    %add3A_495 = arith.constant 112 : i32
    %add3A_496 = vector.broadcast %add3A_495 : i32 to vector<16xi32>
    %add3A_497 = arith.addi %iota3A, %add3A_496 : vector<16xi32>
    %gather3A_498 = tpu.vector_load_idx %arg5[%add3A_497, %add3A_403] : memref<128x50xi32, #tpu.memory_space<vmem>>[vector<16xi32>, vector<16xi32>], vector<16xi32>,
    %swap3A_499 = arith.constant 0 : i32
    %swap3A_500 = arith.constant 2 : i32
    %swap3A_501 = arith.constant 0 : i32
    %swap3A_502 = arith.constant 0 : i32
    %swap3A_503 = tpu.memref_slice %arg6[%swap3A_499, %swap3A_501, %swap3A_502] : memref<2x5x128xi32, #tpu.memory_space<vmem>> -> memref<1x5x128xi32, #tpu.memory_space<vmem>>
    %swap3A_504 = tpu.memref_squeeze %swap3A_503 : memref<1x5x128xi32, #tpu.memory_space<vmem>> -> memref<5x128xi32, #tpu.memory_space<vmem>>
    %swap3A_505 = arith.index_cast %swap3A_500 : i32 to index
    %swap3A_506 = arith.constant 112 : index
    %swap3A_507 = tpu.vector_load %swap3A_504[%swap3A_505, %swap3A_506] {strides = array<i32>} : memref<5x128xi32, #tpu.memory_space<vmem>>, vector<16xi32>,
    tpu.vector_store %swap3A_504[%swap3A_505, %swap3A_506], %gather3A_498 {strides = array<i32>} : memref<5x128xi32, #tpu.memory_space<vmem>>, vector<16xi32>,
    %mul3A_508 = arith.constant 0 : i32
    %mul3A_509 = vector.broadcast %mul3A_508 : i32 to vector<16xi32>
    %mul3A_510 = arith.muli %iota3A, %mul3A_509 : vector<16xi32>
    %mul3A_511 = arith.constant 5 : i32
    %mul3A_512 = arith.muli %select_n3A_106, %mul3A_511 : i32
    %add3A_513 = arith.constant 3 : i32
    %add3A_514 = arith.addi %mul3A_512, %add3A_513 : i32
    %add3A_515 = vector.broadcast %add3A_514 : i32 to vector<16xi32>
    %add3A_516 = arith.addi %mul3A_510, %add3A_515 : vector<16xi32>
    %add3A_517 = arith.constant 0 : i32
    %add3A_518 = vector.broadcast %add3A_517 : i32 to vector<16xi32>
    %add3A_519 = arith.addi %iota3A, %add3A_518 : vector<16xi32>
    %gather3A_520 = tpu.vector_load_idx %arg5[%add3A_519, %add3A_516] : memref<128x50xi32, #tpu.memory_space<vmem>>[vector<16xi32>, vector<16xi32>], vector<16xi32>,
    %swap3A_521 = arith.constant 0 : i32
    %swap3A_522 = arith.constant 3 : i32
    %swap3A_523 = arith.constant 0 : i32
    %swap3A_524 = arith.constant 0 : i32
    %swap3A_525 = tpu.memref_slice %arg6[%swap3A_521, %swap3A_523, %swap3A_524] : memref<2x5x128xi32, #tpu.memory_space<vmem>> -> memref<1x5x128xi32, #tpu.memory_space<vmem>>
    %swap3A_526 = tpu.memref_squeeze %swap3A_525 : memref<1x5x128xi32, #tpu.memory_space<vmem>> -> memref<5x128xi32, #tpu.memory_space<vmem>>
    %swap3A_527 = arith.index_cast %swap3A_522 : i32 to index
    %swap3A_528 = arith.constant 0 : index
    %swap3A_529 = tpu.vector_load %swap3A_526[%swap3A_527, %swap3A_528] {strides = array<i32>} : memref<5x128xi32, #tpu.memory_space<vmem>>, vector<16xi32>,
    tpu.vector_store %swap3A_526[%swap3A_527, %swap3A_528], %gather3A_520 {strides = array<i32>} : memref<5x128xi32, #tpu.memory_space<vmem>>, vector<16xi32>,
    %add3A_530 = arith.constant 16 : i32
    %add3A_531 = vector.broadcast %add3A_530 : i32 to vector<16xi32>
    %add3A_532 = arith.addi %iota3A, %add3A_531 : vector<16xi32>
    %gather3A_533 = tpu.vector_load_idx %arg5[%add3A_532, %add3A_516] : memref<128x50xi32, #tpu.memory_space<vmem>>[vector<16xi32>, vector<16xi32>], vector<16xi32>,
    %swap3A_534 = arith.constant 0 : i32
    %swap3A_535 = arith.constant 3 : i32
    %swap3A_536 = arith.constant 0 : i32
    %swap3A_537 = arith.constant 0 : i32
    %swap3A_538 = tpu.memref_slice %arg6[%swap3A_534, %swap3A_536, %swap3A_537] : memref<2x5x128xi32, #tpu.memory_space<vmem>> -> memref<1x5x128xi32, #tpu.memory_space<vmem>>
    %swap3A_539 = tpu.memref_squeeze %swap3A_538 : memref<1x5x128xi32, #tpu.memory_space<vmem>> -> memref<5x128xi32, #tpu.memory_space<vmem>>
    %swap3A_540 = arith.index_cast %swap3A_535 : i32 to index
    %swap3A_541 = arith.constant 16 : index
    %swap3A_542 = tpu.vector_load %swap3A_539[%swap3A_540, %swap3A_541] {strides = array<i32>} : memref<5x128xi32, #tpu.memory_space<vmem>>, vector<16xi32>,
    tpu.vector_store %swap3A_539[%swap3A_540, %swap3A_541], %gather3A_533 {strides = array<i32>} : memref<5x128xi32, #tpu.memory_space<vmem>>, vector<16xi32>,
    %add3A_543 = arith.constant 32 : i32
    %add3A_544 = vector.broadcast %add3A_543 : i32 to vector<16xi32>
    %add3A_545 = arith.addi %iota3A, %add3A_544 : vector<16xi32>
    %gather3A_546 = tpu.vector_load_idx %arg5[%add3A_545, %add3A_516] : memref<128x50xi32, #tpu.memory_space<vmem>>[vector<16xi32>, vector<16xi32>], vector<16xi32>,
    %swap3A_547 = arith.constant 0 : i32
    %swap3A_548 = arith.constant 3 : i32
    %swap3A_549 = arith.constant 0 : i32
    %swap3A_550 = arith.constant 0 : i32
    %swap3A_551 = tpu.memref_slice %arg6[%swap3A_547, %swap3A_549, %swap3A_550] : memref<2x5x128xi32, #tpu.memory_space<vmem>> -> memref<1x5x128xi32, #tpu.memory_space<vmem>>
    %swap3A_552 = tpu.memref_squeeze %swap3A_551 : memref<1x5x128xi32, #tpu.memory_space<vmem>> -> memref<5x128xi32, #tpu.memory_space<vmem>>
    %swap3A_553 = arith.index_cast %swap3A_548 : i32 to index
    %swap3A_554 = arith.constant 32 : index
    %swap3A_555 = tpu.vector_load %swap3A_552[%swap3A_553, %swap3A_554] {strides = array<i32>} : memref<5x128xi32, #tpu.memory_space<vmem>>, vector<16xi32>,
    tpu.vector_store %swap3A_552[%swap3A_553, %swap3A_554], %gather3A_546 {strides = array<i32>} : memref<5x128xi32, #tpu.memory_space<vmem>>, vector<16xi32>,
    %add3A_556 = arith.constant 48 : i32
    %add3A_557 = vector.broadcast %add3A_556 : i32 to vector<16xi32>
    %add3A_558 = arith.addi %iota3A, %add3A_557 : vector<16xi32>
    %gather3A_559 = tpu.vector_load_idx %arg5[%add3A_558, %add3A_516] : memref<128x50xi32, #tpu.memory_space<vmem>>[vector<16xi32>, vector<16xi32>], vector<16xi32>,
    %swap3A_560 = arith.constant 0 : i32
    %swap3A_561 = arith.constant 3 : i32
    %swap3A_562 = arith.constant 0 : i32
    %swap3A_563 = arith.constant 0 : i32
    %swap3A_564 = tpu.memref_slice %arg6[%swap3A_560, %swap3A_562, %swap3A_563] : memref<2x5x128xi32, #tpu.memory_space<vmem>> -> memref<1x5x128xi32, #tpu.memory_space<vmem>>
    %swap3A_565 = tpu.memref_squeeze %swap3A_564 : memref<1x5x128xi32, #tpu.memory_space<vmem>> -> memref<5x128xi32, #tpu.memory_space<vmem>>
    %swap3A_566 = arith.index_cast %swap3A_561 : i32 to index
    %swap3A_567 = arith.constant 48 : index
    %swap3A_568 = tpu.vector_load %swap3A_565[%swap3A_566, %swap3A_567] {strides = array<i32>} : memref<5x128xi32, #tpu.memory_space<vmem>>, vector<16xi32>,
    tpu.vector_store %swap3A_565[%swap3A_566, %swap3A_567], %gather3A_559 {strides = array<i32>} : memref<5x128xi32, #tpu.memory_space<vmem>>, vector<16xi32>,
    %add3A_569 = arith.constant 64 : i32
    %add3A_570 = vector.broadcast %add3A_569 : i32 to vector<16xi32>
    %add3A_571 = arith.addi %iota3A, %add3A_570 : vector<16xi32>
    %gather3A_572 = tpu.vector_load_idx %arg5[%add3A_571, %add3A_516] : memref<128x50xi32, #tpu.memory_space<vmem>>[vector<16xi32>, vector<16xi32>], vector<16xi32>,
    %swap3A_573 = arith.constant 0 : i32
    %swap3A_574 = arith.constant 3 : i32
    %swap3A_575 = arith.constant 0 : i32
    %swap3A_576 = arith.constant 0 : i32
    %swap3A_577 = tpu.memref_slice %arg6[%swap3A_573, %swap3A_575, %swap3A_576] : memref<2x5x128xi32, #tpu.memory_space<vmem>> -> memref<1x5x128xi32, #tpu.memory_space<vmem>>
    %swap3A_578 = tpu.memref_squeeze %swap3A_577 : memref<1x5x128xi32, #tpu.memory_space<vmem>> -> memref<5x128xi32, #tpu.memory_space<vmem>>
    %swap3A_579 = arith.index_cast %swap3A_574 : i32 to index
    %swap3A_580 = arith.constant 64 : index
    %swap3A_581 = tpu.vector_load %swap3A_578[%swap3A_579, %swap3A_580] {strides = array<i32>} : memref<5x128xi32, #tpu.memory_space<vmem>>, vector<16xi32>,
    tpu.vector_store %swap3A_578[%swap3A_579, %swap3A_580], %gather3A_572 {strides = array<i32>} : memref<5x128xi32, #tpu.memory_space<vmem>>, vector<16xi32>,
    %add3A_582 = arith.constant 80 : i32
    %add3A_583 = vector.broadcast %add3A_582 : i32 to vector<16xi32>
    %add3A_584 = arith.addi %iota3A, %add3A_583 : vector<16xi32>
    %gather3A_585 = tpu.vector_load_idx %arg5[%add3A_584, %add3A_516] : memref<128x50xi32, #tpu.memory_space<vmem>>[vector<16xi32>, vector<16xi32>], vector<16xi32>,
    %swap3A_586 = arith.constant 0 : i32
    %swap3A_587 = arith.constant 3 : i32
    %swap3A_588 = arith.constant 0 : i32
    %swap3A_589 = arith.constant 0 : i32
    %swap3A_590 = tpu.memref_slice %arg6[%swap3A_586, %swap3A_588, %swap3A_589] : memref<2x5x128xi32, #tpu.memory_space<vmem>> -> memref<1x5x128xi32, #tpu.memory_space<vmem>>
    %swap3A_591 = tpu.memref_squeeze %swap3A_590 : memref<1x5x128xi32, #tpu.memory_space<vmem>> -> memref<5x128xi32, #tpu.memory_space<vmem>>
    %swap3A_592 = arith.index_cast %swap3A_587 : i32 to index
    %swap3A_593 = arith.constant 80 : index
    %swap3A_594 = tpu.vector_load %swap3A_591[%swap3A_592, %swap3A_593] {strides = array<i32>} : memref<5x128xi32, #tpu.memory_space<vmem>>, vector<16xi32>,
    tpu.vector_store %swap3A_591[%swap3A_592, %swap3A_593], %gather3A_585 {strides = array<i32>} : memref<5x128xi32, #tpu.memory_space<vmem>>, vector<16xi32>,
    %add3A_595 = arith.constant 96 : i32
    %add3A_596 = vector.broadcast %add3A_595 : i32 to vector<16xi32>
    %add3A_597 = arith.addi %iota3A, %add3A_596 : vector<16xi32>
    %gather3A_598 = tpu.vector_load_idx %arg5[%add3A_597, %add3A_516] : memref<128x50xi32, #tpu.memory_space<vmem>>[vector<16xi32>, vector<16xi32>], vector<16xi32>,
    %swap3A_599 = arith.constant 0 : i32
    %swap3A_600 = arith.constant 3 : i32
    %swap3A_601 = arith.constant 0 : i32
    %swap3A_602 = arith.constant 0 : i32
    %swap3A_603 = tpu.memref_slice %arg6[%swap3A_599, %swap3A_601, %swap3A_602] : memref<2x5x128xi32, #tpu.memory_space<vmem>> -> memref<1x5x128xi32, #tpu.memory_space<vmem>>
    %swap3A_604 = tpu.memref_squeeze %swap3A_603 : memref<1x5x128xi32, #tpu.memory_space<vmem>> -> memref<5x128xi32, #tpu.memory_space<vmem>>
    %swap3A_605 = arith.index_cast %swap3A_600 : i32 to index
    %swap3A_606 = arith.constant 96 : index
    %swap3A_607 = tpu.vector_load %swap3A_604[%swap3A_605, %swap3A_606] {strides = array<i32>} : memref<5x128xi32, #tpu.memory_space<vmem>>, vector<16xi32>,
    tpu.vector_store %swap3A_604[%swap3A_605, %swap3A_606], %gather3A_598 {strides = array<i32>} : memref<5x128xi32, #tpu.memory_space<vmem>>, vector<16xi32>,
    %add3A_608 = arith.constant 112 : i32
    %add3A_609 = vector.broadcast %add3A_608 : i32 to vector<16xi32>
    %add3A_610 = arith.addi %iota3A, %add3A_609 : vector<16xi32>
    %gather3A_611 = tpu.vector_load_idx %arg5[%add3A_610, %add3A_516] : memref<128x50xi32, #tpu.memory_space<vmem>>[vector<16xi32>, vector<16xi32>], vector<16xi32>,
    %swap3A_612 = arith.constant 0 : i32
    %swap3A_613 = arith.constant 3 : i32
    %swap3A_614 = arith.constant 0 : i32
    %swap3A_615 = arith.constant 0 : i32
    %swap3A_616 = tpu.memref_slice %arg6[%swap3A_612, %swap3A_614, %swap3A_615] : memref<2x5x128xi32, #tpu.memory_space<vmem>> -> memref<1x5x128xi32, #tpu.memory_space<vmem>>
    %swap3A_617 = tpu.memref_squeeze %swap3A_616 : memref<1x5x128xi32, #tpu.memory_space<vmem>> -> memref<5x128xi32, #tpu.memory_space<vmem>>
    %swap3A_618 = arith.index_cast %swap3A_613 : i32 to index
    %swap3A_619 = arith.constant 112 : index
    %swap3A_620 = tpu.vector_load %swap3A_617[%swap3A_618, %swap3A_619] {strides = array<i32>} : memref<5x128xi32, #tpu.memory_space<vmem>>, vector<16xi32>,
    tpu.vector_store %swap3A_617[%swap3A_618, %swap3A_619], %gather3A_611 {strides = array<i32>} : memref<5x128xi32, #tpu.memory_space<vmem>>, vector<16xi32>,
    %mul3A_621 = arith.constant 0 : i32
    %mul3A_622 = vector.broadcast %mul3A_621 : i32 to vector<16xi32>
    %mul3A_623 = arith.muli %iota3A, %mul3A_622 : vector<16xi32>
    %mul3A_624 = arith.constant 5 : i32
    %mul3A_625 = arith.muli %select_n3A_106, %mul3A_624 : i32
    %add3A_626 = arith.constant 4 : i32
    %add3A_627 = arith.addi %mul3A_625, %add3A_626 : i32
    %add3A_628 = vector.broadcast %add3A_627 : i32 to vector<16xi32>
    %add3A_629 = arith.addi %mul3A_623, %add3A_628 : vector<16xi32>
    %add3A_630 = arith.constant 0 : i32
    %add3A_631 = vector.broadcast %add3A_630 : i32 to vector<16xi32>
    %add3A_632 = arith.addi %iota3A, %add3A_631 : vector<16xi32>
    %gather3A_633 = tpu.vector_load_idx %arg5[%add3A_632, %add3A_629] : memref<128x50xi32, #tpu.memory_space<vmem>>[vector<16xi32>, vector<16xi32>], vector<16xi32>,
    %swap3A_634 = arith.constant 0 : i32
    %swap3A_635 = arith.constant 4 : i32
    %swap3A_636 = arith.constant 0 : i32
    %swap3A_637 = arith.constant 0 : i32
    %swap3A_638 = tpu.memref_slice %arg6[%swap3A_634, %swap3A_636, %swap3A_637] : memref<2x5x128xi32, #tpu.memory_space<vmem>> -> memref<1x5x128xi32, #tpu.memory_space<vmem>>
    %swap3A_639 = tpu.memref_squeeze %swap3A_638 : memref<1x5x128xi32, #tpu.memory_space<vmem>> -> memref<5x128xi32, #tpu.memory_space<vmem>>
    %swap3A_640 = arith.index_cast %swap3A_635 : i32 to index
    %swap3A_641 = arith.constant 0 : index
    %swap3A_642 = tpu.vector_load %swap3A_639[%swap3A_640, %swap3A_641] {strides = array<i32>} : memref<5x128xi32, #tpu.memory_space<vmem>>, vector<16xi32>,
    tpu.vector_store %swap3A_639[%swap3A_640, %swap3A_641], %gather3A_633 {strides = array<i32>} : memref<5x128xi32, #tpu.memory_space<vmem>>, vector<16xi32>,
    %add3A_643 = arith.constant 16 : i32
    %add3A_644 = vector.broadcast %add3A_643 : i32 to vector<16xi32>
    %add3A_645 = arith.addi %iota3A, %add3A_644 : vector<16xi32>
    %gather3A_646 = tpu.vector_load_idx %arg5[%add3A_645, %add3A_629] : memref<128x50xi32, #tpu.memory_space<vmem>>[vector<16xi32>, vector<16xi32>], vector<16xi32>,
    %swap3A_647 = arith.constant 0 : i32
    %swap3A_648 = arith.constant 4 : i32
    %swap3A_649 = arith.constant 0 : i32
    %swap3A_650 = arith.constant 0 : i32
    %swap3A_651 = tpu.memref_slice %arg6[%swap3A_647, %swap3A_649, %swap3A_650] : memref<2x5x128xi32, #tpu.memory_space<vmem>> -> memref<1x5x128xi32, #tpu.memory_space<vmem>>
    %swap3A_652 = tpu.memref_squeeze %swap3A_651 : memref<1x5x128xi32, #tpu.memory_space<vmem>> -> memref<5x128xi32, #tpu.memory_space<vmem>>
    %swap3A_653 = arith.index_cast %swap3A_648 : i32 to index
    %swap3A_654 = arith.constant 16 : index
    %swap3A_655 = tpu.vector_load %swap3A_652[%swap3A_653, %swap3A_654] {strides = array<i32>} : memref<5x128xi32, #tpu.memory_space<vmem>>, vector<16xi32>,
    tpu.vector_store %swap3A_652[%swap3A_653, %swap3A_654], %gather3A_646 {strides = array<i32>} : memref<5x128xi32, #tpu.memory_space<vmem>>, vector<16xi32>,
    %add3A_656 = arith.constant 32 : i32
    %add3A_657 = vector.broadcast %add3A_656 : i32 to vector<16xi32>
    %add3A_658 = arith.addi %iota3A, %add3A_657 : vector<16xi32>
    %gather3A_659 = tpu.vector_load_idx %arg5[%add3A_658, %add3A_629] : memref<128x50xi32, #tpu.memory_space<vmem>>[vector<16xi32>, vector<16xi32>], vector<16xi32>,
    %swap3A_660 = arith.constant 0 : i32
    %swap3A_661 = arith.constant 4 : i32
    %swap3A_662 = arith.constant 0 : i32
    %swap3A_663 = arith.constant 0 : i32
    %swap3A_664 = tpu.memref_slice %arg6[%swap3A_660, %swap3A_662, %swap3A_663] : memref<2x5x128xi32, #tpu.memory_space<vmem>> -> memref<1x5x128xi32, #tpu.memory_space<vmem>>
    %swap3A_665 = tpu.memref_squeeze %swap3A_664 : memref<1x5x128xi32, #tpu.memory_space<vmem>> -> memref<5x128xi32, #tpu.memory_space<vmem>>
    %swap3A_666 = arith.index_cast %swap3A_661 : i32 to index
    %swap3A_667 = arith.constant 32 : index
    %swap3A_668 = tpu.vector_load %swap3A_665[%swap3A_666, %swap3A_667] {strides = array<i32>} : memref<5x128xi32, #tpu.memory_space<vmem>>, vector<16xi32>,
    tpu.vector_store %swap3A_665[%swap3A_666, %swap3A_667], %gather3A_659 {strides = array<i32>} : memref<5x128xi32, #tpu.memory_space<vmem>>, vector<16xi32>,
    %add3A_669 = arith.constant 48 : i32
    %add3A_670 = vector.broadcast %add3A_669 : i32 to vector<16xi32>
    %add3A_671 = arith.addi %iota3A, %add3A_670 : vector<16xi32>
    %gather3A_672 = tpu.vector_load_idx %arg5[%add3A_671, %add3A_629] : memref<128x50xi32, #tpu.memory_space<vmem>>[vector<16xi32>, vector<16xi32>], vector<16xi32>,
    %swap3A_673 = arith.constant 0 : i32
    %swap3A_674 = arith.constant 4 : i32
    %swap3A_675 = arith.constant 0 : i32
    %swap3A_676 = arith.constant 0 : i32
    %swap3A_677 = tpu.memref_slice %arg6[%swap3A_673, %swap3A_675, %swap3A_676] : memref<2x5x128xi32, #tpu.memory_space<vmem>> -> memref<1x5x128xi32, #tpu.memory_space<vmem>>
    %swap3A_678 = tpu.memref_squeeze %swap3A_677 : memref<1x5x128xi32, #tpu.memory_space<vmem>> -> memref<5x128xi32, #tpu.memory_space<vmem>>
    %swap3A_679 = arith.index_cast %swap3A_674 : i32 to index
    %swap3A_680 = arith.constant 48 : index
    %swap3A_681 = tpu.vector_load %swap3A_678[%swap3A_679, %swap3A_680] {strides = array<i32>} : memref<5x128xi32, #tpu.memory_space<vmem>>, vector<16xi32>,
    tpu.vector_store %swap3A_678[%swap3A_679, %swap3A_680], %gather3A_672 {strides = array<i32>} : memref<5x128xi32, #tpu.memory_space<vmem>>, vector<16xi32>,
    %add3A_682 = arith.constant 64 : i32
    %add3A_683 = vector.broadcast %add3A_682 : i32 to vector<16xi32>
    %add3A_684 = arith.addi %iota3A, %add3A_683 : vector<16xi32>
    %gather3A_685 = tpu.vector_load_idx %arg5[%add3A_684, %add3A_629] : memref<128x50xi32, #tpu.memory_space<vmem>>[vector<16xi32>, vector<16xi32>], vector<16xi32>,
    %swap3A_686 = arith.constant 0 : i32
    %swap3A_687 = arith.constant 4 : i32
    %swap3A_688 = arith.constant 0 : i32
    %swap3A_689 = arith.constant 0 : i32
    %swap3A_690 = tpu.memref_slice %arg6[%swap3A_686, %swap3A_688, %swap3A_689] : memref<2x5x128xi32, #tpu.memory_space<vmem>> -> memref<1x5x128xi32, #tpu.memory_space<vmem>>
    %swap3A_691 = tpu.memref_squeeze %swap3A_690 : memref<1x5x128xi32, #tpu.memory_space<vmem>> -> memref<5x128xi32, #tpu.memory_space<vmem>>
    %swap3A_692 = arith.index_cast %swap3A_687 : i32 to index
    %swap3A_693 = arith.constant 64 : index
    %swap3A_694 = tpu.vector_load %swap3A_691[%swap3A_692, %swap3A_693] {strides = array<i32>} : memref<5x128xi32, #tpu.memory_space<vmem>>, vector<16xi32>,
    tpu.vector_store %swap3A_691[%swap3A_692, %swap3A_693], %gather3A_685 {strides = array<i32>} : memref<5x128xi32, #tpu.memory_space<vmem>>, vector<16xi32>,
    %add3A_695 = arith.constant 80 : i32
    %add3A_696 = vector.broadcast %add3A_695 : i32 to vector<16xi32>
    %add3A_697 = arith.addi %iota3A, %add3A_696 : vector<16xi32>
    %gather3A_698 = tpu.vector_load_idx %arg5[%add3A_697, %add3A_629] : memref<128x50xi32, #tpu.memory_space<vmem>>[vector<16xi32>, vector<16xi32>], vector<16xi32>,
    %swap3A_699 = arith.constant 0 : i32
    %swap3A_700 = arith.constant 4 : i32
    %swap3A_701 = arith.constant 0 : i32
    %swap3A_702 = arith.constant 0 : i32
    %swap3A_703 = tpu.memref_slice %arg6[%swap3A_699, %swap3A_701, %swap3A_702] : memref<2x5x128xi32, #tpu.memory_space<vmem>> -> memref<1x5x128xi32, #tpu.memory_space<vmem>>
    %swap3A_704 = tpu.memref_squeeze %swap3A_703 : memref<1x5x128xi32, #tpu.memory_space<vmem>> -> memref<5x128xi32, #tpu.memory_space<vmem>>
    %swap3A_705 = arith.index_cast %swap3A_700 : i32 to index
    %swap3A_706 = arith.constant 80 : index
    %swap3A_707 = tpu.vector_load %swap3A_704[%swap3A_705, %swap3A_706] {strides = array<i32>} : memref<5x128xi32, #tpu.memory_space<vmem>>, vector<16xi32>,
    tpu.vector_store %swap3A_704[%swap3A_705, %swap3A_706], %gather3A_698 {strides = array<i32>} : memref<5x128xi32, #tpu.memory_space<vmem>>, vector<16xi32>,
    %add3A_708 = arith.constant 96 : i32
    %add3A_709 = vector.broadcast %add3A_708 : i32 to vector<16xi32>
    %add3A_710 = arith.addi %iota3A, %add3A_709 : vector<16xi32>
    %gather3A_711 = tpu.vector_load_idx %arg5[%add3A_710, %add3A_629] : memref<128x50xi32, #tpu.memory_space<vmem>>[vector<16xi32>, vector<16xi32>], vector<16xi32>,
    %swap3A_712 = arith.constant 0 : i32
    %swap3A_713 = arith.constant 4 : i32
    %swap3A_714 = arith.constant 0 : i32
    %swap3A_715 = arith.constant 0 : i32
    %swap3A_716 = tpu.memref_slice %arg6[%swap3A_712, %swap3A_714, %swap3A_715] : memref<2x5x128xi32, #tpu.memory_space<vmem>> -> memref<1x5x128xi32, #tpu.memory_space<vmem>>
    %swap3A_717 = tpu.memref_squeeze %swap3A_716 : memref<1x5x128xi32, #tpu.memory_space<vmem>> -> memref<5x128xi32, #tpu.memory_space<vmem>>
    %swap3A_718 = arith.index_cast %swap3A_713 : i32 to index
    %swap3A_719 = arith.constant 96 : index
    %swap3A_720 = tpu.vector_load %swap3A_717[%swap3A_718, %swap3A_719] {strides = array<i32>} : memref<5x128xi32, #tpu.memory_space<vmem>>, vector<16xi32>,
    tpu.vector_store %swap3A_717[%swap3A_718, %swap3A_719], %gather3A_711 {strides = array<i32>} : memref<5x128xi32, #tpu.memory_space<vmem>>, vector<16xi32>,
    %add3A_721 = arith.constant 112 : i32
    %add3A_722 = vector.broadcast %add3A_721 : i32 to vector<16xi32>
    %add3A_723 = arith.addi %iota3A, %add3A_722 : vector<16xi32>
    %gather3A_724 = tpu.vector_load_idx %arg5[%add3A_723, %add3A_629] : memref<128x50xi32, #tpu.memory_space<vmem>>[vector<16xi32>, vector<16xi32>], vector<16xi32>,
    %swap3A_725 = arith.constant 0 : i32
    %swap3A_726 = arith.constant 4 : i32
    %swap3A_727 = arith.constant 0 : i32
    %swap3A_728 = arith.constant 0 : i32
    %swap3A_729 = tpu.memref_slice %arg6[%swap3A_725, %swap3A_727, %swap3A_728] : memref<2x5x128xi32, #tpu.memory_space<vmem>> -> memref<1x5x128xi32, #tpu.memory_space<vmem>>
    %swap3A_730 = tpu.memref_squeeze %swap3A_729 : memref<1x5x128xi32, #tpu.memory_space<vmem>> -> memref<5x128xi32, #tpu.memory_space<vmem>>
    %swap3A_731 = arith.index_cast %swap3A_726 : i32 to index
    %swap3A_732 = arith.constant 112 : index
    %swap3A_733 = tpu.vector_load %swap3A_730[%swap3A_731, %swap3A_732] {strides = array<i32>} : memref<5x128xi32, #tpu.memory_space<vmem>>, vector<16xi32>,
    tpu.vector_store %swap3A_730[%swap3A_731, %swap3A_732], %gather3A_724 {strides = array<i32>} : memref<5x128xi32, #tpu.memory_space<vmem>>, vector<16xi32>,
    %dma_start3A_734 = arith.constant 0 : i32
    %dma_start3A_735 = arith.constant 0 : i32
    %dma_start3A_736 = arith.constant 0 : i32
    %dma_start3A_737 = arith.constant 0 : i32
    %dma_start3A_738 = arith.constant 0 : i32
    %dma_start3A_739 = tpu.memref_slice %arg7[%dma_start3A_736, %dma_start3A_737, %dma_start3A_738] : memref<2x640x32xf32, #tpu.memory_space<vmem>> -> memref<1x640x32xf32, #tpu.memory_space<vmem>>
    %dma_start3A_740 = tpu.memref_squeeze %dma_start3A_739 : memref<1x640x32xf32, #tpu.memory_space<vmem>> -> memref<640x32xf32, #tpu.memory_space<vmem>>
    %dma_start3A_741 = arith.constant 0 : i32
    %dma_start3A_742 = arith.constant 0 : i32
    %dma_start3A_743 = tpu.memref_slice %dma_start3A_740[%dma_start3A_741, %dma_start3A_742] : memref<640x32xf32, #tpu.memory_space<vmem>> -> memref<128x32xf32, #tpu.memory_space<vmem>>
    %dma_start3A_744 = arith.constant 0 : i32
    %dma_start3A_745 = arith.constant 0 : i32
    %dma_start3A_746 = tpu.memref_slice %arg6[%dma_start3A_734, %dma_start3A_744, %dma_start3A_745] : memref<2x5x128xi32, #tpu.memory_space<vmem>> -> memref<1x5x128xi32, #tpu.memory_space<vmem>>
    %dma_start3A_747 = tpu.memref_squeeze %dma_start3A_746 : memref<1x5x128xi32, #tpu.memory_space<vmem>> -> memref<5x128xi32, #tpu.memory_space<vmem>>
    %dma_start3A_748 = arith.constant 0 : i32
    %dma_start3A_749 = tpu.memref_slice %dma_start3A_747[%dma_start3A_735, %dma_start3A_748] : memref<5x128xi32, #tpu.memory_space<vmem>> -> memref<1x128xi32, #tpu.memory_space<vmem>>
    %dma_start3A_750 = tpu.memref_squeeze %dma_start3A_749 : memref<1x128xi32, #tpu.memory_space<vmem>> -> memref<128xi32, #tpu.memory_space<vmem>>
    %dma_start3A_751 = arith.constant 0 : i32
    %dma_start3A_752 = arith.constant 0 : i32
    %dma_start3A_753 = tpu.memref_slice %arg3[%dma_start3A_751, %dma_start3A_752] : memref<1000000x32xf32, #tpu.memory_space<hbm>> -> memref<1000000x32xf32, #tpu.memory_space<hbm>>
    tpu.enqueue_indirect_dma source(%dma_start3A_753 : memref<1000000x32xf32, #tpu.memory_space<hbm>>) target(%dma_start3A_743 : memref<128x32xf32, #tpu.memory_space<vmem>>) offsets(%dma_start3A_750 : memref<128xi32, #tpu.memory_space<vmem>>) semaphore(%arg10 : memref<!tpu.dma_semaphore, #tpu.memory_space<semaphore_mem>>)
    %dma_start3A_754 = arith.constant 0 : i32
    %dma_start3A_755 = arith.constant 1 : i32
    %dma_start3A_756 = arith.constant 0 : i32
    %dma_start3A_757 = arith.constant 0 : i32
    %dma_start3A_758 = arith.constant 0 : i32
    %dma_start3A_759 = tpu.memref_slice %arg7[%dma_start3A_756, %dma_start3A_757, %dma_start3A_758] : memref<2x640x32xf32, #tpu.memory_space<vmem>> -> memref<1x640x32xf32, #tpu.memory_space<vmem>>
    %dma_start3A_760 = tpu.memref_squeeze %dma_start3A_759 : memref<1x640x32xf32, #tpu.memory_space<vmem>> -> memref<640x32xf32, #tpu.memory_space<vmem>>
    %dma_start3A_761 = arith.constant 128 : i32
    %dma_start3A_762 = arith.constant 0 : i32
    %dma_start3A_763 = tpu.memref_slice %dma_start3A_760[%dma_start3A_761, %dma_start3A_762] : memref<640x32xf32, #tpu.memory_space<vmem>> -> memref<128x32xf32, #tpu.memory_space<vmem>>
    %dma_start3A_764 = arith.constant 0 : i32
    %dma_start3A_765 = arith.constant 0 : i32
    %dma_start3A_766 = tpu.memref_slice %arg6[%dma_start3A_754, %dma_start3A_764, %dma_start3A_765] : memref<2x5x128xi32, #tpu.memory_space<vmem>> -> memref<1x5x128xi32, #tpu.memory_space<vmem>>
    %dma_start3A_767 = tpu.memref_squeeze %dma_start3A_766 : memref<1x5x128xi32, #tpu.memory_space<vmem>> -> memref<5x128xi32, #tpu.memory_space<vmem>>
    %dma_start3A_768 = arith.constant 0 : i32
    %dma_start3A_769 = tpu.memref_slice %dma_start3A_767[%dma_start3A_755, %dma_start3A_768] : memref<5x128xi32, #tpu.memory_space<vmem>> -> memref<1x128xi32, #tpu.memory_space<vmem>>
    %dma_start3A_770 = tpu.memref_squeeze %dma_start3A_769 : memref<1x128xi32, #tpu.memory_space<vmem>> -> memref<128xi32, #tpu.memory_space<vmem>>
    %dma_start3A_771 = arith.constant 0 : i32
    %dma_start3A_772 = arith.constant 0 : i32
    %dma_start3A_773 = tpu.memref_slice %arg3[%dma_start3A_771, %dma_start3A_772] : memref<1000000x32xf32, #tpu.memory_space<hbm>> -> memref<1000000x32xf32, #tpu.memory_space<hbm>>
    tpu.enqueue_indirect_dma source(%dma_start3A_773 : memref<1000000x32xf32, #tpu.memory_space<hbm>>) target(%dma_start3A_763 : memref<128x32xf32, #tpu.memory_space<vmem>>) offsets(%dma_start3A_770 : memref<128xi32, #tpu.memory_space<vmem>>) semaphore(%arg10 : memref<!tpu.dma_semaphore, #tpu.memory_space<semaphore_mem>>)
    %dma_start3A_774 = arith.constant 0 : i32
    %dma_start3A_775 = arith.constant 2 : i32
    %dma_start3A_776 = arith.constant 0 : i32
    %dma_start3A_777 = arith.constant 0 : i32
    %dma_start3A_778 = arith.constant 0 : i32
    %dma_start3A_779 = tpu.memref_slice %arg7[%dma_start3A_776, %dma_start3A_777, %dma_start3A_778] : memref<2x640x32xf32, #tpu.memory_space<vmem>> -> memref<1x640x32xf32, #tpu.memory_space<vmem>>
    %dma_start3A_780 = tpu.memref_squeeze %dma_start3A_779 : memref<1x640x32xf32, #tpu.memory_space<vmem>> -> memref<640x32xf32, #tpu.memory_space<vmem>>
    %dma_start3A_781 = arith.constant 256 : i32
    %dma_start3A_782 = arith.constant 0 : i32
    %dma_start3A_783 = tpu.memref_slice %dma_start3A_780[%dma_start3A_781, %dma_start3A_782] : memref<640x32xf32, #tpu.memory_space<vmem>> -> memref<128x32xf32, #tpu.memory_space<vmem>>
    %dma_start3A_784 = arith.constant 0 : i32
    %dma_start3A_785 = arith.constant 0 : i32
    %dma_start3A_786 = tpu.memref_slice %arg6[%dma_start3A_774, %dma_start3A_784, %dma_start3A_785] : memref<2x5x128xi32, #tpu.memory_space<vmem>> -> memref<1x5x128xi32, #tpu.memory_space<vmem>>
    %dma_start3A_787 = tpu.memref_squeeze %dma_start3A_786 : memref<1x5x128xi32, #tpu.memory_space<vmem>> -> memref<5x128xi32, #tpu.memory_space<vmem>>
    %dma_start3A_788 = arith.constant 0 : i32
    %dma_start3A_789 = tpu.memref_slice %dma_start3A_787[%dma_start3A_775, %dma_start3A_788] : memref<5x128xi32, #tpu.memory_space<vmem>> -> memref<1x128xi32, #tpu.memory_space<vmem>>
    %dma_start3A_790 = tpu.memref_squeeze %dma_start3A_789 : memref<1x128xi32, #tpu.memory_space<vmem>> -> memref<128xi32, #tpu.memory_space<vmem>>
    %dma_start3A_791 = arith.constant 0 : i32
    %dma_start3A_792 = arith.constant 0 : i32
    %dma_start3A_793 = tpu.memref_slice %arg3[%dma_start3A_791, %dma_start3A_792] : memref<1000000x32xf32, #tpu.memory_space<hbm>> -> memref<1000000x32xf32, #tpu.memory_space<hbm>>
    tpu.enqueue_indirect_dma source(%dma_start3A_793 : memref<1000000x32xf32, #tpu.memory_space<hbm>>) target(%dma_start3A_783 : memref<128x32xf32, #tpu.memory_space<vmem>>) offsets(%dma_start3A_790 : memref<128xi32, #tpu.memory_space<vmem>>) semaphore(%arg10 : memref<!tpu.dma_semaphore, #tpu.memory_space<semaphore_mem>>)
    %dma_start3A_794 = arith.constant 0 : i32
    %dma_start3A_795 = arith.constant 3 : i32
    %dma_start3A_796 = arith.constant 0 : i32
    %dma_start3A_797 = arith.constant 0 : i32
    %dma_start3A_798 = arith.constant 0 : i32
    %dma_start3A_799 = tpu.memref_slice %arg7[%dma_start3A_796, %dma_start3A_797, %dma_start3A_798] : memref<2x640x32xf32, #tpu.memory_space<vmem>> -> memref<1x640x32xf32, #tpu.memory_space<vmem>>
    %dma_start3A_800 = tpu.memref_squeeze %dma_start3A_799 : memref<1x640x32xf32, #tpu.memory_space<vmem>> -> memref<640x32xf32, #tpu.memory_space<vmem>>
    %dma_start3A_801 = arith.constant 384 : i32
    %dma_start3A_802 = arith.constant 0 : i32
    %dma_start3A_803 = tpu.memref_slice %dma_start3A_800[%dma_start3A_801, %dma_start3A_802] : memref<640x32xf32, #tpu.memory_space<vmem>> -> memref<128x32xf32, #tpu.memory_space<vmem>>
    %dma_start3A_804 = arith.constant 0 : i32
    %dma_start3A_805 = arith.constant 0 : i32
    %dma_start3A_806 = tpu.memref_slice %arg6[%dma_start3A_794, %dma_start3A_804, %dma_start3A_805] : memref<2x5x128xi32, #tpu.memory_space<vmem>> -> memref<1x5x128xi32, #tpu.memory_space<vmem>>
    %dma_start3A_807 = tpu.memref_squeeze %dma_start3A_806 : memref<1x5x128xi32, #tpu.memory_space<vmem>> -> memref<5x128xi32, #tpu.memory_space<vmem>>
    %dma_start3A_808 = arith.constant 0 : i32
    %dma_start3A_809 = tpu.memref_slice %dma_start3A_807[%dma_start3A_795, %dma_start3A_808] : memref<5x128xi32, #tpu.memory_space<vmem>> -> memref<1x128xi32, #tpu.memory_space<vmem>>
    %dma_start3A_810 = tpu.memref_squeeze %dma_start3A_809 : memref<1x128xi32, #tpu.memory_space<vmem>> -> memref<128xi32, #tpu.memory_space<vmem>>
    %dma_start3A_811 = arith.constant 0 : i32
    %dma_start3A_812 = arith.constant 0 : i32
    %dma_start3A_813 = tpu.memref_slice %arg3[%dma_start3A_811, %dma_start3A_812] : memref<1000000x32xf32, #tpu.memory_space<hbm>> -> memref<1000000x32xf32, #tpu.memory_space<hbm>>
    tpu.enqueue_indirect_dma source(%dma_start3A_813 : memref<1000000x32xf32, #tpu.memory_space<hbm>>) target(%dma_start3A_803 : memref<128x32xf32, #tpu.memory_space<vmem>>) offsets(%dma_start3A_810 : memref<128xi32, #tpu.memory_space<vmem>>) semaphore(%arg10 : memref<!tpu.dma_semaphore, #tpu.memory_space<semaphore_mem>>)
    %dma_start3A_814 = arith.constant 0 : i32
    %dma_start3A_815 = arith.constant 4 : i32
    %dma_start3A_816 = arith.constant 0 : i32
    %dma_start3A_817 = arith.constant 0 : i32
    %dma_start3A_818 = arith.constant 0 : i32
    %dma_start3A_819 = tpu.memref_slice %arg7[%dma_start3A_816, %dma_start3A_817, %dma_start3A_818] : memref<2x640x32xf32, #tpu.memory_space<vmem>> -> memref<1x640x32xf32, #tpu.memory_space<vmem>>
    %dma_start3A_820 = tpu.memref_squeeze %dma_start3A_819 : memref<1x640x32xf32, #tpu.memory_space<vmem>> -> memref<640x32xf32, #tpu.memory_space<vmem>>
    %dma_start3A_821 = arith.constant 512 : i32
    %dma_start3A_822 = arith.constant 0 : i32
    %dma_start3A_823 = tpu.memref_slice %dma_start3A_820[%dma_start3A_821, %dma_start3A_822] : memref<640x32xf32, #tpu.memory_space<vmem>> -> memref<128x32xf32, #tpu.memory_space<vmem>>
    %dma_start3A_824 = arith.constant 0 : i32
    %dma_start3A_825 = arith.constant 0 : i32
    %dma_start3A_826 = tpu.memref_slice %arg6[%dma_start3A_814, %dma_start3A_824, %dma_start3A_825] : memref<2x5x128xi32, #tpu.memory_space<vmem>> -> memref<1x5x128xi32, #tpu.memory_space<vmem>>
    %dma_start3A_827 = tpu.memref_squeeze %dma_start3A_826 : memref<1x5x128xi32, #tpu.memory_space<vmem>> -> memref<5x128xi32, #tpu.memory_space<vmem>>
    %dma_start3A_828 = arith.constant 0 : i32
    %dma_start3A_829 = tpu.memref_slice %dma_start3A_827[%dma_start3A_815, %dma_start3A_828] : memref<5x128xi32, #tpu.memory_space<vmem>> -> memref<1x128xi32, #tpu.memory_space<vmem>>
    %dma_start3A_830 = tpu.memref_squeeze %dma_start3A_829 : memref<1x128xi32, #tpu.memory_space<vmem>> -> memref<128xi32, #tpu.memory_space<vmem>>
    %dma_start3A_831 = arith.constant 0 : i32
    %dma_start3A_832 = arith.constant 0 : i32
    %dma_start3A_833 = tpu.memref_slice %arg3[%dma_start3A_831, %dma_start3A_832] : memref<1000000x32xf32, #tpu.memory_space<hbm>> -> memref<1000000x32xf32, #tpu.memory_space<hbm>>
    tpu.enqueue_indirect_dma source(%dma_start3A_833 : memref<1000000x32xf32, #tpu.memory_space<hbm>>) target(%dma_start3A_823 : memref<128x32xf32, #tpu.memory_space<vmem>>) offsets(%dma_start3A_830 : memref<128xi32, #tpu.memory_space<vmem>>) semaphore(%arg10 : memref<!tpu.dma_semaphore, #tpu.memory_space<semaphore_mem>>)
    %scan3A = arith.constant 0 : i32
    %scan3A_834 = arith.constant 33 : i32
    %scan3A_835 = arith.addi %scan3A, %scan3A_834 : i32
    %scan3A_836 = arith.constant 1 : i32
    scf.for %scan3A_1056 = %scan3A to %scan3A_835 step %scan3A_836  : i32 {
      %mul3A_1057 = arith.constant 2 : i32
      %mul3A_1058 = arith.muli %scan3A_1056, %mul3A_1057 : i32
      %add3A_1059 = arith.constant 0 : i32
      %add3A_1060 = arith.addi %add3A_1059, %mul3A_1058 : i32
      %add3A_1061 = arith.constant 0 : i32
      %add3A_1062 = arith.addi %add3A_1060, %add3A_1061 : i32
      %add3A_1063 = arith.constant 1 : i32
      %add3A_1064 = arith.addi %add3A_1062, %add3A_1063 : i32
      %lt3A_1065 = arith.constant 65 : i32
      %lt3A_1066 = arith.cmpi slt, %add3A_1064, %lt3A_1065 : i32
      %convert_element_type3A = arith.extui %lt3A_1066 : i1 to i32
      %cond3A = arith.constant 0 : i32
      %cond3A_1067 = arith.cmpi ne, %convert_element_type3A, %cond3A : i32
      scf.if %cond3A_1067 {
        %add3A_1087 = arith.addi %mul3A_2, %add3A_1062 : i32
        %add3A_1088 = arith.constant 1 : i32
        %add3A_1089 = arith.addi %add3A_1087, %add3A_1088 : i32
        %jit3A_1090 = arith.constant 10 : i32
        %eq3A_1091 = arith.constant 0 : i32
        %eq3A_1092 = arith.cmpi eq, %jit3A_1090, %eq3A_1091 : i32
        %jit3A_1093 = arith.constant 1 : i32
        %select_n3A_1094 = arith.select %eq3A_1092, %jit3A_1093, %jit3A_1090 : i32
        %rem3A_1095 = arith.remsi %add3A_1089, %select_n3A_1094 : i32
        %ne3A_1096 = arith.constant 0 : i32
        %ne3A_1097 = arith.cmpi ne, %rem3A_1095, %ne3A_1096 : i32
        %lt3A_1098 = arith.constant 0 : i32
        %lt3A_1099 = arith.cmpi slt, %rem3A_1095, %lt3A_1098 : i32
        %lt3A_1100 = arith.constant 0 : i32
        %lt3A_1101 = arith.cmpi slt, %select_n3A_1094, %lt3A_1100 : i32
        %ne3A_1102 = arith.xori %lt3A_1099, %lt3A_1101 : i1
        %and3A_1103 = arith.andi %ne3A_1102, %ne3A_1097 : i1
        %add3A_1104 = arith.addi %rem3A_1095, %select_n3A_1094 : i32
        %select_n3A_1105 = arith.select %and3A_1103, %add3A_1104, %rem3A_1095 : i32
        %eq3A_1106 = arith.constant 0 : i32
        %eq3A_1107 = arith.cmpi eq, %select_n3A_1105, %eq3A_1106 : i32
        %convert_element_type3A_1108 = arith.extui %eq3A_1107 : i1 to i32
        %cond3A_1109 = arith.constant 0 : i32
        %cond3A_1110 = arith.cmpi ne, %convert_element_type3A_1108, %cond3A_1109 : i32
        scf.if %cond3A_1110 {
          %add3A_1859 = arith.addi %mul3A_2, %add3A_1062 : i32
          %add3A_1860 = arith.constant 1 : i32
          %add3A_1861 = arith.addi %add3A_1859, %add3A_1860 : i32
          %jit3A_1862 = arith.constant 10 : i32
          %eq3A_1863 = arith.constant 0 : i32
          %eq3A_1864 = arith.cmpi eq, %jit3A_1862, %eq3A_1863 : i32
          %jit3A_1865 = arith.constant 1 : i32
          %select_n3A_1866 = arith.select %eq3A_1864, %jit3A_1865, %jit3A_1862 : i32
          %rem3A_1867 = arith.remsi %add3A_1861, %select_n3A_1866 : i32
          %ne3A_1868 = arith.constant 0 : i32
          %ne3A_1869 = arith.cmpi ne, %rem3A_1867, %ne3A_1868 : i32
          %lt3A_1870 = arith.constant 0 : i32
          %lt3A_1871 = arith.cmpi slt, %rem3A_1867, %lt3A_1870 : i32
          %lt3A_1872 = arith.constant 0 : i32
          %lt3A_1873 = arith.cmpi slt, %select_n3A_1866, %lt3A_1872 : i32
          %ne3A_1874 = arith.xori %lt3A_1871, %lt3A_1873 : i1
          %and3A_1875 = arith.andi %ne3A_1874, %ne3A_1869 : i1
          %add3A_1876 = arith.addi %rem3A_1867, %select_n3A_1866 : i32
          %select_n3A_1877 = arith.select %and3A_1875, %add3A_1876, %rem3A_1867 : i32
          %jit3A_1878 = arith.constant 10 : i32
          %div3A_1879 = arith.divsi %add3A_1861, %jit3A_1878 : i32
          %sign3A_1880 = arith.constant 0 : i32
          %sign3A_1881 = arith.cmpi sgt, %add3A_1861, %sign3A_1880 : i32
          %sign3A_1882 = arith.extui %sign3A_1881 : i1 to i32
          %sign3A_1883 = arith.constant 0 : i32
          %sign3A_1884 = arith.cmpi slt, %add3A_1861, %sign3A_1883 : i32
          %sign3A_1885 = arith.extui %sign3A_1884 : i1 to i32
          %sign3A_1886 = arith.subi %sign3A_1882, %sign3A_1885 : i32
          %sign3A_1887 = arith.constant 0 : i32
          %sign3A_1888 = arith.cmpi sgt, %jit3A_1878, %sign3A_1887 : i32
          %sign3A_1889 = arith.extui %sign3A_1888 : i1 to i32
          %sign3A_1890 = arith.constant 0 : i32
          %sign3A_1891 = arith.cmpi slt, %jit3A_1878, %sign3A_1890 : i32
          %sign3A_1892 = arith.extui %sign3A_1891 : i1 to i32
          %sign3A_1893 = arith.subi %sign3A_1889, %sign3A_1892 : i32
          %ne3A_1894 = arith.cmpi ne, %sign3A_1886, %sign3A_1893 : i32
          %rem3A_1895 = arith.remsi %add3A_1861, %jit3A_1878 : i32
          %ne3A_1896 = arith.constant 0 : i32
          %ne3A_1897 = arith.cmpi ne, %rem3A_1895, %ne3A_1896 : i32
          %and3A_1898 = arith.andi %ne3A_1894, %ne3A_1897 : i1
          %sub3A_1899 = arith.constant 1 : i32
          %sub3A_1900 = arith.subi %div3A_1879, %sub3A_1899 : i32
          %select_n3A_1901 = arith.select %and3A_1898, %sub3A_1900, %div3A_1879 : i32
          %jit3A_1902 = arith.constant 8 : i32
          %div3A_1903 = arith.divsi %select_n3A_1901, %jit3A_1902 : i32
          %sign3A_1904 = arith.constant 0 : i32
          %sign3A_1905 = arith.cmpi sgt, %select_n3A_1901, %sign3A_1904 : i32
          %sign3A_1906 = arith.extui %sign3A_1905 : i1 to i32
          %sign3A_1907 = arith.constant 0 : i32
          %sign3A_1908 = arith.cmpi slt, %select_n3A_1901, %sign3A_1907 : i32
          %sign3A_1909 = arith.extui %sign3A_1908 : i1 to i32
          %sign3A_1910 = arith.subi %sign3A_1906, %sign3A_1909 : i32
          %sign3A_1911 = arith.constant 0 : i32
          %sign3A_1912 = arith.cmpi sgt, %jit3A_1902, %sign3A_1911 : i32
          %sign3A_1913 = arith.extui %sign3A_1912 : i1 to i32
          %sign3A_1914 = arith.constant 0 : i32
          %sign3A_1915 = arith.cmpi slt, %jit3A_1902, %sign3A_1914 : i32
          %sign3A_1916 = arith.extui %sign3A_1915 : i1 to i32
          %sign3A_1917 = arith.subi %sign3A_1913, %sign3A_1916 : i32
          %ne3A_1918 = arith.cmpi ne, %sign3A_1910, %sign3A_1917 : i32
          %rem3A_1919 = arith.remsi %select_n3A_1901, %jit3A_1902 : i32
          %ne3A_1920 = arith.constant 0 : i32
          %ne3A_1921 = arith.cmpi ne, %rem3A_1919, %ne3A_1920 : i32
          %and3A_1922 = arith.andi %ne3A_1918, %ne3A_1921 : i1
          %sub3A_1923 = arith.constant 1 : i32
          %sub3A_1924 = arith.subi %div3A_1903, %sub3A_1923 : i32
          %select_n3A_1925 = arith.select %and3A_1922, %sub3A_1924, %div3A_1903 : i32
          %jit3A_1926 = arith.constant 8 : i32
          %eq3A_1927 = arith.constant 0 : i32
          %eq3A_1928 = arith.cmpi eq, %jit3A_1926, %eq3A_1927 : i32
          %jit3A_1929 = arith.constant 1 : i32
          %select_n3A_1930 = arith.select %eq3A_1928, %jit3A_1929, %jit3A_1926 : i32
          %rem3A_1931 = arith.remsi %select_n3A_1901, %select_n3A_1930 : i32
          %ne3A_1932 = arith.constant 0 : i32
          %ne3A_1933 = arith.cmpi ne, %rem3A_1931, %ne3A_1932 : i32
          %lt3A_1934 = arith.constant 0 : i32
          %lt3A_1935 = arith.cmpi slt, %rem3A_1931, %lt3A_1934 : i32
          %lt3A_1936 = arith.constant 0 : i32
          %lt3A_1937 = arith.cmpi slt, %select_n3A_1930, %lt3A_1936 : i32
          %ne3A_1938 = arith.xori %lt3A_1935, %lt3A_1937 : i1
          %and3A_1939 = arith.andi %ne3A_1938, %ne3A_1933 : i1
          %add3A_1940 = arith.addi %rem3A_1931, %select_n3A_1930 : i32
          %select_n3A_1941 = arith.select %and3A_1939, %add3A_1940, %rem3A_1931 : i32
          %mul3A_1942 = arith.constant 128 : i32
          %mul3A_1943 = arith.muli %select_n3A_1941, %mul3A_1942 : i32
          %dma_start3A_1944 = arith.constant 0 : i32
          %dma_start3A_1945 = tpu.memref_slice %arg2[%mul3A_1943, %select_n3A_1925, %dma_start3A_1944] : memref<1024x26x50xi32, #tpu.memory_space<hbm>> -> memref<128x1x50xi32, #tpu.memory_space<hbm>>
          %dma_start3A_1946 = tpu.memref_squeeze %dma_start3A_1945 : memref<128x1x50xi32, #tpu.memory_space<hbm>> -> memref<128x50xi32, #tpu.memory_space<hbm>>
          %dma_start3A_1947 = arith.constant 0 : i32
          %dma_start3A_1948 = tpu.memref_slice %arg2[%mul3A_1943, %select_n3A_1925, %dma_start3A_1947] : memref<1024x26x50xi32, #tpu.memory_space<hbm>> -> memref<128x1x50xi32, #tpu.memory_space<hbm>>
          %dma_start3A_1949 = tpu.memref_squeeze %dma_start3A_1948 : memref<128x1x50xi32, #tpu.memory_space<hbm>> -> memref<128x50xi32, #tpu.memory_space<hbm>>
          tpu.enqueue_dma source(%dma_start3A_1949 : memref<128x50xi32, #tpu.memory_space<hbm>>) target(%arg5 : memref<128x50xi32, #tpu.memory_space<vmem>>) target_semaphore(%arg14 : memref<!tpu.dma_semaphore, #tpu.memory_space<semaphore_mem>>)
          %dma_wait3A_1950 = arith.constant 0 : i32
          %dma_wait3A_1951 = arith.constant 0 : i32
          %dma_wait3A_1952 = arith.constant 0 : i32
          %dma_wait3A_1953 = tpu.memref_slice %arg2[%dma_wait3A_1951, %dma_wait3A_1950, %dma_wait3A_1952] : memref<1024x26x50xi32, #tpu.memory_space<hbm>> -> memref<128x1x50xi32, #tpu.memory_space<hbm>>
          %dma_wait3A_1954 = tpu.memref_squeeze %dma_wait3A_1953 : memref<128x1x50xi32, #tpu.memory_space<hbm>> -> memref<128x50xi32, #tpu.memory_space<hbm>>
          %dma_wait3A_1955 = arith.constant 0 : i32
          %dma_wait3A_1956 = arith.constant 0 : i32
          %dma_wait3A_1957 = tpu.memref_slice %arg2[%dma_wait3A_1955, %dma_wait3A_1950, %dma_wait3A_1956] : memref<1024x26x50xi32, #tpu.memory_space<hbm>> -> memref<128x1x50xi32, #tpu.memory_space<hbm>>
          %dma_wait3A_1958 = tpu.memref_squeeze %dma_wait3A_1957 : memref<128x1x50xi32, #tpu.memory_space<hbm>> -> memref<128x50xi32, #tpu.memory_space<hbm>>
          tpu.wait_dma2 semaphore(%arg14 : memref<!tpu.dma_semaphore, #tpu.memory_space<semaphore_mem>>) src(%dma_wait3A_1958 : memref<128x50xi32, #tpu.memory_space<hbm>>) dst(%arg5 : memref<128x50xi32, #tpu.memory_space<vmem>>)
        } else {
        }
        %add3A_1111 = arith.addi %mul3A_2, %add3A_1062 : i32
        %add3A_1112 = arith.constant 1 : i32
        %add3A_1113 = arith.addi %add3A_1111, %add3A_1112 : i32
        %jit3A_1114 = arith.constant 10 : i32
        %eq3A_1115 = arith.constant 0 : i32
        %eq3A_1116 = arith.cmpi eq, %jit3A_1114, %eq3A_1115 : i32
        %jit3A_1117 = arith.constant 1 : i32
        %select_n3A_1118 = arith.select %eq3A_1116, %jit3A_1117, %jit3A_1114 : i32
        %rem3A_1119 = arith.remsi %add3A_1113, %select_n3A_1118 : i32
        %ne3A_1120 = arith.constant 0 : i32
        %ne3A_1121 = arith.cmpi ne, %rem3A_1119, %ne3A_1120 : i32
        %lt3A_1122 = arith.constant 0 : i32
        %lt3A_1123 = arith.cmpi slt, %rem3A_1119, %lt3A_1122 : i32
        %lt3A_1124 = arith.constant 0 : i32
        %lt3A_1125 = arith.cmpi slt, %select_n3A_1118, %lt3A_1124 : i32
        %ne3A_1126 = arith.xori %lt3A_1123, %lt3A_1125 : i1
        %and3A_1127 = arith.andi %ne3A_1126, %ne3A_1121 : i1
        %add3A_1128 = arith.addi %rem3A_1119, %select_n3A_1118 : i32
        %select_n3A_1129 = arith.select %and3A_1127, %add3A_1128, %rem3A_1119 : i32
        %jit3A_1130 = arith.constant 10 : i32
        %div3A_1131 = arith.divsi %add3A_1113, %jit3A_1130 : i32
        %sign3A_1132 = arith.constant 0 : i32
        %sign3A_1133 = arith.cmpi sgt, %add3A_1113, %sign3A_1132 : i32
        %sign3A_1134 = arith.extui %sign3A_1133 : i1 to i32
        %sign3A_1135 = arith.constant 0 : i32
        %sign3A_1136 = arith.cmpi slt, %add3A_1113, %sign3A_1135 : i32
        %sign3A_1137 = arith.extui %sign3A_1136 : i1 to i32
        %sign3A_1138 = arith.subi %sign3A_1134, %sign3A_1137 : i32
        %sign3A_1139 = arith.constant 0 : i32
        %sign3A_1140 = arith.cmpi sgt, %jit3A_1130, %sign3A_1139 : i32
        %sign3A_1141 = arith.extui %sign3A_1140 : i1 to i32
        %sign3A_1142 = arith.constant 0 : i32
        %sign3A_1143 = arith.cmpi slt, %jit3A_1130, %sign3A_1142 : i32
        %sign3A_1144 = arith.extui %sign3A_1143 : i1 to i32
        %sign3A_1145 = arith.subi %sign3A_1141, %sign3A_1144 : i32
        %ne3A_1146 = arith.cmpi ne, %sign3A_1138, %sign3A_1145 : i32
        %rem3A_1147 = arith.remsi %add3A_1113, %jit3A_1130 : i32
        %ne3A_1148 = arith.constant 0 : i32
        %ne3A_1149 = arith.cmpi ne, %rem3A_1147, %ne3A_1148 : i32
        %and3A_1150 = arith.andi %ne3A_1146, %ne3A_1149 : i1
        %sub3A_1151 = arith.constant 1 : i32
        %sub3A_1152 = arith.subi %div3A_1131, %sub3A_1151 : i32
        %select_n3A_1153 = arith.select %and3A_1150, %sub3A_1152, %div3A_1131 : i32
        %jit3A_1154 = arith.constant 8 : i32
        %div3A_1155 = arith.divsi %select_n3A_1153, %jit3A_1154 : i32
        %sign3A_1156 = arith.constant 0 : i32
        %sign3A_1157 = arith.cmpi sgt, %select_n3A_1153, %sign3A_1156 : i32
        %sign3A_1158 = arith.extui %sign3A_1157 : i1 to i32
        %sign3A_1159 = arith.constant 0 : i32
        %sign3A_1160 = arith.cmpi slt, %select_n3A_1153, %sign3A_1159 : i32
        %sign3A_1161 = arith.extui %sign3A_1160 : i1 to i32
        %sign3A_1162 = arith.subi %sign3A_1158, %sign3A_1161 : i32
        %sign3A_1163 = arith.constant 0 : i32
        %sign3A_1164 = arith.cmpi sgt, %jit3A_1154, %sign3A_1163 : i32
        %sign3A_1165 = arith.extui %sign3A_1164 : i1 to i32
        %sign3A_1166 = arith.constant 0 : i32
        %sign3A_1167 = arith.cmpi slt, %jit3A_1154, %sign3A_1166 : i32
        %sign3A_1168 = arith.extui %sign3A_1167 : i1 to i32
        %sign3A_1169 = arith.subi %sign3A_1165, %sign3A_1168 : i32
        %ne3A_1170 = arith.cmpi ne, %sign3A_1162, %sign3A_1169 : i32
        %rem3A_1171 = arith.remsi %select_n3A_1153, %jit3A_1154 : i32
        %ne3A_1172 = arith.constant 0 : i32
        %ne3A_1173 = arith.cmpi ne, %rem3A_1171, %ne3A_1172 : i32
        %and3A_1174 = arith.andi %ne3A_1170, %ne3A_1173 : i1
        %sub3A_1175 = arith.constant 1 : i32
        %sub3A_1176 = arith.subi %div3A_1155, %sub3A_1175 : i32
        %select_n3A_1177 = arith.select %and3A_1174, %sub3A_1176, %div3A_1155 : i32
        %jit3A_1178 = arith.constant 8 : i32
        %eq3A_1179 = arith.constant 0 : i32
        %eq3A_1180 = arith.cmpi eq, %jit3A_1178, %eq3A_1179 : i32
        %jit3A_1181 = arith.constant 1 : i32
        %select_n3A_1182 = arith.select %eq3A_1180, %jit3A_1181, %jit3A_1178 : i32
        %rem3A_1183 = arith.remsi %select_n3A_1153, %select_n3A_1182 : i32
        %ne3A_1184 = arith.constant 0 : i32
        %ne3A_1185 = arith.cmpi ne, %rem3A_1183, %ne3A_1184 : i32
        %lt3A_1186 = arith.constant 0 : i32
        %lt3A_1187 = arith.cmpi slt, %rem3A_1183, %lt3A_1186 : i32
        %lt3A_1188 = arith.constant 0 : i32
        %lt3A_1189 = arith.cmpi slt, %select_n3A_1182, %lt3A_1188 : i32
        %ne3A_1190 = arith.xori %lt3A_1187, %lt3A_1189 : i1
        %and3A_1191 = arith.andi %ne3A_1190, %ne3A_1185 : i1
        %add3A_1192 = arith.addi %rem3A_1183, %select_n3A_1182 : i32
        %select_n3A_1193 = arith.select %and3A_1191, %add3A_1192, %rem3A_1183 : i32
        %mul3A_1194 = arith.constant 0 : i32
        %mul3A_1195 = vector.broadcast %mul3A_1194 : i32 to vector<16xi32>
        %mul3A_1196 = arith.muli %iota3A, %mul3A_1195 : vector<16xi32>
        %mul3A_1197 = arith.constant 5 : i32
        %mul3A_1198 = arith.muli %select_n3A_1129, %mul3A_1197 : i32
        %add3A_1199 = arith.constant 0 : i32
        %add3A_1200 = arith.addi %mul3A_1198, %add3A_1199 : i32
        %add3A_1201 = vector.broadcast %add3A_1200 : i32 to vector<16xi32>
        %add3A_1202 = arith.addi %mul3A_1196, %add3A_1201 : vector<16xi32>
        %add3A_1203 = arith.constant 0 : i32
        %add3A_1204 = vector.broadcast %add3A_1203 : i32 to vector<16xi32>
        %add3A_1205 = arith.addi %iota3A, %add3A_1204 : vector<16xi32>
        %gather3A_1206 = tpu.vector_load_idx %arg5[%add3A_1205, %add3A_1202] : memref<128x50xi32, #tpu.memory_space<vmem>>[vector<16xi32>, vector<16xi32>], vector<16xi32>,
        %swap3A_1207 = arith.constant 1 : i32
        %swap3A_1208 = arith.constant 0 : i32
        %swap3A_1209 = arith.constant 0 : i32
        %swap3A_1210 = arith.constant 0 : i32
        %swap3A_1211 = tpu.memref_slice %arg6[%swap3A_1207, %swap3A_1209, %swap3A_1210] : memref<2x5x128xi32, #tpu.memory_space<vmem>> -> memref<1x5x128xi32, #tpu.memory_space<vmem>>
        %swap3A_1212 = tpu.memref_squeeze %swap3A_1211 : memref<1x5x128xi32, #tpu.memory_space<vmem>> -> memref<5x128xi32, #tpu.memory_space<vmem>>
        %swap3A_1213 = arith.index_cast %swap3A_1208 : i32 to index
        %swap3A_1214 = arith.constant 0 : index
        %swap3A_1215 = tpu.vector_load %swap3A_1212[%swap3A_1213, %swap3A_1214] {strides = array<i32>} : memref<5x128xi32, #tpu.memory_space<vmem>>, vector<16xi32>,
        tpu.vector_store %swap3A_1212[%swap3A_1213, %swap3A_1214], %gather3A_1206 {strides = array<i32>} : memref<5x128xi32, #tpu.memory_space<vmem>>, vector<16xi32>,
        %add3A_1216 = arith.constant 16 : i32
        %add3A_1217 = vector.broadcast %add3A_1216 : i32 to vector<16xi32>
        %add3A_1218 = arith.addi %iota3A, %add3A_1217 : vector<16xi32>
        %gather3A_1219 = tpu.vector_load_idx %arg5[%add3A_1218, %add3A_1202] : memref<128x50xi32, #tpu.memory_space<vmem>>[vector<16xi32>, vector<16xi32>], vector<16xi32>,
        %swap3A_1220 = arith.constant 1 : i32
        %swap3A_1221 = arith.constant 0 : i32
        %swap3A_1222 = arith.constant 0 : i32
        %swap3A_1223 = arith.constant 0 : i32
        %swap3A_1224 = tpu.memref_slice %arg6[%swap3A_1220, %swap3A_1222, %swap3A_1223] : memref<2x5x128xi32, #tpu.memory_space<vmem>> -> memref<1x5x128xi32, #tpu.memory_space<vmem>>
        %swap3A_1225 = tpu.memref_squeeze %swap3A_1224 : memref<1x5x128xi32, #tpu.memory_space<vmem>> -> memref<5x128xi32, #tpu.memory_space<vmem>>
        %swap3A_1226 = arith.index_cast %swap3A_1221 : i32 to index
        %swap3A_1227 = arith.constant 16 : index
        %swap3A_1228 = tpu.vector_load %swap3A_1225[%swap3A_1226, %swap3A_1227] {strides = array<i32>} : memref<5x128xi32, #tpu.memory_space<vmem>>, vector<16xi32>,
        tpu.vector_store %swap3A_1225[%swap3A_1226, %swap3A_1227], %gather3A_1219 {strides = array<i32>} : memref<5x128xi32, #tpu.memory_space<vmem>>, vector<16xi32>,
        %add3A_1229 = arith.constant 32 : i32
        %add3A_1230 = vector.broadcast %add3A_1229 : i32 to vector<16xi32>
        %add3A_1231 = arith.addi %iota3A, %add3A_1230 : vector<16xi32>
        %gather3A_1232 = tpu.vector_load_idx %arg5[%add3A_1231, %add3A_1202] : memref<128x50xi32, #tpu.memory_space<vmem>>[vector<16xi32>, vector<16xi32>], vector<16xi32>,
        %swap3A_1233 = arith.constant 1 : i32
        %swap3A_1234 = arith.constant 0 : i32
        %swap3A_1235 = arith.constant 0 : i32
        %swap3A_1236 = arith.constant 0 : i32
        %swap3A_1237 = tpu.memref_slice %arg6[%swap3A_1233, %swap3A_1235, %swap3A_1236] : memref<2x5x128xi32, #tpu.memory_space<vmem>> -> memref<1x5x128xi32, #tpu.memory_space<vmem>>
        %swap3A_1238 = tpu.memref_squeeze %swap3A_1237 : memref<1x5x128xi32, #tpu.memory_space<vmem>> -> memref<5x128xi32, #tpu.memory_space<vmem>>
        %swap3A_1239 = arith.index_cast %swap3A_1234 : i32 to index
        %swap3A_1240 = arith.constant 32 : index
        %swap3A_1241 = tpu.vector_load %swap3A_1238[%swap3A_1239, %swap3A_1240] {strides = array<i32>} : memref<5x128xi32, #tpu.memory_space<vmem>>, vector<16xi32>,
        tpu.vector_store %swap3A_1238[%swap3A_1239, %swap3A_1240], %gather3A_1232 {strides = array<i32>} : memref<5x128xi32, #tpu.memory_space<vmem>>, vector<16xi32>,
        %add3A_1242 = arith.constant 48 : i32
        %add3A_1243 = vector.broadcast %add3A_1242 : i32 to vector<16xi32>
        %add3A_1244 = arith.addi %iota3A, %add3A_1243 : vector<16xi32>
        %gather3A_1245 = tpu.vector_load_idx %arg5[%add3A_1244, %add3A_1202] : memref<128x50xi32, #tpu.memory_space<vmem>>[vector<16xi32>, vector<16xi32>], vector<16xi32>,
        %swap3A_1246 = arith.constant 1 : i32
        %swap3A_1247 = arith.constant 0 : i32
        %swap3A_1248 = arith.constant 0 : i32
        %swap3A_1249 = arith.constant 0 : i32
        %swap3A_1250 = tpu.memref_slice %arg6[%swap3A_1246, %swap3A_1248, %swap3A_1249] : memref<2x5x128xi32, #tpu.memory_space<vmem>> -> memref<1x5x128xi32, #tpu.memory_space<vmem>>
        %swap3A_1251 = tpu.memref_squeeze %swap3A_1250 : memref<1x5x128xi32, #tpu.memory_space<vmem>> -> memref<5x128xi32, #tpu.memory_space<vmem>>
        %swap3A_1252 = arith.index_cast %swap3A_1247 : i32 to index
        %swap3A_1253 = arith.constant 48 : index
        %swap3A_1254 = tpu.vector_load %swap3A_1251[%swap3A_1252, %swap3A_1253] {strides = array<i32>} : memref<5x128xi32, #tpu.memory_space<vmem>>, vector<16xi32>,
        tpu.vector_store %swap3A_1251[%swap3A_1252, %swap3A_1253], %gather3A_1245 {strides = array<i32>} : memref<5x128xi32, #tpu.memory_space<vmem>>, vector<16xi32>,
        %add3A_1255 = arith.constant 64 : i32
        %add3A_1256 = vector.broadcast %add3A_1255 : i32 to vector<16xi32>
        %add3A_1257 = arith.addi %iota3A, %add3A_1256 : vector<16xi32>
        %gather3A_1258 = tpu.vector_load_idx %arg5[%add3A_1257, %add3A_1202] : memref<128x50xi32, #tpu.memory_space<vmem>>[vector<16xi32>, vector<16xi32>], vector<16xi32>,
        %swap3A_1259 = arith.constant 1 : i32
        %swap3A_1260 = arith.constant 0 : i32
        %swap3A_1261 = arith.constant 0 : i32
        %swap3A_1262 = arith.constant 0 : i32
        %swap3A_1263 = tpu.memref_slice %arg6[%swap3A_1259, %swap3A_1261, %swap3A_1262] : memref<2x5x128xi32, #tpu.memory_space<vmem>> -> memref<1x5x128xi32, #tpu.memory_space<vmem>>
        %swap3A_1264 = tpu.memref_squeeze %swap3A_1263 : memref<1x5x128xi32, #tpu.memory_space<vmem>> -> memref<5x128xi32, #tpu.memory_space<vmem>>
        %swap3A_1265 = arith.index_cast %swap3A_1260 : i32 to index
        %swap3A_1266 = arith.constant 64 : index
        %swap3A_1267 = tpu.vector_load %swap3A_1264[%swap3A_1265, %swap3A_1266] {strides = array<i32>} : memref<5x128xi32, #tpu.memory_space<vmem>>, vector<16xi32>,
        tpu.vector_store %swap3A_1264[%swap3A_1265, %swap3A_1266], %gather3A_1258 {strides = array<i32>} : memref<5x128xi32, #tpu.memory_space<vmem>>, vector<16xi32>,
        %add3A_1268 = arith.constant 80 : i32
        %add3A_1269 = vector.broadcast %add3A_1268 : i32 to vector<16xi32>
        %add3A_1270 = arith.addi %iota3A, %add3A_1269 : vector<16xi32>
        %gather3A_1271 = tpu.vector_load_idx %arg5[%add3A_1270, %add3A_1202] : memref<128x50xi32, #tpu.memory_space<vmem>>[vector<16xi32>, vector<16xi32>], vector<16xi32>,
        %swap3A_1272 = arith.constant 1 : i32
        %swap3A_1273 = arith.constant 0 : i32
        %swap3A_1274 = arith.constant 0 : i32
        %swap3A_1275 = arith.constant 0 : i32
        %swap3A_1276 = tpu.memref_slice %arg6[%swap3A_1272, %swap3A_1274, %swap3A_1275] : memref<2x5x128xi32, #tpu.memory_space<vmem>> -> memref<1x5x128xi32, #tpu.memory_space<vmem>>
        %swap3A_1277 = tpu.memref_squeeze %swap3A_1276 : memref<1x5x128xi32, #tpu.memory_space<vmem>> -> memref<5x128xi32, #tpu.memory_space<vmem>>
        %swap3A_1278 = arith.index_cast %swap3A_1273 : i32 to index
        %swap3A_1279 = arith.constant 80 : index
        %swap3A_1280 = tpu.vector_load %swap3A_1277[%swap3A_1278, %swap3A_1279] {strides = array<i32>} : memref<5x128xi32, #tpu.memory_space<vmem>>, vector<16xi32>,
        tpu.vector_store %swap3A_1277[%swap3A_1278, %swap3A_1279], %gather3A_1271 {strides = array<i32>} : memref<5x128xi32, #tpu.memory_space<vmem>>, vector<16xi32>,
        %add3A_1281 = arith.constant 96 : i32
        %add3A_1282 = vector.broadcast %add3A_1281 : i32 to vector<16xi32>
        %add3A_1283 = arith.addi %iota3A, %add3A_1282 : vector<16xi32>
        %gather3A_1284 = tpu.vector_load_idx %arg5[%add3A_1283, %add3A_1202] : memref<128x50xi32, #tpu.memory_space<vmem>>[vector<16xi32>, vector<16xi32>], vector<16xi32>,
        %swap3A_1285 = arith.constant 1 : i32
        %swap3A_1286 = arith.constant 0 : i32
        %swap3A_1287 = arith.constant 0 : i32
        %swap3A_1288 = arith.constant 0 : i32
        %swap3A_1289 = tpu.memref_slice %arg6[%swap3A_1285, %swap3A_1287, %swap3A_1288] : memref<2x5x128xi32, #tpu.memory_space<vmem>> -> memref<1x5x128xi32, #tpu.memory_space<vmem>>
        %swap3A_1290 = tpu.memref_squeeze %swap3A_1289 : memref<1x5x128xi32, #tpu.memory_space<vmem>> -> memref<5x128xi32, #tpu.memory_space<vmem>>
        %swap3A_1291 = arith.index_cast %swap3A_1286 : i32 to index
        %swap3A_1292 = arith.constant 96 : index
        %swap3A_1293 = tpu.vector_load %swap3A_1290[%swap3A_1291, %swap3A_1292] {strides = array<i32>} : memref<5x128xi32, #tpu.memory_space<vmem>>, vector<16xi32>,
        tpu.vector_store %swap3A_1290[%swap3A_1291, %swap3A_1292], %gather3A_1284 {strides = array<i32>} : memref<5x128xi32, #tpu.memory_space<vmem>>, vector<16xi32>,
        %add3A_1294 = arith.constant 112 : i32
        %add3A_1295 = vector.broadcast %add3A_1294 : i32 to vector<16xi32>
        %add3A_1296 = arith.addi %iota3A, %add3A_1295 : vector<16xi32>
        %gather3A_1297 = tpu.vector_load_idx %arg5[%add3A_1296, %add3A_1202] : memref<128x50xi32, #tpu.memory_space<vmem>>[vector<16xi32>, vector<16xi32>], vector<16xi32>,
        %swap3A_1298 = arith.constant 1 : i32
        %swap3A_1299 = arith.constant 0 : i32
        %swap3A_1300 = arith.constant 0 : i32
        %swap3A_1301 = arith.constant 0 : i32
        %swap3A_1302 = tpu.memref_slice %arg6[%swap3A_1298, %swap3A_1300, %swap3A_1301] : memref<2x5x128xi32, #tpu.memory_space<vmem>> -> memref<1x5x128xi32, #tpu.memory_space<vmem>>
        %swap3A_1303 = tpu.memref_squeeze %swap3A_1302 : memref<1x5x128xi32, #tpu.memory_space<vmem>> -> memref<5x128xi32, #tpu.memory_space<vmem>>
        %swap3A_1304 = arith.index_cast %swap3A_1299 : i32 to index
        %swap3A_1305 = arith.constant 112 : index
        %swap3A_1306 = tpu.vector_load %swap3A_1303[%swap3A_1304, %swap3A_1305] {strides = array<i32>} : memref<5x128xi32, #tpu.memory_space<vmem>>, vector<16xi32>,
        tpu.vector_store %swap3A_1303[%swap3A_1304, %swap3A_1305], %gather3A_1297 {strides = array<i32>} : memref<5x128xi32, #tpu.memory_space<vmem>>, vector<16xi32>,
        %mul3A_1307 = arith.constant 0 : i32
        %mul3A_1308 = vector.broadcast %mul3A_1307 : i32 to vector<16xi32>
        %mul3A_1309 = arith.muli %iota3A, %mul3A_1308 : vector<16xi32>
        %mul3A_1310 = arith.constant 5 : i32
        %mul3A_1311 = arith.muli %select_n3A_1129, %mul3A_1310 : i32
        %add3A_1312 = arith.constant 1 : i32
        %add3A_1313 = arith.addi %mul3A_1311, %add3A_1312 : i32
        %add3A_1314 = vector.broadcast %add3A_1313 : i32 to vector<16xi32>
        %add3A_1315 = arith.addi %mul3A_1309, %add3A_1314 : vector<16xi32>
        %add3A_1316 = arith.constant 0 : i32
        %add3A_1317 = vector.broadcast %add3A_1316 : i32 to vector<16xi32>
        %add3A_1318 = arith.addi %iota3A, %add3A_1317 : vector<16xi32>
        %gather3A_1319 = tpu.vector_load_idx %arg5[%add3A_1318, %add3A_1315] : memref<128x50xi32, #tpu.memory_space<vmem>>[vector<16xi32>, vector<16xi32>], vector<16xi32>,
        %swap3A_1320 = arith.constant 1 : i32
        %swap3A_1321 = arith.constant 1 : i32
        %swap3A_1322 = arith.constant 0 : i32
        %swap3A_1323 = arith.constant 0 : i32
        %swap3A_1324 = tpu.memref_slice %arg6[%swap3A_1320, %swap3A_1322, %swap3A_1323] : memref<2x5x128xi32, #tpu.memory_space<vmem>> -> memref<1x5x128xi32, #tpu.memory_space<vmem>>
        %swap3A_1325 = tpu.memref_squeeze %swap3A_1324 : memref<1x5x128xi32, #tpu.memory_space<vmem>> -> memref<5x128xi32, #tpu.memory_space<vmem>>
        %swap3A_1326 = arith.index_cast %swap3A_1321 : i32 to index
        %swap3A_1327 = arith.constant 0 : index
        %swap3A_1328 = tpu.vector_load %swap3A_1325[%swap3A_1326, %swap3A_1327] {strides = array<i32>} : memref<5x128xi32, #tpu.memory_space<vmem>>, vector<16xi32>,
        tpu.vector_store %swap3A_1325[%swap3A_1326, %swap3A_1327], %gather3A_1319 {strides = array<i32>} : memref<5x128xi32, #tpu.memory_space<vmem>>, vector<16xi32>,
        %add3A_1329 = arith.constant 16 : i32
        %add3A_1330 = vector.broadcast %add3A_1329 : i32 to vector<16xi32>
        %add3A_1331 = arith.addi %iota3A, %add3A_1330 : vector<16xi32>
        %gather3A_1332 = tpu.vector_load_idx %arg5[%add3A_1331, %add3A_1315] : memref<128x50xi32, #tpu.memory_space<vmem>>[vector<16xi32>, vector<16xi32>], vector<16xi32>,
        %swap3A_1333 = arith.constant 1 : i32
        %swap3A_1334 = arith.constant 1 : i32
        %swap3A_1335 = arith.constant 0 : i32
        %swap3A_1336 = arith.constant 0 : i32
        %swap3A_1337 = tpu.memref_slice %arg6[%swap3A_1333, %swap3A_1335, %swap3A_1336] : memref<2x5x128xi32, #tpu.memory_space<vmem>> -> memref<1x5x128xi32, #tpu.memory_space<vmem>>
        %swap3A_1338 = tpu.memref_squeeze %swap3A_1337 : memref<1x5x128xi32, #tpu.memory_space<vmem>> -> memref<5x128xi32, #tpu.memory_space<vmem>>
        %swap3A_1339 = arith.index_cast %swap3A_1334 : i32 to index
        %swap3A_1340 = arith.constant 16 : index
        %swap3A_1341 = tpu.vector_load %swap3A_1338[%swap3A_1339, %swap3A_1340] {strides = array<i32>} : memref<5x128xi32, #tpu.memory_space<vmem>>, vector<16xi32>,
        tpu.vector_store %swap3A_1338[%swap3A_1339, %swap3A_1340], %gather3A_1332 {strides = array<i32>} : memref<5x128xi32, #tpu.memory_space<vmem>>, vector<16xi32>,
        %add3A_1342 = arith.constant 32 : i32
        %add3A_1343 = vector.broadcast %add3A_1342 : i32 to vector<16xi32>
        %add3A_1344 = arith.addi %iota3A, %add3A_1343 : vector<16xi32>
        %gather3A_1345 = tpu.vector_load_idx %arg5[%add3A_1344, %add3A_1315] : memref<128x50xi32, #tpu.memory_space<vmem>>[vector<16xi32>, vector<16xi32>], vector<16xi32>,
        %swap3A_1346 = arith.constant 1 : i32
        %swap3A_1347 = arith.constant 1 : i32
        %swap3A_1348 = arith.constant 0 : i32
        %swap3A_1349 = arith.constant 0 : i32
        %swap3A_1350 = tpu.memref_slice %arg6[%swap3A_1346, %swap3A_1348, %swap3A_1349] : memref<2x5x128xi32, #tpu.memory_space<vmem>> -> memref<1x5x128xi32, #tpu.memory_space<vmem>>
        %swap3A_1351 = tpu.memref_squeeze %swap3A_1350 : memref<1x5x128xi32, #tpu.memory_space<vmem>> -> memref<5x128xi32, #tpu.memory_space<vmem>>
        %swap3A_1352 = arith.index_cast %swap3A_1347 : i32 to index
        %swap3A_1353 = arith.constant 32 : index
        %swap3A_1354 = tpu.vector_load %swap3A_1351[%swap3A_1352, %swap3A_1353] {strides = array<i32>} : memref<5x128xi32, #tpu.memory_space<vmem>>, vector<16xi32>,
        tpu.vector_store %swap3A_1351[%swap3A_1352, %swap3A_1353], %gather3A_1345 {strides = array<i32>} : memref<5x128xi32, #tpu.memory_space<vmem>>, vector<16xi32>,
        %add3A_1355 = arith.constant 48 : i32
        %add3A_1356 = vector.broadcast %add3A_1355 : i32 to vector<16xi32>
        %add3A_1357 = arith.addi %iota3A, %add3A_1356 : vector<16xi32>
        %gather3A_1358 = tpu.vector_load_idx %arg5[%add3A_1357, %add3A_1315] : memref<128x50xi32, #tpu.memory_space<vmem>>[vector<16xi32>, vector<16xi32>], vector<16xi32>,
        %swap3A_1359 = arith.constant 1 : i32
        %swap3A_1360 = arith.constant 1 : i32
        %swap3A_1361 = arith.constant 0 : i32
        %swap3A_1362 = arith.constant 0 : i32
        %swap3A_1363 = tpu.memref_slice %arg6[%swap3A_1359, %swap3A_1361, %swap3A_1362] : memref<2x5x128xi32, #tpu.memory_space<vmem>> -> memref<1x5x128xi32, #tpu.memory_space<vmem>>
        %swap3A_1364 = tpu.memref_squeeze %swap3A_1363 : memref<1x5x128xi32, #tpu.memory_space<vmem>> -> memref<5x128xi32, #tpu.memory_space<vmem>>
        %swap3A_1365 = arith.index_cast %swap3A_1360 : i32 to index
        %swap3A_1366 = arith.constant 48 : index
        %swap3A_1367 = tpu.vector_load %swap3A_1364[%swap3A_1365, %swap3A_1366] {strides = array<i32>} : memref<5x128xi32, #tpu.memory_space<vmem>>, vector<16xi32>,
        tpu.vector_store %swap3A_1364[%swap3A_1365, %swap3A_1366], %gather3A_1358 {strides = array<i32>} : memref<5x128xi32, #tpu.memory_space<vmem>>, vector<16xi32>,
        %add3A_1368 = arith.constant 64 : i32
        %add3A_1369 = vector.broadcast %add3A_1368 : i32 to vector<16xi32>
        %add3A_1370 = arith.addi %iota3A, %add3A_1369 : vector<16xi32>
        %gather3A_1371 = tpu.vector_load_idx %arg5[%add3A_1370, %add3A_1315] : memref<128x50xi32, #tpu.memory_space<vmem>>[vector<16xi32>, vector<16xi32>], vector<16xi32>,
        %swap3A_1372 = arith.constant 1 : i32
        %swap3A_1373 = arith.constant 1 : i32
        %swap3A_1374 = arith.constant 0 : i32
        %swap3A_1375 = arith.constant 0 : i32
        %swap3A_1376 = tpu.memref_slice %arg6[%swap3A_1372, %swap3A_1374, %swap3A_1375] : memref<2x5x128xi32, #tpu.memory_space<vmem>> -> memref<1x5x128xi32, #tpu.memory_space<vmem>>
        %swap3A_1377 = tpu.memref_squeeze %swap3A_1376 : memref<1x5x128xi32, #tpu.memory_space<vmem>> -> memref<5x128xi32, #tpu.memory_space<vmem>>
        %swap3A_1378 = arith.index_cast %swap3A_1373 : i32 to index
        %swap3A_1379 = arith.constant 64 : index
        %swap3A_1380 = tpu.vector_load %swap3A_1377[%swap3A_1378, %swap3A_1379] {strides = array<i32>} : memref<5x128xi32, #tpu.memory_space<vmem>>, vector<16xi32>,
        tpu.vector_store %swap3A_1377[%swap3A_1378, %swap3A_1379], %gather3A_1371 {strides = array<i32>} : memref<5x128xi32, #tpu.memory_space<vmem>>, vector<16xi32>,
        %add3A_1381 = arith.constant 80 : i32
        %add3A_1382 = vector.broadcast %add3A_1381 : i32 to vector<16xi32>
        %add3A_1383 = arith.addi %iota3A, %add3A_1382 : vector<16xi32>
        %gather3A_1384 = tpu.vector_load_idx %arg5[%add3A_1383, %add3A_1315] : memref<128x50xi32, #tpu.memory_space<vmem>>[vector<16xi32>, vector<16xi32>], vector<16xi32>,
        %swap3A_1385 = arith.constant 1 : i32
        %swap3A_1386 = arith.constant 1 : i32
        %swap3A_1387 = arith.constant 0 : i32
        %swap3A_1388 = arith.constant 0 : i32
        %swap3A_1389 = tpu.memref_slice %arg6[%swap3A_1385, %swap3A_1387, %swap3A_1388] : memref<2x5x128xi32, #tpu.memory_space<vmem>> -> memref<1x5x128xi32, #tpu.memory_space<vmem>>
        %swap3A_1390 = tpu.memref_squeeze %swap3A_1389 : memref<1x5x128xi32, #tpu.memory_space<vmem>> -> memref<5x128xi32, #tpu.memory_space<vmem>>
        %swap3A_1391 = arith.index_cast %swap3A_1386 : i32 to index
        %swap3A_1392 = arith.constant 80 : index
        %swap3A_1393 = tpu.vector_load %swap3A_1390[%swap3A_1391, %swap3A_1392] {strides = array<i32>} : memref<5x128xi32, #tpu.memory_space<vmem>>, vector<16xi32>,
        tpu.vector_store %swap3A_1390[%swap3A_1391, %swap3A_1392], %gather3A_1384 {strides = array<i32>} : memref<5x128xi32, #tpu.memory_space<vmem>>, vector<16xi32>,
        %add3A_1394 = arith.constant 96 : i32
        %add3A_1395 = vector.broadcast %add3A_1394 : i32 to vector<16xi32>
        %add3A_1396 = arith.addi %iota3A, %add3A_1395 : vector<16xi32>
        %gather3A_1397 = tpu.vector_load_idx %arg5[%add3A_1396, %add3A_1315] : memref<128x50xi32, #tpu.memory_space<vmem>>[vector<16xi32>, vector<16xi32>], vector<16xi32>,
        %swap3A_1398 = arith.constant 1 : i32
        %swap3A_1399 = arith.constant 1 : i32
        %swap3A_1400 = arith.constant 0 : i32
        %swap3A_1401 = arith.constant 0 : i32
        %swap3A_1402 = tpu.memref_slice %arg6[%swap3A_1398, %swap3A_1400, %swap3A_1401] : memref<2x5x128xi32, #tpu.memory_space<vmem>> -> memref<1x5x128xi32, #tpu.memory_space<vmem>>
        %swap3A_1403 = tpu.memref_squeeze %swap3A_1402 : memref<1x5x128xi32, #tpu.memory_space<vmem>> -> memref<5x128xi32, #tpu.memory_space<vmem>>
        %swap3A_1404 = arith.index_cast %swap3A_1399 : i32 to index
        %swap3A_1405 = arith.constant 96 : index
        %swap3A_1406 = tpu.vector_load %swap3A_1403[%swap3A_1404, %swap3A_1405] {strides = array<i32>} : memref<5x128xi32, #tpu.memory_space<vmem>>, vector<16xi32>,
        tpu.vector_store %swap3A_1403[%swap3A_1404, %swap3A_1405], %gather3A_1397 {strides = array<i32>} : memref<5x128xi32, #tpu.memory_space<vmem>>, vector<16xi32>,
        %add3A_1407 = arith.constant 112 : i32
        %add3A_1408 = vector.broadcast %add3A_1407 : i32 to vector<16xi32>
        %add3A_1409 = arith.addi %iota3A, %add3A_1408 : vector<16xi32>
        %gather3A_1410 = tpu.vector_load_idx %arg5[%add3A_1409, %add3A_1315] : memref<128x50xi32, #tpu.memory_space<vmem>>[vector<16xi32>, vector<16xi32>], vector<16xi32>,
        %swap3A_1411 = arith.constant 1 : i32
        %swap3A_1412 = arith.constant 1 : i32
        %swap3A_1413 = arith.constant 0 : i32
        %swap3A_1414 = arith.constant 0 : i32
        %swap3A_1415 = tpu.memref_slice %arg6[%swap3A_1411, %swap3A_1413, %swap3A_1414] : memref<2x5x128xi32, #tpu.memory_space<vmem>> -> memref<1x5x128xi32, #tpu.memory_space<vmem>>
        %swap3A_1416 = tpu.memref_squeeze %swap3A_1415 : memref<1x5x128xi32, #tpu.memory_space<vmem>> -> memref<5x128xi32, #tpu.memory_space<vmem>>
        %swap3A_1417 = arith.index_cast %swap3A_1412 : i32 to index
        %swap3A_1418 = arith.constant 112 : index
        %swap3A_1419 = tpu.vector_load %swap3A_1416[%swap3A_1417, %swap3A_1418] {strides = array<i32>} : memref<5x128xi32, #tpu.memory_space<vmem>>, vector<16xi32>,
        tpu.vector_store %swap3A_1416[%swap3A_1417, %swap3A_1418], %gather3A_1410 {strides = array<i32>} : memref<5x128xi32, #tpu.memory_space<vmem>>, vector<16xi32>,
        %mul3A_1420 = arith.constant 0 : i32
        %mul3A_1421 = vector.broadcast %mul3A_1420 : i32 to vector<16xi32>
        %mul3A_1422 = arith.muli %iota3A, %mul3A_1421 : vector<16xi32>
        %mul3A_1423 = arith.constant 5 : i32
        %mul3A_1424 = arith.muli %select_n3A_1129, %mul3A_1423 : i32
        %add3A_1425 = arith.constant 2 : i32
        %add3A_1426 = arith.addi %mul3A_1424, %add3A_1425 : i32
        %add3A_1427 = vector.broadcast %add3A_1426 : i32 to vector<16xi32>
        %add3A_1428 = arith.addi %mul3A_1422, %add3A_1427 : vector<16xi32>
        %add3A_1429 = arith.constant 0 : i32
        %add3A_1430 = vector.broadcast %add3A_1429 : i32 to vector<16xi32>
        %add3A_1431 = arith.addi %iota3A, %add3A_1430 : vector<16xi32>
        %gather3A_1432 = tpu.vector_load_idx %arg5[%add3A_1431, %add3A_1428] : memref<128x50xi32, #tpu.memory_space<vmem>>[vector<16xi32>, vector<16xi32>], vector<16xi32>,
        %swap3A_1433 = arith.constant 1 : i32
        %swap3A_1434 = arith.constant 2 : i32
        %swap3A_1435 = arith.constant 0 : i32
        %swap3A_1436 = arith.constant 0 : i32
        %swap3A_1437 = tpu.memref_slice %arg6[%swap3A_1433, %swap3A_1435, %swap3A_1436] : memref<2x5x128xi32, #tpu.memory_space<vmem>> -> memref<1x5x128xi32, #tpu.memory_space<vmem>>
        %swap3A_1438 = tpu.memref_squeeze %swap3A_1437 : memref<1x5x128xi32, #tpu.memory_space<vmem>> -> memref<5x128xi32, #tpu.memory_space<vmem>>
        %swap3A_1439 = arith.index_cast %swap3A_1434 : i32 to index
        %swap3A_1440 = arith.constant 0 : index
        %swap3A_1441 = tpu.vector_load %swap3A_1438[%swap3A_1439, %swap3A_1440] {strides = array<i32>} : memref<5x128xi32, #tpu.memory_space<vmem>>, vector<16xi32>,
        tpu.vector_store %swap3A_1438[%swap3A_1439, %swap3A_1440], %gather3A_1432 {strides = array<i32>} : memref<5x128xi32, #tpu.memory_space<vmem>>, vector<16xi32>,
        %add3A_1442 = arith.constant 16 : i32
        %add3A_1443 = vector.broadcast %add3A_1442 : i32 to vector<16xi32>
        %add3A_1444 = arith.addi %iota3A, %add3A_1443 : vector<16xi32>
        %gather3A_1445 = tpu.vector_load_idx %arg5[%add3A_1444, %add3A_1428] : memref<128x50xi32, #tpu.memory_space<vmem>>[vector<16xi32>, vector<16xi32>], vector<16xi32>,
        %swap3A_1446 = arith.constant 1 : i32
        %swap3A_1447 = arith.constant 2 : i32
        %swap3A_1448 = arith.constant 0 : i32
        %swap3A_1449 = arith.constant 0 : i32
        %swap3A_1450 = tpu.memref_slice %arg6[%swap3A_1446, %swap3A_1448, %swap3A_1449] : memref<2x5x128xi32, #tpu.memory_space<vmem>> -> memref<1x5x128xi32, #tpu.memory_space<vmem>>
        %swap3A_1451 = tpu.memref_squeeze %swap3A_1450 : memref<1x5x128xi32, #tpu.memory_space<vmem>> -> memref<5x128xi32, #tpu.memory_space<vmem>>
        %swap3A_1452 = arith.index_cast %swap3A_1447 : i32 to index
        %swap3A_1453 = arith.constant 16 : index
        %swap3A_1454 = tpu.vector_load %swap3A_1451[%swap3A_1452, %swap3A_1453] {strides = array<i32>} : memref<5x128xi32, #tpu.memory_space<vmem>>, vector<16xi32>,
        tpu.vector_store %swap3A_1451[%swap3A_1452, %swap3A_1453], %gather3A_1445 {strides = array<i32>} : memref<5x128xi32, #tpu.memory_space<vmem>>, vector<16xi32>,
        %add3A_1455 = arith.constant 32 : i32
        %add3A_1456 = vector.broadcast %add3A_1455 : i32 to vector<16xi32>
        %add3A_1457 = arith.addi %iota3A, %add3A_1456 : vector<16xi32>
        %gather3A_1458 = tpu.vector_load_idx %arg5[%add3A_1457, %add3A_1428] : memref<128x50xi32, #tpu.memory_space<vmem>>[vector<16xi32>, vector<16xi32>], vector<16xi32>,
        %swap3A_1459 = arith.constant 1 : i32
        %swap3A_1460 = arith.constant 2 : i32
        %swap3A_1461 = arith.constant 0 : i32
        %swap3A_1462 = arith.constant 0 : i32
        %swap3A_1463 = tpu.memref_slice %arg6[%swap3A_1459, %swap3A_1461, %swap3A_1462] : memref<2x5x128xi32, #tpu.memory_space<vmem>> -> memref<1x5x128xi32, #tpu.memory_space<vmem>>
        %swap3A_1464 = tpu.memref_squeeze %swap3A_1463 : memref<1x5x128xi32, #tpu.memory_space<vmem>> -> memref<5x128xi32, #tpu.memory_space<vmem>>
        %swap3A_1465 = arith.index_cast %swap3A_1460 : i32 to index
        %swap3A_1466 = arith.constant 32 : index
        %swap3A_1467 = tpu.vector_load %swap3A_1464[%swap3A_1465, %swap3A_1466] {strides = array<i32>} : memref<5x128xi32, #tpu.memory_space<vmem>>, vector<16xi32>,
        tpu.vector_store %swap3A_1464[%swap3A_1465, %swap3A_1466], %gather3A_1458 {strides = array<i32>} : memref<5x128xi32, #tpu.memory_space<vmem>>, vector<16xi32>,
        %add3A_1468 = arith.constant 48 : i32
        %add3A_1469 = vector.broadcast %add3A_1468 : i32 to vector<16xi32>
        %add3A_1470 = arith.addi %iota3A, %add3A_1469 : vector<16xi32>
        %gather3A_1471 = tpu.vector_load_idx %arg5[%add3A_1470, %add3A_1428] : memref<128x50xi32, #tpu.memory_space<vmem>>[vector<16xi32>, vector<16xi32>], vector<16xi32>,
        %swap3A_1472 = arith.constant 1 : i32
        %swap3A_1473 = arith.constant 2 : i32
        %swap3A_1474 = arith.constant 0 : i32
        %swap3A_1475 = arith.constant 0 : i32
        %swap3A_1476 = tpu.memref_slice %arg6[%swap3A_1472, %swap3A_1474, %swap3A_1475] : memref<2x5x128xi32, #tpu.memory_space<vmem>> -> memref<1x5x128xi32, #tpu.memory_space<vmem>>
        %swap3A_1477 = tpu.memref_squeeze %swap3A_1476 : memref<1x5x128xi32, #tpu.memory_space<vmem>> -> memref<5x128xi32, #tpu.memory_space<vmem>>
        %swap3A_1478 = arith.index_cast %swap3A_1473 : i32 to index
        %swap3A_1479 = arith.constant 48 : index
        %swap3A_1480 = tpu.vector_load %swap3A_1477[%swap3A_1478, %swap3A_1479] {strides = array<i32>} : memref<5x128xi32, #tpu.memory_space<vmem>>, vector<16xi32>,
        tpu.vector_store %swap3A_1477[%swap3A_1478, %swap3A_1479], %gather3A_1471 {strides = array<i32>} : memref<5x128xi32, #tpu.memory_space<vmem>>, vector<16xi32>,
        %add3A_1481 = arith.constant 64 : i32
        %add3A_1482 = vector.broadcast %add3A_1481 : i32 to vector<16xi32>
        %add3A_1483 = arith.addi %iota3A, %add3A_1482 : vector<16xi32>
        %gather3A_1484 = tpu.vector_load_idx %arg5[%add3A_1483, %add3A_1428] : memref<128x50xi32, #tpu.memory_space<vmem>>[vector<16xi32>, vector<16xi32>], vector<16xi32>,
        %swap3A_1485 = arith.constant 1 : i32
        %swap3A_1486 = arith.constant 2 : i32
        %swap3A_1487 = arith.constant 0 : i32
        %swap3A_1488 = arith.constant 0 : i32
        %swap3A_1489 = tpu.memref_slice %arg6[%swap3A_1485, %swap3A_1487, %swap3A_1488] : memref<2x5x128xi32, #tpu.memory_space<vmem>> -> memref<1x5x128xi32, #tpu.memory_space<vmem>>
        %swap3A_1490 = tpu.memref_squeeze %swap3A_1489 : memref<1x5x128xi32, #tpu.memory_space<vmem>> -> memref<5x128xi32, #tpu.memory_space<vmem>>
        %swap3A_1491 = arith.index_cast %swap3A_1486 : i32 to index
        %swap3A_1492 = arith.constant 64 : index
        %swap3A_1493 = tpu.vector_load %swap3A_1490[%swap3A_1491, %swap3A_1492] {strides = array<i32>} : memref<5x128xi32, #tpu.memory_space<vmem>>, vector<16xi32>,
        tpu.vector_store %swap3A_1490[%swap3A_1491, %swap3A_1492], %gather3A_1484 {strides = array<i32>} : memref<5x128xi32, #tpu.memory_space<vmem>>, vector<16xi32>,
        %add3A_1494 = arith.constant 80 : i32
        %add3A_1495 = vector.broadcast %add3A_1494 : i32 to vector<16xi32>
        %add3A_1496 = arith.addi %iota3A, %add3A_1495 : vector<16xi32>
        %gather3A_1497 = tpu.vector_load_idx %arg5[%add3A_1496, %add3A_1428] : memref<128x50xi32, #tpu.memory_space<vmem>>[vector<16xi32>, vector<16xi32>], vector<16xi32>,
        %swap3A_1498 = arith.constant 1 : i32
        %swap3A_1499 = arith.constant 2 : i32
        %swap3A_1500 = arith.constant 0 : i32
        %swap3A_1501 = arith.constant 0 : i32
        %swap3A_1502 = tpu.memref_slice %arg6[%swap3A_1498, %swap3A_1500, %swap3A_1501] : memref<2x5x128xi32, #tpu.memory_space<vmem>> -> memref<1x5x128xi32, #tpu.memory_space<vmem>>
        %swap3A_1503 = tpu.memref_squeeze %swap3A_1502 : memref<1x5x128xi32, #tpu.memory_space<vmem>> -> memref<5x128xi32, #tpu.memory_space<vmem>>
        %swap3A_1504 = arith.index_cast %swap3A_1499 : i32 to index
        %swap3A_1505 = arith.constant 80 : index
        %swap3A_1506 = tpu.vector_load %swap3A_1503[%swap3A_1504, %swap3A_1505] {strides = array<i32>} : memref<5x128xi32, #tpu.memory_space<vmem>>, vector<16xi32>,
        tpu.vector_store %swap3A_1503[%swap3A_1504, %swap3A_1505], %gather3A_1497 {strides = array<i32>} : memref<5x128xi32, #tpu.memory_space<vmem>>, vector<16xi32>,
        %add3A_1507 = arith.constant 96 : i32
        %add3A_1508 = vector.broadcast %add3A_1507 : i32 to vector<16xi32>
        %add3A_1509 = arith.addi %iota3A, %add3A_1508 : vector<16xi32>
        %gather3A_1510 = tpu.vector_load_idx %arg5[%add3A_1509, %add3A_1428] : memref<128x50xi32, #tpu.memory_space<vmem>>[vector<16xi32>, vector<16xi32>], vector<16xi32>,
        %swap3A_1511 = arith.constant 1 : i32
        %swap3A_1512 = arith.constant 2 : i32
        %swap3A_1513 = arith.constant 0 : i32
        %swap3A_1514 = arith.constant 0 : i32
        %swap3A_1515 = tpu.memref_slice %arg6[%swap3A_1511, %swap3A_1513, %swap3A_1514] : memref<2x5x128xi32, #tpu.memory_space<vmem>> -> memref<1x5x128xi32, #tpu.memory_space<vmem>>
        %swap3A_1516 = tpu.memref_squeeze %swap3A_1515 : memref<1x5x128xi32, #tpu.memory_space<vmem>> -> memref<5x128xi32, #tpu.memory_space<vmem>>
        %swap3A_1517 = arith.index_cast %swap3A_1512 : i32 to index
        %swap3A_1518 = arith.constant 96 : index
        %swap3A_1519 = tpu.vector_load %swap3A_1516[%swap3A_1517, %swap3A_1518] {strides = array<i32>} : memref<5x128xi32, #tpu.memory_space<vmem>>, vector<16xi32>,
        tpu.vector_store %swap3A_1516[%swap3A_1517, %swap3A_1518], %gather3A_1510 {strides = array<i32>} : memref<5x128xi32, #tpu.memory_space<vmem>>, vector<16xi32>,
        %add3A_1520 = arith.constant 112 : i32
        %add3A_1521 = vector.broadcast %add3A_1520 : i32 to vector<16xi32>
        %add3A_1522 = arith.addi %iota3A, %add3A_1521 : vector<16xi32>
        %gather3A_1523 = tpu.vector_load_idx %arg5[%add3A_1522, %add3A_1428] : memref<128x50xi32, #tpu.memory_space<vmem>>[vector<16xi32>, vector<16xi32>], vector<16xi32>,
        %swap3A_1524 = arith.constant 1 : i32
        %swap3A_1525 = arith.constant 2 : i32
        %swap3A_1526 = arith.constant 0 : i32
        %swap3A_1527 = arith.constant 0 : i32
        %swap3A_1528 = tpu.memref_slice %arg6[%swap3A_1524, %swap3A_1526, %swap3A_1527] : memref<2x5x128xi32, #tpu.memory_space<vmem>> -> memref<1x5x128xi32, #tpu.memory_space<vmem>>
        %swap3A_1529 = tpu.memref_squeeze %swap3A_1528 : memref<1x5x128xi32, #tpu.memory_space<vmem>> -> memref<5x128xi32, #tpu.memory_space<vmem>>
        %swap3A_1530 = arith.index_cast %swap3A_1525 : i32 to index
        %swap3A_1531 = arith.constant 112 : index
        %swap3A_1532 = tpu.vector_load %swap3A_1529[%swap3A_1530, %swap3A_1531] {strides = array<i32>} : memref<5x128xi32, #tpu.memory_space<vmem>>, vector<16xi32>,
        tpu.vector_store %swap3A_1529[%swap3A_1530, %swap3A_1531], %gather3A_1523 {strides = array<i32>} : memref<5x128xi32, #tpu.memory_space<vmem>>, vector<16xi32>,
        %mul3A_1533 = arith.constant 0 : i32
        %mul3A_1534 = vector.broadcast %mul3A_1533 : i32 to vector<16xi32>
        %mul3A_1535 = arith.muli %iota3A, %mul3A_1534 : vector<16xi32>
        %mul3A_1536 = arith.constant 5 : i32
        %mul3A_1537 = arith.muli %select_n3A_1129, %mul3A_1536 : i32
        %add3A_1538 = arith.constant 3 : i32
        %add3A_1539 = arith.addi %mul3A_1537, %add3A_1538 : i32
        %add3A_1540 = vector.broadcast %add3A_1539 : i32 to vector<16xi32>
        %add3A_1541 = arith.addi %mul3A_1535, %add3A_1540 : vector<16xi32>
        %add3A_1542 = arith.constant 0 : i32
        %add3A_1543 = vector.broadcast %add3A_1542 : i32 to vector<16xi32>
        %add3A_1544 = arith.addi %iota3A, %add3A_1543 : vector<16xi32>
        %gather3A_1545 = tpu.vector_load_idx %arg5[%add3A_1544, %add3A_1541] : memref<128x50xi32, #tpu.memory_space<vmem>>[vector<16xi32>, vector<16xi32>], vector<16xi32>,
        %swap3A_1546 = arith.constant 1 : i32
        %swap3A_1547 = arith.constant 3 : i32
        %swap3A_1548 = arith.constant 0 : i32
        %swap3A_1549 = arith.constant 0 : i32
        %swap3A_1550 = tpu.memref_slice %arg6[%swap3A_1546, %swap3A_1548, %swap3A_1549] : memref<2x5x128xi32, #tpu.memory_space<vmem>> -> memref<1x5x128xi32, #tpu.memory_space<vmem>>
        %swap3A_1551 = tpu.memref_squeeze %swap3A_1550 : memref<1x5x128xi32, #tpu.memory_space<vmem>> -> memref<5x128xi32, #tpu.memory_space<vmem>>
        %swap3A_1552 = arith.index_cast %swap3A_1547 : i32 to index
        %swap3A_1553 = arith.constant 0 : index
        %swap3A_1554 = tpu.vector_load %swap3A_1551[%swap3A_1552, %swap3A_1553] {strides = array<i32>} : memref<5x128xi32, #tpu.memory_space<vmem>>, vector<16xi32>,
        tpu.vector_store %swap3A_1551[%swap3A_1552, %swap3A_1553], %gather3A_1545 {strides = array<i32>} : memref<5x128xi32, #tpu.memory_space<vmem>>, vector<16xi32>,
        %add3A_1555 = arith.constant 16 : i32
        %add3A_1556 = vector.broadcast %add3A_1555 : i32 to vector<16xi32>
        %add3A_1557 = arith.addi %iota3A, %add3A_1556 : vector<16xi32>
        %gather3A_1558 = tpu.vector_load_idx %arg5[%add3A_1557, %add3A_1541] : memref<128x50xi32, #tpu.memory_space<vmem>>[vector<16xi32>, vector<16xi32>], vector<16xi32>,
        %swap3A_1559 = arith.constant 1 : i32
        %swap3A_1560 = arith.constant 3 : i32
        %swap3A_1561 = arith.constant 0 : i32
        %swap3A_1562 = arith.constant 0 : i32
        %swap3A_1563 = tpu.memref_slice %arg6[%swap3A_1559, %swap3A_1561, %swap3A_1562] : memref<2x5x128xi32, #tpu.memory_space<vmem>> -> memref<1x5x128xi32, #tpu.memory_space<vmem>>
        %swap3A_1564 = tpu.memref_squeeze %swap3A_1563 : memref<1x5x128xi32, #tpu.memory_space<vmem>> -> memref<5x128xi32, #tpu.memory_space<vmem>>
        %swap3A_1565 = arith.index_cast %swap3A_1560 : i32 to index
        %swap3A_1566 = arith.constant 16 : index
        %swap3A_1567 = tpu.vector_load %swap3A_1564[%swap3A_1565, %swap3A_1566] {strides = array<i32>} : memref<5x128xi32, #tpu.memory_space<vmem>>, vector<16xi32>,
        tpu.vector_store %swap3A_1564[%swap3A_1565, %swap3A_1566], %gather3A_1558 {strides = array<i32>} : memref<5x128xi32, #tpu.memory_space<vmem>>, vector<16xi32>,
        %add3A_1568 = arith.constant 32 : i32
        %add3A_1569 = vector.broadcast %add3A_1568 : i32 to vector<16xi32>
        %add3A_1570 = arith.addi %iota3A, %add3A_1569 : vector<16xi32>
        %gather3A_1571 = tpu.vector_load_idx %arg5[%add3A_1570, %add3A_1541] : memref<128x50xi32, #tpu.memory_space<vmem>>[vector<16xi32>, vector<16xi32>], vector<16xi32>,
        %swap3A_1572 = arith.constant 1 : i32
        %swap3A_1573 = arith.constant 3 : i32
        %swap3A_1574 = arith.constant 0 : i32
        %swap3A_1575 = arith.constant 0 : i32
        %swap3A_1576 = tpu.memref_slice %arg6[%swap3A_1572, %swap3A_1574, %swap3A_1575] : memref<2x5x128xi32, #tpu.memory_space<vmem>> -> memref<1x5x128xi32, #tpu.memory_space<vmem>>
        %swap3A_1577 = tpu.memref_squeeze %swap3A_1576 : memref<1x5x128xi32, #tpu.memory_space<vmem>> -> memref<5x128xi32, #tpu.memory_space<vmem>>
        %swap3A_1578 = arith.index_cast %swap3A_1573 : i32 to index
        %swap3A_1579 = arith.constant 32 : index
        %swap3A_1580 = tpu.vector_load %swap3A_1577[%swap3A_1578, %swap3A_1579] {strides = array<i32>} : memref<5x128xi32, #tpu.memory_space<vmem>>, vector<16xi32>,
        tpu.vector_store %swap3A_1577[%swap3A_1578, %swap3A_1579], %gather3A_1571 {strides = array<i32>} : memref<5x128xi32, #tpu.memory_space<vmem>>, vector<16xi32>,
        %add3A_1581 = arith.constant 48 : i32
        %add3A_1582 = vector.broadcast %add3A_1581 : i32 to vector<16xi32>
        %add3A_1583 = arith.addi %iota3A, %add3A_1582 : vector<16xi32>
        %gather3A_1584 = tpu.vector_load_idx %arg5[%add3A_1583, %add3A_1541] : memref<128x50xi32, #tpu.memory_space<vmem>>[vector<16xi32>, vector<16xi32>], vector<16xi32>,
        %swap3A_1585 = arith.constant 1 : i32
        %swap3A_1586 = arith.constant 3 : i32
        %swap3A_1587 = arith.constant 0 : i32
        %swap3A_1588 = arith.constant 0 : i32
        %swap3A_1589 = tpu.memref_slice %arg6[%swap3A_1585, %swap3A_1587, %swap3A_1588] : memref<2x5x128xi32, #tpu.memory_space<vmem>> -> memref<1x5x128xi32, #tpu.memory_space<vmem>>
        %swap3A_1590 = tpu.memref_squeeze %swap3A_1589 : memref<1x5x128xi32, #tpu.memory_space<vmem>> -> memref<5x128xi32, #tpu.memory_space<vmem>>
        %swap3A_1591 = arith.index_cast %swap3A_1586 : i32 to index
        %swap3A_1592 = arith.constant 48 : index
        %swap3A_1593 = tpu.vector_load %swap3A_1590[%swap3A_1591, %swap3A_1592] {strides = array<i32>} : memref<5x128xi32, #tpu.memory_space<vmem>>, vector<16xi32>,
        tpu.vector_store %swap3A_1590[%swap3A_1591, %swap3A_1592], %gather3A_1584 {strides = array<i32>} : memref<5x128xi32, #tpu.memory_space<vmem>>, vector<16xi32>,
        %add3A_1594 = arith.constant 64 : i32
        %add3A_1595 = vector.broadcast %add3A_1594 : i32 to vector<16xi32>
        %add3A_1596 = arith.addi %iota3A, %add3A_1595 : vector<16xi32>
        %gather3A_1597 = tpu.vector_load_idx %arg5[%add3A_1596, %add3A_1541] : memref<128x50xi32, #tpu.memory_space<vmem>>[vector<16xi32>, vector<16xi32>], vector<16xi32>,
        %swap3A_1598 = arith.constant 1 : i32
        %swap3A_1599 = arith.constant 3 : i32
        %swap3A_1600 = arith.constant 0 : i32
        %swap3A_1601 = arith.constant 0 : i32
        %swap3A_1602 = tpu.memref_slice %arg6[%swap3A_1598, %swap3A_1600, %swap3A_1601] : memref<2x5x128xi32, #tpu.memory_space<vmem>> -> memref<1x5x128xi32, #tpu.memory_space<vmem>>
        %swap3A_1603 = tpu.memref_squeeze %swap3A_1602 : memref<1x5x128xi32, #tpu.memory_space<vmem>> -> memref<5x128xi32, #tpu.memory_space<vmem>>
        %swap3A_1604 = arith.index_cast %swap3A_1599 : i32 to index
        %swap3A_1605 = arith.constant 64 : index
        %swap3A_1606 = tpu.vector_load %swap3A_1603[%swap3A_1604, %swap3A_1605] {strides = array<i32>} : memref<5x128xi32, #tpu.memory_space<vmem>>, vector<16xi32>,
        tpu.vector_store %swap3A_1603[%swap3A_1604, %swap3A_1605], %gather3A_1597 {strides = array<i32>} : memref<5x128xi32, #tpu.memory_space<vmem>>, vector<16xi32>,
        %add3A_1607 = arith.constant 80 : i32
        %add3A_1608 = vector.broadcast %add3A_1607 : i32 to vector<16xi32>
        %add3A_1609 = arith.addi %iota3A, %add3A_1608 : vector<16xi32>
        %gather3A_1610 = tpu.vector_load_idx %arg5[%add3A_1609, %add3A_1541] : memref<128x50xi32, #tpu.memory_space<vmem>>[vector<16xi32>, vector<16xi32>], vector<16xi32>,
        %swap3A_1611 = arith.constant 1 : i32
        %swap3A_1612 = arith.constant 3 : i32
        %swap3A_1613 = arith.constant 0 : i32
        %swap3A_1614 = arith.constant 0 : i32
        %swap3A_1615 = tpu.memref_slice %arg6[%swap3A_1611, %swap3A_1613, %swap3A_1614] : memref<2x5x128xi32, #tpu.memory_space<vmem>> -> memref<1x5x128xi32, #tpu.memory_space<vmem>>
        %swap3A_1616 = tpu.memref_squeeze %swap3A_1615 : memref<1x5x128xi32, #tpu.memory_space<vmem>> -> memref<5x128xi32, #tpu.memory_space<vmem>>
        %swap3A_1617 = arith.index_cast %swap3A_1612 : i32 to index
        %swap3A_1618 = arith.constant 80 : index
        %swap3A_1619 = tpu.vector_load %swap3A_1616[%swap3A_1617, %swap3A_1618] {strides = array<i32>} : memref<5x128xi32, #tpu.memory_space<vmem>>, vector<16xi32>,
        tpu.vector_store %swap3A_1616[%swap3A_1617, %swap3A_1618], %gather3A_1610 {strides = array<i32>} : memref<5x128xi32, #tpu.memory_space<vmem>>, vector<16xi32>,
        %add3A_1620 = arith.constant 96 : i32
        %add3A_1621 = vector.broadcast %add3A_1620 : i32 to vector<16xi32>
        %add3A_1622 = arith.addi %iota3A, %add3A_1621 : vector<16xi32>
        %gather3A_1623 = tpu.vector_load_idx %arg5[%add3A_1622, %add3A_1541] : memref<128x50xi32, #tpu.memory_space<vmem>>[vector<16xi32>, vector<16xi32>], vector<16xi32>,
        %swap3A_1624 = arith.constant 1 : i32
        %swap3A_1625 = arith.constant 3 : i32
        %swap3A_1626 = arith.constant 0 : i32
        %swap3A_1627 = arith.constant 0 : i32
        %swap3A_1628 = tpu.memref_slice %arg6[%swap3A_1624, %swap3A_1626, %swap3A_1627] : memref<2x5x128xi32, #tpu.memory_space<vmem>> -> memref<1x5x128xi32, #tpu.memory_space<vmem>>
        %swap3A_1629 = tpu.memref_squeeze %swap3A_1628 : memref<1x5x128xi32, #tpu.memory_space<vmem>> -> memref<5x128xi32, #tpu.memory_space<vmem>>
        %swap3A_1630 = arith.index_cast %swap3A_1625 : i32 to index
        %swap3A_1631 = arith.constant 96 : index
        %swap3A_1632 = tpu.vector_load %swap3A_1629[%swap3A_1630, %swap3A_1631] {strides = array<i32>} : memref<5x128xi32, #tpu.memory_space<vmem>>, vector<16xi32>,
        tpu.vector_store %swap3A_1629[%swap3A_1630, %swap3A_1631], %gather3A_1623 {strides = array<i32>} : memref<5x128xi32, #tpu.memory_space<vmem>>, vector<16xi32>,
        %add3A_1633 = arith.constant 112 : i32
        %add3A_1634 = vector.broadcast %add3A_1633 : i32 to vector<16xi32>
        %add3A_1635 = arith.addi %iota3A, %add3A_1634 : vector<16xi32>
        %gather3A_1636 = tpu.vector_load_idx %arg5[%add3A_1635, %add3A_1541] : memref<128x50xi32, #tpu.memory_space<vmem>>[vector<16xi32>, vector<16xi32>], vector<16xi32>,
        %swap3A_1637 = arith.constant 1 : i32
        %swap3A_1638 = arith.constant 3 : i32
        %swap3A_1639 = arith.constant 0 : i32
        %swap3A_1640 = arith.constant 0 : i32
        %swap3A_1641 = tpu.memref_slice %arg6[%swap3A_1637, %swap3A_1639, %swap3A_1640] : memref<2x5x128xi32, #tpu.memory_space<vmem>> -> memref<1x5x128xi32, #tpu.memory_space<vmem>>
        %swap3A_1642 = tpu.memref_squeeze %swap3A_1641 : memref<1x5x128xi32, #tpu.memory_space<vmem>> -> memref<5x128xi32, #tpu.memory_space<vmem>>
        %swap3A_1643 = arith.index_cast %swap3A_1638 : i32 to index
        %swap3A_1644 = arith.constant 112 : index
        %swap3A_1645 = tpu.vector_load %swap3A_1642[%swap3A_1643, %swap3A_1644] {strides = array<i32>} : memref<5x128xi32, #tpu.memory_space<vmem>>, vector<16xi32>,
        tpu.vector_store %swap3A_1642[%swap3A_1643, %swap3A_1644], %gather3A_1636 {strides = array<i32>} : memref<5x128xi32, #tpu.memory_space<vmem>>, vector<16xi32>,
        %mul3A_1646 = arith.constant 0 : i32
        %mul3A_1647 = vector.broadcast %mul3A_1646 : i32 to vector<16xi32>
        %mul3A_1648 = arith.muli %iota3A, %mul3A_1647 : vector<16xi32>
        %mul3A_1649 = arith.constant 5 : i32
        %mul3A_1650 = arith.muli %select_n3A_1129, %mul3A_1649 : i32
        %add3A_1651 = arith.constant 4 : i32
        %add3A_1652 = arith.addi %mul3A_1650, %add3A_1651 : i32
        %add3A_1653 = vector.broadcast %add3A_1652 : i32 to vector<16xi32>
        %add3A_1654 = arith.addi %mul3A_1648, %add3A_1653 : vector<16xi32>
        %add3A_1655 = arith.constant 0 : i32
        %add3A_1656 = vector.broadcast %add3A_1655 : i32 to vector<16xi32>
        %add3A_1657 = arith.addi %iota3A, %add3A_1656 : vector<16xi32>
        %gather3A_1658 = tpu.vector_load_idx %arg5[%add3A_1657, %add3A_1654] : memref<128x50xi32, #tpu.memory_space<vmem>>[vector<16xi32>, vector<16xi32>], vector<16xi32>,
        %swap3A_1659 = arith.constant 1 : i32
        %swap3A_1660 = arith.constant 4 : i32
        %swap3A_1661 = arith.constant 0 : i32
        %swap3A_1662 = arith.constant 0 : i32
        %swap3A_1663 = tpu.memref_slice %arg6[%swap3A_1659, %swap3A_1661, %swap3A_1662] : memref<2x5x128xi32, #tpu.memory_space<vmem>> -> memref<1x5x128xi32, #tpu.memory_space<vmem>>
        %swap3A_1664 = tpu.memref_squeeze %swap3A_1663 : memref<1x5x128xi32, #tpu.memory_space<vmem>> -> memref<5x128xi32, #tpu.memory_space<vmem>>
        %swap3A_1665 = arith.index_cast %swap3A_1660 : i32 to index
        %swap3A_1666 = arith.constant 0 : index
        %swap3A_1667 = tpu.vector_load %swap3A_1664[%swap3A_1665, %swap3A_1666] {strides = array<i32>} : memref<5x128xi32, #tpu.memory_space<vmem>>, vector<16xi32>,
        tpu.vector_store %swap3A_1664[%swap3A_1665, %swap3A_1666], %gather3A_1658 {strides = array<i32>} : memref<5x128xi32, #tpu.memory_space<vmem>>, vector<16xi32>,
        %add3A_1668 = arith.constant 16 : i32
        %add3A_1669 = vector.broadcast %add3A_1668 : i32 to vector<16xi32>
        %add3A_1670 = arith.addi %iota3A, %add3A_1669 : vector<16xi32>
        %gather3A_1671 = tpu.vector_load_idx %arg5[%add3A_1670, %add3A_1654] : memref<128x50xi32, #tpu.memory_space<vmem>>[vector<16xi32>, vector<16xi32>], vector<16xi32>,
        %swap3A_1672 = arith.constant 1 : i32
        %swap3A_1673 = arith.constant 4 : i32
        %swap3A_1674 = arith.constant 0 : i32
        %swap3A_1675 = arith.constant 0 : i32
        %swap3A_1676 = tpu.memref_slice %arg6[%swap3A_1672, %swap3A_1674, %swap3A_1675] : memref<2x5x128xi32, #tpu.memory_space<vmem>> -> memref<1x5x128xi32, #tpu.memory_space<vmem>>
        %swap3A_1677 = tpu.memref_squeeze %swap3A_1676 : memref<1x5x128xi32, #tpu.memory_space<vmem>> -> memref<5x128xi32, #tpu.memory_space<vmem>>
        %swap3A_1678 = arith.index_cast %swap3A_1673 : i32 to index
        %swap3A_1679 = arith.constant 16 : index
        %swap3A_1680 = tpu.vector_load %swap3A_1677[%swap3A_1678, %swap3A_1679] {strides = array<i32>} : memref<5x128xi32, #tpu.memory_space<vmem>>, vector<16xi32>,
        tpu.vector_store %swap3A_1677[%swap3A_1678, %swap3A_1679], %gather3A_1671 {strides = array<i32>} : memref<5x128xi32, #tpu.memory_space<vmem>>, vector<16xi32>,
        %add3A_1681 = arith.constant 32 : i32
        %add3A_1682 = vector.broadcast %add3A_1681 : i32 to vector<16xi32>
        %add3A_1683 = arith.addi %iota3A, %add3A_1682 : vector<16xi32>
        %gather3A_1684 = tpu.vector_load_idx %arg5[%add3A_1683, %add3A_1654] : memref<128x50xi32, #tpu.memory_space<vmem>>[vector<16xi32>, vector<16xi32>], vector<16xi32>,
        %swap3A_1685 = arith.constant 1 : i32
        %swap3A_1686 = arith.constant 4 : i32
        %swap3A_1687 = arith.constant 0 : i32
        %swap3A_1688 = arith.constant 0 : i32
        %swap3A_1689 = tpu.memref_slice %arg6[%swap3A_1685, %swap3A_1687, %swap3A_1688] : memref<2x5x128xi32, #tpu.memory_space<vmem>> -> memref<1x5x128xi32, #tpu.memory_space<vmem>>
        %swap3A_1690 = tpu.memref_squeeze %swap3A_1689 : memref<1x5x128xi32, #tpu.memory_space<vmem>> -> memref<5x128xi32, #tpu.memory_space<vmem>>
        %swap3A_1691 = arith.index_cast %swap3A_1686 : i32 to index
        %swap3A_1692 = arith.constant 32 : index
        %swap3A_1693 = tpu.vector_load %swap3A_1690[%swap3A_1691, %swap3A_1692] {strides = array<i32>} : memref<5x128xi32, #tpu.memory_space<vmem>>, vector<16xi32>,
        tpu.vector_store %swap3A_1690[%swap3A_1691, %swap3A_1692], %gather3A_1684 {strides = array<i32>} : memref<5x128xi32, #tpu.memory_space<vmem>>, vector<16xi32>,
        %add3A_1694 = arith.constant 48 : i32
        %add3A_1695 = vector.broadcast %add3A_1694 : i32 to vector<16xi32>
        %add3A_1696 = arith.addi %iota3A, %add3A_1695 : vector<16xi32>
        %gather3A_1697 = tpu.vector_load_idx %arg5[%add3A_1696, %add3A_1654] : memref<128x50xi32, #tpu.memory_space<vmem>>[vector<16xi32>, vector<16xi32>], vector<16xi32>,
        %swap3A_1698 = arith.constant 1 : i32
        %swap3A_1699 = arith.constant 4 : i32
        %swap3A_1700 = arith.constant 0 : i32
        %swap3A_1701 = arith.constant 0 : i32
        %swap3A_1702 = tpu.memref_slice %arg6[%swap3A_1698, %swap3A_1700, %swap3A_1701] : memref<2x5x128xi32, #tpu.memory_space<vmem>> -> memref<1x5x128xi32, #tpu.memory_space<vmem>>
        %swap3A_1703 = tpu.memref_squeeze %swap3A_1702 : memref<1x5x128xi32, #tpu.memory_space<vmem>> -> memref<5x128xi32, #tpu.memory_space<vmem>>
        %swap3A_1704 = arith.index_cast %swap3A_1699 : i32 to index
        %swap3A_1705 = arith.constant 48 : index
        %swap3A_1706 = tpu.vector_load %swap3A_1703[%swap3A_1704, %swap3A_1705] {strides = array<i32>} : memref<5x128xi32, #tpu.memory_space<vmem>>, vector<16xi32>,
        tpu.vector_store %swap3A_1703[%swap3A_1704, %swap3A_1705], %gather3A_1697 {strides = array<i32>} : memref<5x128xi32, #tpu.memory_space<vmem>>, vector<16xi32>,
        %add3A_1707 = arith.constant 64 : i32
        %add3A_1708 = vector.broadcast %add3A_1707 : i32 to vector<16xi32>
        %add3A_1709 = arith.addi %iota3A, %add3A_1708 : vector<16xi32>
        %gather3A_1710 = tpu.vector_load_idx %arg5[%add3A_1709, %add3A_1654] : memref<128x50xi32, #tpu.memory_space<vmem>>[vector<16xi32>, vector<16xi32>], vector<16xi32>,
        %swap3A_1711 = arith.constant 1 : i32
        %swap3A_1712 = arith.constant 4 : i32
        %swap3A_1713 = arith.constant 0 : i32
        %swap3A_1714 = arith.constant 0 : i32
        %swap3A_1715 = tpu.memref_slice %arg6[%swap3A_1711, %swap3A_1713, %swap3A_1714] : memref<2x5x128xi32, #tpu.memory_space<vmem>> -> memref<1x5x128xi32, #tpu.memory_space<vmem>>
        %swap3A_1716 = tpu.memref_squeeze %swap3A_1715 : memref<1x5x128xi32, #tpu.memory_space<vmem>> -> memref<5x128xi32, #tpu.memory_space<vmem>>
        %swap3A_1717 = arith.index_cast %swap3A_1712 : i32 to index
        %swap3A_1718 = arith.constant 64 : index
        %swap3A_1719 = tpu.vector_load %swap3A_1716[%swap3A_1717, %swap3A_1718] {strides = array<i32>} : memref<5x128xi32, #tpu.memory_space<vmem>>, vector<16xi32>,
        tpu.vector_store %swap3A_1716[%swap3A_1717, %swap3A_1718], %gather3A_1710 {strides = array<i32>} : memref<5x128xi32, #tpu.memory_space<vmem>>, vector<16xi32>,
        %add3A_1720 = arith.constant 80 : i32
        %add3A_1721 = vector.broadcast %add3A_1720 : i32 to vector<16xi32>
        %add3A_1722 = arith.addi %iota3A, %add3A_1721 : vector<16xi32>
        %gather3A_1723 = tpu.vector_load_idx %arg5[%add3A_1722, %add3A_1654] : memref<128x50xi32, #tpu.memory_space<vmem>>[vector<16xi32>, vector<16xi32>], vector<16xi32>,
        %swap3A_1724 = arith.constant 1 : i32
        %swap3A_1725 = arith.constant 4 : i32
        %swap3A_1726 = arith.constant 0 : i32
        %swap3A_1727 = arith.constant 0 : i32
        %swap3A_1728 = tpu.memref_slice %arg6[%swap3A_1724, %swap3A_1726, %swap3A_1727] : memref<2x5x128xi32, #tpu.memory_space<vmem>> -> memref<1x5x128xi32, #tpu.memory_space<vmem>>
        %swap3A_1729 = tpu.memref_squeeze %swap3A_1728 : memref<1x5x128xi32, #tpu.memory_space<vmem>> -> memref<5x128xi32, #tpu.memory_space<vmem>>
        %swap3A_1730 = arith.index_cast %swap3A_1725 : i32 to index
        %swap3A_1731 = arith.constant 80 : index
        %swap3A_1732 = tpu.vector_load %swap3A_1729[%swap3A_1730, %swap3A_1731] {strides = array<i32>} : memref<5x128xi32, #tpu.memory_space<vmem>>, vector<16xi32>,
        tpu.vector_store %swap3A_1729[%swap3A_1730, %swap3A_1731], %gather3A_1723 {strides = array<i32>} : memref<5x128xi32, #tpu.memory_space<vmem>>, vector<16xi32>,
        %add3A_1733 = arith.constant 96 : i32
        %add3A_1734 = vector.broadcast %add3A_1733 : i32 to vector<16xi32>
        %add3A_1735 = arith.addi %iota3A, %add3A_1734 : vector<16xi32>
        %gather3A_1736 = tpu.vector_load_idx %arg5[%add3A_1735, %add3A_1654] : memref<128x50xi32, #tpu.memory_space<vmem>>[vector<16xi32>, vector<16xi32>], vector<16xi32>,
        %swap3A_1737 = arith.constant 1 : i32
        %swap3A_1738 = arith.constant 4 : i32
        %swap3A_1739 = arith.constant 0 : i32
        %swap3A_1740 = arith.constant 0 : i32
        %swap3A_1741 = tpu.memref_slice %arg6[%swap3A_1737, %swap3A_1739, %swap3A_1740] : memref<2x5x128xi32, #tpu.memory_space<vmem>> -> memref<1x5x128xi32, #tpu.memory_space<vmem>>
        %swap3A_1742 = tpu.memref_squeeze %swap3A_1741 : memref<1x5x128xi32, #tpu.memory_space<vmem>> -> memref<5x128xi32, #tpu.memory_space<vmem>>
        %swap3A_1743 = arith.index_cast %swap3A_1738 : i32 to index
        %swap3A_1744 = arith.constant 96 : index
        %swap3A_1745 = tpu.vector_load %swap3A_1742[%swap3A_1743, %swap3A_1744] {strides = array<i32>} : memref<5x128xi32, #tpu.memory_space<vmem>>, vector<16xi32>,
        tpu.vector_store %swap3A_1742[%swap3A_1743, %swap3A_1744], %gather3A_1736 {strides = array<i32>} : memref<5x128xi32, #tpu.memory_space<vmem>>, vector<16xi32>,
        %add3A_1746 = arith.constant 112 : i32
        %add3A_1747 = vector.broadcast %add3A_1746 : i32 to vector<16xi32>
        %add3A_1748 = arith.addi %iota3A, %add3A_1747 : vector<16xi32>
        %gather3A_1749 = tpu.vector_load_idx %arg5[%add3A_1748, %add3A_1654] : memref<128x50xi32, #tpu.memory_space<vmem>>[vector<16xi32>, vector<16xi32>], vector<16xi32>,
        %swap3A_1750 = arith.constant 1 : i32
        %swap3A_1751 = arith.constant 4 : i32
        %swap3A_1752 = arith.constant 0 : i32
        %swap3A_1753 = arith.constant 0 : i32
        %swap3A_1754 = tpu.memref_slice %arg6[%swap3A_1750, %swap3A_1752, %swap3A_1753] : memref<2x5x128xi32, #tpu.memory_space<vmem>> -> memref<1x5x128xi32, #tpu.memory_space<vmem>>
        %swap3A_1755 = tpu.memref_squeeze %swap3A_1754 : memref<1x5x128xi32, #tpu.memory_space<vmem>> -> memref<5x128xi32, #tpu.memory_space<vmem>>
        %swap3A_1756 = arith.index_cast %swap3A_1751 : i32 to index
        %swap3A_1757 = arith.constant 112 : index
        %swap3A_1758 = tpu.vector_load %swap3A_1755[%swap3A_1756, %swap3A_1757] {strides = array<i32>} : memref<5x128xi32, #tpu.memory_space<vmem>>, vector<16xi32>,
        tpu.vector_store %swap3A_1755[%swap3A_1756, %swap3A_1757], %gather3A_1749 {strides = array<i32>} : memref<5x128xi32, #tpu.memory_space<vmem>>, vector<16xi32>,
        %dma_start3A_1759 = arith.constant 1 : i32
        %dma_start3A_1760 = arith.constant 0 : i32
        %dma_start3A_1761 = arith.constant 1 : i32
        %dma_start3A_1762 = arith.constant 0 : i32
        %dma_start3A_1763 = arith.constant 0 : i32
        %dma_start3A_1764 = tpu.memref_slice %arg7[%dma_start3A_1761, %dma_start3A_1762, %dma_start3A_1763] : memref<2x640x32xf32, #tpu.memory_space<vmem>> -> memref<1x640x32xf32, #tpu.memory_space<vmem>>
        %dma_start3A_1765 = tpu.memref_squeeze %dma_start3A_1764 : memref<1x640x32xf32, #tpu.memory_space<vmem>> -> memref<640x32xf32, #tpu.memory_space<vmem>>
        %dma_start3A_1766 = arith.constant 0 : i32
        %dma_start3A_1767 = arith.constant 0 : i32
        %dma_start3A_1768 = tpu.memref_slice %dma_start3A_1765[%dma_start3A_1766, %dma_start3A_1767] : memref<640x32xf32, #tpu.memory_space<vmem>> -> memref<128x32xf32, #tpu.memory_space<vmem>>
        %dma_start3A_1769 = arith.constant 0 : i32
        %dma_start3A_1770 = arith.constant 0 : i32
        %dma_start3A_1771 = tpu.memref_slice %arg6[%dma_start3A_1759, %dma_start3A_1769, %dma_start3A_1770] : memref<2x5x128xi32, #tpu.memory_space<vmem>> -> memref<1x5x128xi32, #tpu.memory_space<vmem>>
        %dma_start3A_1772 = tpu.memref_squeeze %dma_start3A_1771 : memref<1x5x128xi32, #tpu.memory_space<vmem>> -> memref<5x128xi32, #tpu.memory_space<vmem>>
        %dma_start3A_1773 = arith.constant 0 : i32
        %dma_start3A_1774 = tpu.memref_slice %dma_start3A_1772[%dma_start3A_1760, %dma_start3A_1773] : memref<5x128xi32, #tpu.memory_space<vmem>> -> memref<1x128xi32, #tpu.memory_space<vmem>>
        %dma_start3A_1775 = tpu.memref_squeeze %dma_start3A_1774 : memref<1x128xi32, #tpu.memory_space<vmem>> -> memref<128xi32, #tpu.memory_space<vmem>>
        %dma_start3A_1776 = arith.constant 0 : i32
        %dma_start3A_1777 = arith.constant 0 : i32
        %dma_start3A_1778 = tpu.memref_slice %arg3[%dma_start3A_1776, %dma_start3A_1777] : memref<1000000x32xf32, #tpu.memory_space<hbm>> -> memref<1000000x32xf32, #tpu.memory_space<hbm>>
        tpu.enqueue_indirect_dma source(%dma_start3A_1778 : memref<1000000x32xf32, #tpu.memory_space<hbm>>) target(%dma_start3A_1768 : memref<128x32xf32, #tpu.memory_space<vmem>>) offsets(%dma_start3A_1775 : memref<128xi32, #tpu.memory_space<vmem>>) semaphore(%arg11 : memref<!tpu.dma_semaphore, #tpu.memory_space<semaphore_mem>>)
        %dma_start3A_1779 = arith.constant 1 : i32
        %dma_start3A_1780 = arith.constant 1 : i32
        %dma_start3A_1781 = arith.constant 1 : i32
        %dma_start3A_1782 = arith.constant 0 : i32
        %dma_start3A_1783 = arith.constant 0 : i32
        %dma_start3A_1784 = tpu.memref_slice %arg7[%dma_start3A_1781, %dma_start3A_1782, %dma_start3A_1783] : memref<2x640x32xf32, #tpu.memory_space<vmem>> -> memref<1x640x32xf32, #tpu.memory_space<vmem>>
        %dma_start3A_1785 = tpu.memref_squeeze %dma_start3A_1784 : memref<1x640x32xf32, #tpu.memory_space<vmem>> -> memref<640x32xf32, #tpu.memory_space<vmem>>
        %dma_start3A_1786 = arith.constant 128 : i32
        %dma_start3A_1787 = arith.constant 0 : i32
        %dma_start3A_1788 = tpu.memref_slice %dma_start3A_1785[%dma_start3A_1786, %dma_start3A_1787] : memref<640x32xf32, #tpu.memory_space<vmem>> -> memref<128x32xf32, #tpu.memory_space<vmem>>
        %dma_start3A_1789 = arith.constant 0 : i32
        %dma_start3A_1790 = arith.constant 0 : i32
        %dma_start3A_1791 = tpu.memref_slice %arg6[%dma_start3A_1779, %dma_start3A_1789, %dma_start3A_1790] : memref<2x5x128xi32, #tpu.memory_space<vmem>> -> memref<1x5x128xi32, #tpu.memory_space<vmem>>
        %dma_start3A_1792 = tpu.memref_squeeze %dma_start3A_1791 : memref<1x5x128xi32, #tpu.memory_space<vmem>> -> memref<5x128xi32, #tpu.memory_space<vmem>>
        %dma_start3A_1793 = arith.constant 0 : i32
        %dma_start3A_1794 = tpu.memref_slice %dma_start3A_1792[%dma_start3A_1780, %dma_start3A_1793] : memref<5x128xi32, #tpu.memory_space<vmem>> -> memref<1x128xi32, #tpu.memory_space<vmem>>
        %dma_start3A_1795 = tpu.memref_squeeze %dma_start3A_1794 : memref<1x128xi32, #tpu.memory_space<vmem>> -> memref<128xi32, #tpu.memory_space<vmem>>
        %dma_start3A_1796 = arith.constant 0 : i32
        %dma_start3A_1797 = arith.constant 0 : i32
        %dma_start3A_1798 = tpu.memref_slice %arg3[%dma_start3A_1796, %dma_start3A_1797] : memref<1000000x32xf32, #tpu.memory_space<hbm>> -> memref<1000000x32xf32, #tpu.memory_space<hbm>>
        tpu.enqueue_indirect_dma source(%dma_start3A_1798 : memref<1000000x32xf32, #tpu.memory_space<hbm>>) target(%dma_start3A_1788 : memref<128x32xf32, #tpu.memory_space<vmem>>) offsets(%dma_start3A_1795 : memref<128xi32, #tpu.memory_space<vmem>>) semaphore(%arg11 : memref<!tpu.dma_semaphore, #tpu.memory_space<semaphore_mem>>)
        %dma_start3A_1799 = arith.constant 1 : i32
        %dma_start3A_1800 = arith.constant 2 : i32
        %dma_start3A_1801 = arith.constant 1 : i32
        %dma_start3A_1802 = arith.constant 0 : i32
        %dma_start3A_1803 = arith.constant 0 : i32
        %dma_start3A_1804 = tpu.memref_slice %arg7[%dma_start3A_1801, %dma_start3A_1802, %dma_start3A_1803] : memref<2x640x32xf32, #tpu.memory_space<vmem>> -> memref<1x640x32xf32, #tpu.memory_space<vmem>>
        %dma_start3A_1805 = tpu.memref_squeeze %dma_start3A_1804 : memref<1x640x32xf32, #tpu.memory_space<vmem>> -> memref<640x32xf32, #tpu.memory_space<vmem>>
        %dma_start3A_1806 = arith.constant 256 : i32
        %dma_start3A_1807 = arith.constant 0 : i32
        %dma_start3A_1808 = tpu.memref_slice %dma_start3A_1805[%dma_start3A_1806, %dma_start3A_1807] : memref<640x32xf32, #tpu.memory_space<vmem>> -> memref<128x32xf32, #tpu.memory_space<vmem>>
        %dma_start3A_1809 = arith.constant 0 : i32
        %dma_start3A_1810 = arith.constant 0 : i32
        %dma_start3A_1811 = tpu.memref_slice %arg6[%dma_start3A_1799, %dma_start3A_1809, %dma_start3A_1810] : memref<2x5x128xi32, #tpu.memory_space<vmem>> -> memref<1x5x128xi32, #tpu.memory_space<vmem>>
        %dma_start3A_1812 = tpu.memref_squeeze %dma_start3A_1811 : memref<1x5x128xi32, #tpu.memory_space<vmem>> -> memref<5x128xi32, #tpu.memory_space<vmem>>
        %dma_start3A_1813 = arith.constant 0 : i32
        %dma_start3A_1814 = tpu.memref_slice %dma_start3A_1812[%dma_start3A_1800, %dma_start3A_1813] : memref<5x128xi32, #tpu.memory_space<vmem>> -> memref<1x128xi32, #tpu.memory_space<vmem>>
        %dma_start3A_1815 = tpu.memref_squeeze %dma_start3A_1814 : memref<1x128xi32, #tpu.memory_space<vmem>> -> memref<128xi32, #tpu.memory_space<vmem>>
        %dma_start3A_1816 = arith.constant 0 : i32
        %dma_start3A_1817 = arith.constant 0 : i32
        %dma_start3A_1818 = tpu.memref_slice %arg3[%dma_start3A_1816, %dma_start3A_1817] : memref<1000000x32xf32, #tpu.memory_space<hbm>> -> memref<1000000x32xf32, #tpu.memory_space<hbm>>
        tpu.enqueue_indirect_dma source(%dma_start3A_1818 : memref<1000000x32xf32, #tpu.memory_space<hbm>>) target(%dma_start3A_1808 : memref<128x32xf32, #tpu.memory_space<vmem>>) offsets(%dma_start3A_1815 : memref<128xi32, #tpu.memory_space<vmem>>) semaphore(%arg11 : memref<!tpu.dma_semaphore, #tpu.memory_space<semaphore_mem>>)
        %dma_start3A_1819 = arith.constant 1 : i32
        %dma_start3A_1820 = arith.constant 3 : i32
        %dma_start3A_1821 = arith.constant 1 : i32
        %dma_start3A_1822 = arith.constant 0 : i32
        %dma_start3A_1823 = arith.constant 0 : i32
        %dma_start3A_1824 = tpu.memref_slice %arg7[%dma_start3A_1821, %dma_start3A_1822, %dma_start3A_1823] : memref<2x640x32xf32, #tpu.memory_space<vmem>> -> memref<1x640x32xf32, #tpu.memory_space<vmem>>
        %dma_start3A_1825 = tpu.memref_squeeze %dma_start3A_1824 : memref<1x640x32xf32, #tpu.memory_space<vmem>> -> memref<640x32xf32, #tpu.memory_space<vmem>>
        %dma_start3A_1826 = arith.constant 384 : i32
        %dma_start3A_1827 = arith.constant 0 : i32
        %dma_start3A_1828 = tpu.memref_slice %dma_start3A_1825[%dma_start3A_1826, %dma_start3A_1827] : memref<640x32xf32, #tpu.memory_space<vmem>> -> memref<128x32xf32, #tpu.memory_space<vmem>>
        %dma_start3A_1829 = arith.constant 0 : i32
        %dma_start3A_1830 = arith.constant 0 : i32
        %dma_start3A_1831 = tpu.memref_slice %arg6[%dma_start3A_1819, %dma_start3A_1829, %dma_start3A_1830] : memref<2x5x128xi32, #tpu.memory_space<vmem>> -> memref<1x5x128xi32, #tpu.memory_space<vmem>>
        %dma_start3A_1832 = tpu.memref_squeeze %dma_start3A_1831 : memref<1x5x128xi32, #tpu.memory_space<vmem>> -> memref<5x128xi32, #tpu.memory_space<vmem>>
        %dma_start3A_1833 = arith.constant 0 : i32
        %dma_start3A_1834 = tpu.memref_slice %dma_start3A_1832[%dma_start3A_1820, %dma_start3A_1833] : memref<5x128xi32, #tpu.memory_space<vmem>> -> memref<1x128xi32, #tpu.memory_space<vmem>>
        %dma_start3A_1835 = tpu.memref_squeeze %dma_start3A_1834 : memref<1x128xi32, #tpu.memory_space<vmem>> -> memref<128xi32, #tpu.memory_space<vmem>>
        %dma_start3A_1836 = arith.constant 0 : i32
        %dma_start3A_1837 = arith.constant 0 : i32
        %dma_start3A_1838 = tpu.memref_slice %arg3[%dma_start3A_1836, %dma_start3A_1837] : memref<1000000x32xf32, #tpu.memory_space<hbm>> -> memref<1000000x32xf32, #tpu.memory_space<hbm>>
        tpu.enqueue_indirect_dma source(%dma_start3A_1838 : memref<1000000x32xf32, #tpu.memory_space<hbm>>) target(%dma_start3A_1828 : memref<128x32xf32, #tpu.memory_space<vmem>>) offsets(%dma_start3A_1835 : memref<128xi32, #tpu.memory_space<vmem>>) semaphore(%arg11 : memref<!tpu.dma_semaphore, #tpu.memory_space<semaphore_mem>>)
        %dma_start3A_1839 = arith.constant 1 : i32
        %dma_start3A_1840 = arith.constant 4 : i32
        %dma_start3A_1841 = arith.constant 1 : i32
        %dma_start3A_1842 = arith.constant 0 : i32
        %dma_start3A_1843 = arith.constant 0 : i32
        %dma_start3A_1844 = tpu.memref_slice %arg7[%dma_start3A_1841, %dma_start3A_1842, %dma_start3A_1843] : memref<2x640x32xf32, #tpu.memory_space<vmem>> -> memref<1x640x32xf32, #tpu.memory_space<vmem>>
        %dma_start3A_1845 = tpu.memref_squeeze %dma_start3A_1844 : memref<1x640x32xf32, #tpu.memory_space<vmem>> -> memref<640x32xf32, #tpu.memory_space<vmem>>
        %dma_start3A_1846 = arith.constant 512 : i32
        %dma_start3A_1847 = arith.constant 0 : i32
        %dma_start3A_1848 = tpu.memref_slice %dma_start3A_1845[%dma_start3A_1846, %dma_start3A_1847] : memref<640x32xf32, #tpu.memory_space<vmem>> -> memref<128x32xf32, #tpu.memory_space<vmem>>
        %dma_start3A_1849 = arith.constant 0 : i32
        %dma_start3A_1850 = arith.constant 0 : i32
        %dma_start3A_1851 = tpu.memref_slice %arg6[%dma_start3A_1839, %dma_start3A_1849, %dma_start3A_1850] : memref<2x5x128xi32, #tpu.memory_space<vmem>> -> memref<1x5x128xi32, #tpu.memory_space<vmem>>
        %dma_start3A_1852 = tpu.memref_squeeze %dma_start3A_1851 : memref<1x5x128xi32, #tpu.memory_space<vmem>> -> memref<5x128xi32, #tpu.memory_space<vmem>>
        %dma_start3A_1853 = arith.constant 0 : i32
        %dma_start3A_1854 = tpu.memref_slice %dma_start3A_1852[%dma_start3A_1840, %dma_start3A_1853] : memref<5x128xi32, #tpu.memory_space<vmem>> -> memref<1x128xi32, #tpu.memory_space<vmem>>
        %dma_start3A_1855 = tpu.memref_squeeze %dma_start3A_1854 : memref<1x128xi32, #tpu.memory_space<vmem>> -> memref<128xi32, #tpu.memory_space<vmem>>
        %dma_start3A_1856 = arith.constant 0 : i32
        %dma_start3A_1857 = arith.constant 0 : i32
        %dma_start3A_1858 = tpu.memref_slice %arg3[%dma_start3A_1856, %dma_start3A_1857] : memref<1000000x32xf32, #tpu.memory_space<hbm>> -> memref<1000000x32xf32, #tpu.memory_space<hbm>>
        tpu.enqueue_indirect_dma source(%dma_start3A_1858 : memref<1000000x32xf32, #tpu.memory_space<hbm>>) target(%dma_start3A_1848 : memref<128x32xf32, #tpu.memory_space<vmem>>) offsets(%dma_start3A_1855 : memref<128xi32, #tpu.memory_space<vmem>>) semaphore(%arg11 : memref<!tpu.dma_semaphore, #tpu.memory_space<semaphore_mem>>)
      } else {
      }
      %lt3A_1068 = arith.constant 65 : i32
      %lt3A_1069 = arith.cmpi slt, %add3A_1062, %lt3A_1068 : i32
      %convert_element_type3A_1070 = arith.extui %lt3A_1069 : i1 to i32
      %cond3A_1071 = arith.constant 0 : i32
      %cond3A_1072 = arith.cmpi ne, %convert_element_type3A_1070, %cond3A_1071 : i32
      scf.if %cond3A_1072 {
        %dma_wait3A_1087 = arith.constant 0 : i32
        %dma_wait3A_1088 = arith.constant 0 : i32
        %dma_wait3A_1089 = arith.constant 0 : i32
        %dma_wait3A_1090 = tpu.memref_slice %arg7[%dma_wait3A_1087, %dma_wait3A_1088, %dma_wait3A_1089] : memref<2x640x32xf32, #tpu.memory_space<vmem>> -> memref<1x640x32xf32, #tpu.memory_space<vmem>>
        %dma_wait3A_1091 = tpu.memref_squeeze %dma_wait3A_1090 : memref<1x640x32xf32, #tpu.memory_space<vmem>> -> memref<640x32xf32, #tpu.memory_space<vmem>>
        %dma_wait3A_1092 = arith.constant 0 : i32
        %dma_wait3A_1093 = arith.constant 0 : i32
        %dma_wait3A_1094 = tpu.memref_slice %arg3[%dma_wait3A_1092, %dma_wait3A_1093] : memref<1000000x32xf32, #tpu.memory_space<hbm>> -> memref<640x32xf32, #tpu.memory_space<hbm>>
        %dma_wait3A_1095 = arith.constant 0 : i32
        %dma_wait3A_1096 = arith.constant 0 : i32
        %dma_wait3A_1097 = tpu.memref_slice %arg7[%dma_wait3A_1087, %dma_wait3A_1095, %dma_wait3A_1096] : memref<2x640x32xf32, #tpu.memory_space<vmem>> -> memref<1x640x32xf32, #tpu.memory_space<vmem>>
        %dma_wait3A_1098 = tpu.memref_squeeze %dma_wait3A_1097 : memref<1x640x32xf32, #tpu.memory_space<vmem>> -> memref<640x32xf32, #tpu.memory_space<vmem>>
        %dma_wait3A_1099 = arith.constant 0 : i32
        %dma_wait3A_1100 = arith.constant 0 : i32
        %dma_wait3A_1101 = tpu.memref_slice %arg3[%dma_wait3A_1099, %dma_wait3A_1100] : memref<1000000x32xf32, #tpu.memory_space<hbm>> -> memref<640x32xf32, #tpu.memory_space<hbm>>
        tpu.wait_dma2 semaphore(%arg10 : memref<!tpu.dma_semaphore, #tpu.memory_space<semaphore_mem>>) src(%dma_wait3A_1101 : memref<640x32xf32, #tpu.memory_space<hbm>>) dst(%dma_wait3A_1098 : memref<640x32xf32, #tpu.memory_space<vmem>>)
        %ge3A = arith.constant 2 : i32
        %ge3A_1102 = arith.cmpi sge, %add3A_1062, %ge3A : i32
        %convert_element_type3A_1103 = arith.extui %ge3A_1102 : i1 to i32
        %cond3A_1104 = arith.constant 0 : i32
        %cond3A_1105 = arith.cmpi ne, %convert_element_type3A_1103, %cond3A_1104 : i32
        scf.if %cond3A_1105 {
          %add3A_1219 = arith.addi %mul3A_2, %add3A_1062 : i32
          %sub3A_1220 = arith.constant 2 : i32
          %sub3A_1221 = arith.subi %add3A_1219, %sub3A_1220 : i32
          %jit3A_1222 = arith.constant 10 : i32
          %eq3A_1223 = arith.constant 0 : i32
          %eq3A_1224 = arith.cmpi eq, %jit3A_1222, %eq3A_1223 : i32
          %jit3A_1225 = arith.constant 1 : i32
          %select_n3A_1226 = arith.select %eq3A_1224, %jit3A_1225, %jit3A_1222 : i32
          %rem3A_1227 = arith.remsi %sub3A_1221, %select_n3A_1226 : i32
          %ne3A_1228 = arith.constant 0 : i32
          %ne3A_1229 = arith.cmpi ne, %rem3A_1227, %ne3A_1228 : i32
          %lt3A_1230 = arith.constant 0 : i32
          %lt3A_1231 = arith.cmpi slt, %rem3A_1227, %lt3A_1230 : i32
          %lt3A_1232 = arith.constant 0 : i32
          %lt3A_1233 = arith.cmpi slt, %select_n3A_1226, %lt3A_1232 : i32
          %ne3A_1234 = arith.xori %lt3A_1231, %lt3A_1233 : i1
          %and3A_1235 = arith.andi %ne3A_1234, %ne3A_1229 : i1
          %add3A_1236 = arith.addi %rem3A_1227, %select_n3A_1226 : i32
          %select_n3A_1237 = arith.select %and3A_1235, %add3A_1236, %rem3A_1227 : i32
          %jit3A_1238 = arith.constant 10 : i32
          %div3A_1239 = arith.divsi %sub3A_1221, %jit3A_1238 : i32
          %sign3A_1240 = arith.constant 0 : i32
          %sign3A_1241 = arith.cmpi sgt, %sub3A_1221, %sign3A_1240 : i32
          %sign3A_1242 = arith.extui %sign3A_1241 : i1 to i32
          %sign3A_1243 = arith.constant 0 : i32
          %sign3A_1244 = arith.cmpi slt, %sub3A_1221, %sign3A_1243 : i32
          %sign3A_1245 = arith.extui %sign3A_1244 : i1 to i32
          %sign3A_1246 = arith.subi %sign3A_1242, %sign3A_1245 : i32
          %sign3A_1247 = arith.constant 0 : i32
          %sign3A_1248 = arith.cmpi sgt, %jit3A_1238, %sign3A_1247 : i32
          %sign3A_1249 = arith.extui %sign3A_1248 : i1 to i32
          %sign3A_1250 = arith.constant 0 : i32
          %sign3A_1251 = arith.cmpi slt, %jit3A_1238, %sign3A_1250 : i32
          %sign3A_1252 = arith.extui %sign3A_1251 : i1 to i32
          %sign3A_1253 = arith.subi %sign3A_1249, %sign3A_1252 : i32
          %ne3A_1254 = arith.cmpi ne, %sign3A_1246, %sign3A_1253 : i32
          %rem3A_1255 = arith.remsi %sub3A_1221, %jit3A_1238 : i32
          %ne3A_1256 = arith.constant 0 : i32
          %ne3A_1257 = arith.cmpi ne, %rem3A_1255, %ne3A_1256 : i32
          %and3A_1258 = arith.andi %ne3A_1254, %ne3A_1257 : i1
          %sub3A_1259 = arith.constant 1 : i32
          %sub3A_1260 = arith.subi %div3A_1239, %sub3A_1259 : i32
          %select_n3A_1261 = arith.select %and3A_1258, %sub3A_1260, %div3A_1239 : i32
          %jit3A_1262 = arith.constant 8 : i32
          %div3A_1263 = arith.divsi %select_n3A_1261, %jit3A_1262 : i32
          %sign3A_1264 = arith.constant 0 : i32
          %sign3A_1265 = arith.cmpi sgt, %select_n3A_1261, %sign3A_1264 : i32
          %sign3A_1266 = arith.extui %sign3A_1265 : i1 to i32
          %sign3A_1267 = arith.constant 0 : i32
          %sign3A_1268 = arith.cmpi slt, %select_n3A_1261, %sign3A_1267 : i32
          %sign3A_1269 = arith.extui %sign3A_1268 : i1 to i32
          %sign3A_1270 = arith.subi %sign3A_1266, %sign3A_1269 : i32
          %sign3A_1271 = arith.constant 0 : i32
          %sign3A_1272 = arith.cmpi sgt, %jit3A_1262, %sign3A_1271 : i32
          %sign3A_1273 = arith.extui %sign3A_1272 : i1 to i32
          %sign3A_1274 = arith.constant 0 : i32
          %sign3A_1275 = arith.cmpi slt, %jit3A_1262, %sign3A_1274 : i32
          %sign3A_1276 = arith.extui %sign3A_1275 : i1 to i32
          %sign3A_1277 = arith.subi %sign3A_1273, %sign3A_1276 : i32
          %ne3A_1278 = arith.cmpi ne, %sign3A_1270, %sign3A_1277 : i32
          %rem3A_1279 = arith.remsi %select_n3A_1261, %jit3A_1262 : i32
          %ne3A_1280 = arith.constant 0 : i32
          %ne3A_1281 = arith.cmpi ne, %rem3A_1279, %ne3A_1280 : i32
          %and3A_1282 = arith.andi %ne3A_1278, %ne3A_1281 : i1
          %sub3A_1283 = arith.constant 1 : i32
          %sub3A_1284 = arith.subi %div3A_1263, %sub3A_1283 : i32
          %select_n3A_1285 = arith.select %and3A_1282, %sub3A_1284, %div3A_1263 : i32
          %jit3A_1286 = arith.constant 8 : i32
          %eq3A_1287 = arith.constant 0 : i32
          %eq3A_1288 = arith.cmpi eq, %jit3A_1286, %eq3A_1287 : i32
          %jit3A_1289 = arith.constant 1 : i32
          %select_n3A_1290 = arith.select %eq3A_1288, %jit3A_1289, %jit3A_1286 : i32
          %rem3A_1291 = arith.remsi %select_n3A_1261, %select_n3A_1290 : i32
          %ne3A_1292 = arith.constant 0 : i32
          %ne3A_1293 = arith.cmpi ne, %rem3A_1291, %ne3A_1292 : i32
          %lt3A_1294 = arith.constant 0 : i32
          %lt3A_1295 = arith.cmpi slt, %rem3A_1291, %lt3A_1294 : i32
          %lt3A_1296 = arith.constant 0 : i32
          %lt3A_1297 = arith.cmpi slt, %select_n3A_1290, %lt3A_1296 : i32
          %ne3A_1298 = arith.xori %lt3A_1295, %lt3A_1297 : i1
          %and3A_1299 = arith.andi %ne3A_1298, %ne3A_1293 : i1
          %add3A_1300 = arith.addi %rem3A_1291, %select_n3A_1290 : i32
          %select_n3A_1301 = arith.select %and3A_1299, %add3A_1300, %rem3A_1291 : i32
          %mul3A_1302 = arith.constant 5 : i32
          %mul3A_1303 = arith.muli %select_n3A_1237, %mul3A_1302 : i32
          %dma_wait3A_1304 = arith.constant 0 : i32
          %dma_wait3A_1305 = arith.constant 0 : i32
          %dma_wait3A_1306 = arith.constant 0 : i32
          %dma_wait3A_1307 = arith.constant 0 : i32
          %dma_wait3A_1308 = arith.constant 0 : i32
          %dma_wait3A_1309 = tpu.memref_slice %arg9[%dma_wait3A_1304, %dma_wait3A_1305, %dma_wait3A_1306, %dma_wait3A_1307, %dma_wait3A_1308] : memref<2x5x4x8x128xf32, #tpu.memory_space<vmem>> -> memref<1x5x4x8x128xf32, #tpu.memory_space<vmem>>
          %dma_wait3A_1310 = tpu.memref_squeeze %dma_wait3A_1309 : memref<1x5x4x8x128xf32, #tpu.memory_space<vmem>> -> memref<5x4x8x128xf32, #tpu.memory_space<vmem>>
          %dma_wait3A_1311 = arith.constant 0 : i32
          %dma_wait3A_1312 = arith.constant 0 : i32
          %dma_wait3A_1313 = arith.constant 0 : i32
          %dma_wait3A_1314 = tpu.memref_slice %arg4[%select_n3A_1285, %mul3A_1303, %dma_wait3A_1311, %select_n3A_1301, %dma_wait3A_1312, %dma_wait3A_1313] : memref<26x50x4x8x8x128xf32, #tpu.memory_space<hbm>> -> memref<1x5x4x1x8x128xf32, #tpu.memory_space<hbm>>
          %dma_wait3A_1315 = tpu.memref_squeeze %dma_wait3A_1314 : memref<1x5x4x1x8x128xf32, #tpu.memory_space<hbm>> -> memref<5x4x8x128xf32, #tpu.memory_space<hbm>>
          %dma_wait3A_1316 = arith.constant 0 : i32
          %dma_wait3A_1317 = arith.constant 0 : i32
          %dma_wait3A_1318 = arith.constant 0 : i32
          %dma_wait3A_1319 = tpu.memref_slice %arg4[%select_n3A_1285, %mul3A_1303, %dma_wait3A_1316, %select_n3A_1301, %dma_wait3A_1317, %dma_wait3A_1318] : memref<26x50x4x8x8x128xf32, #tpu.memory_space<hbm>> -> memref<1x5x4x1x8x128xf32, #tpu.memory_space<hbm>>
          %dma_wait3A_1320 = tpu.memref_squeeze %dma_wait3A_1319 : memref<1x5x4x1x8x128xf32, #tpu.memory_space<hbm>> -> memref<5x4x8x128xf32, #tpu.memory_space<hbm>>
          %dma_wait3A_1321 = arith.constant 0 : i32
          %dma_wait3A_1322 = arith.constant 0 : i32
          %dma_wait3A_1323 = arith.constant 0 : i32
          %dma_wait3A_1324 = arith.constant 0 : i32
          %dma_wait3A_1325 = tpu.memref_slice %arg9[%dma_wait3A_1304, %dma_wait3A_1321, %dma_wait3A_1322, %dma_wait3A_1323, %dma_wait3A_1324] : memref<2x5x4x8x128xf32, #tpu.memory_space<vmem>> -> memref<1x5x4x8x128xf32, #tpu.memory_space<vmem>>
          %dma_wait3A_1326 = tpu.memref_squeeze %dma_wait3A_1325 : memref<1x5x4x8x128xf32, #tpu.memory_space<vmem>> -> memref<5x4x8x128xf32, #tpu.memory_space<vmem>>
          tpu.wait_dma2 semaphore(%arg12 : memref<!tpu.dma_semaphore, #tpu.memory_space<semaphore_mem>>) src(%dma_wait3A_1326 : memref<5x4x8x128xf32, #tpu.memory_space<vmem>>) dst(%dma_wait3A_1320 : memref<5x4x8x128xf32, #tpu.memory_space<hbm>>)
        } else {
        }
        %parallel_loop3A = arith.constant 0 : i32
        %parallel_loop3A_1106 = arith.constant 640 : i32
        %parallel_loop3A_1107 = arith.constant 1 : i32
        %parallel_loop3A_1108 = arith.constant 0 : i32
        scf.for %parallel_loop3A_1219 = %parallel_loop3A to %parallel_loop3A_1106 step %parallel_loop3A_1107  : i32 {
          %parallel_loop3A_1220 = arith.constant 33 : i32
          %parallel_loop3A_1221 = arith.muli %parallel_loop3A_1219, %parallel_loop3A_1220 : i32
          %parallel_loop3A_1222 = arith.constant 0 : i32
          %parallel_loop3A_1223 = arith.addi %parallel_loop3A_1221, %parallel_loop3A_1222 : i32
          %parallel_loop3A_1224 = vector.broadcast %parallel_loop3A_1223 : i32 to vector<16xi32>
          %parallel_loop3A_1225 = arith.addi %iota3A, %parallel_loop3A_1224 : vector<16xi32>
          %parallel_loop3A_1226 = arith.constant 0 : i32
          %parallel_loop3A_1227 = arith.constant 0 : i32
          %parallel_loop3A_1228 = tpu.memref_slice %arg7[%parallel_loop3A_1108, %parallel_loop3A_1226, %parallel_loop3A_1227] : memref<2x640x32xf32, #tpu.memory_space<vmem>> -> memref<1x640x32xf32, #tpu.memory_space<vmem>>
          %parallel_loop3A_1229 = tpu.memref_squeeze %parallel_loop3A_1228 : memref<1x640x32xf32, #tpu.memory_space<vmem>> -> memref<640x32xf32, #tpu.memory_space<vmem>>
          %parallel_loop3A_1230 = arith.index_cast %parallel_loop3A_1219 : i32 to index
          %parallel_loop3A_1231 = arith.constant 0 : index
          %parallel_loop3A_1232 = tpu.vector_load %parallel_loop3A_1229[%parallel_loop3A_1230, %parallel_loop3A_1231] {strides = array<i32>} : memref<640x32xf32, #tpu.memory_space<vmem>>, vector<16xf32>,
          tpu.vector_store_idx %arg8[%parallel_loop3A_1225], %parallel_loop3A_1232 : memref<21120xf32, #tpu.memory_space<vmem>>[vector<16xi32>], vector<16xf32>,
          %parallel_loop3A_1233 = arith.constant 16 : i32
          %parallel_loop3A_1234 = arith.addi %parallel_loop3A_1221, %parallel_loop3A_1233 : i32
          %parallel_loop3A_1235 = vector.broadcast %parallel_loop3A_1234 : i32 to vector<16xi32>
          %parallel_loop3A_1236 = arith.addi %iota3A, %parallel_loop3A_1235 : vector<16xi32>
          %parallel_loop3A_1237 = arith.constant 0 : i32
          %parallel_loop3A_1238 = arith.constant 0 : i32
          %parallel_loop3A_1239 = tpu.memref_slice %arg7[%parallel_loop3A_1108, %parallel_loop3A_1237, %parallel_loop3A_1238] : memref<2x640x32xf32, #tpu.memory_space<vmem>> -> memref<1x640x32xf32, #tpu.memory_space<vmem>>
          %parallel_loop3A_1240 = tpu.memref_squeeze %parallel_loop3A_1239 : memref<1x640x32xf32, #tpu.memory_space<vmem>> -> memref<640x32xf32, #tpu.memory_space<vmem>>
          %parallel_loop3A_1241 = arith.index_cast %parallel_loop3A_1219 : i32 to index
          %parallel_loop3A_1242 = arith.constant 16 : index
          %parallel_loop3A_1243 = tpu.vector_load %parallel_loop3A_1240[%parallel_loop3A_1241, %parallel_loop3A_1242] {strides = array<i32>} : memref<640x32xf32, #tpu.memory_space<vmem>>, vector<16xf32>,
          tpu.vector_store_idx %arg8[%parallel_loop3A_1236], %parallel_loop3A_1243 : memref<21120xf32, #tpu.memory_space<vmem>>[vector<16xi32>], vector<16xf32>,
        } {sc.loop_unroll_factor = 2 : i64, sc.parallel_access}
        %parallel_loop3A_1109 = arith.constant 0 : i32
        %parallel_loop3A_1110 = arith.constant 160 : i32
        %parallel_loop3A_1111 = arith.constant 1 : i32
        %parallel_loop3A_1112 = arith.constant 0 : i32
        scf.for %parallel_loop3A_1219 = %parallel_loop3A_1109 to %parallel_loop3A_1110 step %parallel_loop3A_1111  : i32 {
          %parallel_loop3A_1220 = arith.constant 32 : i32
          %parallel_loop3A_1221 = arith.divsi %parallel_loop3A_1219, %parallel_loop3A_1220 : i32
          %parallel_loop3A_1222 = arith.constant 0 : i32
          %parallel_loop3A_1223 = arith.cmpi sgt, %parallel_loop3A_1219, %parallel_loop3A_1222 : i32
          %parallel_loop3A_1224 = arith.extui %parallel_loop3A_1223 : i1 to i32
          %parallel_loop3A_1225 = arith.constant 0 : i32
          %parallel_loop3A_1226 = arith.cmpi slt, %parallel_loop3A_1219, %parallel_loop3A_1225 : i32
          %parallel_loop3A_1227 = arith.extui %parallel_loop3A_1226 : i1 to i32
          %parallel_loop3A_1228 = arith.subi %parallel_loop3A_1224, %parallel_loop3A_1227 : i32
          %parallel_loop3A_1229 = arith.constant 0 : i32
          %parallel_loop3A_1230 = arith.cmpi sgt, %parallel_loop3A_1220, %parallel_loop3A_1229 : i32
          %parallel_loop3A_1231 = arith.extui %parallel_loop3A_1230 : i1 to i32
          %parallel_loop3A_1232 = arith.constant 0 : i32
          %parallel_loop3A_1233 = arith.cmpi slt, %parallel_loop3A_1220, %parallel_loop3A_1232 : i32
          %parallel_loop3A_1234 = arith.extui %parallel_loop3A_1233 : i1 to i32
          %parallel_loop3A_1235 = arith.subi %parallel_loop3A_1231, %parallel_loop3A_1234 : i32
          %parallel_loop3A_1236 = arith.cmpi ne, %parallel_loop3A_1228, %parallel_loop3A_1235 : i32
          %parallel_loop3A_1237 = arith.remsi %parallel_loop3A_1219, %parallel_loop3A_1220 : i32
          %parallel_loop3A_1238 = arith.constant 0 : i32
          %parallel_loop3A_1239 = arith.cmpi ne, %parallel_loop3A_1237, %parallel_loop3A_1238 : i32
          %parallel_loop3A_1240 = arith.andi %parallel_loop3A_1236, %parallel_loop3A_1239 : i1
          %parallel_loop3A_1241 = arith.constant 1 : i32
          %parallel_loop3A_1242 = arith.subi %parallel_loop3A_1221, %parallel_loop3A_1241 : i32
          %parallel_loop3A_1243 = arith.select %parallel_loop3A_1240, %parallel_loop3A_1242, %parallel_loop3A_1221 : i32
          %parallel_loop3A_1244 = arith.constant 32 : i32
          %parallel_loop3A_1245 = arith.muli %parallel_loop3A_1243, %parallel_loop3A_1244 : i32
          %parallel_loop3A_1246 = arith.subi %parallel_loop3A_1219, %parallel_loop3A_1245 : i32
          %parallel_loop3A_1247 = arith.constant 128 : i32
          %parallel_loop3A_1248 = arith.muli %parallel_loop3A_1243, %parallel_loop3A_1247 : i32
          %parallel_loop3A_1249 = arith.constant 0 : i32
          %parallel_loop3A_1250 = arith.addi %parallel_loop3A_1248, %parallel_loop3A_1249 : i32
          %parallel_loop3A_1251 = arith.constant 33 : i32
          %parallel_loop3A_1252 = arith.muli %parallel_loop3A_1250, %parallel_loop3A_1251 : i32
          %parallel_loop3A_1253 = arith.addi %parallel_loop3A_1252, %parallel_loop3A_1246 : i32
          %parallel_loop3A_1254 = vector.broadcast %parallel_loop3A_1253 : i32 to vector<16xi32>
          %parallel_loop3A_1255 = arith.addi %mul3A_5, %parallel_loop3A_1254 : vector<16xi32>
          %parallel_loop3A_1256 = tpu.vector_load_idx %arg8[%parallel_loop3A_1255] : memref<21120xf32, #tpu.memory_space<vmem>>[vector<16xi32>], vector<16xf32>,
          %parallel_loop3A_1257 = arith.constant 8 : i32
          %parallel_loop3A_1258 = arith.divsi %parallel_loop3A_1246, %parallel_loop3A_1257 : i32
          %parallel_loop3A_1259 = arith.constant 0 : i32
          %parallel_loop3A_1260 = arith.cmpi sgt, %parallel_loop3A_1246, %parallel_loop3A_1259 : i32
          %parallel_loop3A_1261 = arith.extui %parallel_loop3A_1260 : i1 to i32
          %parallel_loop3A_1262 = arith.constant 0 : i32
          %parallel_loop3A_1263 = arith.cmpi slt, %parallel_loop3A_1246, %parallel_loop3A_1262 : i32
          %parallel_loop3A_1264 = arith.extui %parallel_loop3A_1263 : i1 to i32
          %parallel_loop3A_1265 = arith.subi %parallel_loop3A_1261, %parallel_loop3A_1264 : i32
          %parallel_loop3A_1266 = arith.constant 0 : i32
          %parallel_loop3A_1267 = arith.cmpi sgt, %parallel_loop3A_1257, %parallel_loop3A_1266 : i32
          %parallel_loop3A_1268 = arith.extui %parallel_loop3A_1267 : i1 to i32
          %parallel_loop3A_1269 = arith.constant 0 : i32
          %parallel_loop3A_1270 = arith.cmpi slt, %parallel_loop3A_1257, %parallel_loop3A_1269 : i32
          %parallel_loop3A_1271 = arith.extui %parallel_loop3A_1270 : i1 to i32
          %parallel_loop3A_1272 = arith.subi %parallel_loop3A_1268, %parallel_loop3A_1271 : i32
          %parallel_loop3A_1273 = arith.cmpi ne, %parallel_loop3A_1265, %parallel_loop3A_1272 : i32
          %parallel_loop3A_1274 = arith.remsi %parallel_loop3A_1246, %parallel_loop3A_1257 : i32
          %parallel_loop3A_1275 = arith.constant 0 : i32
          %parallel_loop3A_1276 = arith.cmpi ne, %parallel_loop3A_1274, %parallel_loop3A_1275 : i32
          %parallel_loop3A_1277 = arith.andi %parallel_loop3A_1273, %parallel_loop3A_1276 : i1
          %parallel_loop3A_1278 = arith.constant 1 : i32
          %parallel_loop3A_1279 = arith.subi %parallel_loop3A_1258, %parallel_loop3A_1278 : i32
          %parallel_loop3A_1280 = arith.select %parallel_loop3A_1277, %parallel_loop3A_1279, %parallel_loop3A_1258 : i32
          %parallel_loop3A_1281 = arith.constant 8 : i32
          %parallel_loop3A_1282 = arith.constant 0 : i32
          %parallel_loop3A_1283 = arith.cmpi eq, %parallel_loop3A_1281, %parallel_loop3A_1282 : i32
          %parallel_loop3A_1284 = arith.constant 1 : i32
          %parallel_loop3A_1285 = arith.select %parallel_loop3A_1283, %parallel_loop3A_1284, %parallel_loop3A_1281 : i32
          %parallel_loop3A_1286 = arith.remsi %parallel_loop3A_1246, %parallel_loop3A_1285 : i32
          %parallel_loop3A_1287 = arith.constant 0 : i32
          %parallel_loop3A_1288 = arith.cmpi ne, %parallel_loop3A_1286, %parallel_loop3A_1287 : i32
          %parallel_loop3A_1289 = arith.constant 0 : i32
          %parallel_loop3A_1290 = arith.cmpi slt, %parallel_loop3A_1286, %parallel_loop3A_1289 : i32
          %parallel_loop3A_1291 = arith.constant 0 : i32
          %parallel_loop3A_1292 = arith.cmpi slt, %parallel_loop3A_1285, %parallel_loop3A_1291 : i32
          %parallel_loop3A_1293 = arith.xori %parallel_loop3A_1290, %parallel_loop3A_1292 : i1
          %parallel_loop3A_1294 = arith.andi %parallel_loop3A_1293, %parallel_loop3A_1288 : i1
          %parallel_loop3A_1295 = arith.addi %parallel_loop3A_1286, %parallel_loop3A_1285 : i32
          %parallel_loop3A_1296 = arith.select %parallel_loop3A_1294, %parallel_loop3A_1295, %parallel_loop3A_1286 : i32
          %parallel_loop3A_1297 = arith.constant 0 : i32
          %parallel_loop3A_1298 = arith.constant 0 : i32
          %parallel_loop3A_1299 = arith.constant 0 : i32
          %parallel_loop3A_1300 = arith.constant 0 : i32
          %parallel_loop3A_1301 = tpu.memref_slice %arg9[%parallel_loop3A_1112, %parallel_loop3A_1297, %parallel_loop3A_1298, %parallel_loop3A_1299, %parallel_loop3A_1300] : memref<2x5x4x8x128xf32, #tpu.memory_space<vmem>> -> memref<1x5x4x8x128xf32, #tpu.memory_space<vmem>>
          %parallel_loop3A_1302 = tpu.memref_squeeze %parallel_loop3A_1301 : memref<1x5x4x8x128xf32, #tpu.memory_space<vmem>> -> memref<5x4x8x128xf32, #tpu.memory_space<vmem>>
          %parallel_loop3A_1303 = arith.index_cast %parallel_loop3A_1243 : i32 to index
          %parallel_loop3A_1304 = arith.index_cast %parallel_loop3A_1280 : i32 to index
          %parallel_loop3A_1305 = arith.index_cast %parallel_loop3A_1296 : i32 to index
          %parallel_loop3A_1306 = arith.constant 0 : index
          %parallel_loop3A_1307 = tpu.vector_load %parallel_loop3A_1302[%parallel_loop3A_1303, %parallel_loop3A_1304, %parallel_loop3A_1305, %parallel_loop3A_1306] {strides = array<i32>} : memref<5x4x8x128xf32, #tpu.memory_space<vmem>>, vector<16xf32>,
          tpu.vector_store %parallel_loop3A_1302[%parallel_loop3A_1303, %parallel_loop3A_1304, %parallel_loop3A_1305, %parallel_loop3A_1306], %parallel_loop3A_1256 {strides = array<i32>} : memref<5x4x8x128xf32, #tpu.memory_space<vmem>>, vector<16xf32>,
          %parallel_loop3A_1308 = arith.constant 128 : i32
          %parallel_loop3A_1309 = arith.muli %parallel_loop3A_1243, %parallel_loop3A_1308 : i32
          %parallel_loop3A_1310 = arith.constant 16 : i32
          %parallel_loop3A_1311 = arith.addi %parallel_loop3A_1309, %parallel_loop3A_1310 : i32
          %parallel_loop3A_1312 = arith.constant 33 : i32
          %parallel_loop3A_1313 = arith.muli %parallel_loop3A_1311, %parallel_loop3A_1312 : i32
          %parallel_loop3A_1314 = arith.addi %parallel_loop3A_1313, %parallel_loop3A_1246 : i32
          %parallel_loop3A_1315 = vector.broadcast %parallel_loop3A_1314 : i32 to vector<16xi32>
          %parallel_loop3A_1316 = arith.addi %mul3A_5, %parallel_loop3A_1315 : vector<16xi32>
          %parallel_loop3A_1317 = tpu.vector_load_idx %arg8[%parallel_loop3A_1316] : memref<21120xf32, #tpu.memory_space<vmem>>[vector<16xi32>], vector<16xf32>,
          %parallel_loop3A_1318 = arith.constant 8 : i32
          %parallel_loop3A_1319 = arith.divsi %parallel_loop3A_1246, %parallel_loop3A_1318 : i32
          %parallel_loop3A_1320 = arith.constant 0 : i32
          %parallel_loop3A_1321 = arith.cmpi sgt, %parallel_loop3A_1246, %parallel_loop3A_1320 : i32
          %parallel_loop3A_1322 = arith.extui %parallel_loop3A_1321 : i1 to i32
          %parallel_loop3A_1323 = arith.constant 0 : i32
          %parallel_loop3A_1324 = arith.cmpi slt, %parallel_loop3A_1246, %parallel_loop3A_1323 : i32
          %parallel_loop3A_1325 = arith.extui %parallel_loop3A_1324 : i1 to i32
          %parallel_loop3A_1326 = arith.subi %parallel_loop3A_1322, %parallel_loop3A_1325 : i32
          %parallel_loop3A_1327 = arith.constant 0 : i32
          %parallel_loop3A_1328 = arith.cmpi sgt, %parallel_loop3A_1318, %parallel_loop3A_1327 : i32
          %parallel_loop3A_1329 = arith.extui %parallel_loop3A_1328 : i1 to i32
          %parallel_loop3A_1330 = arith.constant 0 : i32
          %parallel_loop3A_1331 = arith.cmpi slt, %parallel_loop3A_1318, %parallel_loop3A_1330 : i32
          %parallel_loop3A_1332 = arith.extui %parallel_loop3A_1331 : i1 to i32
          %parallel_loop3A_1333 = arith.subi %parallel_loop3A_1329, %parallel_loop3A_1332 : i32
          %parallel_loop3A_1334 = arith.cmpi ne, %parallel_loop3A_1326, %parallel_loop3A_1333 : i32
          %parallel_loop3A_1335 = arith.remsi %parallel_loop3A_1246, %parallel_loop3A_1318 : i32
          %parallel_loop3A_1336 = arith.constant 0 : i32
          %parallel_loop3A_1337 = arith.cmpi ne, %parallel_loop3A_1335, %parallel_loop3A_1336 : i32
          %parallel_loop3A_1338 = arith.andi %parallel_loop3A_1334, %parallel_loop3A_1337 : i1
          %parallel_loop3A_1339 = arith.constant 1 : i32
          %parallel_loop3A_1340 = arith.subi %parallel_loop3A_1319, %parallel_loop3A_1339 : i32
          %parallel_loop3A_1341 = arith.select %parallel_loop3A_1338, %parallel_loop3A_1340, %parallel_loop3A_1319 : i32
          %parallel_loop3A_1342 = arith.constant 8 : i32
          %parallel_loop3A_1343 = arith.constant 0 : i32
          %parallel_loop3A_1344 = arith.cmpi eq, %parallel_loop3A_1342, %parallel_loop3A_1343 : i32
          %parallel_loop3A_1345 = arith.constant 1 : i32
          %parallel_loop3A_1346 = arith.select %parallel_loop3A_1344, %parallel_loop3A_1345, %parallel_loop3A_1342 : i32
          %parallel_loop3A_1347 = arith.remsi %parallel_loop3A_1246, %parallel_loop3A_1346 : i32
          %parallel_loop3A_1348 = arith.constant 0 : i32
          %parallel_loop3A_1349 = arith.cmpi ne, %parallel_loop3A_1347, %parallel_loop3A_1348 : i32
          %parallel_loop3A_1350 = arith.constant 0 : i32
          %parallel_loop3A_1351 = arith.cmpi slt, %parallel_loop3A_1347, %parallel_loop3A_1350 : i32
          %parallel_loop3A_1352 = arith.constant 0 : i32
          %parallel_loop3A_1353 = arith.cmpi slt, %parallel_loop3A_1346, %parallel_loop3A_1352 : i32
          %parallel_loop3A_1354 = arith.xori %parallel_loop3A_1351, %parallel_loop3A_1353 : i1
          %parallel_loop3A_1355 = arith.andi %parallel_loop3A_1354, %parallel_loop3A_1349 : i1
          %parallel_loop3A_1356 = arith.addi %parallel_loop3A_1347, %parallel_loop3A_1346 : i32
          %parallel_loop3A_1357 = arith.select %parallel_loop3A_1355, %parallel_loop3A_1356, %parallel_loop3A_1347 : i32
          %parallel_loop3A_1358 = arith.constant 0 : i32
          %parallel_loop3A_1359 = arith.constant 0 : i32
          %parallel_loop3A_1360 = arith.constant 0 : i32
          %parallel_loop3A_1361 = arith.constant 0 : i32
          %parallel_loop3A_1362 = tpu.memref_slice %arg9[%parallel_loop3A_1112, %parallel_loop3A_1358, %parallel_loop3A_1359, %parallel_loop3A_1360, %parallel_loop3A_1361] : memref<2x5x4x8x128xf32, #tpu.memory_space<vmem>> -> memref<1x5x4x8x128xf32, #tpu.memory_space<vmem>>
          %parallel_loop3A_1363 = tpu.memref_squeeze %parallel_loop3A_1362 : memref<1x5x4x8x128xf32, #tpu.memory_space<vmem>> -> memref<5x4x8x128xf32, #tpu.memory_space<vmem>>
          %parallel_loop3A_1364 = arith.index_cast %parallel_loop3A_1243 : i32 to index
          %parallel_loop3A_1365 = arith.index_cast %parallel_loop3A_1341 : i32 to index
          %parallel_loop3A_1366 = arith.index_cast %parallel_loop3A_1357 : i32 to index
          %parallel_loop3A_1367 = arith.constant 16 : index
          %parallel_loop3A_1368 = tpu.vector_load %parallel_loop3A_1363[%parallel_loop3A_1364, %parallel_loop3A_1365, %parallel_loop3A_1366, %parallel_loop3A_1367] {strides = array<i32>} : memref<5x4x8x128xf32, #tpu.memory_space<vmem>>, vector<16xf32>,
          tpu.vector_store %parallel_loop3A_1363[%parallel_loop3A_1364, %parallel_loop3A_1365, %parallel_loop3A_1366, %parallel_loop3A_1367], %parallel_loop3A_1317 {strides = array<i32>} : memref<5x4x8x128xf32, #tpu.memory_space<vmem>>, vector<16xf32>,
          %parallel_loop3A_1369 = arith.constant 128 : i32
          %parallel_loop3A_1370 = arith.muli %parallel_loop3A_1243, %parallel_loop3A_1369 : i32
          %parallel_loop3A_1371 = arith.constant 32 : i32
          %parallel_loop3A_1372 = arith.addi %parallel_loop3A_1370, %parallel_loop3A_1371 : i32
          %parallel_loop3A_1373 = arith.constant 33 : i32
          %parallel_loop3A_1374 = arith.muli %parallel_loop3A_1372, %parallel_loop3A_1373 : i32
          %parallel_loop3A_1375 = arith.addi %parallel_loop3A_1374, %parallel_loop3A_1246 : i32
          %parallel_loop3A_1376 = vector.broadcast %parallel_loop3A_1375 : i32 to vector<16xi32>
          %parallel_loop3A_1377 = arith.addi %mul3A_5, %parallel_loop3A_1376 : vector<16xi32>
          %parallel_loop3A_1378 = tpu.vector_load_idx %arg8[%parallel_loop3A_1377] : memref<21120xf32, #tpu.memory_space<vmem>>[vector<16xi32>], vector<16xf32>,
          %parallel_loop3A_1379 = arith.constant 8 : i32
          %parallel_loop3A_1380 = arith.divsi %parallel_loop3A_1246, %parallel_loop3A_1379 : i32
          %parallel_loop3A_1381 = arith.constant 0 : i32
          %parallel_loop3A_1382 = arith.cmpi sgt, %parallel_loop3A_1246, %parallel_loop3A_1381 : i32
          %parallel_loop3A_1383 = arith.extui %parallel_loop3A_1382 : i1 to i32
          %parallel_loop3A_1384 = arith.constant 0 : i32
          %parallel_loop3A_1385 = arith.cmpi slt, %parallel_loop3A_1246, %parallel_loop3A_1384 : i32
          %parallel_loop3A_1386 = arith.extui %parallel_loop3A_1385 : i1 to i32
          %parallel_loop3A_1387 = arith.subi %parallel_loop3A_1383, %parallel_loop3A_1386 : i32
          %parallel_loop3A_1388 = arith.constant 0 : i32
          %parallel_loop3A_1389 = arith.cmpi sgt, %parallel_loop3A_1379, %parallel_loop3A_1388 : i32
          %parallel_loop3A_1390 = arith.extui %parallel_loop3A_1389 : i1 to i32
          %parallel_loop3A_1391 = arith.constant 0 : i32
          %parallel_loop3A_1392 = arith.cmpi slt, %parallel_loop3A_1379, %parallel_loop3A_1391 : i32
          %parallel_loop3A_1393 = arith.extui %parallel_loop3A_1392 : i1 to i32
          %parallel_loop3A_1394 = arith.subi %parallel_loop3A_1390, %parallel_loop3A_1393 : i32
          %parallel_loop3A_1395 = arith.cmpi ne, %parallel_loop3A_1387, %parallel_loop3A_1394 : i32
          %parallel_loop3A_1396 = arith.remsi %parallel_loop3A_1246, %parallel_loop3A_1379 : i32
          %parallel_loop3A_1397 = arith.constant 0 : i32
          %parallel_loop3A_1398 = arith.cmpi ne, %parallel_loop3A_1396, %parallel_loop3A_1397 : i32
          %parallel_loop3A_1399 = arith.andi %parallel_loop3A_1395, %parallel_loop3A_1398 : i1
          %parallel_loop3A_1400 = arith.constant 1 : i32
          %parallel_loop3A_1401 = arith.subi %parallel_loop3A_1380, %parallel_loop3A_1400 : i32
          %parallel_loop3A_1402 = arith.select %parallel_loop3A_1399, %parallel_loop3A_1401, %parallel_loop3A_1380 : i32
          %parallel_loop3A_1403 = arith.constant 8 : i32
          %parallel_loop3A_1404 = arith.constant 0 : i32
          %parallel_loop3A_1405 = arith.cmpi eq, %parallel_loop3A_1403, %parallel_loop3A_1404 : i32
          %parallel_loop3A_1406 = arith.constant 1 : i32
          %parallel_loop3A_1407 = arith.select %parallel_loop3A_1405, %parallel_loop3A_1406, %parallel_loop3A_1403 : i32
          %parallel_loop3A_1408 = arith.remsi %parallel_loop3A_1246, %parallel_loop3A_1407 : i32
          %parallel_loop3A_1409 = arith.constant 0 : i32
          %parallel_loop3A_1410 = arith.cmpi ne, %parallel_loop3A_1408, %parallel_loop3A_1409 : i32
          %parallel_loop3A_1411 = arith.constant 0 : i32
          %parallel_loop3A_1412 = arith.cmpi slt, %parallel_loop3A_1408, %parallel_loop3A_1411 : i32
          %parallel_loop3A_1413 = arith.constant 0 : i32
          %parallel_loop3A_1414 = arith.cmpi slt, %parallel_loop3A_1407, %parallel_loop3A_1413 : i32
          %parallel_loop3A_1415 = arith.xori %parallel_loop3A_1412, %parallel_loop3A_1414 : i1
          %parallel_loop3A_1416 = arith.andi %parallel_loop3A_1415, %parallel_loop3A_1410 : i1
          %parallel_loop3A_1417 = arith.addi %parallel_loop3A_1408, %parallel_loop3A_1407 : i32
          %parallel_loop3A_1418 = arith.select %parallel_loop3A_1416, %parallel_loop3A_1417, %parallel_loop3A_1408 : i32
          %parallel_loop3A_1419 = arith.constant 0 : i32
          %parallel_loop3A_1420 = arith.constant 0 : i32
          %parallel_loop3A_1421 = arith.constant 0 : i32
          %parallel_loop3A_1422 = arith.constant 0 : i32
          %parallel_loop3A_1423 = tpu.memref_slice %arg9[%parallel_loop3A_1112, %parallel_loop3A_1419, %parallel_loop3A_1420, %parallel_loop3A_1421, %parallel_loop3A_1422] : memref<2x5x4x8x128xf32, #tpu.memory_space<vmem>> -> memref<1x5x4x8x128xf32, #tpu.memory_space<vmem>>
          %parallel_loop3A_1424 = tpu.memref_squeeze %parallel_loop3A_1423 : memref<1x5x4x8x128xf32, #tpu.memory_space<vmem>> -> memref<5x4x8x128xf32, #tpu.memory_space<vmem>>
          %parallel_loop3A_1425 = arith.index_cast %parallel_loop3A_1243 : i32 to index
          %parallel_loop3A_1426 = arith.index_cast %parallel_loop3A_1402 : i32 to index
          %parallel_loop3A_1427 = arith.index_cast %parallel_loop3A_1418 : i32 to index
          %parallel_loop3A_1428 = arith.constant 32 : index
          %parallel_loop3A_1429 = tpu.vector_load %parallel_loop3A_1424[%parallel_loop3A_1425, %parallel_loop3A_1426, %parallel_loop3A_1427, %parallel_loop3A_1428] {strides = array<i32>} : memref<5x4x8x128xf32, #tpu.memory_space<vmem>>, vector<16xf32>,
          tpu.vector_store %parallel_loop3A_1424[%parallel_loop3A_1425, %parallel_loop3A_1426, %parallel_loop3A_1427, %parallel_loop3A_1428], %parallel_loop3A_1378 {strides = array<i32>} : memref<5x4x8x128xf32, #tpu.memory_space<vmem>>, vector<16xf32>,
          %parallel_loop3A_1430 = arith.constant 128 : i32
          %parallel_loop3A_1431 = arith.muli %parallel_loop3A_1243, %parallel_loop3A_1430 : i32
          %parallel_loop3A_1432 = arith.constant 48 : i32
          %parallel_loop3A_1433 = arith.addi %parallel_loop3A_1431, %parallel_loop3A_1432 : i32
          %parallel_loop3A_1434 = arith.constant 33 : i32
          %parallel_loop3A_1435 = arith.muli %parallel_loop3A_1433, %parallel_loop3A_1434 : i32
          %parallel_loop3A_1436 = arith.addi %parallel_loop3A_1435, %parallel_loop3A_1246 : i32
          %parallel_loop3A_1437 = vector.broadcast %parallel_loop3A_1436 : i32 to vector<16xi32>
          %parallel_loop3A_1438 = arith.addi %mul3A_5, %parallel_loop3A_1437 : vector<16xi32>
          %parallel_loop3A_1439 = tpu.vector_load_idx %arg8[%parallel_loop3A_1438] : memref<21120xf32, #tpu.memory_space<vmem>>[vector<16xi32>], vector<16xf32>,
          %parallel_loop3A_1440 = arith.constant 8 : i32
          %parallel_loop3A_1441 = arith.divsi %parallel_loop3A_1246, %parallel_loop3A_1440 : i32
          %parallel_loop3A_1442 = arith.constant 0 : i32
          %parallel_loop3A_1443 = arith.cmpi sgt, %parallel_loop3A_1246, %parallel_loop3A_1442 : i32
          %parallel_loop3A_1444 = arith.extui %parallel_loop3A_1443 : i1 to i32
          %parallel_loop3A_1445 = arith.constant 0 : i32
          %parallel_loop3A_1446 = arith.cmpi slt, %parallel_loop3A_1246, %parallel_loop3A_1445 : i32
          %parallel_loop3A_1447 = arith.extui %parallel_loop3A_1446 : i1 to i32
          %parallel_loop3A_1448 = arith.subi %parallel_loop3A_1444, %parallel_loop3A_1447 : i32
          %parallel_loop3A_1449 = arith.constant 0 : i32
          %parallel_loop3A_1450 = arith.cmpi sgt, %parallel_loop3A_1440, %parallel_loop3A_1449 : i32
          %parallel_loop3A_1451 = arith.extui %parallel_loop3A_1450 : i1 to i32
          %parallel_loop3A_1452 = arith.constant 0 : i32
          %parallel_loop3A_1453 = arith.cmpi slt, %parallel_loop3A_1440, %parallel_loop3A_1452 : i32
          %parallel_loop3A_1454 = arith.extui %parallel_loop3A_1453 : i1 to i32
          %parallel_loop3A_1455 = arith.subi %parallel_loop3A_1451, %parallel_loop3A_1454 : i32
          %parallel_loop3A_1456 = arith.cmpi ne, %parallel_loop3A_1448, %parallel_loop3A_1455 : i32
          %parallel_loop3A_1457 = arith.remsi %parallel_loop3A_1246, %parallel_loop3A_1440 : i32
          %parallel_loop3A_1458 = arith.constant 0 : i32
          %parallel_loop3A_1459 = arith.cmpi ne, %parallel_loop3A_1457, %parallel_loop3A_1458 : i32
          %parallel_loop3A_1460 = arith.andi %parallel_loop3A_1456, %parallel_loop3A_1459 : i1
          %parallel_loop3A_1461 = arith.constant 1 : i32
          %parallel_loop3A_1462 = arith.subi %parallel_loop3A_1441, %parallel_loop3A_1461 : i32
          %parallel_loop3A_1463 = arith.select %parallel_loop3A_1460, %parallel_loop3A_1462, %parallel_loop3A_1441 : i32
          %parallel_loop3A_1464 = arith.constant 8 : i32
          %parallel_loop3A_1465 = arith.constant 0 : i32
          %parallel_loop3A_1466 = arith.cmpi eq, %parallel_loop3A_1464, %parallel_loop3A_1465 : i32
          %parallel_loop3A_1467 = arith.constant 1 : i32
          %parallel_loop3A_1468 = arith.select %parallel_loop3A_1466, %parallel_loop3A_1467, %parallel_loop3A_1464 : i32
          %parallel_loop3A_1469 = arith.remsi %parallel_loop3A_1246, %parallel_loop3A_1468 : i32
          %parallel_loop3A_1470 = arith.constant 0 : i32
          %parallel_loop3A_1471 = arith.cmpi ne, %parallel_loop3A_1469, %parallel_loop3A_1470 : i32
          %parallel_loop3A_1472 = arith.constant 0 : i32
          %parallel_loop3A_1473 = arith.cmpi slt, %parallel_loop3A_1469, %parallel_loop3A_1472 : i32
          %parallel_loop3A_1474 = arith.constant 0 : i32
          %parallel_loop3A_1475 = arith.cmpi slt, %parallel_loop3A_1468, %parallel_loop3A_1474 : i32
          %parallel_loop3A_1476 = arith.xori %parallel_loop3A_1473, %parallel_loop3A_1475 : i1
          %parallel_loop3A_1477 = arith.andi %parallel_loop3A_1476, %parallel_loop3A_1471 : i1
          %parallel_loop3A_1478 = arith.addi %parallel_loop3A_1469, %parallel_loop3A_1468 : i32
          %parallel_loop3A_1479 = arith.select %parallel_loop3A_1477, %parallel_loop3A_1478, %parallel_loop3A_1469 : i32
          %parallel_loop3A_1480 = arith.constant 0 : i32
          %parallel_loop3A_1481 = arith.constant 0 : i32
          %parallel_loop3A_1482 = arith.constant 0 : i32
          %parallel_loop3A_1483 = arith.constant 0 : i32
          %parallel_loop3A_1484 = tpu.memref_slice %arg9[%parallel_loop3A_1112, %parallel_loop3A_1480, %parallel_loop3A_1481, %parallel_loop3A_1482, %parallel_loop3A_1483] : memref<2x5x4x8x128xf32, #tpu.memory_space<vmem>> -> memref<1x5x4x8x128xf32, #tpu.memory_space<vmem>>
          %parallel_loop3A_1485 = tpu.memref_squeeze %parallel_loop3A_1484 : memref<1x5x4x8x128xf32, #tpu.memory_space<vmem>> -> memref<5x4x8x128xf32, #tpu.memory_space<vmem>>
          %parallel_loop3A_1486 = arith.index_cast %parallel_loop3A_1243 : i32 to index
          %parallel_loop3A_1487 = arith.index_cast %parallel_loop3A_1463 : i32 to index
          %parallel_loop3A_1488 = arith.index_cast %parallel_loop3A_1479 : i32 to index
          %parallel_loop3A_1489 = arith.constant 48 : index
          %parallel_loop3A_1490 = tpu.vector_load %parallel_loop3A_1485[%parallel_loop3A_1486, %parallel_loop3A_1487, %parallel_loop3A_1488, %parallel_loop3A_1489] {strides = array<i32>} : memref<5x4x8x128xf32, #tpu.memory_space<vmem>>, vector<16xf32>,
          tpu.vector_store %parallel_loop3A_1485[%parallel_loop3A_1486, %parallel_loop3A_1487, %parallel_loop3A_1488, %parallel_loop3A_1489], %parallel_loop3A_1439 {strides = array<i32>} : memref<5x4x8x128xf32, #tpu.memory_space<vmem>>, vector<16xf32>,
          %parallel_loop3A_1491 = arith.constant 128 : i32
          %parallel_loop3A_1492 = arith.muli %parallel_loop3A_1243, %parallel_loop3A_1491 : i32
          %parallel_loop3A_1493 = arith.constant 64 : i32
          %parallel_loop3A_1494 = arith.addi %parallel_loop3A_1492, %parallel_loop3A_1493 : i32
          %parallel_loop3A_1495 = arith.constant 33 : i32
          %parallel_loop3A_1496 = arith.muli %parallel_loop3A_1494, %parallel_loop3A_1495 : i32
          %parallel_loop3A_1497 = arith.addi %parallel_loop3A_1496, %parallel_loop3A_1246 : i32
          %parallel_loop3A_1498 = vector.broadcast %parallel_loop3A_1497 : i32 to vector<16xi32>
          %parallel_loop3A_1499 = arith.addi %mul3A_5, %parallel_loop3A_1498 : vector<16xi32>
          %parallel_loop3A_1500 = tpu.vector_load_idx %arg8[%parallel_loop3A_1499] : memref<21120xf32, #tpu.memory_space<vmem>>[vector<16xi32>], vector<16xf32>,
          %parallel_loop3A_1501 = arith.constant 8 : i32
          %parallel_loop3A_1502 = arith.divsi %parallel_loop3A_1246, %parallel_loop3A_1501 : i32
          %parallel_loop3A_1503 = arith.constant 0 : i32
          %parallel_loop3A_1504 = arith.cmpi sgt, %parallel_loop3A_1246, %parallel_loop3A_1503 : i32
          %parallel_loop3A_1505 = arith.extui %parallel_loop3A_1504 : i1 to i32
          %parallel_loop3A_1506 = arith.constant 0 : i32
          %parallel_loop3A_1507 = arith.cmpi slt, %parallel_loop3A_1246, %parallel_loop3A_1506 : i32
          %parallel_loop3A_1508 = arith.extui %parallel_loop3A_1507 : i1 to i32
          %parallel_loop3A_1509 = arith.subi %parallel_loop3A_1505, %parallel_loop3A_1508 : i32
          %parallel_loop3A_1510 = arith.constant 0 : i32
          %parallel_loop3A_1511 = arith.cmpi sgt, %parallel_loop3A_1501, %parallel_loop3A_1510 : i32
          %parallel_loop3A_1512 = arith.extui %parallel_loop3A_1511 : i1 to i32
          %parallel_loop3A_1513 = arith.constant 0 : i32
          %parallel_loop3A_1514 = arith.cmpi slt, %parallel_loop3A_1501, %parallel_loop3A_1513 : i32
          %parallel_loop3A_1515 = arith.extui %parallel_loop3A_1514 : i1 to i32
          %parallel_loop3A_1516 = arith.subi %parallel_loop3A_1512, %parallel_loop3A_1515 : i32
          %parallel_loop3A_1517 = arith.cmpi ne, %parallel_loop3A_1509, %parallel_loop3A_1516 : i32
          %parallel_loop3A_1518 = arith.remsi %parallel_loop3A_1246, %parallel_loop3A_1501 : i32
          %parallel_loop3A_1519 = arith.constant 0 : i32
          %parallel_loop3A_1520 = arith.cmpi ne, %parallel_loop3A_1518, %parallel_loop3A_1519 : i32
          %parallel_loop3A_1521 = arith.andi %parallel_loop3A_1517, %parallel_loop3A_1520 : i1
          %parallel_loop3A_1522 = arith.constant 1 : i32
          %parallel_loop3A_1523 = arith.subi %parallel_loop3A_1502, %parallel_loop3A_1522 : i32
          %parallel_loop3A_1524 = arith.select %parallel_loop3A_1521, %parallel_loop3A_1523, %parallel_loop3A_1502 : i32
          %parallel_loop3A_1525 = arith.constant 8 : i32
          %parallel_loop3A_1526 = arith.constant 0 : i32
          %parallel_loop3A_1527 = arith.cmpi eq, %parallel_loop3A_1525, %parallel_loop3A_1526 : i32
          %parallel_loop3A_1528 = arith.constant 1 : i32
          %parallel_loop3A_1529 = arith.select %parallel_loop3A_1527, %parallel_loop3A_1528, %parallel_loop3A_1525 : i32
          %parallel_loop3A_1530 = arith.remsi %parallel_loop3A_1246, %parallel_loop3A_1529 : i32
          %parallel_loop3A_1531 = arith.constant 0 : i32
          %parallel_loop3A_1532 = arith.cmpi ne, %parallel_loop3A_1530, %parallel_loop3A_1531 : i32
          %parallel_loop3A_1533 = arith.constant 0 : i32
          %parallel_loop3A_1534 = arith.cmpi slt, %parallel_loop3A_1530, %parallel_loop3A_1533 : i32
          %parallel_loop3A_1535 = arith.constant 0 : i32
          %parallel_loop3A_1536 = arith.cmpi slt, %parallel_loop3A_1529, %parallel_loop3A_1535 : i32
          %parallel_loop3A_1537 = arith.xori %parallel_loop3A_1534, %parallel_loop3A_1536 : i1
          %parallel_loop3A_1538 = arith.andi %parallel_loop3A_1537, %parallel_loop3A_1532 : i1
          %parallel_loop3A_1539 = arith.addi %parallel_loop3A_1530, %parallel_loop3A_1529 : i32
          %parallel_loop3A_1540 = arith.select %parallel_loop3A_1538, %parallel_loop3A_1539, %parallel_loop3A_1530 : i32
          %parallel_loop3A_1541 = arith.constant 0 : i32
          %parallel_loop3A_1542 = arith.constant 0 : i32
          %parallel_loop3A_1543 = arith.constant 0 : i32
          %parallel_loop3A_1544 = arith.constant 0 : i32
          %parallel_loop3A_1545 = tpu.memref_slice %arg9[%parallel_loop3A_1112, %parallel_loop3A_1541, %parallel_loop3A_1542, %parallel_loop3A_1543, %parallel_loop3A_1544] : memref<2x5x4x8x128xf32, #tpu.memory_space<vmem>> -> memref<1x5x4x8x128xf32, #tpu.memory_space<vmem>>
          %parallel_loop3A_1546 = tpu.memref_squeeze %parallel_loop3A_1545 : memref<1x5x4x8x128xf32, #tpu.memory_space<vmem>> -> memref<5x4x8x128xf32, #tpu.memory_space<vmem>>
          %parallel_loop3A_1547 = arith.index_cast %parallel_loop3A_1243 : i32 to index
          %parallel_loop3A_1548 = arith.index_cast %parallel_loop3A_1524 : i32 to index
          %parallel_loop3A_1549 = arith.index_cast %parallel_loop3A_1540 : i32 to index
          %parallel_loop3A_1550 = arith.constant 64 : index
          %parallel_loop3A_1551 = tpu.vector_load %parallel_loop3A_1546[%parallel_loop3A_1547, %parallel_loop3A_1548, %parallel_loop3A_1549, %parallel_loop3A_1550] {strides = array<i32>} : memref<5x4x8x128xf32, #tpu.memory_space<vmem>>, vector<16xf32>,
          tpu.vector_store %parallel_loop3A_1546[%parallel_loop3A_1547, %parallel_loop3A_1548, %parallel_loop3A_1549, %parallel_loop3A_1550], %parallel_loop3A_1500 {strides = array<i32>} : memref<5x4x8x128xf32, #tpu.memory_space<vmem>>, vector<16xf32>,
          %parallel_loop3A_1552 = arith.constant 128 : i32
          %parallel_loop3A_1553 = arith.muli %parallel_loop3A_1243, %parallel_loop3A_1552 : i32
          %parallel_loop3A_1554 = arith.constant 80 : i32
          %parallel_loop3A_1555 = arith.addi %parallel_loop3A_1553, %parallel_loop3A_1554 : i32
          %parallel_loop3A_1556 = arith.constant 33 : i32
          %parallel_loop3A_1557 = arith.muli %parallel_loop3A_1555, %parallel_loop3A_1556 : i32
          %parallel_loop3A_1558 = arith.addi %parallel_loop3A_1557, %parallel_loop3A_1246 : i32
          %parallel_loop3A_1559 = vector.broadcast %parallel_loop3A_1558 : i32 to vector<16xi32>
          %parallel_loop3A_1560 = arith.addi %mul3A_5, %parallel_loop3A_1559 : vector<16xi32>
          %parallel_loop3A_1561 = tpu.vector_load_idx %arg8[%parallel_loop3A_1560] : memref<21120xf32, #tpu.memory_space<vmem>>[vector<16xi32>], vector<16xf32>,
          %parallel_loop3A_1562 = arith.constant 8 : i32
          %parallel_loop3A_1563 = arith.divsi %parallel_loop3A_1246, %parallel_loop3A_1562 : i32
          %parallel_loop3A_1564 = arith.constant 0 : i32
          %parallel_loop3A_1565 = arith.cmpi sgt, %parallel_loop3A_1246, %parallel_loop3A_1564 : i32
          %parallel_loop3A_1566 = arith.extui %parallel_loop3A_1565 : i1 to i32
          %parallel_loop3A_1567 = arith.constant 0 : i32
          %parallel_loop3A_1568 = arith.cmpi slt, %parallel_loop3A_1246, %parallel_loop3A_1567 : i32
          %parallel_loop3A_1569 = arith.extui %parallel_loop3A_1568 : i1 to i32
          %parallel_loop3A_1570 = arith.subi %parallel_loop3A_1566, %parallel_loop3A_1569 : i32
          %parallel_loop3A_1571 = arith.constant 0 : i32
          %parallel_loop3A_1572 = arith.cmpi sgt, %parallel_loop3A_1562, %parallel_loop3A_1571 : i32
          %parallel_loop3A_1573 = arith.extui %parallel_loop3A_1572 : i1 to i32
          %parallel_loop3A_1574 = arith.constant 0 : i32
          %parallel_loop3A_1575 = arith.cmpi slt, %parallel_loop3A_1562, %parallel_loop3A_1574 : i32
          %parallel_loop3A_1576 = arith.extui %parallel_loop3A_1575 : i1 to i32
          %parallel_loop3A_1577 = arith.subi %parallel_loop3A_1573, %parallel_loop3A_1576 : i32
          %parallel_loop3A_1578 = arith.cmpi ne, %parallel_loop3A_1570, %parallel_loop3A_1577 : i32
          %parallel_loop3A_1579 = arith.remsi %parallel_loop3A_1246, %parallel_loop3A_1562 : i32
          %parallel_loop3A_1580 = arith.constant 0 : i32
          %parallel_loop3A_1581 = arith.cmpi ne, %parallel_loop3A_1579, %parallel_loop3A_1580 : i32
          %parallel_loop3A_1582 = arith.andi %parallel_loop3A_1578, %parallel_loop3A_1581 : i1
          %parallel_loop3A_1583 = arith.constant 1 : i32
          %parallel_loop3A_1584 = arith.subi %parallel_loop3A_1563, %parallel_loop3A_1583 : i32
          %parallel_loop3A_1585 = arith.select %parallel_loop3A_1582, %parallel_loop3A_1584, %parallel_loop3A_1563 : i32
          %parallel_loop3A_1586 = arith.constant 8 : i32
          %parallel_loop3A_1587 = arith.constant 0 : i32
          %parallel_loop3A_1588 = arith.cmpi eq, %parallel_loop3A_1586, %parallel_loop3A_1587 : i32
          %parallel_loop3A_1589 = arith.constant 1 : i32
          %parallel_loop3A_1590 = arith.select %parallel_loop3A_1588, %parallel_loop3A_1589, %parallel_loop3A_1586 : i32
          %parallel_loop3A_1591 = arith.remsi %parallel_loop3A_1246, %parallel_loop3A_1590 : i32
          %parallel_loop3A_1592 = arith.constant 0 : i32
          %parallel_loop3A_1593 = arith.cmpi ne, %parallel_loop3A_1591, %parallel_loop3A_1592 : i32
          %parallel_loop3A_1594 = arith.constant 0 : i32
          %parallel_loop3A_1595 = arith.cmpi slt, %parallel_loop3A_1591, %parallel_loop3A_1594 : i32
          %parallel_loop3A_1596 = arith.constant 0 : i32
          %parallel_loop3A_1597 = arith.cmpi slt, %parallel_loop3A_1590, %parallel_loop3A_1596 : i32
          %parallel_loop3A_1598 = arith.xori %parallel_loop3A_1595, %parallel_loop3A_1597 : i1
          %parallel_loop3A_1599 = arith.andi %parallel_loop3A_1598, %parallel_loop3A_1593 : i1
          %parallel_loop3A_1600 = arith.addi %parallel_loop3A_1591, %parallel_loop3A_1590 : i32
          %parallel_loop3A_1601 = arith.select %parallel_loop3A_1599, %parallel_loop3A_1600, %parallel_loop3A_1591 : i32
          %parallel_loop3A_1602 = arith.constant 0 : i32
          %parallel_loop3A_1603 = arith.constant 0 : i32
          %parallel_loop3A_1604 = arith.constant 0 : i32
          %parallel_loop3A_1605 = arith.constant 0 : i32
          %parallel_loop3A_1606 = tpu.memref_slice %arg9[%parallel_loop3A_1112, %parallel_loop3A_1602, %parallel_loop3A_1603, %parallel_loop3A_1604, %parallel_loop3A_1605] : memref<2x5x4x8x128xf32, #tpu.memory_space<vmem>> -> memref<1x5x4x8x128xf32, #tpu.memory_space<vmem>>
          %parallel_loop3A_1607 = tpu.memref_squeeze %parallel_loop3A_1606 : memref<1x5x4x8x128xf32, #tpu.memory_space<vmem>> -> memref<5x4x8x128xf32, #tpu.memory_space<vmem>>
          %parallel_loop3A_1608 = arith.index_cast %parallel_loop3A_1243 : i32 to index
          %parallel_loop3A_1609 = arith.index_cast %parallel_loop3A_1585 : i32 to index
          %parallel_loop3A_1610 = arith.index_cast %parallel_loop3A_1601 : i32 to index
          %parallel_loop3A_1611 = arith.constant 80 : index
          %parallel_loop3A_1612 = tpu.vector_load %parallel_loop3A_1607[%parallel_loop3A_1608, %parallel_loop3A_1609, %parallel_loop3A_1610, %parallel_loop3A_1611] {strides = array<i32>} : memref<5x4x8x128xf32, #tpu.memory_space<vmem>>, vector<16xf32>,
          tpu.vector_store %parallel_loop3A_1607[%parallel_loop3A_1608, %parallel_loop3A_1609, %parallel_loop3A_1610, %parallel_loop3A_1611], %parallel_loop3A_1561 {strides = array<i32>} : memref<5x4x8x128xf32, #tpu.memory_space<vmem>>, vector<16xf32>,
          %parallel_loop3A_1613 = arith.constant 128 : i32
          %parallel_loop3A_1614 = arith.muli %parallel_loop3A_1243, %parallel_loop3A_1613 : i32
          %parallel_loop3A_1615 = arith.constant 96 : i32
          %parallel_loop3A_1616 = arith.addi %parallel_loop3A_1614, %parallel_loop3A_1615 : i32
          %parallel_loop3A_1617 = arith.constant 33 : i32
          %parallel_loop3A_1618 = arith.muli %parallel_loop3A_1616, %parallel_loop3A_1617 : i32
          %parallel_loop3A_1619 = arith.addi %parallel_loop3A_1618, %parallel_loop3A_1246 : i32
          %parallel_loop3A_1620 = vector.broadcast %parallel_loop3A_1619 : i32 to vector<16xi32>
          %parallel_loop3A_1621 = arith.addi %mul3A_5, %parallel_loop3A_1620 : vector<16xi32>
          %parallel_loop3A_1622 = tpu.vector_load_idx %arg8[%parallel_loop3A_1621] : memref<21120xf32, #tpu.memory_space<vmem>>[vector<16xi32>], vector<16xf32>,
          %parallel_loop3A_1623 = arith.constant 8 : i32
          %parallel_loop3A_1624 = arith.divsi %parallel_loop3A_1246, %parallel_loop3A_1623 : i32
          %parallel_loop3A_1625 = arith.constant 0 : i32
          %parallel_loop3A_1626 = arith.cmpi sgt, %parallel_loop3A_1246, %parallel_loop3A_1625 : i32
          %parallel_loop3A_1627 = arith.extui %parallel_loop3A_1626 : i1 to i32
          %parallel_loop3A_1628 = arith.constant 0 : i32
          %parallel_loop3A_1629 = arith.cmpi slt, %parallel_loop3A_1246, %parallel_loop3A_1628 : i32
          %parallel_loop3A_1630 = arith.extui %parallel_loop3A_1629 : i1 to i32
          %parallel_loop3A_1631 = arith.subi %parallel_loop3A_1627, %parallel_loop3A_1630 : i32
          %parallel_loop3A_1632 = arith.constant 0 : i32
          %parallel_loop3A_1633 = arith.cmpi sgt, %parallel_loop3A_1623, %parallel_loop3A_1632 : i32
          %parallel_loop3A_1634 = arith.extui %parallel_loop3A_1633 : i1 to i32
          %parallel_loop3A_1635 = arith.constant 0 : i32
          %parallel_loop3A_1636 = arith.cmpi slt, %parallel_loop3A_1623, %parallel_loop3A_1635 : i32
          %parallel_loop3A_1637 = arith.extui %parallel_loop3A_1636 : i1 to i32
          %parallel_loop3A_1638 = arith.subi %parallel_loop3A_1634, %parallel_loop3A_1637 : i32
          %parallel_loop3A_1639 = arith.cmpi ne, %parallel_loop3A_1631, %parallel_loop3A_1638 : i32
          %parallel_loop3A_1640 = arith.remsi %parallel_loop3A_1246, %parallel_loop3A_1623 : i32
          %parallel_loop3A_1641 = arith.constant 0 : i32
          %parallel_loop3A_1642 = arith.cmpi ne, %parallel_loop3A_1640, %parallel_loop3A_1641 : i32
          %parallel_loop3A_1643 = arith.andi %parallel_loop3A_1639, %parallel_loop3A_1642 : i1
          %parallel_loop3A_1644 = arith.constant 1 : i32
          %parallel_loop3A_1645 = arith.subi %parallel_loop3A_1624, %parallel_loop3A_1644 : i32
          %parallel_loop3A_1646 = arith.select %parallel_loop3A_1643, %parallel_loop3A_1645, %parallel_loop3A_1624 : i32
          %parallel_loop3A_1647 = arith.constant 8 : i32
          %parallel_loop3A_1648 = arith.constant 0 : i32
          %parallel_loop3A_1649 = arith.cmpi eq, %parallel_loop3A_1647, %parallel_loop3A_1648 : i32
          %parallel_loop3A_1650 = arith.constant 1 : i32
          %parallel_loop3A_1651 = arith.select %parallel_loop3A_1649, %parallel_loop3A_1650, %parallel_loop3A_1647 : i32
          %parallel_loop3A_1652 = arith.remsi %parallel_loop3A_1246, %parallel_loop3A_1651 : i32
          %parallel_loop3A_1653 = arith.constant 0 : i32
          %parallel_loop3A_1654 = arith.cmpi ne, %parallel_loop3A_1652, %parallel_loop3A_1653 : i32
          %parallel_loop3A_1655 = arith.constant 0 : i32
          %parallel_loop3A_1656 = arith.cmpi slt, %parallel_loop3A_1652, %parallel_loop3A_1655 : i32
          %parallel_loop3A_1657 = arith.constant 0 : i32
          %parallel_loop3A_1658 = arith.cmpi slt, %parallel_loop3A_1651, %parallel_loop3A_1657 : i32
          %parallel_loop3A_1659 = arith.xori %parallel_loop3A_1656, %parallel_loop3A_1658 : i1
          %parallel_loop3A_1660 = arith.andi %parallel_loop3A_1659, %parallel_loop3A_1654 : i1
          %parallel_loop3A_1661 = arith.addi %parallel_loop3A_1652, %parallel_loop3A_1651 : i32
          %parallel_loop3A_1662 = arith.select %parallel_loop3A_1660, %parallel_loop3A_1661, %parallel_loop3A_1652 : i32
          %parallel_loop3A_1663 = arith.constant 0 : i32
          %parallel_loop3A_1664 = arith.constant 0 : i32
          %parallel_loop3A_1665 = arith.constant 0 : i32
          %parallel_loop3A_1666 = arith.constant 0 : i32
          %parallel_loop3A_1667 = tpu.memref_slice %arg9[%parallel_loop3A_1112, %parallel_loop3A_1663, %parallel_loop3A_1664, %parallel_loop3A_1665, %parallel_loop3A_1666] : memref<2x5x4x8x128xf32, #tpu.memory_space<vmem>> -> memref<1x5x4x8x128xf32, #tpu.memory_space<vmem>>
          %parallel_loop3A_1668 = tpu.memref_squeeze %parallel_loop3A_1667 : memref<1x5x4x8x128xf32, #tpu.memory_space<vmem>> -> memref<5x4x8x128xf32, #tpu.memory_space<vmem>>
          %parallel_loop3A_1669 = arith.index_cast %parallel_loop3A_1243 : i32 to index
          %parallel_loop3A_1670 = arith.index_cast %parallel_loop3A_1646 : i32 to index
          %parallel_loop3A_1671 = arith.index_cast %parallel_loop3A_1662 : i32 to index
          %parallel_loop3A_1672 = arith.constant 96 : index
          %parallel_loop3A_1673 = tpu.vector_load %parallel_loop3A_1668[%parallel_loop3A_1669, %parallel_loop3A_1670, %parallel_loop3A_1671, %parallel_loop3A_1672] {strides = array<i32>} : memref<5x4x8x128xf32, #tpu.memory_space<vmem>>, vector<16xf32>,
          tpu.vector_store %parallel_loop3A_1668[%parallel_loop3A_1669, %parallel_loop3A_1670, %parallel_loop3A_1671, %parallel_loop3A_1672], %parallel_loop3A_1622 {strides = array<i32>} : memref<5x4x8x128xf32, #tpu.memory_space<vmem>>, vector<16xf32>,
          %parallel_loop3A_1674 = arith.constant 128 : i32
          %parallel_loop3A_1675 = arith.muli %parallel_loop3A_1243, %parallel_loop3A_1674 : i32
          %parallel_loop3A_1676 = arith.constant 112 : i32
          %parallel_loop3A_1677 = arith.addi %parallel_loop3A_1675, %parallel_loop3A_1676 : i32
          %parallel_loop3A_1678 = arith.constant 33 : i32
          %parallel_loop3A_1679 = arith.muli %parallel_loop3A_1677, %parallel_loop3A_1678 : i32
          %parallel_loop3A_1680 = arith.addi %parallel_loop3A_1679, %parallel_loop3A_1246 : i32
          %parallel_loop3A_1681 = vector.broadcast %parallel_loop3A_1680 : i32 to vector<16xi32>
          %parallel_loop3A_1682 = arith.addi %mul3A_5, %parallel_loop3A_1681 : vector<16xi32>
          %parallel_loop3A_1683 = tpu.vector_load_idx %arg8[%parallel_loop3A_1682] : memref<21120xf32, #tpu.memory_space<vmem>>[vector<16xi32>], vector<16xf32>,
          %parallel_loop3A_1684 = arith.constant 8 : i32
          %parallel_loop3A_1685 = arith.divsi %parallel_loop3A_1246, %parallel_loop3A_1684 : i32
          %parallel_loop3A_1686 = arith.constant 0 : i32
          %parallel_loop3A_1687 = arith.cmpi sgt, %parallel_loop3A_1246, %parallel_loop3A_1686 : i32
          %parallel_loop3A_1688 = arith.extui %parallel_loop3A_1687 : i1 to i32
          %parallel_loop3A_1689 = arith.constant 0 : i32
          %parallel_loop3A_1690 = arith.cmpi slt, %parallel_loop3A_1246, %parallel_loop3A_1689 : i32
          %parallel_loop3A_1691 = arith.extui %parallel_loop3A_1690 : i1 to i32
          %parallel_loop3A_1692 = arith.subi %parallel_loop3A_1688, %parallel_loop3A_1691 : i32
          %parallel_loop3A_1693 = arith.constant 0 : i32
          %parallel_loop3A_1694 = arith.cmpi sgt, %parallel_loop3A_1684, %parallel_loop3A_1693 : i32
          %parallel_loop3A_1695 = arith.extui %parallel_loop3A_1694 : i1 to i32
          %parallel_loop3A_1696 = arith.constant 0 : i32
          %parallel_loop3A_1697 = arith.cmpi slt, %parallel_loop3A_1684, %parallel_loop3A_1696 : i32
          %parallel_loop3A_1698 = arith.extui %parallel_loop3A_1697 : i1 to i32
          %parallel_loop3A_1699 = arith.subi %parallel_loop3A_1695, %parallel_loop3A_1698 : i32
          %parallel_loop3A_1700 = arith.cmpi ne, %parallel_loop3A_1692, %parallel_loop3A_1699 : i32
          %parallel_loop3A_1701 = arith.remsi %parallel_loop3A_1246, %parallel_loop3A_1684 : i32
          %parallel_loop3A_1702 = arith.constant 0 : i32
          %parallel_loop3A_1703 = arith.cmpi ne, %parallel_loop3A_1701, %parallel_loop3A_1702 : i32
          %parallel_loop3A_1704 = arith.andi %parallel_loop3A_1700, %parallel_loop3A_1703 : i1
          %parallel_loop3A_1705 = arith.constant 1 : i32
          %parallel_loop3A_1706 = arith.subi %parallel_loop3A_1685, %parallel_loop3A_1705 : i32
          %parallel_loop3A_1707 = arith.select %parallel_loop3A_1704, %parallel_loop3A_1706, %parallel_loop3A_1685 : i32
          %parallel_loop3A_1708 = arith.constant 8 : i32
          %parallel_loop3A_1709 = arith.constant 0 : i32
          %parallel_loop3A_1710 = arith.cmpi eq, %parallel_loop3A_1708, %parallel_loop3A_1709 : i32
          %parallel_loop3A_1711 = arith.constant 1 : i32
          %parallel_loop3A_1712 = arith.select %parallel_loop3A_1710, %parallel_loop3A_1711, %parallel_loop3A_1708 : i32
          %parallel_loop3A_1713 = arith.remsi %parallel_loop3A_1246, %parallel_loop3A_1712 : i32
          %parallel_loop3A_1714 = arith.constant 0 : i32
          %parallel_loop3A_1715 = arith.cmpi ne, %parallel_loop3A_1713, %parallel_loop3A_1714 : i32
          %parallel_loop3A_1716 = arith.constant 0 : i32
          %parallel_loop3A_1717 = arith.cmpi slt, %parallel_loop3A_1713, %parallel_loop3A_1716 : i32
          %parallel_loop3A_1718 = arith.constant 0 : i32
          %parallel_loop3A_1719 = arith.cmpi slt, %parallel_loop3A_1712, %parallel_loop3A_1718 : i32
          %parallel_loop3A_1720 = arith.xori %parallel_loop3A_1717, %parallel_loop3A_1719 : i1
          %parallel_loop3A_1721 = arith.andi %parallel_loop3A_1720, %parallel_loop3A_1715 : i1
          %parallel_loop3A_1722 = arith.addi %parallel_loop3A_1713, %parallel_loop3A_1712 : i32
          %parallel_loop3A_1723 = arith.select %parallel_loop3A_1721, %parallel_loop3A_1722, %parallel_loop3A_1713 : i32
          %parallel_loop3A_1724 = arith.constant 0 : i32
          %parallel_loop3A_1725 = arith.constant 0 : i32
          %parallel_loop3A_1726 = arith.constant 0 : i32
          %parallel_loop3A_1727 = arith.constant 0 : i32
          %parallel_loop3A_1728 = tpu.memref_slice %arg9[%parallel_loop3A_1112, %parallel_loop3A_1724, %parallel_loop3A_1725, %parallel_loop3A_1726, %parallel_loop3A_1727] : memref<2x5x4x8x128xf32, #tpu.memory_space<vmem>> -> memref<1x5x4x8x128xf32, #tpu.memory_space<vmem>>
          %parallel_loop3A_1729 = tpu.memref_squeeze %parallel_loop3A_1728 : memref<1x5x4x8x128xf32, #tpu.memory_space<vmem>> -> memref<5x4x8x128xf32, #tpu.memory_space<vmem>>
          %parallel_loop3A_1730 = arith.index_cast %parallel_loop3A_1243 : i32 to index
          %parallel_loop3A_1731 = arith.index_cast %parallel_loop3A_1707 : i32 to index
          %parallel_loop3A_1732 = arith.index_cast %parallel_loop3A_1723 : i32 to index
          %parallel_loop3A_1733 = arith.constant 112 : index
          %parallel_loop3A_1734 = tpu.vector_load %parallel_loop3A_1729[%parallel_loop3A_1730, %parallel_loop3A_1731, %parallel_loop3A_1732, %parallel_loop3A_1733] {strides = array<i32>} : memref<5x4x8x128xf32, #tpu.memory_space<vmem>>, vector<16xf32>,
          tpu.vector_store %parallel_loop3A_1729[%parallel_loop3A_1730, %parallel_loop3A_1731, %parallel_loop3A_1732, %parallel_loop3A_1733], %parallel_loop3A_1683 {strides = array<i32>} : memref<5x4x8x128xf32, #tpu.memory_space<vmem>>, vector<16xf32>,
        } {sc.loop_unroll_factor = 2 : i64, sc.parallel_access}
        %add3A_1113 = arith.addi %mul3A_2, %add3A_1062 : i32
        %jit3A_1114 = arith.constant 10 : i32
        %eq3A_1115 = arith.constant 0 : i32
        %eq3A_1116 = arith.cmpi eq, %jit3A_1114, %eq3A_1115 : i32
        %jit3A_1117 = arith.constant 1 : i32
        %select_n3A_1118 = arith.select %eq3A_1116, %jit3A_1117, %jit3A_1114 : i32
        %rem3A_1119 = arith.remsi %add3A_1113, %select_n3A_1118 : i32
        %ne3A_1120 = arith.constant 0 : i32
        %ne3A_1121 = arith.cmpi ne, %rem3A_1119, %ne3A_1120 : i32
        %lt3A_1122 = arith.constant 0 : i32
        %lt3A_1123 = arith.cmpi slt, %rem3A_1119, %lt3A_1122 : i32
        %lt3A_1124 = arith.constant 0 : i32
        %lt3A_1125 = arith.cmpi slt, %select_n3A_1118, %lt3A_1124 : i32
        %ne3A_1126 = arith.xori %lt3A_1123, %lt3A_1125 : i1
        %and3A_1127 = arith.andi %ne3A_1126, %ne3A_1121 : i1
        %add3A_1128 = arith.addi %rem3A_1119, %select_n3A_1118 : i32
        %select_n3A_1129 = arith.select %and3A_1127, %add3A_1128, %rem3A_1119 : i32
        %jit3A_1130 = arith.constant 10 : i32
        %div3A_1131 = arith.divsi %add3A_1113, %jit3A_1130 : i32
        %sign3A_1132 = arith.constant 0 : i32
        %sign3A_1133 = arith.cmpi sgt, %add3A_1113, %sign3A_1132 : i32
        %sign3A_1134 = arith.extui %sign3A_1133 : i1 to i32
        %sign3A_1135 = arith.constant 0 : i32
        %sign3A_1136 = arith.cmpi slt, %add3A_1113, %sign3A_1135 : i32
        %sign3A_1137 = arith.extui %sign3A_1136 : i1 to i32
        %sign3A_1138 = arith.subi %sign3A_1134, %sign3A_1137 : i32
        %sign3A_1139 = arith.constant 0 : i32
        %sign3A_1140 = arith.cmpi sgt, %jit3A_1130, %sign3A_1139 : i32
        %sign3A_1141 = arith.extui %sign3A_1140 : i1 to i32
        %sign3A_1142 = arith.constant 0 : i32
        %sign3A_1143 = arith.cmpi slt, %jit3A_1130, %sign3A_1142 : i32
        %sign3A_1144 = arith.extui %sign3A_1143 : i1 to i32
        %sign3A_1145 = arith.subi %sign3A_1141, %sign3A_1144 : i32
        %ne3A_1146 = arith.cmpi ne, %sign3A_1138, %sign3A_1145 : i32
        %rem3A_1147 = arith.remsi %add3A_1113, %jit3A_1130 : i32
        %ne3A_1148 = arith.constant 0 : i32
        %ne3A_1149 = arith.cmpi ne, %rem3A_1147, %ne3A_1148 : i32
        %and3A_1150 = arith.andi %ne3A_1146, %ne3A_1149 : i1
        %sub3A_1151 = arith.constant 1 : i32
        %sub3A_1152 = arith.subi %div3A_1131, %sub3A_1151 : i32
        %select_n3A_1153 = arith.select %and3A_1150, %sub3A_1152, %div3A_1131 : i32
        %jit3A_1154 = arith.constant 8 : i32
        %div3A_1155 = arith.divsi %select_n3A_1153, %jit3A_1154 : i32
        %sign3A_1156 = arith.constant 0 : i32
        %sign3A_1157 = arith.cmpi sgt, %select_n3A_1153, %sign3A_1156 : i32
        %sign3A_1158 = arith.extui %sign3A_1157 : i1 to i32
        %sign3A_1159 = arith.constant 0 : i32
        %sign3A_1160 = arith.cmpi slt, %select_n3A_1153, %sign3A_1159 : i32
        %sign3A_1161 = arith.extui %sign3A_1160 : i1 to i32
        %sign3A_1162 = arith.subi %sign3A_1158, %sign3A_1161 : i32
        %sign3A_1163 = arith.constant 0 : i32
        %sign3A_1164 = arith.cmpi sgt, %jit3A_1154, %sign3A_1163 : i32
        %sign3A_1165 = arith.extui %sign3A_1164 : i1 to i32
        %sign3A_1166 = arith.constant 0 : i32
        %sign3A_1167 = arith.cmpi slt, %jit3A_1154, %sign3A_1166 : i32
        %sign3A_1168 = arith.extui %sign3A_1167 : i1 to i32
        %sign3A_1169 = arith.subi %sign3A_1165, %sign3A_1168 : i32
        %ne3A_1170 = arith.cmpi ne, %sign3A_1162, %sign3A_1169 : i32
        %rem3A_1171 = arith.remsi %select_n3A_1153, %jit3A_1154 : i32
        %ne3A_1172 = arith.constant 0 : i32
        %ne3A_1173 = arith.cmpi ne, %rem3A_1171, %ne3A_1172 : i32
        %and3A_1174 = arith.andi %ne3A_1170, %ne3A_1173 : i1
        %sub3A_1175 = arith.constant 1 : i32
        %sub3A_1176 = arith.subi %div3A_1155, %sub3A_1175 : i32
        %select_n3A_1177 = arith.select %and3A_1174, %sub3A_1176, %div3A_1155 : i32
        %jit3A_1178 = arith.constant 8 : i32
        %eq3A_1179 = arith.constant 0 : i32
        %eq3A_1180 = arith.cmpi eq, %jit3A_1178, %eq3A_1179 : i32
        %jit3A_1181 = arith.constant 1 : i32
        %select_n3A_1182 = arith.select %eq3A_1180, %jit3A_1181, %jit3A_1178 : i32
        %rem3A_1183 = arith.remsi %select_n3A_1153, %select_n3A_1182 : i32
        %ne3A_1184 = arith.constant 0 : i32
        %ne3A_1185 = arith.cmpi ne, %rem3A_1183, %ne3A_1184 : i32
        %lt3A_1186 = arith.constant 0 : i32
        %lt3A_1187 = arith.cmpi slt, %rem3A_1183, %lt3A_1186 : i32
        %lt3A_1188 = arith.constant 0 : i32
        %lt3A_1189 = arith.cmpi slt, %select_n3A_1182, %lt3A_1188 : i32
        %ne3A_1190 = arith.xori %lt3A_1187, %lt3A_1189 : i1
        %and3A_1191 = arith.andi %ne3A_1190, %ne3A_1185 : i1
        %add3A_1192 = arith.addi %rem3A_1183, %select_n3A_1182 : i32
        %select_n3A_1193 = arith.select %and3A_1191, %add3A_1192, %rem3A_1183 : i32
        %mul3A_1194 = arith.constant 5 : i32
        %mul3A_1195 = arith.muli %select_n3A_1129, %mul3A_1194 : i32
        %dma_start3A_1196 = arith.constant 0 : i32
        %dma_start3A_1197 = arith.constant 0 : i32
        %dma_start3A_1198 = arith.constant 0 : i32
        %dma_start3A_1199 = arith.constant 0 : i32
        %dma_start3A_1200 = arith.constant 0 : i32
        %dma_start3A_1201 = tpu.memref_slice %arg9[%dma_start3A_1196, %dma_start3A_1197, %dma_start3A_1198, %dma_start3A_1199, %dma_start3A_1200] : memref<2x5x4x8x128xf32, #tpu.memory_space<vmem>> -> memref<1x5x4x8x128xf32, #tpu.memory_space<vmem>>
        %dma_start3A_1202 = tpu.memref_squeeze %dma_start3A_1201 : memref<1x5x4x8x128xf32, #tpu.memory_space<vmem>> -> memref<5x4x8x128xf32, #tpu.memory_space<vmem>>
        %dma_start3A_1203 = arith.constant 0 : i32
        %dma_start3A_1204 = arith.constant 0 : i32
        %dma_start3A_1205 = arith.constant 0 : i32
        %dma_start3A_1206 = tpu.memref_slice %arg4[%select_n3A_1177, %mul3A_1195, %dma_start3A_1203, %select_n3A_1193, %dma_start3A_1204, %dma_start3A_1205] : memref<26x50x4x8x8x128xf32, #tpu.memory_space<hbm>> -> memref<1x5x4x1x8x128xf32, #tpu.memory_space<hbm>>
        %dma_start3A_1207 = tpu.memref_squeeze %dma_start3A_1206 : memref<1x5x4x1x8x128xf32, #tpu.memory_space<hbm>> -> memref<5x4x8x128xf32, #tpu.memory_space<hbm>>
        %dma_start3A_1208 = arith.constant 0 : i32
        %dma_start3A_1209 = arith.constant 0 : i32
        %dma_start3A_1210 = arith.constant 0 : i32
        %dma_start3A_1211 = tpu.memref_slice %arg4[%select_n3A_1177, %mul3A_1195, %dma_start3A_1208, %select_n3A_1193, %dma_start3A_1209, %dma_start3A_1210] : memref<26x50x4x8x8x128xf32, #tpu.memory_space<hbm>> -> memref<1x5x4x1x8x128xf32, #tpu.memory_space<hbm>>
        %dma_start3A_1212 = tpu.memref_squeeze %dma_start3A_1211 : memref<1x5x4x1x8x128xf32, #tpu.memory_space<hbm>> -> memref<5x4x8x128xf32, #tpu.memory_space<hbm>>
        %dma_start3A_1213 = arith.constant 0 : i32
        %dma_start3A_1214 = arith.constant 0 : i32
        %dma_start3A_1215 = arith.constant 0 : i32
        %dma_start3A_1216 = arith.constant 0 : i32
        %dma_start3A_1217 = tpu.memref_slice %arg9[%dma_start3A_1196, %dma_start3A_1213, %dma_start3A_1214, %dma_start3A_1215, %dma_start3A_1216] : memref<2x5x4x8x128xf32, #tpu.memory_space<vmem>> -> memref<1x5x4x8x128xf32, #tpu.memory_space<vmem>>
        %dma_start3A_1218 = tpu.memref_squeeze %dma_start3A_1217 : memref<1x5x4x8x128xf32, #tpu.memory_space<vmem>> -> memref<5x4x8x128xf32, #tpu.memory_space<vmem>>
        tpu.enqueue_dma source(%dma_start3A_1218 : memref<5x4x8x128xf32, #tpu.memory_space<vmem>>) target(%dma_start3A_1212 : memref<5x4x8x128xf32, #tpu.memory_space<hbm>>) target_semaphore(%arg12 : memref<!tpu.dma_semaphore, #tpu.memory_space<semaphore_mem>>)
      } else {
      }
      %add3A_1073 = arith.constant 1 : i32
      %add3A_1074 = arith.addi %add3A_1060, %add3A_1073 : i32
      %add3A_1075 = arith.constant 1 : i32
      %add3A_1076 = arith.addi %add3A_1074, %add3A_1075 : i32
      %lt3A_1077 = arith.constant 65 : i32
      %lt3A_1078 = arith.cmpi slt, %add3A_1076, %lt3A_1077 : i32
      %convert_element_type3A_1079 = arith.extui %lt3A_1078 : i1 to i32
      %cond3A_1080 = arith.constant 0 : i32
      %cond3A_1081 = arith.cmpi ne, %convert_element_type3A_1079, %cond3A_1080 : i32
      scf.if %cond3A_1081 {
        %add3A_1087 = arith.addi %mul3A_2, %add3A_1074 : i32
        %add3A_1088 = arith.constant 1 : i32
        %add3A_1089 = arith.addi %add3A_1087, %add3A_1088 : i32
        %jit3A_1090 = arith.constant 10 : i32
        %eq3A_1091 = arith.constant 0 : i32
        %eq3A_1092 = arith.cmpi eq, %jit3A_1090, %eq3A_1091 : i32
        %jit3A_1093 = arith.constant 1 : i32
        %select_n3A_1094 = arith.select %eq3A_1092, %jit3A_1093, %jit3A_1090 : i32
        %rem3A_1095 = arith.remsi %add3A_1089, %select_n3A_1094 : i32
        %ne3A_1096 = arith.constant 0 : i32
        %ne3A_1097 = arith.cmpi ne, %rem3A_1095, %ne3A_1096 : i32
        %lt3A_1098 = arith.constant 0 : i32
        %lt3A_1099 = arith.cmpi slt, %rem3A_1095, %lt3A_1098 : i32
        %lt3A_1100 = arith.constant 0 : i32
        %lt3A_1101 = arith.cmpi slt, %select_n3A_1094, %lt3A_1100 : i32
        %ne3A_1102 = arith.xori %lt3A_1099, %lt3A_1101 : i1
        %and3A_1103 = arith.andi %ne3A_1102, %ne3A_1097 : i1
        %add3A_1104 = arith.addi %rem3A_1095, %select_n3A_1094 : i32
        %select_n3A_1105 = arith.select %and3A_1103, %add3A_1104, %rem3A_1095 : i32
        %eq3A_1106 = arith.constant 0 : i32
        %eq3A_1107 = arith.cmpi eq, %select_n3A_1105, %eq3A_1106 : i32
        %convert_element_type3A_1108 = arith.extui %eq3A_1107 : i1 to i32
        %cond3A_1109 = arith.constant 0 : i32
        %cond3A_1110 = arith.cmpi ne, %convert_element_type3A_1108, %cond3A_1109 : i32
        scf.if %cond3A_1110 {
          %add3A_1859 = arith.addi %mul3A_2, %add3A_1074 : i32
          %add3A_1860 = arith.constant 1 : i32
          %add3A_1861 = arith.addi %add3A_1859, %add3A_1860 : i32
          %jit3A_1862 = arith.constant 10 : i32
          %eq3A_1863 = arith.constant 0 : i32
          %eq3A_1864 = arith.cmpi eq, %jit3A_1862, %eq3A_1863 : i32
          %jit3A_1865 = arith.constant 1 : i32
          %select_n3A_1866 = arith.select %eq3A_1864, %jit3A_1865, %jit3A_1862 : i32
          %rem3A_1867 = arith.remsi %add3A_1861, %select_n3A_1866 : i32
          %ne3A_1868 = arith.constant 0 : i32
          %ne3A_1869 = arith.cmpi ne, %rem3A_1867, %ne3A_1868 : i32
          %lt3A_1870 = arith.constant 0 : i32
          %lt3A_1871 = arith.cmpi slt, %rem3A_1867, %lt3A_1870 : i32
          %lt3A_1872 = arith.constant 0 : i32
          %lt3A_1873 = arith.cmpi slt, %select_n3A_1866, %lt3A_1872 : i32
          %ne3A_1874 = arith.xori %lt3A_1871, %lt3A_1873 : i1
          %and3A_1875 = arith.andi %ne3A_1874, %ne3A_1869 : i1
          %add3A_1876 = arith.addi %rem3A_1867, %select_n3A_1866 : i32
          %select_n3A_1877 = arith.select %and3A_1875, %add3A_1876, %rem3A_1867 : i32
          %jit3A_1878 = arith.constant 10 : i32
          %div3A_1879 = arith.divsi %add3A_1861, %jit3A_1878 : i32
          %sign3A_1880 = arith.constant 0 : i32
          %sign3A_1881 = arith.cmpi sgt, %add3A_1861, %sign3A_1880 : i32
          %sign3A_1882 = arith.extui %sign3A_1881 : i1 to i32
          %sign3A_1883 = arith.constant 0 : i32
          %sign3A_1884 = arith.cmpi slt, %add3A_1861, %sign3A_1883 : i32
          %sign3A_1885 = arith.extui %sign3A_1884 : i1 to i32
          %sign3A_1886 = arith.subi %sign3A_1882, %sign3A_1885 : i32
          %sign3A_1887 = arith.constant 0 : i32
          %sign3A_1888 = arith.cmpi sgt, %jit3A_1878, %sign3A_1887 : i32
          %sign3A_1889 = arith.extui %sign3A_1888 : i1 to i32
          %sign3A_1890 = arith.constant 0 : i32
          %sign3A_1891 = arith.cmpi slt, %jit3A_1878, %sign3A_1890 : i32
          %sign3A_1892 = arith.extui %sign3A_1891 : i1 to i32
          %sign3A_1893 = arith.subi %sign3A_1889, %sign3A_1892 : i32
          %ne3A_1894 = arith.cmpi ne, %sign3A_1886, %sign3A_1893 : i32
          %rem3A_1895 = arith.remsi %add3A_1861, %jit3A_1878 : i32
          %ne3A_1896 = arith.constant 0 : i32
          %ne3A_1897 = arith.cmpi ne, %rem3A_1895, %ne3A_1896 : i32
          %and3A_1898 = arith.andi %ne3A_1894, %ne3A_1897 : i1
          %sub3A_1899 = arith.constant 1 : i32
          %sub3A_1900 = arith.subi %div3A_1879, %sub3A_1899 : i32
          %select_n3A_1901 = arith.select %and3A_1898, %sub3A_1900, %div3A_1879 : i32
          %jit3A_1902 = arith.constant 8 : i32
          %div3A_1903 = arith.divsi %select_n3A_1901, %jit3A_1902 : i32
          %sign3A_1904 = arith.constant 0 : i32
          %sign3A_1905 = arith.cmpi sgt, %select_n3A_1901, %sign3A_1904 : i32
          %sign3A_1906 = arith.extui %sign3A_1905 : i1 to i32
          %sign3A_1907 = arith.constant 0 : i32
          %sign3A_1908 = arith.cmpi slt, %select_n3A_1901, %sign3A_1907 : i32
          %sign3A_1909 = arith.extui %sign3A_1908 : i1 to i32
          %sign3A_1910 = arith.subi %sign3A_1906, %sign3A_1909 : i32
          %sign3A_1911 = arith.constant 0 : i32
          %sign3A_1912 = arith.cmpi sgt, %jit3A_1902, %sign3A_1911 : i32
          %sign3A_1913 = arith.extui %sign3A_1912 : i1 to i32
          %sign3A_1914 = arith.constant 0 : i32
          %sign3A_1915 = arith.cmpi slt, %jit3A_1902, %sign3A_1914 : i32
          %sign3A_1916 = arith.extui %sign3A_1915 : i1 to i32
          %sign3A_1917 = arith.subi %sign3A_1913, %sign3A_1916 : i32
          %ne3A_1918 = arith.cmpi ne, %sign3A_1910, %sign3A_1917 : i32
          %rem3A_1919 = arith.remsi %select_n3A_1901, %jit3A_1902 : i32
          %ne3A_1920 = arith.constant 0 : i32
          %ne3A_1921 = arith.cmpi ne, %rem3A_1919, %ne3A_1920 : i32
          %and3A_1922 = arith.andi %ne3A_1918, %ne3A_1921 : i1
          %sub3A_1923 = arith.constant 1 : i32
          %sub3A_1924 = arith.subi %div3A_1903, %sub3A_1923 : i32
          %select_n3A_1925 = arith.select %and3A_1922, %sub3A_1924, %div3A_1903 : i32
          %jit3A_1926 = arith.constant 8 : i32
          %eq3A_1927 = arith.constant 0 : i32
          %eq3A_1928 = arith.cmpi eq, %jit3A_1926, %eq3A_1927 : i32
          %jit3A_1929 = arith.constant 1 : i32
          %select_n3A_1930 = arith.select %eq3A_1928, %jit3A_1929, %jit3A_1926 : i32
          %rem3A_1931 = arith.remsi %select_n3A_1901, %select_n3A_1930 : i32
          %ne3A_1932 = arith.constant 0 : i32
          %ne3A_1933 = arith.cmpi ne, %rem3A_1931, %ne3A_1932 : i32
          %lt3A_1934 = arith.constant 0 : i32
          %lt3A_1935 = arith.cmpi slt, %rem3A_1931, %lt3A_1934 : i32
          %lt3A_1936 = arith.constant 0 : i32
          %lt3A_1937 = arith.cmpi slt, %select_n3A_1930, %lt3A_1936 : i32
          %ne3A_1938 = arith.xori %lt3A_1935, %lt3A_1937 : i1
          %and3A_1939 = arith.andi %ne3A_1938, %ne3A_1933 : i1
          %add3A_1940 = arith.addi %rem3A_1931, %select_n3A_1930 : i32
          %select_n3A_1941 = arith.select %and3A_1939, %add3A_1940, %rem3A_1931 : i32
          %mul3A_1942 = arith.constant 128 : i32
          %mul3A_1943 = arith.muli %select_n3A_1941, %mul3A_1942 : i32
          %dma_start3A_1944 = arith.constant 0 : i32
          %dma_start3A_1945 = tpu.memref_slice %arg2[%mul3A_1943, %select_n3A_1925, %dma_start3A_1944] : memref<1024x26x50xi32, #tpu.memory_space<hbm>> -> memref<128x1x50xi32, #tpu.memory_space<hbm>>
          %dma_start3A_1946 = tpu.memref_squeeze %dma_start3A_1945 : memref<128x1x50xi32, #tpu.memory_space<hbm>> -> memref<128x50xi32, #tpu.memory_space<hbm>>
          %dma_start3A_1947 = arith.constant 0 : i32
          %dma_start3A_1948 = tpu.memref_slice %arg2[%mul3A_1943, %select_n3A_1925, %dma_start3A_1947] : memref<1024x26x50xi32, #tpu.memory_space<hbm>> -> memref<128x1x50xi32, #tpu.memory_space<hbm>>
          %dma_start3A_1949 = tpu.memref_squeeze %dma_start3A_1948 : memref<128x1x50xi32, #tpu.memory_space<hbm>> -> memref<128x50xi32, #tpu.memory_space<hbm>>
          tpu.enqueue_dma source(%dma_start3A_1949 : memref<128x50xi32, #tpu.memory_space<hbm>>) target(%arg5 : memref<128x50xi32, #tpu.memory_space<vmem>>) target_semaphore(%arg14 : memref<!tpu.dma_semaphore, #tpu.memory_space<semaphore_mem>>)
          %dma_wait3A_1950 = arith.constant 0 : i32
          %dma_wait3A_1951 = arith.constant 0 : i32
          %dma_wait3A_1952 = arith.constant 0 : i32
          %dma_wait3A_1953 = tpu.memref_slice %arg2[%dma_wait3A_1951, %dma_wait3A_1950, %dma_wait3A_1952] : memref<1024x26x50xi32, #tpu.memory_space<hbm>> -> memref<128x1x50xi32, #tpu.memory_space<hbm>>
          %dma_wait3A_1954 = tpu.memref_squeeze %dma_wait3A_1953 : memref<128x1x50xi32, #tpu.memory_space<hbm>> -> memref<128x50xi32, #tpu.memory_space<hbm>>
          %dma_wait3A_1955 = arith.constant 0 : i32
          %dma_wait3A_1956 = arith.constant 0 : i32
          %dma_wait3A_1957 = tpu.memref_slice %arg2[%dma_wait3A_1955, %dma_wait3A_1950, %dma_wait3A_1956] : memref<1024x26x50xi32, #tpu.memory_space<hbm>> -> memref<128x1x50xi32, #tpu.memory_space<hbm>>
          %dma_wait3A_1958 = tpu.memref_squeeze %dma_wait3A_1957 : memref<128x1x50xi32, #tpu.memory_space<hbm>> -> memref<128x50xi32, #tpu.memory_space<hbm>>
          tpu.wait_dma2 semaphore(%arg14 : memref<!tpu.dma_semaphore, #tpu.memory_space<semaphore_mem>>) src(%dma_wait3A_1958 : memref<128x50xi32, #tpu.memory_space<hbm>>) dst(%arg5 : memref<128x50xi32, #tpu.memory_space<vmem>>)
        } else {
        }
        %add3A_1111 = arith.addi %mul3A_2, %add3A_1074 : i32
        %add3A_1112 = arith.constant 1 : i32
        %add3A_1113 = arith.addi %add3A_1111, %add3A_1112 : i32
        %jit3A_1114 = arith.constant 10 : i32
        %eq3A_1115 = arith.constant 0 : i32
        %eq3A_1116 = arith.cmpi eq, %jit3A_1114, %eq3A_1115 : i32
        %jit3A_1117 = arith.constant 1 : i32
        %select_n3A_1118 = arith.select %eq3A_1116, %jit3A_1117, %jit3A_1114 : i32
        %rem3A_1119 = arith.remsi %add3A_1113, %select_n3A_1118 : i32
        %ne3A_1120 = arith.constant 0 : i32
        %ne3A_1121 = arith.cmpi ne, %rem3A_1119, %ne3A_1120 : i32
        %lt3A_1122 = arith.constant 0 : i32
        %lt3A_1123 = arith.cmpi slt, %rem3A_1119, %lt3A_1122 : i32
        %lt3A_1124 = arith.constant 0 : i32
        %lt3A_1125 = arith.cmpi slt, %select_n3A_1118, %lt3A_1124 : i32
        %ne3A_1126 = arith.xori %lt3A_1123, %lt3A_1125 : i1
        %and3A_1127 = arith.andi %ne3A_1126, %ne3A_1121 : i1
        %add3A_1128 = arith.addi %rem3A_1119, %select_n3A_1118 : i32
        %select_n3A_1129 = arith.select %and3A_1127, %add3A_1128, %rem3A_1119 : i32
        %jit3A_1130 = arith.constant 10 : i32
        %div3A_1131 = arith.divsi %add3A_1113, %jit3A_1130 : i32
        %sign3A_1132 = arith.constant 0 : i32
        %sign3A_1133 = arith.cmpi sgt, %add3A_1113, %sign3A_1132 : i32
        %sign3A_1134 = arith.extui %sign3A_1133 : i1 to i32
        %sign3A_1135 = arith.constant 0 : i32
        %sign3A_1136 = arith.cmpi slt, %add3A_1113, %sign3A_1135 : i32
        %sign3A_1137 = arith.extui %sign3A_1136 : i1 to i32
        %sign3A_1138 = arith.subi %sign3A_1134, %sign3A_1137 : i32
        %sign3A_1139 = arith.constant 0 : i32
        %sign3A_1140 = arith.cmpi sgt, %jit3A_1130, %sign3A_1139 : i32
        %sign3A_1141 = arith.extui %sign3A_1140 : i1 to i32
        %sign3A_1142 = arith.constant 0 : i32
        %sign3A_1143 = arith.cmpi slt, %jit3A_1130, %sign3A_1142 : i32
        %sign3A_1144 = arith.extui %sign3A_1143 : i1 to i32
        %sign3A_1145 = arith.subi %sign3A_1141, %sign3A_1144 : i32
        %ne3A_1146 = arith.cmpi ne, %sign3A_1138, %sign3A_1145 : i32
        %rem3A_1147 = arith.remsi %add3A_1113, %jit3A_1130 : i32
        %ne3A_1148 = arith.constant 0 : i32
        %ne3A_1149 = arith.cmpi ne, %rem3A_1147, %ne3A_1148 : i32
        %and3A_1150 = arith.andi %ne3A_1146, %ne3A_1149 : i1
        %sub3A_1151 = arith.constant 1 : i32
        %sub3A_1152 = arith.subi %div3A_1131, %sub3A_1151 : i32
        %select_n3A_1153 = arith.select %and3A_1150, %sub3A_1152, %div3A_1131 : i32
        %jit3A_1154 = arith.constant 8 : i32
        %div3A_1155 = arith.divsi %select_n3A_1153, %jit3A_1154 : i32
        %sign3A_1156 = arith.constant 0 : i32
        %sign3A_1157 = arith.cmpi sgt, %select_n3A_1153, %sign3A_1156 : i32
        %sign3A_1158 = arith.extui %sign3A_1157 : i1 to i32
        %sign3A_1159 = arith.constant 0 : i32
        %sign3A_1160 = arith.cmpi slt, %select_n3A_1153, %sign3A_1159 : i32
        %sign3A_1161 = arith.extui %sign3A_1160 : i1 to i32
        %sign3A_1162 = arith.subi %sign3A_1158, %sign3A_1161 : i32
        %sign3A_1163 = arith.constant 0 : i32
        %sign3A_1164 = arith.cmpi sgt, %jit3A_1154, %sign3A_1163 : i32
        %sign3A_1165 = arith.extui %sign3A_1164 : i1 to i32
        %sign3A_1166 = arith.constant 0 : i32
        %sign3A_1167 = arith.cmpi slt, %jit3A_1154, %sign3A_1166 : i32
        %sign3A_1168 = arith.extui %sign3A_1167 : i1 to i32
        %sign3A_1169 = arith.subi %sign3A_1165, %sign3A_1168 : i32
        %ne3A_1170 = arith.cmpi ne, %sign3A_1162, %sign3A_1169 : i32
        %rem3A_1171 = arith.remsi %select_n3A_1153, %jit3A_1154 : i32
        %ne3A_1172 = arith.constant 0 : i32
        %ne3A_1173 = arith.cmpi ne, %rem3A_1171, %ne3A_1172 : i32
        %and3A_1174 = arith.andi %ne3A_1170, %ne3A_1173 : i1
        %sub3A_1175 = arith.constant 1 : i32
        %sub3A_1176 = arith.subi %div3A_1155, %sub3A_1175 : i32
        %select_n3A_1177 = arith.select %and3A_1174, %sub3A_1176, %div3A_1155 : i32
        %jit3A_1178 = arith.constant 8 : i32
        %eq3A_1179 = arith.constant 0 : i32
        %eq3A_1180 = arith.cmpi eq, %jit3A_1178, %eq3A_1179 : i32
        %jit3A_1181 = arith.constant 1 : i32
        %select_n3A_1182 = arith.select %eq3A_1180, %jit3A_1181, %jit3A_1178 : i32
        %rem3A_1183 = arith.remsi %select_n3A_1153, %select_n3A_1182 : i32
        %ne3A_1184 = arith.constant 0 : i32
        %ne3A_1185 = arith.cmpi ne, %rem3A_1183, %ne3A_1184 : i32
        %lt3A_1186 = arith.constant 0 : i32
        %lt3A_1187 = arith.cmpi slt, %rem3A_1183, %lt3A_1186 : i32
        %lt3A_1188 = arith.constant 0 : i32
        %lt3A_1189 = arith.cmpi slt, %select_n3A_1182, %lt3A_1188 : i32
        %ne3A_1190 = arith.xori %lt3A_1187, %lt3A_1189 : i1
        %and3A_1191 = arith.andi %ne3A_1190, %ne3A_1185 : i1
        %add3A_1192 = arith.addi %rem3A_1183, %select_n3A_1182 : i32
        %select_n3A_1193 = arith.select %and3A_1191, %add3A_1192, %rem3A_1183 : i32
        %mul3A_1194 = arith.constant 0 : i32
        %mul3A_1195 = vector.broadcast %mul3A_1194 : i32 to vector<16xi32>
        %mul3A_1196 = arith.muli %iota3A, %mul3A_1195 : vector<16xi32>
        %mul3A_1197 = arith.constant 5 : i32
        %mul3A_1198 = arith.muli %select_n3A_1129, %mul3A_1197 : i32
        %add3A_1199 = arith.constant 0 : i32
        %add3A_1200 = arith.addi %mul3A_1198, %add3A_1199 : i32
        %add3A_1201 = vector.broadcast %add3A_1200 : i32 to vector<16xi32>
        %add3A_1202 = arith.addi %mul3A_1196, %add3A_1201 : vector<16xi32>
        %add3A_1203 = arith.constant 0 : i32
        %add3A_1204 = vector.broadcast %add3A_1203 : i32 to vector<16xi32>
        %add3A_1205 = arith.addi %iota3A, %add3A_1204 : vector<16xi32>
        %gather3A_1206 = tpu.vector_load_idx %arg5[%add3A_1205, %add3A_1202] : memref<128x50xi32, #tpu.memory_space<vmem>>[vector<16xi32>, vector<16xi32>], vector<16xi32>,
        %swap3A_1207 = arith.constant 0 : i32
        %swap3A_1208 = arith.constant 0 : i32
        %swap3A_1209 = arith.constant 0 : i32
        %swap3A_1210 = arith.constant 0 : i32
        %swap3A_1211 = tpu.memref_slice %arg6[%swap3A_1207, %swap3A_1209, %swap3A_1210] : memref<2x5x128xi32, #tpu.memory_space<vmem>> -> memref<1x5x128xi32, #tpu.memory_space<vmem>>
        %swap3A_1212 = tpu.memref_squeeze %swap3A_1211 : memref<1x5x128xi32, #tpu.memory_space<vmem>> -> memref<5x128xi32, #tpu.memory_space<vmem>>
        %swap3A_1213 = arith.index_cast %swap3A_1208 : i32 to index
        %swap3A_1214 = arith.constant 0 : index
        %swap3A_1215 = tpu.vector_load %swap3A_1212[%swap3A_1213, %swap3A_1214] {strides = array<i32>} : memref<5x128xi32, #tpu.memory_space<vmem>>, vector<16xi32>,
        tpu.vector_store %swap3A_1212[%swap3A_1213, %swap3A_1214], %gather3A_1206 {strides = array<i32>} : memref<5x128xi32, #tpu.memory_space<vmem>>, vector<16xi32>,
        %add3A_1216 = arith.constant 16 : i32
        %add3A_1217 = vector.broadcast %add3A_1216 : i32 to vector<16xi32>
        %add3A_1218 = arith.addi %iota3A, %add3A_1217 : vector<16xi32>
        %gather3A_1219 = tpu.vector_load_idx %arg5[%add3A_1218, %add3A_1202] : memref<128x50xi32, #tpu.memory_space<vmem>>[vector<16xi32>, vector<16xi32>], vector<16xi32>,
        %swap3A_1220 = arith.constant 0 : i32
        %swap3A_1221 = arith.constant 0 : i32
        %swap3A_1222 = arith.constant 0 : i32
        %swap3A_1223 = arith.constant 0 : i32
        %swap3A_1224 = tpu.memref_slice %arg6[%swap3A_1220, %swap3A_1222, %swap3A_1223] : memref<2x5x128xi32, #tpu.memory_space<vmem>> -> memref<1x5x128xi32, #tpu.memory_space<vmem>>
        %swap3A_1225 = tpu.memref_squeeze %swap3A_1224 : memref<1x5x128xi32, #tpu.memory_space<vmem>> -> memref<5x128xi32, #tpu.memory_space<vmem>>
        %swap3A_1226 = arith.index_cast %swap3A_1221 : i32 to index
        %swap3A_1227 = arith.constant 16 : index
        %swap3A_1228 = tpu.vector_load %swap3A_1225[%swap3A_1226, %swap3A_1227] {strides = array<i32>} : memref<5x128xi32, #tpu.memory_space<vmem>>, vector<16xi32>,
        tpu.vector_store %swap3A_1225[%swap3A_1226, %swap3A_1227], %gather3A_1219 {strides = array<i32>} : memref<5x128xi32, #tpu.memory_space<vmem>>, vector<16xi32>,
        %add3A_1229 = arith.constant 32 : i32
        %add3A_1230 = vector.broadcast %add3A_1229 : i32 to vector<16xi32>
        %add3A_1231 = arith.addi %iota3A, %add3A_1230 : vector<16xi32>
        %gather3A_1232 = tpu.vector_load_idx %arg5[%add3A_1231, %add3A_1202] : memref<128x50xi32, #tpu.memory_space<vmem>>[vector<16xi32>, vector<16xi32>], vector<16xi32>,
        %swap3A_1233 = arith.constant 0 : i32
        %swap3A_1234 = arith.constant 0 : i32
        %swap3A_1235 = arith.constant 0 : i32
        %swap3A_1236 = arith.constant 0 : i32
        %swap3A_1237 = tpu.memref_slice %arg6[%swap3A_1233, %swap3A_1235, %swap3A_1236] : memref<2x5x128xi32, #tpu.memory_space<vmem>> -> memref<1x5x128xi32, #tpu.memory_space<vmem>>
        %swap3A_1238 = tpu.memref_squeeze %swap3A_1237 : memref<1x5x128xi32, #tpu.memory_space<vmem>> -> memref<5x128xi32, #tpu.memory_space<vmem>>
        %swap3A_1239 = arith.index_cast %swap3A_1234 : i32 to index
        %swap3A_1240 = arith.constant 32 : index
        %swap3A_1241 = tpu.vector_load %swap3A_1238[%swap3A_1239, %swap3A_1240] {strides = array<i32>} : memref<5x128xi32, #tpu.memory_space<vmem>>, vector<16xi32>,
        tpu.vector_store %swap3A_1238[%swap3A_1239, %swap3A_1240], %gather3A_1232 {strides = array<i32>} : memref<5x128xi32, #tpu.memory_space<vmem>>, vector<16xi32>,
        %add3A_1242 = arith.constant 48 : i32
        %add3A_1243 = vector.broadcast %add3A_1242 : i32 to vector<16xi32>
        %add3A_1244 = arith.addi %iota3A, %add3A_1243 : vector<16xi32>
        %gather3A_1245 = tpu.vector_load_idx %arg5[%add3A_1244, %add3A_1202] : memref<128x50xi32, #tpu.memory_space<vmem>>[vector<16xi32>, vector<16xi32>], vector<16xi32>,
        %swap3A_1246 = arith.constant 0 : i32
        %swap3A_1247 = arith.constant 0 : i32
        %swap3A_1248 = arith.constant 0 : i32
        %swap3A_1249 = arith.constant 0 : i32
        %swap3A_1250 = tpu.memref_slice %arg6[%swap3A_1246, %swap3A_1248, %swap3A_1249] : memref<2x5x128xi32, #tpu.memory_space<vmem>> -> memref<1x5x128xi32, #tpu.memory_space<vmem>>
        %swap3A_1251 = tpu.memref_squeeze %swap3A_1250 : memref<1x5x128xi32, #tpu.memory_space<vmem>> -> memref<5x128xi32, #tpu.memory_space<vmem>>
        %swap3A_1252 = arith.index_cast %swap3A_1247 : i32 to index
        %swap3A_1253 = arith.constant 48 : index
        %swap3A_1254 = tpu.vector_load %swap3A_1251[%swap3A_1252, %swap3A_1253] {strides = array<i32>} : memref<5x128xi32, #tpu.memory_space<vmem>>, vector<16xi32>,
        tpu.vector_store %swap3A_1251[%swap3A_1252, %swap3A_1253], %gather3A_1245 {strides = array<i32>} : memref<5x128xi32, #tpu.memory_space<vmem>>, vector<16xi32>,
        %add3A_1255 = arith.constant 64 : i32
        %add3A_1256 = vector.broadcast %add3A_1255 : i32 to vector<16xi32>
        %add3A_1257 = arith.addi %iota3A, %add3A_1256 : vector<16xi32>
        %gather3A_1258 = tpu.vector_load_idx %arg5[%add3A_1257, %add3A_1202] : memref<128x50xi32, #tpu.memory_space<vmem>>[vector<16xi32>, vector<16xi32>], vector<16xi32>,
        %swap3A_1259 = arith.constant 0 : i32
        %swap3A_1260 = arith.constant 0 : i32
        %swap3A_1261 = arith.constant 0 : i32
        %swap3A_1262 = arith.constant 0 : i32
        %swap3A_1263 = tpu.memref_slice %arg6[%swap3A_1259, %swap3A_1261, %swap3A_1262] : memref<2x5x128xi32, #tpu.memory_space<vmem>> -> memref<1x5x128xi32, #tpu.memory_space<vmem>>
        %swap3A_1264 = tpu.memref_squeeze %swap3A_1263 : memref<1x5x128xi32, #tpu.memory_space<vmem>> -> memref<5x128xi32, #tpu.memory_space<vmem>>
        %swap3A_1265 = arith.index_cast %swap3A_1260 : i32 to index
        %swap3A_1266 = arith.constant 64 : index
        %swap3A_1267 = tpu.vector_load %swap3A_1264[%swap3A_1265, %swap3A_1266] {strides = array<i32>} : memref<5x128xi32, #tpu.memory_space<vmem>>, vector<16xi32>,
        tpu.vector_store %swap3A_1264[%swap3A_1265, %swap3A_1266], %gather3A_1258 {strides = array<i32>} : memref<5x128xi32, #tpu.memory_space<vmem>>, vector<16xi32>,
        %add3A_1268 = arith.constant 80 : i32
        %add3A_1269 = vector.broadcast %add3A_1268 : i32 to vector<16xi32>
        %add3A_1270 = arith.addi %iota3A, %add3A_1269 : vector<16xi32>
        %gather3A_1271 = tpu.vector_load_idx %arg5[%add3A_1270, %add3A_1202] : memref<128x50xi32, #tpu.memory_space<vmem>>[vector<16xi32>, vector<16xi32>], vector<16xi32>,
        %swap3A_1272 = arith.constant 0 : i32
        %swap3A_1273 = arith.constant 0 : i32
        %swap3A_1274 = arith.constant 0 : i32
        %swap3A_1275 = arith.constant 0 : i32
        %swap3A_1276 = tpu.memref_slice %arg6[%swap3A_1272, %swap3A_1274, %swap3A_1275] : memref<2x5x128xi32, #tpu.memory_space<vmem>> -> memref<1x5x128xi32, #tpu.memory_space<vmem>>
        %swap3A_1277 = tpu.memref_squeeze %swap3A_1276 : memref<1x5x128xi32, #tpu.memory_space<vmem>> -> memref<5x128xi32, #tpu.memory_space<vmem>>
        %swap3A_1278 = arith.index_cast %swap3A_1273 : i32 to index
        %swap3A_1279 = arith.constant 80 : index
        %swap3A_1280 = tpu.vector_load %swap3A_1277[%swap3A_1278, %swap3A_1279] {strides = array<i32>} : memref<5x128xi32, #tpu.memory_space<vmem>>, vector<16xi32>,
        tpu.vector_store %swap3A_1277[%swap3A_1278, %swap3A_1279], %gather3A_1271 {strides = array<i32>} : memref<5x128xi32, #tpu.memory_space<vmem>>, vector<16xi32>,
        %add3A_1281 = arith.constant 96 : i32
        %add3A_1282 = vector.broadcast %add3A_1281 : i32 to vector<16xi32>
        %add3A_1283 = arith.addi %iota3A, %add3A_1282 : vector<16xi32>
        %gather3A_1284 = tpu.vector_load_idx %arg5[%add3A_1283, %add3A_1202] : memref<128x50xi32, #tpu.memory_space<vmem>>[vector<16xi32>, vector<16xi32>], vector<16xi32>,
        %swap3A_1285 = arith.constant 0 : i32
        %swap3A_1286 = arith.constant 0 : i32
        %swap3A_1287 = arith.constant 0 : i32
        %swap3A_1288 = arith.constant 0 : i32
        %swap3A_1289 = tpu.memref_slice %arg6[%swap3A_1285, %swap3A_1287, %swap3A_1288] : memref<2x5x128xi32, #tpu.memory_space<vmem>> -> memref<1x5x128xi32, #tpu.memory_space<vmem>>
        %swap3A_1290 = tpu.memref_squeeze %swap3A_1289 : memref<1x5x128xi32, #tpu.memory_space<vmem>> -> memref<5x128xi32, #tpu.memory_space<vmem>>
        %swap3A_1291 = arith.index_cast %swap3A_1286 : i32 to index
        %swap3A_1292 = arith.constant 96 : index
        %swap3A_1293 = tpu.vector_load %swap3A_1290[%swap3A_1291, %swap3A_1292] {strides = array<i32>} : memref<5x128xi32, #tpu.memory_space<vmem>>, vector<16xi32>,
        tpu.vector_store %swap3A_1290[%swap3A_1291, %swap3A_1292], %gather3A_1284 {strides = array<i32>} : memref<5x128xi32, #tpu.memory_space<vmem>>, vector<16xi32>,
        %add3A_1294 = arith.constant 112 : i32
        %add3A_1295 = vector.broadcast %add3A_1294 : i32 to vector<16xi32>
        %add3A_1296 = arith.addi %iota3A, %add3A_1295 : vector<16xi32>
        %gather3A_1297 = tpu.vector_load_idx %arg5[%add3A_1296, %add3A_1202] : memref<128x50xi32, #tpu.memory_space<vmem>>[vector<16xi32>, vector<16xi32>], vector<16xi32>,
        %swap3A_1298 = arith.constant 0 : i32
        %swap3A_1299 = arith.constant 0 : i32
        %swap3A_1300 = arith.constant 0 : i32
        %swap3A_1301 = arith.constant 0 : i32
        %swap3A_1302 = tpu.memref_slice %arg6[%swap3A_1298, %swap3A_1300, %swap3A_1301] : memref<2x5x128xi32, #tpu.memory_space<vmem>> -> memref<1x5x128xi32, #tpu.memory_space<vmem>>
        %swap3A_1303 = tpu.memref_squeeze %swap3A_1302 : memref<1x5x128xi32, #tpu.memory_space<vmem>> -> memref<5x128xi32, #tpu.memory_space<vmem>>
        %swap3A_1304 = arith.index_cast %swap3A_1299 : i32 to index
        %swap3A_1305 = arith.constant 112 : index
        %swap3A_1306 = tpu.vector_load %swap3A_1303[%swap3A_1304, %swap3A_1305] {strides = array<i32>} : memref<5x128xi32, #tpu.memory_space<vmem>>, vector<16xi32>,
        tpu.vector_store %swap3A_1303[%swap3A_1304, %swap3A_1305], %gather3A_1297 {strides = array<i32>} : memref<5x128xi32, #tpu.memory_space<vmem>>, vector<16xi32>,
        %mul3A_1307 = arith.constant 0 : i32
        %mul3A_1308 = vector.broadcast %mul3A_1307 : i32 to vector<16xi32>
        %mul3A_1309 = arith.muli %iota3A, %mul3A_1308 : vector<16xi32>
        %mul3A_1310 = arith.constant 5 : i32
        %mul3A_1311 = arith.muli %select_n3A_1129, %mul3A_1310 : i32
        %add3A_1312 = arith.constant 1 : i32
        %add3A_1313 = arith.addi %mul3A_1311, %add3A_1312 : i32
        %add3A_1314 = vector.broadcast %add3A_1313 : i32 to vector<16xi32>
        %add3A_1315 = arith.addi %mul3A_1309, %add3A_1314 : vector<16xi32>
        %add3A_1316 = arith.constant 0 : i32
        %add3A_1317 = vector.broadcast %add3A_1316 : i32 to vector<16xi32>
        %add3A_1318 = arith.addi %iota3A, %add3A_1317 : vector<16xi32>
        %gather3A_1319 = tpu.vector_load_idx %arg5[%add3A_1318, %add3A_1315] : memref<128x50xi32, #tpu.memory_space<vmem>>[vector<16xi32>, vector<16xi32>], vector<16xi32>,
        %swap3A_1320 = arith.constant 0 : i32
        %swap3A_1321 = arith.constant 1 : i32
        %swap3A_1322 = arith.constant 0 : i32
        %swap3A_1323 = arith.constant 0 : i32
        %swap3A_1324 = tpu.memref_slice %arg6[%swap3A_1320, %swap3A_1322, %swap3A_1323] : memref<2x5x128xi32, #tpu.memory_space<vmem>> -> memref<1x5x128xi32, #tpu.memory_space<vmem>>
        %swap3A_1325 = tpu.memref_squeeze %swap3A_1324 : memref<1x5x128xi32, #tpu.memory_space<vmem>> -> memref<5x128xi32, #tpu.memory_space<vmem>>
        %swap3A_1326 = arith.index_cast %swap3A_1321 : i32 to index
        %swap3A_1327 = arith.constant 0 : index
        %swap3A_1328 = tpu.vector_load %swap3A_1325[%swap3A_1326, %swap3A_1327] {strides = array<i32>} : memref<5x128xi32, #tpu.memory_space<vmem>>, vector<16xi32>,
        tpu.vector_store %swap3A_1325[%swap3A_1326, %swap3A_1327], %gather3A_1319 {strides = array<i32>} : memref<5x128xi32, #tpu.memory_space<vmem>>, vector<16xi32>,
        %add3A_1329 = arith.constant 16 : i32
        %add3A_1330 = vector.broadcast %add3A_1329 : i32 to vector<16xi32>
        %add3A_1331 = arith.addi %iota3A, %add3A_1330 : vector<16xi32>
        %gather3A_1332 = tpu.vector_load_idx %arg5[%add3A_1331, %add3A_1315] : memref<128x50xi32, #tpu.memory_space<vmem>>[vector<16xi32>, vector<16xi32>], vector<16xi32>,
        %swap3A_1333 = arith.constant 0 : i32
        %swap3A_1334 = arith.constant 1 : i32
        %swap3A_1335 = arith.constant 0 : i32
        %swap3A_1336 = arith.constant 0 : i32
        %swap3A_1337 = tpu.memref_slice %arg6[%swap3A_1333, %swap3A_1335, %swap3A_1336] : memref<2x5x128xi32, #tpu.memory_space<vmem>> -> memref<1x5x128xi32, #tpu.memory_space<vmem>>
        %swap3A_1338 = tpu.memref_squeeze %swap3A_1337 : memref<1x5x128xi32, #tpu.memory_space<vmem>> -> memref<5x128xi32, #tpu.memory_space<vmem>>
        %swap3A_1339 = arith.index_cast %swap3A_1334 : i32 to index
        %swap3A_1340 = arith.constant 16 : index
        %swap3A_1341 = tpu.vector_load %swap3A_1338[%swap3A_1339, %swap3A_1340] {strides = array<i32>} : memref<5x128xi32, #tpu.memory_space<vmem>>, vector<16xi32>,
        tpu.vector_store %swap3A_1338[%swap3A_1339, %swap3A_1340], %gather3A_1332 {strides = array<i32>} : memref<5x128xi32, #tpu.memory_space<vmem>>, vector<16xi32>,
        %add3A_1342 = arith.constant 32 : i32
        %add3A_1343 = vector.broadcast %add3A_1342 : i32 to vector<16xi32>
        %add3A_1344 = arith.addi %iota3A, %add3A_1343 : vector<16xi32>
        %gather3A_1345 = tpu.vector_load_idx %arg5[%add3A_1344, %add3A_1315] : memref<128x50xi32, #tpu.memory_space<vmem>>[vector<16xi32>, vector<16xi32>], vector<16xi32>,
        %swap3A_1346 = arith.constant 0 : i32
        %swap3A_1347 = arith.constant 1 : i32
        %swap3A_1348 = arith.constant 0 : i32
        %swap3A_1349 = arith.constant 0 : i32
        %swap3A_1350 = tpu.memref_slice %arg6[%swap3A_1346, %swap3A_1348, %swap3A_1349] : memref<2x5x128xi32, #tpu.memory_space<vmem>> -> memref<1x5x128xi32, #tpu.memory_space<vmem>>
        %swap3A_1351 = tpu.memref_squeeze %swap3A_1350 : memref<1x5x128xi32, #tpu.memory_space<vmem>> -> memref<5x128xi32, #tpu.memory_space<vmem>>
        %swap3A_1352 = arith.index_cast %swap3A_1347 : i32 to index
        %swap3A_1353 = arith.constant 32 : index
        %swap3A_1354 = tpu.vector_load %swap3A_1351[%swap3A_1352, %swap3A_1353] {strides = array<i32>} : memref<5x128xi32, #tpu.memory_space<vmem>>, vector<16xi32>,
        tpu.vector_store %swap3A_1351[%swap3A_1352, %swap3A_1353], %gather3A_1345 {strides = array<i32>} : memref<5x128xi32, #tpu.memory_space<vmem>>, vector<16xi32>,
        %add3A_1355 = arith.constant 48 : i32
        %add3A_1356 = vector.broadcast %add3A_1355 : i32 to vector<16xi32>
        %add3A_1357 = arith.addi %iota3A, %add3A_1356 : vector<16xi32>
        %gather3A_1358 = tpu.vector_load_idx %arg5[%add3A_1357, %add3A_1315] : memref<128x50xi32, #tpu.memory_space<vmem>>[vector<16xi32>, vector<16xi32>], vector<16xi32>,
        %swap3A_1359 = arith.constant 0 : i32
        %swap3A_1360 = arith.constant 1 : i32
        %swap3A_1361 = arith.constant 0 : i32
        %swap3A_1362 = arith.constant 0 : i32
        %swap3A_1363 = tpu.memref_slice %arg6[%swap3A_1359, %swap3A_1361, %swap3A_1362] : memref<2x5x128xi32, #tpu.memory_space<vmem>> -> memref<1x5x128xi32, #tpu.memory_space<vmem>>
        %swap3A_1364 = tpu.memref_squeeze %swap3A_1363 : memref<1x5x128xi32, #tpu.memory_space<vmem>> -> memref<5x128xi32, #tpu.memory_space<vmem>>
        %swap3A_1365 = arith.index_cast %swap3A_1360 : i32 to index
        %swap3A_1366 = arith.constant 48 : index
        %swap3A_1367 = tpu.vector_load %swap3A_1364[%swap3A_1365, %swap3A_1366] {strides = array<i32>} : memref<5x128xi32, #tpu.memory_space<vmem>>, vector<16xi32>,
        tpu.vector_store %swap3A_1364[%swap3A_1365, %swap3A_1366], %gather3A_1358 {strides = array<i32>} : memref<5x128xi32, #tpu.memory_space<vmem>>, vector<16xi32>,
        %add3A_1368 = arith.constant 64 : i32
        %add3A_1369 = vector.broadcast %add3A_1368 : i32 to vector<16xi32>
        %add3A_1370 = arith.addi %iota3A, %add3A_1369 : vector<16xi32>
        %gather3A_1371 = tpu.vector_load_idx %arg5[%add3A_1370, %add3A_1315] : memref<128x50xi32, #tpu.memory_space<vmem>>[vector<16xi32>, vector<16xi32>], vector<16xi32>,
        %swap3A_1372 = arith.constant 0 : i32
        %swap3A_1373 = arith.constant 1 : i32
        %swap3A_1374 = arith.constant 0 : i32
        %swap3A_1375 = arith.constant 0 : i32
        %swap3A_1376 = tpu.memref_slice %arg6[%swap3A_1372, %swap3A_1374, %swap3A_1375] : memref<2x5x128xi32, #tpu.memory_space<vmem>> -> memref<1x5x128xi32, #tpu.memory_space<vmem>>
        %swap3A_1377 = tpu.memref_squeeze %swap3A_1376 : memref<1x5x128xi32, #tpu.memory_space<vmem>> -> memref<5x128xi32, #tpu.memory_space<vmem>>
        %swap3A_1378 = arith.index_cast %swap3A_1373 : i32 to index
        %swap3A_1379 = arith.constant 64 : index
        %swap3A_1380 = tpu.vector_load %swap3A_1377[%swap3A_1378, %swap3A_1379] {strides = array<i32>} : memref<5x128xi32, #tpu.memory_space<vmem>>, vector<16xi32>,
        tpu.vector_store %swap3A_1377[%swap3A_1378, %swap3A_1379], %gather3A_1371 {strides = array<i32>} : memref<5x128xi32, #tpu.memory_space<vmem>>, vector<16xi32>,
        %add3A_1381 = arith.constant 80 : i32
        %add3A_1382 = vector.broadcast %add3A_1381 : i32 to vector<16xi32>
        %add3A_1383 = arith.addi %iota3A, %add3A_1382 : vector<16xi32>
        %gather3A_1384 = tpu.vector_load_idx %arg5[%add3A_1383, %add3A_1315] : memref<128x50xi32, #tpu.memory_space<vmem>>[vector<16xi32>, vector<16xi32>], vector<16xi32>,
        %swap3A_1385 = arith.constant 0 : i32
        %swap3A_1386 = arith.constant 1 : i32
        %swap3A_1387 = arith.constant 0 : i32
        %swap3A_1388 = arith.constant 0 : i32
        %swap3A_1389 = tpu.memref_slice %arg6[%swap3A_1385, %swap3A_1387, %swap3A_1388] : memref<2x5x128xi32, #tpu.memory_space<vmem>> -> memref<1x5x128xi32, #tpu.memory_space<vmem>>
        %swap3A_1390 = tpu.memref_squeeze %swap3A_1389 : memref<1x5x128xi32, #tpu.memory_space<vmem>> -> memref<5x128xi32, #tpu.memory_space<vmem>>
        %swap3A_1391 = arith.index_cast %swap3A_1386 : i32 to index
        %swap3A_1392 = arith.constant 80 : index
        %swap3A_1393 = tpu.vector_load %swap3A_1390[%swap3A_1391, %swap3A_1392] {strides = array<i32>} : memref<5x128xi32, #tpu.memory_space<vmem>>, vector<16xi32>,
        tpu.vector_store %swap3A_1390[%swap3A_1391, %swap3A_1392], %gather3A_1384 {strides = array<i32>} : memref<5x128xi32, #tpu.memory_space<vmem>>, vector<16xi32>,
        %add3A_1394 = arith.constant 96 : i32
        %add3A_1395 = vector.broadcast %add3A_1394 : i32 to vector<16xi32>
        %add3A_1396 = arith.addi %iota3A, %add3A_1395 : vector<16xi32>
        %gather3A_1397 = tpu.vector_load_idx %arg5[%add3A_1396, %add3A_1315] : memref<128x50xi32, #tpu.memory_space<vmem>>[vector<16xi32>, vector<16xi32>], vector<16xi32>,
        %swap3A_1398 = arith.constant 0 : i32
        %swap3A_1399 = arith.constant 1 : i32
        %swap3A_1400 = arith.constant 0 : i32
        %swap3A_1401 = arith.constant 0 : i32
        %swap3A_1402 = tpu.memref_slice %arg6[%swap3A_1398, %swap3A_1400, %swap3A_1401] : memref<2x5x128xi32, #tpu.memory_space<vmem>> -> memref<1x5x128xi32, #tpu.memory_space<vmem>>
        %swap3A_1403 = tpu.memref_squeeze %swap3A_1402 : memref<1x5x128xi32, #tpu.memory_space<vmem>> -> memref<5x128xi32, #tpu.memory_space<vmem>>
        %swap3A_1404 = arith.index_cast %swap3A_1399 : i32 to index
        %swap3A_1405 = arith.constant 96 : index
        %swap3A_1406 = tpu.vector_load %swap3A_1403[%swap3A_1404, %swap3A_1405] {strides = array<i32>} : memref<5x128xi32, #tpu.memory_space<vmem>>, vector<16xi32>,
        tpu.vector_store %swap3A_1403[%swap3A_1404, %swap3A_1405], %gather3A_1397 {strides = array<i32>} : memref<5x128xi32, #tpu.memory_space<vmem>>, vector<16xi32>,
        %add3A_1407 = arith.constant 112 : i32
        %add3A_1408 = vector.broadcast %add3A_1407 : i32 to vector<16xi32>
        %add3A_1409 = arith.addi %iota3A, %add3A_1408 : vector<16xi32>
        %gather3A_1410 = tpu.vector_load_idx %arg5[%add3A_1409, %add3A_1315] : memref<128x50xi32, #tpu.memory_space<vmem>>[vector<16xi32>, vector<16xi32>], vector<16xi32>,
        %swap3A_1411 = arith.constant 0 : i32
        %swap3A_1412 = arith.constant 1 : i32
        %swap3A_1413 = arith.constant 0 : i32
        %swap3A_1414 = arith.constant 0 : i32
        %swap3A_1415 = tpu.memref_slice %arg6[%swap3A_1411, %swap3A_1413, %swap3A_1414] : memref<2x5x128xi32, #tpu.memory_space<vmem>> -> memref<1x5x128xi32, #tpu.memory_space<vmem>>
        %swap3A_1416 = tpu.memref_squeeze %swap3A_1415 : memref<1x5x128xi32, #tpu.memory_space<vmem>> -> memref<5x128xi32, #tpu.memory_space<vmem>>
        %swap3A_1417 = arith.index_cast %swap3A_1412 : i32 to index
        %swap3A_1418 = arith.constant 112 : index
        %swap3A_1419 = tpu.vector_load %swap3A_1416[%swap3A_1417, %swap3A_1418] {strides = array<i32>} : memref<5x128xi32, #tpu.memory_space<vmem>>, vector<16xi32>,
        tpu.vector_store %swap3A_1416[%swap3A_1417, %swap3A_1418], %gather3A_1410 {strides = array<i32>} : memref<5x128xi32, #tpu.memory_space<vmem>>, vector<16xi32>,
        %mul3A_1420 = arith.constant 0 : i32
        %mul3A_1421 = vector.broadcast %mul3A_1420 : i32 to vector<16xi32>
        %mul3A_1422 = arith.muli %iota3A, %mul3A_1421 : vector<16xi32>
        %mul3A_1423 = arith.constant 5 : i32
        %mul3A_1424 = arith.muli %select_n3A_1129, %mul3A_1423 : i32
        %add3A_1425 = arith.constant 2 : i32
        %add3A_1426 = arith.addi %mul3A_1424, %add3A_1425 : i32
        %add3A_1427 = vector.broadcast %add3A_1426 : i32 to vector<16xi32>
        %add3A_1428 = arith.addi %mul3A_1422, %add3A_1427 : vector<16xi32>
        %add3A_1429 = arith.constant 0 : i32
        %add3A_1430 = vector.broadcast %add3A_1429 : i32 to vector<16xi32>
        %add3A_1431 = arith.addi %iota3A, %add3A_1430 : vector<16xi32>
        %gather3A_1432 = tpu.vector_load_idx %arg5[%add3A_1431, %add3A_1428] : memref<128x50xi32, #tpu.memory_space<vmem>>[vector<16xi32>, vector<16xi32>], vector<16xi32>,
        %swap3A_1433 = arith.constant 0 : i32
        %swap3A_1434 = arith.constant 2 : i32
        %swap3A_1435 = arith.constant 0 : i32
        %swap3A_1436 = arith.constant 0 : i32
        %swap3A_1437 = tpu.memref_slice %arg6[%swap3A_1433, %swap3A_1435, %swap3A_1436] : memref<2x5x128xi32, #tpu.memory_space<vmem>> -> memref<1x5x128xi32, #tpu.memory_space<vmem>>
        %swap3A_1438 = tpu.memref_squeeze %swap3A_1437 : memref<1x5x128xi32, #tpu.memory_space<vmem>> -> memref<5x128xi32, #tpu.memory_space<vmem>>
        %swap3A_1439 = arith.index_cast %swap3A_1434 : i32 to index
        %swap3A_1440 = arith.constant 0 : index
        %swap3A_1441 = tpu.vector_load %swap3A_1438[%swap3A_1439, %swap3A_1440] {strides = array<i32>} : memref<5x128xi32, #tpu.memory_space<vmem>>, vector<16xi32>,
        tpu.vector_store %swap3A_1438[%swap3A_1439, %swap3A_1440], %gather3A_1432 {strides = array<i32>} : memref<5x128xi32, #tpu.memory_space<vmem>>, vector<16xi32>,
        %add3A_1442 = arith.constant 16 : i32
        %add3A_1443 = vector.broadcast %add3A_1442 : i32 to vector<16xi32>
        %add3A_1444 = arith.addi %iota3A, %add3A_1443 : vector<16xi32>
        %gather3A_1445 = tpu.vector_load_idx %arg5[%add3A_1444, %add3A_1428] : memref<128x50xi32, #tpu.memory_space<vmem>>[vector<16xi32>, vector<16xi32>], vector<16xi32>,
        %swap3A_1446 = arith.constant 0 : i32
        %swap3A_1447 = arith.constant 2 : i32
        %swap3A_1448 = arith.constant 0 : i32
        %swap3A_1449 = arith.constant 0 : i32
        %swap3A_1450 = tpu.memref_slice %arg6[%swap3A_1446, %swap3A_1448, %swap3A_1449] : memref<2x5x128xi32, #tpu.memory_space<vmem>> -> memref<1x5x128xi32, #tpu.memory_space<vmem>>
        %swap3A_1451 = tpu.memref_squeeze %swap3A_1450 : memref<1x5x128xi32, #tpu.memory_space<vmem>> -> memref<5x128xi32, #tpu.memory_space<vmem>>
        %swap3A_1452 = arith.index_cast %swap3A_1447 : i32 to index
        %swap3A_1453 = arith.constant 16 : index
        %swap3A_1454 = tpu.vector_load %swap3A_1451[%swap3A_1452, %swap3A_1453] {strides = array<i32>} : memref<5x128xi32, #tpu.memory_space<vmem>>, vector<16xi32>,
        tpu.vector_store %swap3A_1451[%swap3A_1452, %swap3A_1453], %gather3A_1445 {strides = array<i32>} : memref<5x128xi32, #tpu.memory_space<vmem>>, vector<16xi32>,
        %add3A_1455 = arith.constant 32 : i32
        %add3A_1456 = vector.broadcast %add3A_1455 : i32 to vector<16xi32>
        %add3A_1457 = arith.addi %iota3A, %add3A_1456 : vector<16xi32>
        %gather3A_1458 = tpu.vector_load_idx %arg5[%add3A_1457, %add3A_1428] : memref<128x50xi32, #tpu.memory_space<vmem>>[vector<16xi32>, vector<16xi32>], vector<16xi32>,
        %swap3A_1459 = arith.constant 0 : i32
        %swap3A_1460 = arith.constant 2 : i32
        %swap3A_1461 = arith.constant 0 : i32
        %swap3A_1462 = arith.constant 0 : i32
        %swap3A_1463 = tpu.memref_slice %arg6[%swap3A_1459, %swap3A_1461, %swap3A_1462] : memref<2x5x128xi32, #tpu.memory_space<vmem>> -> memref<1x5x128xi32, #tpu.memory_space<vmem>>
        %swap3A_1464 = tpu.memref_squeeze %swap3A_1463 : memref<1x5x128xi32, #tpu.memory_space<vmem>> -> memref<5x128xi32, #tpu.memory_space<vmem>>
        %swap3A_1465 = arith.index_cast %swap3A_1460 : i32 to index
        %swap3A_1466 = arith.constant 32 : index
        %swap3A_1467 = tpu.vector_load %swap3A_1464[%swap3A_1465, %swap3A_1466] {strides = array<i32>} : memref<5x128xi32, #tpu.memory_space<vmem>>, vector<16xi32>,
        tpu.vector_store %swap3A_1464[%swap3A_1465, %swap3A_1466], %gather3A_1458 {strides = array<i32>} : memref<5x128xi32, #tpu.memory_space<vmem>>, vector<16xi32>,
        %add3A_1468 = arith.constant 48 : i32
        %add3A_1469 = vector.broadcast %add3A_1468 : i32 to vector<16xi32>
        %add3A_1470 = arith.addi %iota3A, %add3A_1469 : vector<16xi32>
        %gather3A_1471 = tpu.vector_load_idx %arg5[%add3A_1470, %add3A_1428] : memref<128x50xi32, #tpu.memory_space<vmem>>[vector<16xi32>, vector<16xi32>], vector<16xi32>,
        %swap3A_1472 = arith.constant 0 : i32
        %swap3A_1473 = arith.constant 2 : i32
        %swap3A_1474 = arith.constant 0 : i32
        %swap3A_1475 = arith.constant 0 : i32
        %swap3A_1476 = tpu.memref_slice %arg6[%swap3A_1472, %swap3A_1474, %swap3A_1475] : memref<2x5x128xi32, #tpu.memory_space<vmem>> -> memref<1x5x128xi32, #tpu.memory_space<vmem>>
        %swap3A_1477 = tpu.memref_squeeze %swap3A_1476 : memref<1x5x128xi32, #tpu.memory_space<vmem>> -> memref<5x128xi32, #tpu.memory_space<vmem>>
        %swap3A_1478 = arith.index_cast %swap3A_1473 : i32 to index
        %swap3A_1479 = arith.constant 48 : index
        %swap3A_1480 = tpu.vector_load %swap3A_1477[%swap3A_1478, %swap3A_1479] {strides = array<i32>} : memref<5x128xi32, #tpu.memory_space<vmem>>, vector<16xi32>,
        tpu.vector_store %swap3A_1477[%swap3A_1478, %swap3A_1479], %gather3A_1471 {strides = array<i32>} : memref<5x128xi32, #tpu.memory_space<vmem>>, vector<16xi32>,
        %add3A_1481 = arith.constant 64 : i32
        %add3A_1482 = vector.broadcast %add3A_1481 : i32 to vector<16xi32>
        %add3A_1483 = arith.addi %iota3A, %add3A_1482 : vector<16xi32>
        %gather3A_1484 = tpu.vector_load_idx %arg5[%add3A_1483, %add3A_1428] : memref<128x50xi32, #tpu.memory_space<vmem>>[vector<16xi32>, vector<16xi32>], vector<16xi32>,
        %swap3A_1485 = arith.constant 0 : i32
        %swap3A_1486 = arith.constant 2 : i32
        %swap3A_1487 = arith.constant 0 : i32
        %swap3A_1488 = arith.constant 0 : i32
        %swap3A_1489 = tpu.memref_slice %arg6[%swap3A_1485, %swap3A_1487, %swap3A_1488] : memref<2x5x128xi32, #tpu.memory_space<vmem>> -> memref<1x5x128xi32, #tpu.memory_space<vmem>>
        %swap3A_1490 = tpu.memref_squeeze %swap3A_1489 : memref<1x5x128xi32, #tpu.memory_space<vmem>> -> memref<5x128xi32, #tpu.memory_space<vmem>>
        %swap3A_1491 = arith.index_cast %swap3A_1486 : i32 to index
        %swap3A_1492 = arith.constant 64 : index
        %swap3A_1493 = tpu.vector_load %swap3A_1490[%swap3A_1491, %swap3A_1492] {strides = array<i32>} : memref<5x128xi32, #tpu.memory_space<vmem>>, vector<16xi32>,
        tpu.vector_store %swap3A_1490[%swap3A_1491, %swap3A_1492], %gather3A_1484 {strides = array<i32>} : memref<5x128xi32, #tpu.memory_space<vmem>>, vector<16xi32>,
        %add3A_1494 = arith.constant 80 : i32
        %add3A_1495 = vector.broadcast %add3A_1494 : i32 to vector<16xi32>
        %add3A_1496 = arith.addi %iota3A, %add3A_1495 : vector<16xi32>
        %gather3A_1497 = tpu.vector_load_idx %arg5[%add3A_1496, %add3A_1428] : memref<128x50xi32, #tpu.memory_space<vmem>>[vector<16xi32>, vector<16xi32>], vector<16xi32>,
        %swap3A_1498 = arith.constant 0 : i32
        %swap3A_1499 = arith.constant 2 : i32
        %swap3A_1500 = arith.constant 0 : i32
        %swap3A_1501 = arith.constant 0 : i32
        %swap3A_1502 = tpu.memref_slice %arg6[%swap3A_1498, %swap3A_1500, %swap3A_1501] : memref<2x5x128xi32, #tpu.memory_space<vmem>> -> memref<1x5x128xi32, #tpu.memory_space<vmem>>
        %swap3A_1503 = tpu.memref_squeeze %swap3A_1502 : memref<1x5x128xi32, #tpu.memory_space<vmem>> -> memref<5x128xi32, #tpu.memory_space<vmem>>
        %swap3A_1504 = arith.index_cast %swap3A_1499 : i32 to index
        %swap3A_1505 = arith.constant 80 : index
        %swap3A_1506 = tpu.vector_load %swap3A_1503[%swap3A_1504, %swap3A_1505] {strides = array<i32>} : memref<5x128xi32, #tpu.memory_space<vmem>>, vector<16xi32>,
        tpu.vector_store %swap3A_1503[%swap3A_1504, %swap3A_1505], %gather3A_1497 {strides = array<i32>} : memref<5x128xi32, #tpu.memory_space<vmem>>, vector<16xi32>,
        %add3A_1507 = arith.constant 96 : i32
        %add3A_1508 = vector.broadcast %add3A_1507 : i32 to vector<16xi32>
        %add3A_1509 = arith.addi %iota3A, %add3A_1508 : vector<16xi32>
        %gather3A_1510 = tpu.vector_load_idx %arg5[%add3A_1509, %add3A_1428] : memref<128x50xi32, #tpu.memory_space<vmem>>[vector<16xi32>, vector<16xi32>], vector<16xi32>,
        %swap3A_1511 = arith.constant 0 : i32
        %swap3A_1512 = arith.constant 2 : i32
        %swap3A_1513 = arith.constant 0 : i32
        %swap3A_1514 = arith.constant 0 : i32
        %swap3A_1515 = tpu.memref_slice %arg6[%swap3A_1511, %swap3A_1513, %swap3A_1514] : memref<2x5x128xi32, #tpu.memory_space<vmem>> -> memref<1x5x128xi32, #tpu.memory_space<vmem>>
        %swap3A_1516 = tpu.memref_squeeze %swap3A_1515 : memref<1x5x128xi32, #tpu.memory_space<vmem>> -> memref<5x128xi32, #tpu.memory_space<vmem>>
        %swap3A_1517 = arith.index_cast %swap3A_1512 : i32 to index
        %swap3A_1518 = arith.constant 96 : index
        %swap3A_1519 = tpu.vector_load %swap3A_1516[%swap3A_1517, %swap3A_1518] {strides = array<i32>} : memref<5x128xi32, #tpu.memory_space<vmem>>, vector<16xi32>,
        tpu.vector_store %swap3A_1516[%swap3A_1517, %swap3A_1518], %gather3A_1510 {strides = array<i32>} : memref<5x128xi32, #tpu.memory_space<vmem>>, vector<16xi32>,
        %add3A_1520 = arith.constant 112 : i32
        %add3A_1521 = vector.broadcast %add3A_1520 : i32 to vector<16xi32>
        %add3A_1522 = arith.addi %iota3A, %add3A_1521 : vector<16xi32>
        %gather3A_1523 = tpu.vector_load_idx %arg5[%add3A_1522, %add3A_1428] : memref<128x50xi32, #tpu.memory_space<vmem>>[vector<16xi32>, vector<16xi32>], vector<16xi32>,
        %swap3A_1524 = arith.constant 0 : i32
        %swap3A_1525 = arith.constant 2 : i32
        %swap3A_1526 = arith.constant 0 : i32
        %swap3A_1527 = arith.constant 0 : i32
        %swap3A_1528 = tpu.memref_slice %arg6[%swap3A_1524, %swap3A_1526, %swap3A_1527] : memref<2x5x128xi32, #tpu.memory_space<vmem>> -> memref<1x5x128xi32, #tpu.memory_space<vmem>>
        %swap3A_1529 = tpu.memref_squeeze %swap3A_1528 : memref<1x5x128xi32, #tpu.memory_space<vmem>> -> memref<5x128xi32, #tpu.memory_space<vmem>>
        %swap3A_1530 = arith.index_cast %swap3A_1525 : i32 to index
        %swap3A_1531 = arith.constant 112 : index
        %swap3A_1532 = tpu.vector_load %swap3A_1529[%swap3A_1530, %swap3A_1531] {strides = array<i32>} : memref<5x128xi32, #tpu.memory_space<vmem>>, vector<16xi32>,
        tpu.vector_store %swap3A_1529[%swap3A_1530, %swap3A_1531], %gather3A_1523 {strides = array<i32>} : memref<5x128xi32, #tpu.memory_space<vmem>>, vector<16xi32>,
        %mul3A_1533 = arith.constant 0 : i32
        %mul3A_1534 = vector.broadcast %mul3A_1533 : i32 to vector<16xi32>
        %mul3A_1535 = arith.muli %iota3A, %mul3A_1534 : vector<16xi32>
        %mul3A_1536 = arith.constant 5 : i32
        %mul3A_1537 = arith.muli %select_n3A_1129, %mul3A_1536 : i32
        %add3A_1538 = arith.constant 3 : i32
        %add3A_1539 = arith.addi %mul3A_1537, %add3A_1538 : i32
        %add3A_1540 = vector.broadcast %add3A_1539 : i32 to vector<16xi32>
        %add3A_1541 = arith.addi %mul3A_1535, %add3A_1540 : vector<16xi32>
        %add3A_1542 = arith.constant 0 : i32
        %add3A_1543 = vector.broadcast %add3A_1542 : i32 to vector<16xi32>
        %add3A_1544 = arith.addi %iota3A, %add3A_1543 : vector<16xi32>
        %gather3A_1545 = tpu.vector_load_idx %arg5[%add3A_1544, %add3A_1541] : memref<128x50xi32, #tpu.memory_space<vmem>>[vector<16xi32>, vector<16xi32>], vector<16xi32>,
        %swap3A_1546 = arith.constant 0 : i32
        %swap3A_1547 = arith.constant 3 : i32
        %swap3A_1548 = arith.constant 0 : i32
        %swap3A_1549 = arith.constant 0 : i32
        %swap3A_1550 = tpu.memref_slice %arg6[%swap3A_1546, %swap3A_1548, %swap3A_1549] : memref<2x5x128xi32, #tpu.memory_space<vmem>> -> memref<1x5x128xi32, #tpu.memory_space<vmem>>
        %swap3A_1551 = tpu.memref_squeeze %swap3A_1550 : memref<1x5x128xi32, #tpu.memory_space<vmem>> -> memref<5x128xi32, #tpu.memory_space<vmem>>
        %swap3A_1552 = arith.index_cast %swap3A_1547 : i32 to index
        %swap3A_1553 = arith.constant 0 : index
        %swap3A_1554 = tpu.vector_load %swap3A_1551[%swap3A_1552, %swap3A_1553] {strides = array<i32>} : memref<5x128xi32, #tpu.memory_space<vmem>>, vector<16xi32>,
        tpu.vector_store %swap3A_1551[%swap3A_1552, %swap3A_1553], %gather3A_1545 {strides = array<i32>} : memref<5x128xi32, #tpu.memory_space<vmem>>, vector<16xi32>,
        %add3A_1555 = arith.constant 16 : i32
        %add3A_1556 = vector.broadcast %add3A_1555 : i32 to vector<16xi32>
        %add3A_1557 = arith.addi %iota3A, %add3A_1556 : vector<16xi32>
        %gather3A_1558 = tpu.vector_load_idx %arg5[%add3A_1557, %add3A_1541] : memref<128x50xi32, #tpu.memory_space<vmem>>[vector<16xi32>, vector<16xi32>], vector<16xi32>,
        %swap3A_1559 = arith.constant 0 : i32
        %swap3A_1560 = arith.constant 3 : i32
        %swap3A_1561 = arith.constant 0 : i32
        %swap3A_1562 = arith.constant 0 : i32
        %swap3A_1563 = tpu.memref_slice %arg6[%swap3A_1559, %swap3A_1561, %swap3A_1562] : memref<2x5x128xi32, #tpu.memory_space<vmem>> -> memref<1x5x128xi32, #tpu.memory_space<vmem>>
        %swap3A_1564 = tpu.memref_squeeze %swap3A_1563 : memref<1x5x128xi32, #tpu.memory_space<vmem>> -> memref<5x128xi32, #tpu.memory_space<vmem>>
        %swap3A_1565 = arith.index_cast %swap3A_1560 : i32 to index
        %swap3A_1566 = arith.constant 16 : index
        %swap3A_1567 = tpu.vector_load %swap3A_1564[%swap3A_1565, %swap3A_1566] {strides = array<i32>} : memref<5x128xi32, #tpu.memory_space<vmem>>, vector<16xi32>,
        tpu.vector_store %swap3A_1564[%swap3A_1565, %swap3A_1566], %gather3A_1558 {strides = array<i32>} : memref<5x128xi32, #tpu.memory_space<vmem>>, vector<16xi32>,
        %add3A_1568 = arith.constant 32 : i32
        %add3A_1569 = vector.broadcast %add3A_1568 : i32 to vector<16xi32>
        %add3A_1570 = arith.addi %iota3A, %add3A_1569 : vector<16xi32>
        %gather3A_1571 = tpu.vector_load_idx %arg5[%add3A_1570, %add3A_1541] : memref<128x50xi32, #tpu.memory_space<vmem>>[vector<16xi32>, vector<16xi32>], vector<16xi32>,
        %swap3A_1572 = arith.constant 0 : i32
        %swap3A_1573 = arith.constant 3 : i32
        %swap3A_1574 = arith.constant 0 : i32
        %swap3A_1575 = arith.constant 0 : i32
        %swap3A_1576 = tpu.memref_slice %arg6[%swap3A_1572, %swap3A_1574, %swap3A_1575] : memref<2x5x128xi32, #tpu.memory_space<vmem>> -> memref<1x5x128xi32, #tpu.memory_space<vmem>>
        %swap3A_1577 = tpu.memref_squeeze %swap3A_1576 : memref<1x5x128xi32, #tpu.memory_space<vmem>> -> memref<5x128xi32, #tpu.memory_space<vmem>>
        %swap3A_1578 = arith.index_cast %swap3A_1573 : i32 to index
        %swap3A_1579 = arith.constant 32 : index
        %swap3A_1580 = tpu.vector_load %swap3A_1577[%swap3A_1578, %swap3A_1579] {strides = array<i32>} : memref<5x128xi32, #tpu.memory_space<vmem>>, vector<16xi32>,
        tpu.vector_store %swap3A_1577[%swap3A_1578, %swap3A_1579], %gather3A_1571 {strides = array<i32>} : memref<5x128xi32, #tpu.memory_space<vmem>>, vector<16xi32>,
        %add3A_1581 = arith.constant 48 : i32
        %add3A_1582 = vector.broadcast %add3A_1581 : i32 to vector<16xi32>
        %add3A_1583 = arith.addi %iota3A, %add3A_1582 : vector<16xi32>
        %gather3A_1584 = tpu.vector_load_idx %arg5[%add3A_1583, %add3A_1541] : memref<128x50xi32, #tpu.memory_space<vmem>>[vector<16xi32>, vector<16xi32>], vector<16xi32>,
        %swap3A_1585 = arith.constant 0 : i32
        %swap3A_1586 = arith.constant 3 : i32
        %swap3A_1587 = arith.constant 0 : i32
        %swap3A_1588 = arith.constant 0 : i32
        %swap3A_1589 = tpu.memref_slice %arg6[%swap3A_1585, %swap3A_1587, %swap3A_1588] : memref<2x5x128xi32, #tpu.memory_space<vmem>> -> memref<1x5x128xi32, #tpu.memory_space<vmem>>
        %swap3A_1590 = tpu.memref_squeeze %swap3A_1589 : memref<1x5x128xi32, #tpu.memory_space<vmem>> -> memref<5x128xi32, #tpu.memory_space<vmem>>
        %swap3A_1591 = arith.index_cast %swap3A_1586 : i32 to index
        %swap3A_1592 = arith.constant 48 : index
        %swap3A_1593 = tpu.vector_load %swap3A_1590[%swap3A_1591, %swap3A_1592] {strides = array<i32>} : memref<5x128xi32, #tpu.memory_space<vmem>>, vector<16xi32>,
        tpu.vector_store %swap3A_1590[%swap3A_1591, %swap3A_1592], %gather3A_1584 {strides = array<i32>} : memref<5x128xi32, #tpu.memory_space<vmem>>, vector<16xi32>,
        %add3A_1594 = arith.constant 64 : i32
        %add3A_1595 = vector.broadcast %add3A_1594 : i32 to vector<16xi32>
        %add3A_1596 = arith.addi %iota3A, %add3A_1595 : vector<16xi32>
        %gather3A_1597 = tpu.vector_load_idx %arg5[%add3A_1596, %add3A_1541] : memref<128x50xi32, #tpu.memory_space<vmem>>[vector<16xi32>, vector<16xi32>], vector<16xi32>,
        %swap3A_1598 = arith.constant 0 : i32
        %swap3A_1599 = arith.constant 3 : i32
        %swap3A_1600 = arith.constant 0 : i32
        %swap3A_1601 = arith.constant 0 : i32
        %swap3A_1602 = tpu.memref_slice %arg6[%swap3A_1598, %swap3A_1600, %swap3A_1601] : memref<2x5x128xi32, #tpu.memory_space<vmem>> -> memref<1x5x128xi32, #tpu.memory_space<vmem>>
        %swap3A_1603 = tpu.memref_squeeze %swap3A_1602 : memref<1x5x128xi32, #tpu.memory_space<vmem>> -> memref<5x128xi32, #tpu.memory_space<vmem>>
        %swap3A_1604 = arith.index_cast %swap3A_1599 : i32 to index
        %swap3A_1605 = arith.constant 64 : index
        %swap3A_1606 = tpu.vector_load %swap3A_1603[%swap3A_1604, %swap3A_1605] {strides = array<i32>} : memref<5x128xi32, #tpu.memory_space<vmem>>, vector<16xi32>,
        tpu.vector_store %swap3A_1603[%swap3A_1604, %swap3A_1605], %gather3A_1597 {strides = array<i32>} : memref<5x128xi32, #tpu.memory_space<vmem>>, vector<16xi32>,
        %add3A_1607 = arith.constant 80 : i32
        %add3A_1608 = vector.broadcast %add3A_1607 : i32 to vector<16xi32>
        %add3A_1609 = arith.addi %iota3A, %add3A_1608 : vector<16xi32>
        %gather3A_1610 = tpu.vector_load_idx %arg5[%add3A_1609, %add3A_1541] : memref<128x50xi32, #tpu.memory_space<vmem>>[vector<16xi32>, vector<16xi32>], vector<16xi32>,
        %swap3A_1611 = arith.constant 0 : i32
        %swap3A_1612 = arith.constant 3 : i32
        %swap3A_1613 = arith.constant 0 : i32
        %swap3A_1614 = arith.constant 0 : i32
        %swap3A_1615 = tpu.memref_slice %arg6[%swap3A_1611, %swap3A_1613, %swap3A_1614] : memref<2x5x128xi32, #tpu.memory_space<vmem>> -> memref<1x5x128xi32, #tpu.memory_space<vmem>>
        %swap3A_1616 = tpu.memref_squeeze %swap3A_1615 : memref<1x5x128xi32, #tpu.memory_space<vmem>> -> memref<5x128xi32, #tpu.memory_space<vmem>>
        %swap3A_1617 = arith.index_cast %swap3A_1612 : i32 to index
        %swap3A_1618 = arith.constant 80 : index
        %swap3A_1619 = tpu.vector_load %swap3A_1616[%swap3A_1617, %swap3A_1618] {strides = array<i32>} : memref<5x128xi32, #tpu.memory_space<vmem>>, vector<16xi32>,
        tpu.vector_store %swap3A_1616[%swap3A_1617, %swap3A_1618], %gather3A_1610 {strides = array<i32>} : memref<5x128xi32, #tpu.memory_space<vmem>>, vector<16xi32>,
        %add3A_1620 = arith.constant 96 : i32
        %add3A_1621 = vector.broadcast %add3A_1620 : i32 to vector<16xi32>
        %add3A_1622 = arith.addi %iota3A, %add3A_1621 : vector<16xi32>
        %gather3A_1623 = tpu.vector_load_idx %arg5[%add3A_1622, %add3A_1541] : memref<128x50xi32, #tpu.memory_space<vmem>>[vector<16xi32>, vector<16xi32>], vector<16xi32>,
        %swap3A_1624 = arith.constant 0 : i32
        %swap3A_1625 = arith.constant 3 : i32
        %swap3A_1626 = arith.constant 0 : i32
        %swap3A_1627 = arith.constant 0 : i32
        %swap3A_1628 = tpu.memref_slice %arg6[%swap3A_1624, %swap3A_1626, %swap3A_1627] : memref<2x5x128xi32, #tpu.memory_space<vmem>> -> memref<1x5x128xi32, #tpu.memory_space<vmem>>
        %swap3A_1629 = tpu.memref_squeeze %swap3A_1628 : memref<1x5x128xi32, #tpu.memory_space<vmem>> -> memref<5x128xi32, #tpu.memory_space<vmem>>
        %swap3A_1630 = arith.index_cast %swap3A_1625 : i32 to index
        %swap3A_1631 = arith.constant 96 : index
        %swap3A_1632 = tpu.vector_load %swap3A_1629[%swap3A_1630, %swap3A_1631] {strides = array<i32>} : memref<5x128xi32, #tpu.memory_space<vmem>>, vector<16xi32>,
        tpu.vector_store %swap3A_1629[%swap3A_1630, %swap3A_1631], %gather3A_1623 {strides = array<i32>} : memref<5x128xi32, #tpu.memory_space<vmem>>, vector<16xi32>,
        %add3A_1633 = arith.constant 112 : i32
        %add3A_1634 = vector.broadcast %add3A_1633 : i32 to vector<16xi32>
        %add3A_1635 = arith.addi %iota3A, %add3A_1634 : vector<16xi32>
        %gather3A_1636 = tpu.vector_load_idx %arg5[%add3A_1635, %add3A_1541] : memref<128x50xi32, #tpu.memory_space<vmem>>[vector<16xi32>, vector<16xi32>], vector<16xi32>,
        %swap3A_1637 = arith.constant 0 : i32
        %swap3A_1638 = arith.constant 3 : i32
        %swap3A_1639 = arith.constant 0 : i32
        %swap3A_1640 = arith.constant 0 : i32
        %swap3A_1641 = tpu.memref_slice %arg6[%swap3A_1637, %swap3A_1639, %swap3A_1640] : memref<2x5x128xi32, #tpu.memory_space<vmem>> -> memref<1x5x128xi32, #tpu.memory_space<vmem>>
        %swap3A_1642 = tpu.memref_squeeze %swap3A_1641 : memref<1x5x128xi32, #tpu.memory_space<vmem>> -> memref<5x128xi32, #tpu.memory_space<vmem>>
        %swap3A_1643 = arith.index_cast %swap3A_1638 : i32 to index
        %swap3A_1644 = arith.constant 112 : index
        %swap3A_1645 = tpu.vector_load %swap3A_1642[%swap3A_1643, %swap3A_1644] {strides = array<i32>} : memref<5x128xi32, #tpu.memory_space<vmem>>, vector<16xi32>,
        tpu.vector_store %swap3A_1642[%swap3A_1643, %swap3A_1644], %gather3A_1636 {strides = array<i32>} : memref<5x128xi32, #tpu.memory_space<vmem>>, vector<16xi32>,
        %mul3A_1646 = arith.constant 0 : i32
        %mul3A_1647 = vector.broadcast %mul3A_1646 : i32 to vector<16xi32>
        %mul3A_1648 = arith.muli %iota3A, %mul3A_1647 : vector<16xi32>
        %mul3A_1649 = arith.constant 5 : i32
        %mul3A_1650 = arith.muli %select_n3A_1129, %mul3A_1649 : i32
        %add3A_1651 = arith.constant 4 : i32
        %add3A_1652 = arith.addi %mul3A_1650, %add3A_1651 : i32
        %add3A_1653 = vector.broadcast %add3A_1652 : i32 to vector<16xi32>
        %add3A_1654 = arith.addi %mul3A_1648, %add3A_1653 : vector<16xi32>
        %add3A_1655 = arith.constant 0 : i32
        %add3A_1656 = vector.broadcast %add3A_1655 : i32 to vector<16xi32>
        %add3A_1657 = arith.addi %iota3A, %add3A_1656 : vector<16xi32>
        %gather3A_1658 = tpu.vector_load_idx %arg5[%add3A_1657, %add3A_1654] : memref<128x50xi32, #tpu.memory_space<vmem>>[vector<16xi32>, vector<16xi32>], vector<16xi32>,
        %swap3A_1659 = arith.constant 0 : i32
        %swap3A_1660 = arith.constant 4 : i32
        %swap3A_1661 = arith.constant 0 : i32
        %swap3A_1662 = arith.constant 0 : i32
        %swap3A_1663 = tpu.memref_slice %arg6[%swap3A_1659, %swap3A_1661, %swap3A_1662] : memref<2x5x128xi32, #tpu.memory_space<vmem>> -> memref<1x5x128xi32, #tpu.memory_space<vmem>>
        %swap3A_1664 = tpu.memref_squeeze %swap3A_1663 : memref<1x5x128xi32, #tpu.memory_space<vmem>> -> memref<5x128xi32, #tpu.memory_space<vmem>>
        %swap3A_1665 = arith.index_cast %swap3A_1660 : i32 to index
        %swap3A_1666 = arith.constant 0 : index
        %swap3A_1667 = tpu.vector_load %swap3A_1664[%swap3A_1665, %swap3A_1666] {strides = array<i32>} : memref<5x128xi32, #tpu.memory_space<vmem>>, vector<16xi32>,
        tpu.vector_store %swap3A_1664[%swap3A_1665, %swap3A_1666], %gather3A_1658 {strides = array<i32>} : memref<5x128xi32, #tpu.memory_space<vmem>>, vector<16xi32>,
        %add3A_1668 = arith.constant 16 : i32
        %add3A_1669 = vector.broadcast %add3A_1668 : i32 to vector<16xi32>
        %add3A_1670 = arith.addi %iota3A, %add3A_1669 : vector<16xi32>
        %gather3A_1671 = tpu.vector_load_idx %arg5[%add3A_1670, %add3A_1654] : memref<128x50xi32, #tpu.memory_space<vmem>>[vector<16xi32>, vector<16xi32>], vector<16xi32>,
        %swap3A_1672 = arith.constant 0 : i32
        %swap3A_1673 = arith.constant 4 : i32
        %swap3A_1674 = arith.constant 0 : i32
        %swap3A_1675 = arith.constant 0 : i32
        %swap3A_1676 = tpu.memref_slice %arg6[%swap3A_1672, %swap3A_1674, %swap3A_1675] : memref<2x5x128xi32, #tpu.memory_space<vmem>> -> memref<1x5x128xi32, #tpu.memory_space<vmem>>
        %swap3A_1677 = tpu.memref_squeeze %swap3A_1676 : memref<1x5x128xi32, #tpu.memory_space<vmem>> -> memref<5x128xi32, #tpu.memory_space<vmem>>
        %swap3A_1678 = arith.index_cast %swap3A_1673 : i32 to index
        %swap3A_1679 = arith.constant 16 : index
        %swap3A_1680 = tpu.vector_load %swap3A_1677[%swap3A_1678, %swap3A_1679] {strides = array<i32>} : memref<5x128xi32, #tpu.memory_space<vmem>>, vector<16xi32>,
        tpu.vector_store %swap3A_1677[%swap3A_1678, %swap3A_1679], %gather3A_1671 {strides = array<i32>} : memref<5x128xi32, #tpu.memory_space<vmem>>, vector<16xi32>,
        %add3A_1681 = arith.constant 32 : i32
        %add3A_1682 = vector.broadcast %add3A_1681 : i32 to vector<16xi32>
        %add3A_1683 = arith.addi %iota3A, %add3A_1682 : vector<16xi32>
        %gather3A_1684 = tpu.vector_load_idx %arg5[%add3A_1683, %add3A_1654] : memref<128x50xi32, #tpu.memory_space<vmem>>[vector<16xi32>, vector<16xi32>], vector<16xi32>,
        %swap3A_1685 = arith.constant 0 : i32
        %swap3A_1686 = arith.constant 4 : i32
        %swap3A_1687 = arith.constant 0 : i32
        %swap3A_1688 = arith.constant 0 : i32
        %swap3A_1689 = tpu.memref_slice %arg6[%swap3A_1685, %swap3A_1687, %swap3A_1688] : memref<2x5x128xi32, #tpu.memory_space<vmem>> -> memref<1x5x128xi32, #tpu.memory_space<vmem>>
        %swap3A_1690 = tpu.memref_squeeze %swap3A_1689 : memref<1x5x128xi32, #tpu.memory_space<vmem>> -> memref<5x128xi32, #tpu.memory_space<vmem>>
        %swap3A_1691 = arith.index_cast %swap3A_1686 : i32 to index
        %swap3A_1692 = arith.constant 32 : index
        %swap3A_1693 = tpu.vector_load %swap3A_1690[%swap3A_1691, %swap3A_1692] {strides = array<i32>} : memref<5x128xi32, #tpu.memory_space<vmem>>, vector<16xi32>,
        tpu.vector_store %swap3A_1690[%swap3A_1691, %swap3A_1692], %gather3A_1684 {strides = array<i32>} : memref<5x128xi32, #tpu.memory_space<vmem>>, vector<16xi32>,
        %add3A_1694 = arith.constant 48 : i32
        %add3A_1695 = vector.broadcast %add3A_1694 : i32 to vector<16xi32>
        %add3A_1696 = arith.addi %iota3A, %add3A_1695 : vector<16xi32>
        %gather3A_1697 = tpu.vector_load_idx %arg5[%add3A_1696, %add3A_1654] : memref<128x50xi32, #tpu.memory_space<vmem>>[vector<16xi32>, vector<16xi32>], vector<16xi32>,
        %swap3A_1698 = arith.constant 0 : i32
        %swap3A_1699 = arith.constant 4 : i32
        %swap3A_1700 = arith.constant 0 : i32
        %swap3A_1701 = arith.constant 0 : i32
        %swap3A_1702 = tpu.memref_slice %arg6[%swap3A_1698, %swap3A_1700, %swap3A_1701] : memref<2x5x128xi32, #tpu.memory_space<vmem>> -> memref<1x5x128xi32, #tpu.memory_space<vmem>>
        %swap3A_1703 = tpu.memref_squeeze %swap3A_1702 : memref<1x5x128xi32, #tpu.memory_space<vmem>> -> memref<5x128xi32, #tpu.memory_space<vmem>>
        %swap3A_1704 = arith.index_cast %swap3A_1699 : i32 to index
        %swap3A_1705 = arith.constant 48 : index
        %swap3A_1706 = tpu.vector_load %swap3A_1703[%swap3A_1704, %swap3A_1705] {strides = array<i32>} : memref<5x128xi32, #tpu.memory_space<vmem>>, vector<16xi32>,
        tpu.vector_store %swap3A_1703[%swap3A_1704, %swap3A_1705], %gather3A_1697 {strides = array<i32>} : memref<5x128xi32, #tpu.memory_space<vmem>>, vector<16xi32>,
        %add3A_1707 = arith.constant 64 : i32
        %add3A_1708 = vector.broadcast %add3A_1707 : i32 to vector<16xi32>
        %add3A_1709 = arith.addi %iota3A, %add3A_1708 : vector<16xi32>
        %gather3A_1710 = tpu.vector_load_idx %arg5[%add3A_1709, %add3A_1654] : memref<128x50xi32, #tpu.memory_space<vmem>>[vector<16xi32>, vector<16xi32>], vector<16xi32>,
        %swap3A_1711 = arith.constant 0 : i32
        %swap3A_1712 = arith.constant 4 : i32
        %swap3A_1713 = arith.constant 0 : i32
        %swap3A_1714 = arith.constant 0 : i32
        %swap3A_1715 = tpu.memref_slice %arg6[%swap3A_1711, %swap3A_1713, %swap3A_1714] : memref<2x5x128xi32, #tpu.memory_space<vmem>> -> memref<1x5x128xi32, #tpu.memory_space<vmem>>
        %swap3A_1716 = tpu.memref_squeeze %swap3A_1715 : memref<1x5x128xi32, #tpu.memory_space<vmem>> -> memref<5x128xi32, #tpu.memory_space<vmem>>
        %swap3A_1717 = arith.index_cast %swap3A_1712 : i32 to index
        %swap3A_1718 = arith.constant 64 : index
        %swap3A_1719 = tpu.vector_load %swap3A_1716[%swap3A_1717, %swap3A_1718] {strides = array<i32>} : memref<5x128xi32, #tpu.memory_space<vmem>>, vector<16xi32>,
        tpu.vector_store %swap3A_1716[%swap3A_1717, %swap3A_1718], %gather3A_1710 {strides = array<i32>} : memref<5x128xi32, #tpu.memory_space<vmem>>, vector<16xi32>,
        %add3A_1720 = arith.constant 80 : i32
        %add3A_1721 = vector.broadcast %add3A_1720 : i32 to vector<16xi32>
        %add3A_1722 = arith.addi %iota3A, %add3A_1721 : vector<16xi32>
        %gather3A_1723 = tpu.vector_load_idx %arg5[%add3A_1722, %add3A_1654] : memref<128x50xi32, #tpu.memory_space<vmem>>[vector<16xi32>, vector<16xi32>], vector<16xi32>,
        %swap3A_1724 = arith.constant 0 : i32
        %swap3A_1725 = arith.constant 4 : i32
        %swap3A_1726 = arith.constant 0 : i32
        %swap3A_1727 = arith.constant 0 : i32
        %swap3A_1728 = tpu.memref_slice %arg6[%swap3A_1724, %swap3A_1726, %swap3A_1727] : memref<2x5x128xi32, #tpu.memory_space<vmem>> -> memref<1x5x128xi32, #tpu.memory_space<vmem>>
        %swap3A_1729 = tpu.memref_squeeze %swap3A_1728 : memref<1x5x128xi32, #tpu.memory_space<vmem>> -> memref<5x128xi32, #tpu.memory_space<vmem>>
        %swap3A_1730 = arith.index_cast %swap3A_1725 : i32 to index
        %swap3A_1731 = arith.constant 80 : index
        %swap3A_1732 = tpu.vector_load %swap3A_1729[%swap3A_1730, %swap3A_1731] {strides = array<i32>} : memref<5x128xi32, #tpu.memory_space<vmem>>, vector<16xi32>,
        tpu.vector_store %swap3A_1729[%swap3A_1730, %swap3A_1731], %gather3A_1723 {strides = array<i32>} : memref<5x128xi32, #tpu.memory_space<vmem>>, vector<16xi32>,
        %add3A_1733 = arith.constant 96 : i32
        %add3A_1734 = vector.broadcast %add3A_1733 : i32 to vector<16xi32>
        %add3A_1735 = arith.addi %iota3A, %add3A_1734 : vector<16xi32>
        %gather3A_1736 = tpu.vector_load_idx %arg5[%add3A_1735, %add3A_1654] : memref<128x50xi32, #tpu.memory_space<vmem>>[vector<16xi32>, vector<16xi32>], vector<16xi32>,
        %swap3A_1737 = arith.constant 0 : i32
        %swap3A_1738 = arith.constant 4 : i32
        %swap3A_1739 = arith.constant 0 : i32
        %swap3A_1740 = arith.constant 0 : i32
        %swap3A_1741 = tpu.memref_slice %arg6[%swap3A_1737, %swap3A_1739, %swap3A_1740] : memref<2x5x128xi32, #tpu.memory_space<vmem>> -> memref<1x5x128xi32, #tpu.memory_space<vmem>>
        %swap3A_1742 = tpu.memref_squeeze %swap3A_1741 : memref<1x5x128xi32, #tpu.memory_space<vmem>> -> memref<5x128xi32, #tpu.memory_space<vmem>>
        %swap3A_1743 = arith.index_cast %swap3A_1738 : i32 to index
        %swap3A_1744 = arith.constant 96 : index
        %swap3A_1745 = tpu.vector_load %swap3A_1742[%swap3A_1743, %swap3A_1744] {strides = array<i32>} : memref<5x128xi32, #tpu.memory_space<vmem>>, vector<16xi32>,
        tpu.vector_store %swap3A_1742[%swap3A_1743, %swap3A_1744], %gather3A_1736 {strides = array<i32>} : memref<5x128xi32, #tpu.memory_space<vmem>>, vector<16xi32>,
        %add3A_1746 = arith.constant 112 : i32
        %add3A_1747 = vector.broadcast %add3A_1746 : i32 to vector<16xi32>
        %add3A_1748 = arith.addi %iota3A, %add3A_1747 : vector<16xi32>
        %gather3A_1749 = tpu.vector_load_idx %arg5[%add3A_1748, %add3A_1654] : memref<128x50xi32, #tpu.memory_space<vmem>>[vector<16xi32>, vector<16xi32>], vector<16xi32>,
        %swap3A_1750 = arith.constant 0 : i32
        %swap3A_1751 = arith.constant 4 : i32
        %swap3A_1752 = arith.constant 0 : i32
        %swap3A_1753 = arith.constant 0 : i32
        %swap3A_1754 = tpu.memref_slice %arg6[%swap3A_1750, %swap3A_1752, %swap3A_1753] : memref<2x5x128xi32, #tpu.memory_space<vmem>> -> memref<1x5x128xi32, #tpu.memory_space<vmem>>
        %swap3A_1755 = tpu.memref_squeeze %swap3A_1754 : memref<1x5x128xi32, #tpu.memory_space<vmem>> -> memref<5x128xi32, #tpu.memory_space<vmem>>
        %swap3A_1756 = arith.index_cast %swap3A_1751 : i32 to index
        %swap3A_1757 = arith.constant 112 : index
        %swap3A_1758 = tpu.vector_load %swap3A_1755[%swap3A_1756, %swap3A_1757] {strides = array<i32>} : memref<5x128xi32, #tpu.memory_space<vmem>>, vector<16xi32>,
        tpu.vector_store %swap3A_1755[%swap3A_1756, %swap3A_1757], %gather3A_1749 {strides = array<i32>} : memref<5x128xi32, #tpu.memory_space<vmem>>, vector<16xi32>,
        %dma_start3A_1759 = arith.constant 0 : i32
        %dma_start3A_1760 = arith.constant 0 : i32
        %dma_start3A_1761 = arith.constant 0 : i32
        %dma_start3A_1762 = arith.constant 0 : i32
        %dma_start3A_1763 = arith.constant 0 : i32
        %dma_start3A_1764 = tpu.memref_slice %arg7[%dma_start3A_1761, %dma_start3A_1762, %dma_start3A_1763] : memref<2x640x32xf32, #tpu.memory_space<vmem>> -> memref<1x640x32xf32, #tpu.memory_space<vmem>>
        %dma_start3A_1765 = tpu.memref_squeeze %dma_start3A_1764 : memref<1x640x32xf32, #tpu.memory_space<vmem>> -> memref<640x32xf32, #tpu.memory_space<vmem>>
        %dma_start3A_1766 = arith.constant 0 : i32
        %dma_start3A_1767 = arith.constant 0 : i32
        %dma_start3A_1768 = tpu.memref_slice %dma_start3A_1765[%dma_start3A_1766, %dma_start3A_1767] : memref<640x32xf32, #tpu.memory_space<vmem>> -> memref<128x32xf32, #tpu.memory_space<vmem>>
        %dma_start3A_1769 = arith.constant 0 : i32
        %dma_start3A_1770 = arith.constant 0 : i32
        %dma_start3A_1771 = tpu.memref_slice %arg6[%dma_start3A_1759, %dma_start3A_1769, %dma_start3A_1770] : memref<2x5x128xi32, #tpu.memory_space<vmem>> -> memref<1x5x128xi32, #tpu.memory_space<vmem>>
        %dma_start3A_1772 = tpu.memref_squeeze %dma_start3A_1771 : memref<1x5x128xi32, #tpu.memory_space<vmem>> -> memref<5x128xi32, #tpu.memory_space<vmem>>
        %dma_start3A_1773 = arith.constant 0 : i32
        %dma_start3A_1774 = tpu.memref_slice %dma_start3A_1772[%dma_start3A_1760, %dma_start3A_1773] : memref<5x128xi32, #tpu.memory_space<vmem>> -> memref<1x128xi32, #tpu.memory_space<vmem>>
        %dma_start3A_1775 = tpu.memref_squeeze %dma_start3A_1774 : memref<1x128xi32, #tpu.memory_space<vmem>> -> memref<128xi32, #tpu.memory_space<vmem>>
        %dma_start3A_1776 = arith.constant 0 : i32
        %dma_start3A_1777 = arith.constant 0 : i32
        %dma_start3A_1778 = tpu.memref_slice %arg3[%dma_start3A_1776, %dma_start3A_1777] : memref<1000000x32xf32, #tpu.memory_space<hbm>> -> memref<1000000x32xf32, #tpu.memory_space<hbm>>
        tpu.enqueue_indirect_dma source(%dma_start3A_1778 : memref<1000000x32xf32, #tpu.memory_space<hbm>>) target(%dma_start3A_1768 : memref<128x32xf32, #tpu.memory_space<vmem>>) offsets(%dma_start3A_1775 : memref<128xi32, #tpu.memory_space<vmem>>) semaphore(%arg10 : memref<!tpu.dma_semaphore, #tpu.memory_space<semaphore_mem>>)
        %dma_start3A_1779 = arith.constant 0 : i32
        %dma_start3A_1780 = arith.constant 1 : i32
        %dma_start3A_1781 = arith.constant 0 : i32
        %dma_start3A_1782 = arith.constant 0 : i32
        %dma_start3A_1783 = arith.constant 0 : i32
        %dma_start3A_1784 = tpu.memref_slice %arg7[%dma_start3A_1781, %dma_start3A_1782, %dma_start3A_1783] : memref<2x640x32xf32, #tpu.memory_space<vmem>> -> memref<1x640x32xf32, #tpu.memory_space<vmem>>
        %dma_start3A_1785 = tpu.memref_squeeze %dma_start3A_1784 : memref<1x640x32xf32, #tpu.memory_space<vmem>> -> memref<640x32xf32, #tpu.memory_space<vmem>>
        %dma_start3A_1786 = arith.constant 128 : i32
        %dma_start3A_1787 = arith.constant 0 : i32
        %dma_start3A_1788 = tpu.memref_slice %dma_start3A_1785[%dma_start3A_1786, %dma_start3A_1787] : memref<640x32xf32, #tpu.memory_space<vmem>> -> memref<128x32xf32, #tpu.memory_space<vmem>>
        %dma_start3A_1789 = arith.constant 0 : i32
        %dma_start3A_1790 = arith.constant 0 : i32
        %dma_start3A_1791 = tpu.memref_slice %arg6[%dma_start3A_1779, %dma_start3A_1789, %dma_start3A_1790] : memref<2x5x128xi32, #tpu.memory_space<vmem>> -> memref<1x5x128xi32, #tpu.memory_space<vmem>>
        %dma_start3A_1792 = tpu.memref_squeeze %dma_start3A_1791 : memref<1x5x128xi32, #tpu.memory_space<vmem>> -> memref<5x128xi32, #tpu.memory_space<vmem>>
        %dma_start3A_1793 = arith.constant 0 : i32
        %dma_start3A_1794 = tpu.memref_slice %dma_start3A_1792[%dma_start3A_1780, %dma_start3A_1793] : memref<5x128xi32, #tpu.memory_space<vmem>> -> memref<1x128xi32, #tpu.memory_space<vmem>>
        %dma_start3A_1795 = tpu.memref_squeeze %dma_start3A_1794 : memref<1x128xi32, #tpu.memory_space<vmem>> -> memref<128xi32, #tpu.memory_space<vmem>>
        %dma_start3A_1796 = arith.constant 0 : i32
        %dma_start3A_1797 = arith.constant 0 : i32
        %dma_start3A_1798 = tpu.memref_slice %arg3[%dma_start3A_1796, %dma_start3A_1797] : memref<1000000x32xf32, #tpu.memory_space<hbm>> -> memref<1000000x32xf32, #tpu.memory_space<hbm>>
        tpu.enqueue_indirect_dma source(%dma_start3A_1798 : memref<1000000x32xf32, #tpu.memory_space<hbm>>) target(%dma_start3A_1788 : memref<128x32xf32, #tpu.memory_space<vmem>>) offsets(%dma_start3A_1795 : memref<128xi32, #tpu.memory_space<vmem>>) semaphore(%arg10 : memref<!tpu.dma_semaphore, #tpu.memory_space<semaphore_mem>>)
        %dma_start3A_1799 = arith.constant 0 : i32
        %dma_start3A_1800 = arith.constant 2 : i32
        %dma_start3A_1801 = arith.constant 0 : i32
        %dma_start3A_1802 = arith.constant 0 : i32
        %dma_start3A_1803 = arith.constant 0 : i32
        %dma_start3A_1804 = tpu.memref_slice %arg7[%dma_start3A_1801, %dma_start3A_1802, %dma_start3A_1803] : memref<2x640x32xf32, #tpu.memory_space<vmem>> -> memref<1x640x32xf32, #tpu.memory_space<vmem>>
        %dma_start3A_1805 = tpu.memref_squeeze %dma_start3A_1804 : memref<1x640x32xf32, #tpu.memory_space<vmem>> -> memref<640x32xf32, #tpu.memory_space<vmem>>
        %dma_start3A_1806 = arith.constant 256 : i32
        %dma_start3A_1807 = arith.constant 0 : i32
        %dma_start3A_1808 = tpu.memref_slice %dma_start3A_1805[%dma_start3A_1806, %dma_start3A_1807] : memref<640x32xf32, #tpu.memory_space<vmem>> -> memref<128x32xf32, #tpu.memory_space<vmem>>
        %dma_start3A_1809 = arith.constant 0 : i32
        %dma_start3A_1810 = arith.constant 0 : i32
        %dma_start3A_1811 = tpu.memref_slice %arg6[%dma_start3A_1799, %dma_start3A_1809, %dma_start3A_1810] : memref<2x5x128xi32, #tpu.memory_space<vmem>> -> memref<1x5x128xi32, #tpu.memory_space<vmem>>
        %dma_start3A_1812 = tpu.memref_squeeze %dma_start3A_1811 : memref<1x5x128xi32, #tpu.memory_space<vmem>> -> memref<5x128xi32, #tpu.memory_space<vmem>>
        %dma_start3A_1813 = arith.constant 0 : i32
        %dma_start3A_1814 = tpu.memref_slice %dma_start3A_1812[%dma_start3A_1800, %dma_start3A_1813] : memref<5x128xi32, #tpu.memory_space<vmem>> -> memref<1x128xi32, #tpu.memory_space<vmem>>
        %dma_start3A_1815 = tpu.memref_squeeze %dma_start3A_1814 : memref<1x128xi32, #tpu.memory_space<vmem>> -> memref<128xi32, #tpu.memory_space<vmem>>
        %dma_start3A_1816 = arith.constant 0 : i32
        %dma_start3A_1817 = arith.constant 0 : i32
        %dma_start3A_1818 = tpu.memref_slice %arg3[%dma_start3A_1816, %dma_start3A_1817] : memref<1000000x32xf32, #tpu.memory_space<hbm>> -> memref<1000000x32xf32, #tpu.memory_space<hbm>>
        tpu.enqueue_indirect_dma source(%dma_start3A_1818 : memref<1000000x32xf32, #tpu.memory_space<hbm>>) target(%dma_start3A_1808 : memref<128x32xf32, #tpu.memory_space<vmem>>) offsets(%dma_start3A_1815 : memref<128xi32, #tpu.memory_space<vmem>>) semaphore(%arg10 : memref<!tpu.dma_semaphore, #tpu.memory_space<semaphore_mem>>)
        %dma_start3A_1819 = arith.constant 0 : i32
        %dma_start3A_1820 = arith.constant 3 : i32
        %dma_start3A_1821 = arith.constant 0 : i32
        %dma_start3A_1822 = arith.constant 0 : i32
        %dma_start3A_1823 = arith.constant 0 : i32
        %dma_start3A_1824 = tpu.memref_slice %arg7[%dma_start3A_1821, %dma_start3A_1822, %dma_start3A_1823] : memref<2x640x32xf32, #tpu.memory_space<vmem>> -> memref<1x640x32xf32, #tpu.memory_space<vmem>>
        %dma_start3A_1825 = tpu.memref_squeeze %dma_start3A_1824 : memref<1x640x32xf32, #tpu.memory_space<vmem>> -> memref<640x32xf32, #tpu.memory_space<vmem>>
        %dma_start3A_1826 = arith.constant 384 : i32
        %dma_start3A_1827 = arith.constant 0 : i32
        %dma_start3A_1828 = tpu.memref_slice %dma_start3A_1825[%dma_start3A_1826, %dma_start3A_1827] : memref<640x32xf32, #tpu.memory_space<vmem>> -> memref<128x32xf32, #tpu.memory_space<vmem>>
        %dma_start3A_1829 = arith.constant 0 : i32
        %dma_start3A_1830 = arith.constant 0 : i32
        %dma_start3A_1831 = tpu.memref_slice %arg6[%dma_start3A_1819, %dma_start3A_1829, %dma_start3A_1830] : memref<2x5x128xi32, #tpu.memory_space<vmem>> -> memref<1x5x128xi32, #tpu.memory_space<vmem>>
        %dma_start3A_1832 = tpu.memref_squeeze %dma_start3A_1831 : memref<1x5x128xi32, #tpu.memory_space<vmem>> -> memref<5x128xi32, #tpu.memory_space<vmem>>
        %dma_start3A_1833 = arith.constant 0 : i32
        %dma_start3A_1834 = tpu.memref_slice %dma_start3A_1832[%dma_start3A_1820, %dma_start3A_1833] : memref<5x128xi32, #tpu.memory_space<vmem>> -> memref<1x128xi32, #tpu.memory_space<vmem>>
        %dma_start3A_1835 = tpu.memref_squeeze %dma_start3A_1834 : memref<1x128xi32, #tpu.memory_space<vmem>> -> memref<128xi32, #tpu.memory_space<vmem>>
        %dma_start3A_1836 = arith.constant 0 : i32
        %dma_start3A_1837 = arith.constant 0 : i32
        %dma_start3A_1838 = tpu.memref_slice %arg3[%dma_start3A_1836, %dma_start3A_1837] : memref<1000000x32xf32, #tpu.memory_space<hbm>> -> memref<1000000x32xf32, #tpu.memory_space<hbm>>
        tpu.enqueue_indirect_dma source(%dma_start3A_1838 : memref<1000000x32xf32, #tpu.memory_space<hbm>>) target(%dma_start3A_1828 : memref<128x32xf32, #tpu.memory_space<vmem>>) offsets(%dma_start3A_1835 : memref<128xi32, #tpu.memory_space<vmem>>) semaphore(%arg10 : memref<!tpu.dma_semaphore, #tpu.memory_space<semaphore_mem>>)
        %dma_start3A_1839 = arith.constant 0 : i32
        %dma_start3A_1840 = arith.constant 4 : i32
        %dma_start3A_1841 = arith.constant 0 : i32
        %dma_start3A_1842 = arith.constant 0 : i32
        %dma_start3A_1843 = arith.constant 0 : i32
        %dma_start3A_1844 = tpu.memref_slice %arg7[%dma_start3A_1841, %dma_start3A_1842, %dma_start3A_1843] : memref<2x640x32xf32, #tpu.memory_space<vmem>> -> memref<1x640x32xf32, #tpu.memory_space<vmem>>
        %dma_start3A_1845 = tpu.memref_squeeze %dma_start3A_1844 : memref<1x640x32xf32, #tpu.memory_space<vmem>> -> memref<640x32xf32, #tpu.memory_space<vmem>>
        %dma_start3A_1846 = arith.constant 512 : i32
        %dma_start3A_1847 = arith.constant 0 : i32
        %dma_start3A_1848 = tpu.memref_slice %dma_start3A_1845[%dma_start3A_1846, %dma_start3A_1847] : memref<640x32xf32, #tpu.memory_space<vmem>> -> memref<128x32xf32, #tpu.memory_space<vmem>>
        %dma_start3A_1849 = arith.constant 0 : i32
        %dma_start3A_1850 = arith.constant 0 : i32
        %dma_start3A_1851 = tpu.memref_slice %arg6[%dma_start3A_1839, %dma_start3A_1849, %dma_start3A_1850] : memref<2x5x128xi32, #tpu.memory_space<vmem>> -> memref<1x5x128xi32, #tpu.memory_space<vmem>>
        %dma_start3A_1852 = tpu.memref_squeeze %dma_start3A_1851 : memref<1x5x128xi32, #tpu.memory_space<vmem>> -> memref<5x128xi32, #tpu.memory_space<vmem>>
        %dma_start3A_1853 = arith.constant 0 : i32
        %dma_start3A_1854 = tpu.memref_slice %dma_start3A_1852[%dma_start3A_1840, %dma_start3A_1853] : memref<5x128xi32, #tpu.memory_space<vmem>> -> memref<1x128xi32, #tpu.memory_space<vmem>>
        %dma_start3A_1855 = tpu.memref_squeeze %dma_start3A_1854 : memref<1x128xi32, #tpu.memory_space<vmem>> -> memref<128xi32, #tpu.memory_space<vmem>>
        %dma_start3A_1856 = arith.constant 0 : i32
        %dma_start3A_1857 = arith.constant 0 : i32
        %dma_start3A_1858 = tpu.memref_slice %arg3[%dma_start3A_1856, %dma_start3A_1857] : memref<1000000x32xf32, #tpu.memory_space<hbm>> -> memref<1000000x32xf32, #tpu.memory_space<hbm>>
        tpu.enqueue_indirect_dma source(%dma_start3A_1858 : memref<1000000x32xf32, #tpu.memory_space<hbm>>) target(%dma_start3A_1848 : memref<128x32xf32, #tpu.memory_space<vmem>>) offsets(%dma_start3A_1855 : memref<128xi32, #tpu.memory_space<vmem>>) semaphore(%arg10 : memref<!tpu.dma_semaphore, #tpu.memory_space<semaphore_mem>>)
      } else {
      }
      %lt3A_1082 = arith.constant 65 : i32
      %lt3A_1083 = arith.cmpi slt, %add3A_1074, %lt3A_1082 : i32
      %convert_element_type3A_1084 = arith.extui %lt3A_1083 : i1 to i32
      %cond3A_1085 = arith.constant 0 : i32
      %cond3A_1086 = arith.cmpi ne, %convert_element_type3A_1084, %cond3A_1085 : i32
      scf.if %cond3A_1086 {
        %dma_wait3A_1087 = arith.constant 1 : i32
        %dma_wait3A_1088 = arith.constant 0 : i32
        %dma_wait3A_1089 = arith.constant 0 : i32
        %dma_wait3A_1090 = tpu.memref_slice %arg7[%dma_wait3A_1087, %dma_wait3A_1088, %dma_wait3A_1089] : memref<2x640x32xf32, #tpu.memory_space<vmem>> -> memref<1x640x32xf32, #tpu.memory_space<vmem>>
        %dma_wait3A_1091 = tpu.memref_squeeze %dma_wait3A_1090 : memref<1x640x32xf32, #tpu.memory_space<vmem>> -> memref<640x32xf32, #tpu.memory_space<vmem>>
        %dma_wait3A_1092 = arith.constant 0 : i32
        %dma_wait3A_1093 = arith.constant 0 : i32
        %dma_wait3A_1094 = tpu.memref_slice %arg3[%dma_wait3A_1092, %dma_wait3A_1093] : memref<1000000x32xf32, #tpu.memory_space<hbm>> -> memref<640x32xf32, #tpu.memory_space<hbm>>
        %dma_wait3A_1095 = arith.constant 0 : i32
        %dma_wait3A_1096 = arith.constant 0 : i32
        %dma_wait3A_1097 = tpu.memref_slice %arg7[%dma_wait3A_1087, %dma_wait3A_1095, %dma_wait3A_1096] : memref<2x640x32xf32, #tpu.memory_space<vmem>> -> memref<1x640x32xf32, #tpu.memory_space<vmem>>
        %dma_wait3A_1098 = tpu.memref_squeeze %dma_wait3A_1097 : memref<1x640x32xf32, #tpu.memory_space<vmem>> -> memref<640x32xf32, #tpu.memory_space<vmem>>
        %dma_wait3A_1099 = arith.constant 0 : i32
        %dma_wait3A_1100 = arith.constant 0 : i32
        %dma_wait3A_1101 = tpu.memref_slice %arg3[%dma_wait3A_1099, %dma_wait3A_1100] : memref<1000000x32xf32, #tpu.memory_space<hbm>> -> memref<640x32xf32, #tpu.memory_space<hbm>>
        tpu.wait_dma2 semaphore(%arg11 : memref<!tpu.dma_semaphore, #tpu.memory_space<semaphore_mem>>) src(%dma_wait3A_1101 : memref<640x32xf32, #tpu.memory_space<hbm>>) dst(%dma_wait3A_1098 : memref<640x32xf32, #tpu.memory_space<vmem>>)
        %ge3A = arith.constant 2 : i32
        %ge3A_1102 = arith.cmpi sge, %add3A_1074, %ge3A : i32
        %convert_element_type3A_1103 = arith.extui %ge3A_1102 : i1 to i32
        %cond3A_1104 = arith.constant 0 : i32
        %cond3A_1105 = arith.cmpi ne, %convert_element_type3A_1103, %cond3A_1104 : i32
        scf.if %cond3A_1105 {
          %add3A_1219 = arith.addi %mul3A_2, %add3A_1074 : i32
          %sub3A_1220 = arith.constant 2 : i32
          %sub3A_1221 = arith.subi %add3A_1219, %sub3A_1220 : i32
          %jit3A_1222 = arith.constant 10 : i32
          %eq3A_1223 = arith.constant 0 : i32
          %eq3A_1224 = arith.cmpi eq, %jit3A_1222, %eq3A_1223 : i32
          %jit3A_1225 = arith.constant 1 : i32
          %select_n3A_1226 = arith.select %eq3A_1224, %jit3A_1225, %jit3A_1222 : i32
          %rem3A_1227 = arith.remsi %sub3A_1221, %select_n3A_1226 : i32
          %ne3A_1228 = arith.constant 0 : i32
          %ne3A_1229 = arith.cmpi ne, %rem3A_1227, %ne3A_1228 : i32
          %lt3A_1230 = arith.constant 0 : i32
          %lt3A_1231 = arith.cmpi slt, %rem3A_1227, %lt3A_1230 : i32
          %lt3A_1232 = arith.constant 0 : i32
          %lt3A_1233 = arith.cmpi slt, %select_n3A_1226, %lt3A_1232 : i32
          %ne3A_1234 = arith.xori %lt3A_1231, %lt3A_1233 : i1
          %and3A_1235 = arith.andi %ne3A_1234, %ne3A_1229 : i1
          %add3A_1236 = arith.addi %rem3A_1227, %select_n3A_1226 : i32
          %select_n3A_1237 = arith.select %and3A_1235, %add3A_1236, %rem3A_1227 : i32
          %jit3A_1238 = arith.constant 10 : i32
          %div3A_1239 = arith.divsi %sub3A_1221, %jit3A_1238 : i32
          %sign3A_1240 = arith.constant 0 : i32
          %sign3A_1241 = arith.cmpi sgt, %sub3A_1221, %sign3A_1240 : i32
          %sign3A_1242 = arith.extui %sign3A_1241 : i1 to i32
          %sign3A_1243 = arith.constant 0 : i32
          %sign3A_1244 = arith.cmpi slt, %sub3A_1221, %sign3A_1243 : i32
          %sign3A_1245 = arith.extui %sign3A_1244 : i1 to i32
          %sign3A_1246 = arith.subi %sign3A_1242, %sign3A_1245 : i32
          %sign3A_1247 = arith.constant 0 : i32
          %sign3A_1248 = arith.cmpi sgt, %jit3A_1238, %sign3A_1247 : i32
          %sign3A_1249 = arith.extui %sign3A_1248 : i1 to i32
          %sign3A_1250 = arith.constant 0 : i32
          %sign3A_1251 = arith.cmpi slt, %jit3A_1238, %sign3A_1250 : i32
          %sign3A_1252 = arith.extui %sign3A_1251 : i1 to i32
          %sign3A_1253 = arith.subi %sign3A_1249, %sign3A_1252 : i32
          %ne3A_1254 = arith.cmpi ne, %sign3A_1246, %sign3A_1253 : i32
          %rem3A_1255 = arith.remsi %sub3A_1221, %jit3A_1238 : i32
          %ne3A_1256 = arith.constant 0 : i32
          %ne3A_1257 = arith.cmpi ne, %rem3A_1255, %ne3A_1256 : i32
          %and3A_1258 = arith.andi %ne3A_1254, %ne3A_1257 : i1
          %sub3A_1259 = arith.constant 1 : i32
          %sub3A_1260 = arith.subi %div3A_1239, %sub3A_1259 : i32
          %select_n3A_1261 = arith.select %and3A_1258, %sub3A_1260, %div3A_1239 : i32
          %jit3A_1262 = arith.constant 8 : i32
          %div3A_1263 = arith.divsi %select_n3A_1261, %jit3A_1262 : i32
          %sign3A_1264 = arith.constant 0 : i32
          %sign3A_1265 = arith.cmpi sgt, %select_n3A_1261, %sign3A_1264 : i32
          %sign3A_1266 = arith.extui %sign3A_1265 : i1 to i32
          %sign3A_1267 = arith.constant 0 : i32
          %sign3A_1268 = arith.cmpi slt, %select_n3A_1261, %sign3A_1267 : i32
          %sign3A_1269 = arith.extui %sign3A_1268 : i1 to i32
          %sign3A_1270 = arith.subi %sign3A_1266, %sign3A_1269 : i32
          %sign3A_1271 = arith.constant 0 : i32
          %sign3A_1272 = arith.cmpi sgt, %jit3A_1262, %sign3A_1271 : i32
          %sign3A_1273 = arith.extui %sign3A_1272 : i1 to i32
          %sign3A_1274 = arith.constant 0 : i32
          %sign3A_1275 = arith.cmpi slt, %jit3A_1262, %sign3A_1274 : i32
          %sign3A_1276 = arith.extui %sign3A_1275 : i1 to i32
          %sign3A_1277 = arith.subi %sign3A_1273, %sign3A_1276 : i32
          %ne3A_1278 = arith.cmpi ne, %sign3A_1270, %sign3A_1277 : i32
          %rem3A_1279 = arith.remsi %select_n3A_1261, %jit3A_1262 : i32
          %ne3A_1280 = arith.constant 0 : i32
          %ne3A_1281 = arith.cmpi ne, %rem3A_1279, %ne3A_1280 : i32
          %and3A_1282 = arith.andi %ne3A_1278, %ne3A_1281 : i1
          %sub3A_1283 = arith.constant 1 : i32
          %sub3A_1284 = arith.subi %div3A_1263, %sub3A_1283 : i32
          %select_n3A_1285 = arith.select %and3A_1282, %sub3A_1284, %div3A_1263 : i32
          %jit3A_1286 = arith.constant 8 : i32
          %eq3A_1287 = arith.constant 0 : i32
          %eq3A_1288 = arith.cmpi eq, %jit3A_1286, %eq3A_1287 : i32
          %jit3A_1289 = arith.constant 1 : i32
          %select_n3A_1290 = arith.select %eq3A_1288, %jit3A_1289, %jit3A_1286 : i32
          %rem3A_1291 = arith.remsi %select_n3A_1261, %select_n3A_1290 : i32
          %ne3A_1292 = arith.constant 0 : i32
          %ne3A_1293 = arith.cmpi ne, %rem3A_1291, %ne3A_1292 : i32
          %lt3A_1294 = arith.constant 0 : i32
          %lt3A_1295 = arith.cmpi slt, %rem3A_1291, %lt3A_1294 : i32
          %lt3A_1296 = arith.constant 0 : i32
          %lt3A_1297 = arith.cmpi slt, %select_n3A_1290, %lt3A_1296 : i32
          %ne3A_1298 = arith.xori %lt3A_1295, %lt3A_1297 : i1
          %and3A_1299 = arith.andi %ne3A_1298, %ne3A_1293 : i1
          %add3A_1300 = arith.addi %rem3A_1291, %select_n3A_1290 : i32
          %select_n3A_1301 = arith.select %and3A_1299, %add3A_1300, %rem3A_1291 : i32
          %mul3A_1302 = arith.constant 5 : i32
          %mul3A_1303 = arith.muli %select_n3A_1237, %mul3A_1302 : i32
          %dma_wait3A_1304 = arith.constant 1 : i32
          %dma_wait3A_1305 = arith.constant 0 : i32
          %dma_wait3A_1306 = arith.constant 0 : i32
          %dma_wait3A_1307 = arith.constant 0 : i32
          %dma_wait3A_1308 = arith.constant 0 : i32
          %dma_wait3A_1309 = tpu.memref_slice %arg9[%dma_wait3A_1304, %dma_wait3A_1305, %dma_wait3A_1306, %dma_wait3A_1307, %dma_wait3A_1308] : memref<2x5x4x8x128xf32, #tpu.memory_space<vmem>> -> memref<1x5x4x8x128xf32, #tpu.memory_space<vmem>>
          %dma_wait3A_1310 = tpu.memref_squeeze %dma_wait3A_1309 : memref<1x5x4x8x128xf32, #tpu.memory_space<vmem>> -> memref<5x4x8x128xf32, #tpu.memory_space<vmem>>
          %dma_wait3A_1311 = arith.constant 0 : i32
          %dma_wait3A_1312 = arith.constant 0 : i32
          %dma_wait3A_1313 = arith.constant 0 : i32
          %dma_wait3A_1314 = tpu.memref_slice %arg4[%select_n3A_1285, %mul3A_1303, %dma_wait3A_1311, %select_n3A_1301, %dma_wait3A_1312, %dma_wait3A_1313] : memref<26x50x4x8x8x128xf32, #tpu.memory_space<hbm>> -> memref<1x5x4x1x8x128xf32, #tpu.memory_space<hbm>>
          %dma_wait3A_1315 = tpu.memref_squeeze %dma_wait3A_1314 : memref<1x5x4x1x8x128xf32, #tpu.memory_space<hbm>> -> memref<5x4x8x128xf32, #tpu.memory_space<hbm>>
          %dma_wait3A_1316 = arith.constant 0 : i32
          %dma_wait3A_1317 = arith.constant 0 : i32
          %dma_wait3A_1318 = arith.constant 0 : i32
          %dma_wait3A_1319 = tpu.memref_slice %arg4[%select_n3A_1285, %mul3A_1303, %dma_wait3A_1316, %select_n3A_1301, %dma_wait3A_1317, %dma_wait3A_1318] : memref<26x50x4x8x8x128xf32, #tpu.memory_space<hbm>> -> memref<1x5x4x1x8x128xf32, #tpu.memory_space<hbm>>
          %dma_wait3A_1320 = tpu.memref_squeeze %dma_wait3A_1319 : memref<1x5x4x1x8x128xf32, #tpu.memory_space<hbm>> -> memref<5x4x8x128xf32, #tpu.memory_space<hbm>>
          %dma_wait3A_1321 = arith.constant 0 : i32
          %dma_wait3A_1322 = arith.constant 0 : i32
          %dma_wait3A_1323 = arith.constant 0 : i32
          %dma_wait3A_1324 = arith.constant 0 : i32
          %dma_wait3A_1325 = tpu.memref_slice %arg9[%dma_wait3A_1304, %dma_wait3A_1321, %dma_wait3A_1322, %dma_wait3A_1323, %dma_wait3A_1324] : memref<2x5x4x8x128xf32, #tpu.memory_space<vmem>> -> memref<1x5x4x8x128xf32, #tpu.memory_space<vmem>>
          %dma_wait3A_1326 = tpu.memref_squeeze %dma_wait3A_1325 : memref<1x5x4x8x128xf32, #tpu.memory_space<vmem>> -> memref<5x4x8x128xf32, #tpu.memory_space<vmem>>
          tpu.wait_dma2 semaphore(%arg13 : memref<!tpu.dma_semaphore, #tpu.memory_space<semaphore_mem>>) src(%dma_wait3A_1326 : memref<5x4x8x128xf32, #tpu.memory_space<vmem>>) dst(%dma_wait3A_1320 : memref<5x4x8x128xf32, #tpu.memory_space<hbm>>)
        } else {
        }
        %parallel_loop3A = arith.constant 0 : i32
        %parallel_loop3A_1106 = arith.constant 640 : i32
        %parallel_loop3A_1107 = arith.constant 1 : i32
        %parallel_loop3A_1108 = arith.constant 1 : i32
        scf.for %parallel_loop3A_1219 = %parallel_loop3A to %parallel_loop3A_1106 step %parallel_loop3A_1107  : i32 {
          %parallel_loop3A_1220 = arith.constant 33 : i32
          %parallel_loop3A_1221 = arith.muli %parallel_loop3A_1219, %parallel_loop3A_1220 : i32
          %parallel_loop3A_1222 = arith.constant 0 : i32
          %parallel_loop3A_1223 = arith.addi %parallel_loop3A_1221, %parallel_loop3A_1222 : i32
          %parallel_loop3A_1224 = vector.broadcast %parallel_loop3A_1223 : i32 to vector<16xi32>
          %parallel_loop3A_1225 = arith.addi %iota3A, %parallel_loop3A_1224 : vector<16xi32>
          %parallel_loop3A_1226 = arith.constant 0 : i32
          %parallel_loop3A_1227 = arith.constant 0 : i32
          %parallel_loop3A_1228 = tpu.memref_slice %arg7[%parallel_loop3A_1108, %parallel_loop3A_1226, %parallel_loop3A_1227] : memref<2x640x32xf32, #tpu.memory_space<vmem>> -> memref<1x640x32xf32, #tpu.memory_space<vmem>>
          %parallel_loop3A_1229 = tpu.memref_squeeze %parallel_loop3A_1228 : memref<1x640x32xf32, #tpu.memory_space<vmem>> -> memref<640x32xf32, #tpu.memory_space<vmem>>
          %parallel_loop3A_1230 = arith.index_cast %parallel_loop3A_1219 : i32 to index
          %parallel_loop3A_1231 = arith.constant 0 : index
          %parallel_loop3A_1232 = tpu.vector_load %parallel_loop3A_1229[%parallel_loop3A_1230, %parallel_loop3A_1231] {strides = array<i32>} : memref<640x32xf32, #tpu.memory_space<vmem>>, vector<16xf32>,
          tpu.vector_store_idx %arg8[%parallel_loop3A_1225], %parallel_loop3A_1232 : memref<21120xf32, #tpu.memory_space<vmem>>[vector<16xi32>], vector<16xf32>,
          %parallel_loop3A_1233 = arith.constant 16 : i32
          %parallel_loop3A_1234 = arith.addi %parallel_loop3A_1221, %parallel_loop3A_1233 : i32
          %parallel_loop3A_1235 = vector.broadcast %parallel_loop3A_1234 : i32 to vector<16xi32>
          %parallel_loop3A_1236 = arith.addi %iota3A, %parallel_loop3A_1235 : vector<16xi32>
          %parallel_loop3A_1237 = arith.constant 0 : i32
          %parallel_loop3A_1238 = arith.constant 0 : i32
          %parallel_loop3A_1239 = tpu.memref_slice %arg7[%parallel_loop3A_1108, %parallel_loop3A_1237, %parallel_loop3A_1238] : memref<2x640x32xf32, #tpu.memory_space<vmem>> -> memref<1x640x32xf32, #tpu.memory_space<vmem>>
          %parallel_loop3A_1240 = tpu.memref_squeeze %parallel_loop3A_1239 : memref<1x640x32xf32, #tpu.memory_space<vmem>> -> memref<640x32xf32, #tpu.memory_space<vmem>>
          %parallel_loop3A_1241 = arith.index_cast %parallel_loop3A_1219 : i32 to index
          %parallel_loop3A_1242 = arith.constant 16 : index
          %parallel_loop3A_1243 = tpu.vector_load %parallel_loop3A_1240[%parallel_loop3A_1241, %parallel_loop3A_1242] {strides = array<i32>} : memref<640x32xf32, #tpu.memory_space<vmem>>, vector<16xf32>,
          tpu.vector_store_idx %arg8[%parallel_loop3A_1236], %parallel_loop3A_1243 : memref<21120xf32, #tpu.memory_space<vmem>>[vector<16xi32>], vector<16xf32>,
        } {sc.loop_unroll_factor = 2 : i64, sc.parallel_access}
        %parallel_loop3A_1109 = arith.constant 0 : i32
        %parallel_loop3A_1110 = arith.constant 160 : i32
        %parallel_loop3A_1111 = arith.constant 1 : i32
        %parallel_loop3A_1112 = arith.constant 1 : i32
        scf.for %parallel_loop3A_1219 = %parallel_loop3A_1109 to %parallel_loop3A_1110 step %parallel_loop3A_1111  : i32 {
          %parallel_loop3A_1220 = arith.constant 32 : i32
          %parallel_loop3A_1221 = arith.divsi %parallel_loop3A_1219, %parallel_loop3A_1220 : i32
          %parallel_loop3A_1222 = arith.constant 0 : i32
          %parallel_loop3A_1223 = arith.cmpi sgt, %parallel_loop3A_1219, %parallel_loop3A_1222 : i32
          %parallel_loop3A_1224 = arith.extui %parallel_loop3A_1223 : i1 to i32
          %parallel_loop3A_1225 = arith.constant 0 : i32
          %parallel_loop3A_1226 = arith.cmpi slt, %parallel_loop3A_1219, %parallel_loop3A_1225 : i32
          %parallel_loop3A_1227 = arith.extui %parallel_loop3A_1226 : i1 to i32
          %parallel_loop3A_1228 = arith.subi %parallel_loop3A_1224, %parallel_loop3A_1227 : i32
          %parallel_loop3A_1229 = arith.constant 0 : i32
          %parallel_loop3A_1230 = arith.cmpi sgt, %parallel_loop3A_1220, %parallel_loop3A_1229 : i32
          %parallel_loop3A_1231 = arith.extui %parallel_loop3A_1230 : i1 to i32
          %parallel_loop3A_1232 = arith.constant 0 : i32
          %parallel_loop3A_1233 = arith.cmpi slt, %parallel_loop3A_1220, %parallel_loop3A_1232 : i32
          %parallel_loop3A_1234 = arith.extui %parallel_loop3A_1233 : i1 to i32
          %parallel_loop3A_1235 = arith.subi %parallel_loop3A_1231, %parallel_loop3A_1234 : i32
          %parallel_loop3A_1236 = arith.cmpi ne, %parallel_loop3A_1228, %parallel_loop3A_1235 : i32
          %parallel_loop3A_1237 = arith.remsi %parallel_loop3A_1219, %parallel_loop3A_1220 : i32
          %parallel_loop3A_1238 = arith.constant 0 : i32
          %parallel_loop3A_1239 = arith.cmpi ne, %parallel_loop3A_1237, %parallel_loop3A_1238 : i32
          %parallel_loop3A_1240 = arith.andi %parallel_loop3A_1236, %parallel_loop3A_1239 : i1
          %parallel_loop3A_1241 = arith.constant 1 : i32
          %parallel_loop3A_1242 = arith.subi %parallel_loop3A_1221, %parallel_loop3A_1241 : i32
          %parallel_loop3A_1243 = arith.select %parallel_loop3A_1240, %parallel_loop3A_1242, %parallel_loop3A_1221 : i32
          %parallel_loop3A_1244 = arith.constant 32 : i32
          %parallel_loop3A_1245 = arith.muli %parallel_loop3A_1243, %parallel_loop3A_1244 : i32
          %parallel_loop3A_1246 = arith.subi %parallel_loop3A_1219, %parallel_loop3A_1245 : i32
          %parallel_loop3A_1247 = arith.constant 128 : i32
          %parallel_loop3A_1248 = arith.muli %parallel_loop3A_1243, %parallel_loop3A_1247 : i32
          %parallel_loop3A_1249 = arith.constant 0 : i32
          %parallel_loop3A_1250 = arith.addi %parallel_loop3A_1248, %parallel_loop3A_1249 : i32
          %parallel_loop3A_1251 = arith.constant 33 : i32
          %parallel_loop3A_1252 = arith.muli %parallel_loop3A_1250, %parallel_loop3A_1251 : i32
          %parallel_loop3A_1253 = arith.addi %parallel_loop3A_1252, %parallel_loop3A_1246 : i32
          %parallel_loop3A_1254 = vector.broadcast %parallel_loop3A_1253 : i32 to vector<16xi32>
          %parallel_loop3A_1255 = arith.addi %mul3A_5, %parallel_loop3A_1254 : vector<16xi32>
          %parallel_loop3A_1256 = tpu.vector_load_idx %arg8[%parallel_loop3A_1255] : memref<21120xf32, #tpu.memory_space<vmem>>[vector<16xi32>], vector<16xf32>,
          %parallel_loop3A_1257 = arith.constant 8 : i32
          %parallel_loop3A_1258 = arith.divsi %parallel_loop3A_1246, %parallel_loop3A_1257 : i32
          %parallel_loop3A_1259 = arith.constant 0 : i32
          %parallel_loop3A_1260 = arith.cmpi sgt, %parallel_loop3A_1246, %parallel_loop3A_1259 : i32
          %parallel_loop3A_1261 = arith.extui %parallel_loop3A_1260 : i1 to i32
          %parallel_loop3A_1262 = arith.constant 0 : i32
          %parallel_loop3A_1263 = arith.cmpi slt, %parallel_loop3A_1246, %parallel_loop3A_1262 : i32
          %parallel_loop3A_1264 = arith.extui %parallel_loop3A_1263 : i1 to i32
          %parallel_loop3A_1265 = arith.subi %parallel_loop3A_1261, %parallel_loop3A_1264 : i32
          %parallel_loop3A_1266 = arith.constant 0 : i32
          %parallel_loop3A_1267 = arith.cmpi sgt, %parallel_loop3A_1257, %parallel_loop3A_1266 : i32
          %parallel_loop3A_1268 = arith.extui %parallel_loop3A_1267 : i1 to i32
          %parallel_loop3A_1269 = arith.constant 0 : i32
          %parallel_loop3A_1270 = arith.cmpi slt, %parallel_loop3A_1257, %parallel_loop3A_1269 : i32
          %parallel_loop3A_1271 = arith.extui %parallel_loop3A_1270 : i1 to i32
          %parallel_loop3A_1272 = arith.subi %parallel_loop3A_1268, %parallel_loop3A_1271 : i32
          %parallel_loop3A_1273 = arith.cmpi ne, %parallel_loop3A_1265, %parallel_loop3A_1272 : i32
          %parallel_loop3A_1274 = arith.remsi %parallel_loop3A_1246, %parallel_loop3A_1257 : i32
          %parallel_loop3A_1275 = arith.constant 0 : i32
          %parallel_loop3A_1276 = arith.cmpi ne, %parallel_loop3A_1274, %parallel_loop3A_1275 : i32
          %parallel_loop3A_1277 = arith.andi %parallel_loop3A_1273, %parallel_loop3A_1276 : i1
          %parallel_loop3A_1278 = arith.constant 1 : i32
          %parallel_loop3A_1279 = arith.subi %parallel_loop3A_1258, %parallel_loop3A_1278 : i32
          %parallel_loop3A_1280 = arith.select %parallel_loop3A_1277, %parallel_loop3A_1279, %parallel_loop3A_1258 : i32
          %parallel_loop3A_1281 = arith.constant 8 : i32
          %parallel_loop3A_1282 = arith.constant 0 : i32
          %parallel_loop3A_1283 = arith.cmpi eq, %parallel_loop3A_1281, %parallel_loop3A_1282 : i32
          %parallel_loop3A_1284 = arith.constant 1 : i32
          %parallel_loop3A_1285 = arith.select %parallel_loop3A_1283, %parallel_loop3A_1284, %parallel_loop3A_1281 : i32
          %parallel_loop3A_1286 = arith.remsi %parallel_loop3A_1246, %parallel_loop3A_1285 : i32
          %parallel_loop3A_1287 = arith.constant 0 : i32
          %parallel_loop3A_1288 = arith.cmpi ne, %parallel_loop3A_1286, %parallel_loop3A_1287 : i32
          %parallel_loop3A_1289 = arith.constant 0 : i32
          %parallel_loop3A_1290 = arith.cmpi slt, %parallel_loop3A_1286, %parallel_loop3A_1289 : i32
          %parallel_loop3A_1291 = arith.constant 0 : i32
          %parallel_loop3A_1292 = arith.cmpi slt, %parallel_loop3A_1285, %parallel_loop3A_1291 : i32
          %parallel_loop3A_1293 = arith.xori %parallel_loop3A_1290, %parallel_loop3A_1292 : i1
          %parallel_loop3A_1294 = arith.andi %parallel_loop3A_1293, %parallel_loop3A_1288 : i1
          %parallel_loop3A_1295 = arith.addi %parallel_loop3A_1286, %parallel_loop3A_1285 : i32
          %parallel_loop3A_1296 = arith.select %parallel_loop3A_1294, %parallel_loop3A_1295, %parallel_loop3A_1286 : i32
          %parallel_loop3A_1297 = arith.constant 0 : i32
          %parallel_loop3A_1298 = arith.constant 0 : i32
          %parallel_loop3A_1299 = arith.constant 0 : i32
          %parallel_loop3A_1300 = arith.constant 0 : i32
          %parallel_loop3A_1301 = tpu.memref_slice %arg9[%parallel_loop3A_1112, %parallel_loop3A_1297, %parallel_loop3A_1298, %parallel_loop3A_1299, %parallel_loop3A_1300] : memref<2x5x4x8x128xf32, #tpu.memory_space<vmem>> -> memref<1x5x4x8x128xf32, #tpu.memory_space<vmem>>
          %parallel_loop3A_1302 = tpu.memref_squeeze %parallel_loop3A_1301 : memref<1x5x4x8x128xf32, #tpu.memory_space<vmem>> -> memref<5x4x8x128xf32, #tpu.memory_space<vmem>>
          %parallel_loop3A_1303 = arith.index_cast %parallel_loop3A_1243 : i32 to index
          %parallel_loop3A_1304 = arith.index_cast %parallel_loop3A_1280 : i32 to index
          %parallel_loop3A_1305 = arith.index_cast %parallel_loop3A_1296 : i32 to index
          %parallel_loop3A_1306 = arith.constant 0 : index
          %parallel_loop3A_1307 = tpu.vector_load %parallel_loop3A_1302[%parallel_loop3A_1303, %parallel_loop3A_1304, %parallel_loop3A_1305, %parallel_loop3A_1306] {strides = array<i32>} : memref<5x4x8x128xf32, #tpu.memory_space<vmem>>, vector<16xf32>,
          tpu.vector_store %parallel_loop3A_1302[%parallel_loop3A_1303, %parallel_loop3A_1304, %parallel_loop3A_1305, %parallel_loop3A_1306], %parallel_loop3A_1256 {strides = array<i32>} : memref<5x4x8x128xf32, #tpu.memory_space<vmem>>, vector<16xf32>,
          %parallel_loop3A_1308 = arith.constant 128 : i32
          %parallel_loop3A_1309 = arith.muli %parallel_loop3A_1243, %parallel_loop3A_1308 : i32
          %parallel_loop3A_1310 = arith.constant 16 : i32
          %parallel_loop3A_1311 = arith.addi %parallel_loop3A_1309, %parallel_loop3A_1310 : i32
          %parallel_loop3A_1312 = arith.constant 33 : i32
          %parallel_loop3A_1313 = arith.muli %parallel_loop3A_1311, %parallel_loop3A_1312 : i32
          %parallel_loop3A_1314 = arith.addi %parallel_loop3A_1313, %parallel_loop3A_1246 : i32
          %parallel_loop3A_1315 = vector.broadcast %parallel_loop3A_1314 : i32 to vector<16xi32>
          %parallel_loop3A_1316 = arith.addi %mul3A_5, %parallel_loop3A_1315 : vector<16xi32>
          %parallel_loop3A_1317 = tpu.vector_load_idx %arg8[%parallel_loop3A_1316] : memref<21120xf32, #tpu.memory_space<vmem>>[vector<16xi32>], vector<16xf32>,
          %parallel_loop3A_1318 = arith.constant 8 : i32
          %parallel_loop3A_1319 = arith.divsi %parallel_loop3A_1246, %parallel_loop3A_1318 : i32
          %parallel_loop3A_1320 = arith.constant 0 : i32
          %parallel_loop3A_1321 = arith.cmpi sgt, %parallel_loop3A_1246, %parallel_loop3A_1320 : i32
          %parallel_loop3A_1322 = arith.extui %parallel_loop3A_1321 : i1 to i32
          %parallel_loop3A_1323 = arith.constant 0 : i32
          %parallel_loop3A_1324 = arith.cmpi slt, %parallel_loop3A_1246, %parallel_loop3A_1323 : i32
          %parallel_loop3A_1325 = arith.extui %parallel_loop3A_1324 : i1 to i32
          %parallel_loop3A_1326 = arith.subi %parallel_loop3A_1322, %parallel_loop3A_1325 : i32
          %parallel_loop3A_1327 = arith.constant 0 : i32
          %parallel_loop3A_1328 = arith.cmpi sgt, %parallel_loop3A_1318, %parallel_loop3A_1327 : i32
          %parallel_loop3A_1329 = arith.extui %parallel_loop3A_1328 : i1 to i32
          %parallel_loop3A_1330 = arith.constant 0 : i32
          %parallel_loop3A_1331 = arith.cmpi slt, %parallel_loop3A_1318, %parallel_loop3A_1330 : i32
          %parallel_loop3A_1332 = arith.extui %parallel_loop3A_1331 : i1 to i32
          %parallel_loop3A_1333 = arith.subi %parallel_loop3A_1329, %parallel_loop3A_1332 : i32
          %parallel_loop3A_1334 = arith.cmpi ne, %parallel_loop3A_1326, %parallel_loop3A_1333 : i32
          %parallel_loop3A_1335 = arith.remsi %parallel_loop3A_1246, %parallel_loop3A_1318 : i32
          %parallel_loop3A_1336 = arith.constant 0 : i32
          %parallel_loop3A_1337 = arith.cmpi ne, %parallel_loop3A_1335, %parallel_loop3A_1336 : i32
          %parallel_loop3A_1338 = arith.andi %parallel_loop3A_1334, %parallel_loop3A_1337 : i1
          %parallel_loop3A_1339 = arith.constant 1 : i32
          %parallel_loop3A_1340 = arith.subi %parallel_loop3A_1319, %parallel_loop3A_1339 : i32
          %parallel_loop3A_1341 = arith.select %parallel_loop3A_1338, %parallel_loop3A_1340, %parallel_loop3A_1319 : i32
          %parallel_loop3A_1342 = arith.constant 8 : i32
          %parallel_loop3A_1343 = arith.constant 0 : i32
          %parallel_loop3A_1344 = arith.cmpi eq, %parallel_loop3A_1342, %parallel_loop3A_1343 : i32
          %parallel_loop3A_1345 = arith.constant 1 : i32
          %parallel_loop3A_1346 = arith.select %parallel_loop3A_1344, %parallel_loop3A_1345, %parallel_loop3A_1342 : i32
          %parallel_loop3A_1347 = arith.remsi %parallel_loop3A_1246, %parallel_loop3A_1346 : i32
          %parallel_loop3A_1348 = arith.constant 0 : i32
          %parallel_loop3A_1349 = arith.cmpi ne, %parallel_loop3A_1347, %parallel_loop3A_1348 : i32
          %parallel_loop3A_1350 = arith.constant 0 : i32
          %parallel_loop3A_1351 = arith.cmpi slt, %parallel_loop3A_1347, %parallel_loop3A_1350 : i32
          %parallel_loop3A_1352 = arith.constant 0 : i32
          %parallel_loop3A_1353 = arith.cmpi slt, %parallel_loop3A_1346, %parallel_loop3A_1352 : i32
          %parallel_loop3A_1354 = arith.xori %parallel_loop3A_1351, %parallel_loop3A_1353 : i1
          %parallel_loop3A_1355 = arith.andi %parallel_loop3A_1354, %parallel_loop3A_1349 : i1
          %parallel_loop3A_1356 = arith.addi %parallel_loop3A_1347, %parallel_loop3A_1346 : i32
          %parallel_loop3A_1357 = arith.select %parallel_loop3A_1355, %parallel_loop3A_1356, %parallel_loop3A_1347 : i32
          %parallel_loop3A_1358 = arith.constant 0 : i32
          %parallel_loop3A_1359 = arith.constant 0 : i32
          %parallel_loop3A_1360 = arith.constant 0 : i32
          %parallel_loop3A_1361 = arith.constant 0 : i32
          %parallel_loop3A_1362 = tpu.memref_slice %arg9[%parallel_loop3A_1112, %parallel_loop3A_1358, %parallel_loop3A_1359, %parallel_loop3A_1360, %parallel_loop3A_1361] : memref<2x5x4x8x128xf32, #tpu.memory_space<vmem>> -> memref<1x5x4x8x128xf32, #tpu.memory_space<vmem>>
          %parallel_loop3A_1363 = tpu.memref_squeeze %parallel_loop3A_1362 : memref<1x5x4x8x128xf32, #tpu.memory_space<vmem>> -> memref<5x4x8x128xf32, #tpu.memory_space<vmem>>
          %parallel_loop3A_1364 = arith.index_cast %parallel_loop3A_1243 : i32 to index
          %parallel_loop3A_1365 = arith.index_cast %parallel_loop3A_1341 : i32 to index
          %parallel_loop3A_1366 = arith.index_cast %parallel_loop3A_1357 : i32 to index
          %parallel_loop3A_1367 = arith.constant 16 : index
          %parallel_loop3A_1368 = tpu.vector_load %parallel_loop3A_1363[%parallel_loop3A_1364, %parallel_loop3A_1365, %parallel_loop3A_1366, %parallel_loop3A_1367] {strides = array<i32>} : memref<5x4x8x128xf32, #tpu.memory_space<vmem>>, vector<16xf32>,
          tpu.vector_store %parallel_loop3A_1363[%parallel_loop3A_1364, %parallel_loop3A_1365, %parallel_loop3A_1366, %parallel_loop3A_1367], %parallel_loop3A_1317 {strides = array<i32>} : memref<5x4x8x128xf32, #tpu.memory_space<vmem>>, vector<16xf32>,
          %parallel_loop3A_1369 = arith.constant 128 : i32
          %parallel_loop3A_1370 = arith.muli %parallel_loop3A_1243, %parallel_loop3A_1369 : i32
          %parallel_loop3A_1371 = arith.constant 32 : i32
          %parallel_loop3A_1372 = arith.addi %parallel_loop3A_1370, %parallel_loop3A_1371 : i32
          %parallel_loop3A_1373 = arith.constant 33 : i32
          %parallel_loop3A_1374 = arith.muli %parallel_loop3A_1372, %parallel_loop3A_1373 : i32
          %parallel_loop3A_1375 = arith.addi %parallel_loop3A_1374, %parallel_loop3A_1246 : i32
          %parallel_loop3A_1376 = vector.broadcast %parallel_loop3A_1375 : i32 to vector<16xi32>
          %parallel_loop3A_1377 = arith.addi %mul3A_5, %parallel_loop3A_1376 : vector<16xi32>
          %parallel_loop3A_1378 = tpu.vector_load_idx %arg8[%parallel_loop3A_1377] : memref<21120xf32, #tpu.memory_space<vmem>>[vector<16xi32>], vector<16xf32>,
          %parallel_loop3A_1379 = arith.constant 8 : i32
          %parallel_loop3A_1380 = arith.divsi %parallel_loop3A_1246, %parallel_loop3A_1379 : i32
          %parallel_loop3A_1381 = arith.constant 0 : i32
          %parallel_loop3A_1382 = arith.cmpi sgt, %parallel_loop3A_1246, %parallel_loop3A_1381 : i32
          %parallel_loop3A_1383 = arith.extui %parallel_loop3A_1382 : i1 to i32
          %parallel_loop3A_1384 = arith.constant 0 : i32
          %parallel_loop3A_1385 = arith.cmpi slt, %parallel_loop3A_1246, %parallel_loop3A_1384 : i32
          %parallel_loop3A_1386 = arith.extui %parallel_loop3A_1385 : i1 to i32
          %parallel_loop3A_1387 = arith.subi %parallel_loop3A_1383, %parallel_loop3A_1386 : i32
          %parallel_loop3A_1388 = arith.constant 0 : i32
          %parallel_loop3A_1389 = arith.cmpi sgt, %parallel_loop3A_1379, %parallel_loop3A_1388 : i32
          %parallel_loop3A_1390 = arith.extui %parallel_loop3A_1389 : i1 to i32
          %parallel_loop3A_1391 = arith.constant 0 : i32
          %parallel_loop3A_1392 = arith.cmpi slt, %parallel_loop3A_1379, %parallel_loop3A_1391 : i32
          %parallel_loop3A_1393 = arith.extui %parallel_loop3A_1392 : i1 to i32
          %parallel_loop3A_1394 = arith.subi %parallel_loop3A_1390, %parallel_loop3A_1393 : i32
          %parallel_loop3A_1395 = arith.cmpi ne, %parallel_loop3A_1387, %parallel_loop3A_1394 : i32
          %parallel_loop3A_1396 = arith.remsi %parallel_loop3A_1246, %parallel_loop3A_1379 : i32
          %parallel_loop3A_1397 = arith.constant 0 : i32
          %parallel_loop3A_1398 = arith.cmpi ne, %parallel_loop3A_1396, %parallel_loop3A_1397 : i32
          %parallel_loop3A_1399 = arith.andi %parallel_loop3A_1395, %parallel_loop3A_1398 : i1
          %parallel_loop3A_1400 = arith.constant 1 : i32
          %parallel_loop3A_1401 = arith.subi %parallel_loop3A_1380, %parallel_loop3A_1400 : i32
          %parallel_loop3A_1402 = arith.select %parallel_loop3A_1399, %parallel_loop3A_1401, %parallel_loop3A_1380 : i32
          %parallel_loop3A_1403 = arith.constant 8 : i32
          %parallel_loop3A_1404 = arith.constant 0 : i32
          %parallel_loop3A_1405 = arith.cmpi eq, %parallel_loop3A_1403, %parallel_loop3A_1404 : i32
          %parallel_loop3A_1406 = arith.constant 1 : i32
          %parallel_loop3A_1407 = arith.select %parallel_loop3A_1405, %parallel_loop3A_1406, %parallel_loop3A_1403 : i32
          %parallel_loop3A_1408 = arith.remsi %parallel_loop3A_1246, %parallel_loop3A_1407 : i32
          %parallel_loop3A_1409 = arith.constant 0 : i32
          %parallel_loop3A_1410 = arith.cmpi ne, %parallel_loop3A_1408, %parallel_loop3A_1409 : i32
          %parallel_loop3A_1411 = arith.constant 0 : i32
          %parallel_loop3A_1412 = arith.cmpi slt, %parallel_loop3A_1408, %parallel_loop3A_1411 : i32
          %parallel_loop3A_1413 = arith.constant 0 : i32
          %parallel_loop3A_1414 = arith.cmpi slt, %parallel_loop3A_1407, %parallel_loop3A_1413 : i32
          %parallel_loop3A_1415 = arith.xori %parallel_loop3A_1412, %parallel_loop3A_1414 : i1
          %parallel_loop3A_1416 = arith.andi %parallel_loop3A_1415, %parallel_loop3A_1410 : i1
          %parallel_loop3A_1417 = arith.addi %parallel_loop3A_1408, %parallel_loop3A_1407 : i32
          %parallel_loop3A_1418 = arith.select %parallel_loop3A_1416, %parallel_loop3A_1417, %parallel_loop3A_1408 : i32
          %parallel_loop3A_1419 = arith.constant 0 : i32
          %parallel_loop3A_1420 = arith.constant 0 : i32
          %parallel_loop3A_1421 = arith.constant 0 : i32
          %parallel_loop3A_1422 = arith.constant 0 : i32
          %parallel_loop3A_1423 = tpu.memref_slice %arg9[%parallel_loop3A_1112, %parallel_loop3A_1419, %parallel_loop3A_1420, %parallel_loop3A_1421, %parallel_loop3A_1422] : memref<2x5x4x8x128xf32, #tpu.memory_space<vmem>> -> memref<1x5x4x8x128xf32, #tpu.memory_space<vmem>>
          %parallel_loop3A_1424 = tpu.memref_squeeze %parallel_loop3A_1423 : memref<1x5x4x8x128xf32, #tpu.memory_space<vmem>> -> memref<5x4x8x128xf32, #tpu.memory_space<vmem>>
          %parallel_loop3A_1425 = arith.index_cast %parallel_loop3A_1243 : i32 to index
          %parallel_loop3A_1426 = arith.index_cast %parallel_loop3A_1402 : i32 to index
          %parallel_loop3A_1427 = arith.index_cast %parallel_loop3A_1418 : i32 to index
          %parallel_loop3A_1428 = arith.constant 32 : index
          %parallel_loop3A_1429 = tpu.vector_load %parallel_loop3A_1424[%parallel_loop3A_1425, %parallel_loop3A_1426, %parallel_loop3A_1427, %parallel_loop3A_1428] {strides = array<i32>} : memref<5x4x8x128xf32, #tpu.memory_space<vmem>>, vector<16xf32>,
          tpu.vector_store %parallel_loop3A_1424[%parallel_loop3A_1425, %parallel_loop3A_1426, %parallel_loop3A_1427, %parallel_loop3A_1428], %parallel_loop3A_1378 {strides = array<i32>} : memref<5x4x8x128xf32, #tpu.memory_space<vmem>>, vector<16xf32>,
          %parallel_loop3A_1430 = arith.constant 128 : i32
          %parallel_loop3A_1431 = arith.muli %parallel_loop3A_1243, %parallel_loop3A_1430 : i32
          %parallel_loop3A_1432 = arith.constant 48 : i32
          %parallel_loop3A_1433 = arith.addi %parallel_loop3A_1431, %parallel_loop3A_1432 : i32
          %parallel_loop3A_1434 = arith.constant 33 : i32
          %parallel_loop3A_1435 = arith.muli %parallel_loop3A_1433, %parallel_loop3A_1434 : i32
          %parallel_loop3A_1436 = arith.addi %parallel_loop3A_1435, %parallel_loop3A_1246 : i32
          %parallel_loop3A_1437 = vector.broadcast %parallel_loop3A_1436 : i32 to vector<16xi32>
          %parallel_loop3A_1438 = arith.addi %mul3A_5, %parallel_loop3A_1437 : vector<16xi32>
          %parallel_loop3A_1439 = tpu.vector_load_idx %arg8[%parallel_loop3A_1438] : memref<21120xf32, #tpu.memory_space<vmem>>[vector<16xi32>], vector<16xf32>,
          %parallel_loop3A_1440 = arith.constant 8 : i32
          %parallel_loop3A_1441 = arith.divsi %parallel_loop3A_1246, %parallel_loop3A_1440 : i32
          %parallel_loop3A_1442 = arith.constant 0 : i32
          %parallel_loop3A_1443 = arith.cmpi sgt, %parallel_loop3A_1246, %parallel_loop3A_1442 : i32
          %parallel_loop3A_1444 = arith.extui %parallel_loop3A_1443 : i1 to i32
          %parallel_loop3A_1445 = arith.constant 0 : i32
          %parallel_loop3A_1446 = arith.cmpi slt, %parallel_loop3A_1246, %parallel_loop3A_1445 : i32
          %parallel_loop3A_1447 = arith.extui %parallel_loop3A_1446 : i1 to i32
          %parallel_loop3A_1448 = arith.subi %parallel_loop3A_1444, %parallel_loop3A_1447 : i32
          %parallel_loop3A_1449 = arith.constant 0 : i32
          %parallel_loop3A_1450 = arith.cmpi sgt, %parallel_loop3A_1440, %parallel_loop3A_1449 : i32
          %parallel_loop3A_1451 = arith.extui %parallel_loop3A_1450 : i1 to i32
          %parallel_loop3A_1452 = arith.constant 0 : i32
          %parallel_loop3A_1453 = arith.cmpi slt, %parallel_loop3A_1440, %parallel_loop3A_1452 : i32
          %parallel_loop3A_1454 = arith.extui %parallel_loop3A_1453 : i1 to i32
          %parallel_loop3A_1455 = arith.subi %parallel_loop3A_1451, %parallel_loop3A_1454 : i32
          %parallel_loop3A_1456 = arith.cmpi ne, %parallel_loop3A_1448, %parallel_loop3A_1455 : i32
          %parallel_loop3A_1457 = arith.remsi %parallel_loop3A_1246, %parallel_loop3A_1440 : i32
          %parallel_loop3A_1458 = arith.constant 0 : i32
          %parallel_loop3A_1459 = arith.cmpi ne, %parallel_loop3A_1457, %parallel_loop3A_1458 : i32
          %parallel_loop3A_1460 = arith.andi %parallel_loop3A_1456, %parallel_loop3A_1459 : i1
          %parallel_loop3A_1461 = arith.constant 1 : i32
          %parallel_loop3A_1462 = arith.subi %parallel_loop3A_1441, %parallel_loop3A_1461 : i32
          %parallel_loop3A_1463 = arith.select %parallel_loop3A_1460, %parallel_loop3A_1462, %parallel_loop3A_1441 : i32
          %parallel_loop3A_1464 = arith.constant 8 : i32
          %parallel_loop3A_1465 = arith.constant 0 : i32
          %parallel_loop3A_1466 = arith.cmpi eq, %parallel_loop3A_1464, %parallel_loop3A_1465 : i32
          %parallel_loop3A_1467 = arith.constant 1 : i32
          %parallel_loop3A_1468 = arith.select %parallel_loop3A_1466, %parallel_loop3A_1467, %parallel_loop3A_1464 : i32
          %parallel_loop3A_1469 = arith.remsi %parallel_loop3A_1246, %parallel_loop3A_1468 : i32
          %parallel_loop3A_1470 = arith.constant 0 : i32
          %parallel_loop3A_1471 = arith.cmpi ne, %parallel_loop3A_1469, %parallel_loop3A_1470 : i32
          %parallel_loop3A_1472 = arith.constant 0 : i32
          %parallel_loop3A_1473 = arith.cmpi slt, %parallel_loop3A_1469, %parallel_loop3A_1472 : i32
          %parallel_loop3A_1474 = arith.constant 0 : i32
          %parallel_loop3A_1475 = arith.cmpi slt, %parallel_loop3A_1468, %parallel_loop3A_1474 : i32
          %parallel_loop3A_1476 = arith.xori %parallel_loop3A_1473, %parallel_loop3A_1475 : i1
          %parallel_loop3A_1477 = arith.andi %parallel_loop3A_1476, %parallel_loop3A_1471 : i1
          %parallel_loop3A_1478 = arith.addi %parallel_loop3A_1469, %parallel_loop3A_1468 : i32
          %parallel_loop3A_1479 = arith.select %parallel_loop3A_1477, %parallel_loop3A_1478, %parallel_loop3A_1469 : i32
          %parallel_loop3A_1480 = arith.constant 0 : i32
          %parallel_loop3A_1481 = arith.constant 0 : i32
          %parallel_loop3A_1482 = arith.constant 0 : i32
          %parallel_loop3A_1483 = arith.constant 0 : i32
          %parallel_loop3A_1484 = tpu.memref_slice %arg9[%parallel_loop3A_1112, %parallel_loop3A_1480, %parallel_loop3A_1481, %parallel_loop3A_1482, %parallel_loop3A_1483] : memref<2x5x4x8x128xf32, #tpu.memory_space<vmem>> -> memref<1x5x4x8x128xf32, #tpu.memory_space<vmem>>
          %parallel_loop3A_1485 = tpu.memref_squeeze %parallel_loop3A_1484 : memref<1x5x4x8x128xf32, #tpu.memory_space<vmem>> -> memref<5x4x8x128xf32, #tpu.memory_space<vmem>>
          %parallel_loop3A_1486 = arith.index_cast %parallel_loop3A_1243 : i32 to index
          %parallel_loop3A_1487 = arith.index_cast %parallel_loop3A_1463 : i32 to index
          %parallel_loop3A_1488 = arith.index_cast %parallel_loop3A_1479 : i32 to index
          %parallel_loop3A_1489 = arith.constant 48 : index
          %parallel_loop3A_1490 = tpu.vector_load %parallel_loop3A_1485[%parallel_loop3A_1486, %parallel_loop3A_1487, %parallel_loop3A_1488, %parallel_loop3A_1489] {strides = array<i32>} : memref<5x4x8x128xf32, #tpu.memory_space<vmem>>, vector<16xf32>,
          tpu.vector_store %parallel_loop3A_1485[%parallel_loop3A_1486, %parallel_loop3A_1487, %parallel_loop3A_1488, %parallel_loop3A_1489], %parallel_loop3A_1439 {strides = array<i32>} : memref<5x4x8x128xf32, #tpu.memory_space<vmem>>, vector<16xf32>,
          %parallel_loop3A_1491 = arith.constant 128 : i32
          %parallel_loop3A_1492 = arith.muli %parallel_loop3A_1243, %parallel_loop3A_1491 : i32
          %parallel_loop3A_1493 = arith.constant 64 : i32
          %parallel_loop3A_1494 = arith.addi %parallel_loop3A_1492, %parallel_loop3A_1493 : i32
          %parallel_loop3A_1495 = arith.constant 33 : i32
          %parallel_loop3A_1496 = arith.muli %parallel_loop3A_1494, %parallel_loop3A_1495 : i32
          %parallel_loop3A_1497 = arith.addi %parallel_loop3A_1496, %parallel_loop3A_1246 : i32
          %parallel_loop3A_1498 = vector.broadcast %parallel_loop3A_1497 : i32 to vector<16xi32>
          %parallel_loop3A_1499 = arith.addi %mul3A_5, %parallel_loop3A_1498 : vector<16xi32>
          %parallel_loop3A_1500 = tpu.vector_load_idx %arg8[%parallel_loop3A_1499] : memref<21120xf32, #tpu.memory_space<vmem>>[vector<16xi32>], vector<16xf32>,
          %parallel_loop3A_1501 = arith.constant 8 : i32
          %parallel_loop3A_1502 = arith.divsi %parallel_loop3A_1246, %parallel_loop3A_1501 : i32
          %parallel_loop3A_1503 = arith.constant 0 : i32
          %parallel_loop3A_1504 = arith.cmpi sgt, %parallel_loop3A_1246, %parallel_loop3A_1503 : i32
          %parallel_loop3A_1505 = arith.extui %parallel_loop3A_1504 : i1 to i32
          %parallel_loop3A_1506 = arith.constant 0 : i32
          %parallel_loop3A_1507 = arith.cmpi slt, %parallel_loop3A_1246, %parallel_loop3A_1506 : i32
          %parallel_loop3A_1508 = arith.extui %parallel_loop3A_1507 : i1 to i32
          %parallel_loop3A_1509 = arith.subi %parallel_loop3A_1505, %parallel_loop3A_1508 : i32
          %parallel_loop3A_1510 = arith.constant 0 : i32
          %parallel_loop3A_1511 = arith.cmpi sgt, %parallel_loop3A_1501, %parallel_loop3A_1510 : i32
          %parallel_loop3A_1512 = arith.extui %parallel_loop3A_1511 : i1 to i32
          %parallel_loop3A_1513 = arith.constant 0 : i32
          %parallel_loop3A_1514 = arith.cmpi slt, %parallel_loop3A_1501, %parallel_loop3A_1513 : i32
          %parallel_loop3A_1515 = arith.extui %parallel_loop3A_1514 : i1 to i32
          %parallel_loop3A_1516 = arith.subi %parallel_loop3A_1512, %parallel_loop3A_1515 : i32
          %parallel_loop3A_1517 = arith.cmpi ne, %parallel_loop3A_1509, %parallel_loop3A_1516 : i32
          %parallel_loop3A_1518 = arith.remsi %parallel_loop3A_1246, %parallel_loop3A_1501 : i32
          %parallel_loop3A_1519 = arith.constant 0 : i32
          %parallel_loop3A_1520 = arith.cmpi ne, %parallel_loop3A_1518, %parallel_loop3A_1519 : i32
          %parallel_loop3A_1521 = arith.andi %parallel_loop3A_1517, %parallel_loop3A_1520 : i1
          %parallel_loop3A_1522 = arith.constant 1 : i32
          %parallel_loop3A_1523 = arith.subi %parallel_loop3A_1502, %parallel_loop3A_1522 : i32
          %parallel_loop3A_1524 = arith.select %parallel_loop3A_1521, %parallel_loop3A_1523, %parallel_loop3A_1502 : i32
          %parallel_loop3A_1525 = arith.constant 8 : i32
          %parallel_loop3A_1526 = arith.constant 0 : i32
          %parallel_loop3A_1527 = arith.cmpi eq, %parallel_loop3A_1525, %parallel_loop3A_1526 : i32
          %parallel_loop3A_1528 = arith.constant 1 : i32
          %parallel_loop3A_1529 = arith.select %parallel_loop3A_1527, %parallel_loop3A_1528, %parallel_loop3A_1525 : i32
          %parallel_loop3A_1530 = arith.remsi %parallel_loop3A_1246, %parallel_loop3A_1529 : i32
          %parallel_loop3A_1531 = arith.constant 0 : i32
          %parallel_loop3A_1532 = arith.cmpi ne, %parallel_loop3A_1530, %parallel_loop3A_1531 : i32
          %parallel_loop3A_1533 = arith.constant 0 : i32
          %parallel_loop3A_1534 = arith.cmpi slt, %parallel_loop3A_1530, %parallel_loop3A_1533 : i32
          %parallel_loop3A_1535 = arith.constant 0 : i32
          %parallel_loop3A_1536 = arith.cmpi slt, %parallel_loop3A_1529, %parallel_loop3A_1535 : i32
          %parallel_loop3A_1537 = arith.xori %parallel_loop3A_1534, %parallel_loop3A_1536 : i1
          %parallel_loop3A_1538 = arith.andi %parallel_loop3A_1537, %parallel_loop3A_1532 : i1
          %parallel_loop3A_1539 = arith.addi %parallel_loop3A_1530, %parallel_loop3A_1529 : i32
          %parallel_loop3A_1540 = arith.select %parallel_loop3A_1538, %parallel_loop3A_1539, %parallel_loop3A_1530 : i32
          %parallel_loop3A_1541 = arith.constant 0 : i32
          %parallel_loop3A_1542 = arith.constant 0 : i32
          %parallel_loop3A_1543 = arith.constant 0 : i32
          %parallel_loop3A_1544 = arith.constant 0 : i32
          %parallel_loop3A_1545 = tpu.memref_slice %arg9[%parallel_loop3A_1112, %parallel_loop3A_1541, %parallel_loop3A_1542, %parallel_loop3A_1543, %parallel_loop3A_1544] : memref<2x5x4x8x128xf32, #tpu.memory_space<vmem>> -> memref<1x5x4x8x128xf32, #tpu.memory_space<vmem>>
          %parallel_loop3A_1546 = tpu.memref_squeeze %parallel_loop3A_1545 : memref<1x5x4x8x128xf32, #tpu.memory_space<vmem>> -> memref<5x4x8x128xf32, #tpu.memory_space<vmem>>
          %parallel_loop3A_1547 = arith.index_cast %parallel_loop3A_1243 : i32 to index
          %parallel_loop3A_1548 = arith.index_cast %parallel_loop3A_1524 : i32 to index
          %parallel_loop3A_1549 = arith.index_cast %parallel_loop3A_1540 : i32 to index
          %parallel_loop3A_1550 = arith.constant 64 : index
          %parallel_loop3A_1551 = tpu.vector_load %parallel_loop3A_1546[%parallel_loop3A_1547, %parallel_loop3A_1548, %parallel_loop3A_1549, %parallel_loop3A_1550] {strides = array<i32>} : memref<5x4x8x128xf32, #tpu.memory_space<vmem>>, vector<16xf32>,
          tpu.vector_store %parallel_loop3A_1546[%parallel_loop3A_1547, %parallel_loop3A_1548, %parallel_loop3A_1549, %parallel_loop3A_1550], %parallel_loop3A_1500 {strides = array<i32>} : memref<5x4x8x128xf32, #tpu.memory_space<vmem>>, vector<16xf32>,
          %parallel_loop3A_1552 = arith.constant 128 : i32
          %parallel_loop3A_1553 = arith.muli %parallel_loop3A_1243, %parallel_loop3A_1552 : i32
          %parallel_loop3A_1554 = arith.constant 80 : i32
          %parallel_loop3A_1555 = arith.addi %parallel_loop3A_1553, %parallel_loop3A_1554 : i32
          %parallel_loop3A_1556 = arith.constant 33 : i32
          %parallel_loop3A_1557 = arith.muli %parallel_loop3A_1555, %parallel_loop3A_1556 : i32
          %parallel_loop3A_1558 = arith.addi %parallel_loop3A_1557, %parallel_loop3A_1246 : i32
          %parallel_loop3A_1559 = vector.broadcast %parallel_loop3A_1558 : i32 to vector<16xi32>
          %parallel_loop3A_1560 = arith.addi %mul3A_5, %parallel_loop3A_1559 : vector<16xi32>
          %parallel_loop3A_1561 = tpu.vector_load_idx %arg8[%parallel_loop3A_1560] : memref<21120xf32, #tpu.memory_space<vmem>>[vector<16xi32>], vector<16xf32>,
          %parallel_loop3A_1562 = arith.constant 8 : i32
          %parallel_loop3A_1563 = arith.divsi %parallel_loop3A_1246, %parallel_loop3A_1562 : i32
          %parallel_loop3A_1564 = arith.constant 0 : i32
          %parallel_loop3A_1565 = arith.cmpi sgt, %parallel_loop3A_1246, %parallel_loop3A_1564 : i32
          %parallel_loop3A_1566 = arith.extui %parallel_loop3A_1565 : i1 to i32
          %parallel_loop3A_1567 = arith.constant 0 : i32
          %parallel_loop3A_1568 = arith.cmpi slt, %parallel_loop3A_1246, %parallel_loop3A_1567 : i32
          %parallel_loop3A_1569 = arith.extui %parallel_loop3A_1568 : i1 to i32
          %parallel_loop3A_1570 = arith.subi %parallel_loop3A_1566, %parallel_loop3A_1569 : i32
          %parallel_loop3A_1571 = arith.constant 0 : i32
          %parallel_loop3A_1572 = arith.cmpi sgt, %parallel_loop3A_1562, %parallel_loop3A_1571 : i32
          %parallel_loop3A_1573 = arith.extui %parallel_loop3A_1572 : i1 to i32
          %parallel_loop3A_1574 = arith.constant 0 : i32
          %parallel_loop3A_1575 = arith.cmpi slt, %parallel_loop3A_1562, %parallel_loop3A_1574 : i32
          %parallel_loop3A_1576 = arith.extui %parallel_loop3A_1575 : i1 to i32
          %parallel_loop3A_1577 = arith.subi %parallel_loop3A_1573, %parallel_loop3A_1576 : i32
          %parallel_loop3A_1578 = arith.cmpi ne, %parallel_loop3A_1570, %parallel_loop3A_1577 : i32
          %parallel_loop3A_1579 = arith.remsi %parallel_loop3A_1246, %parallel_loop3A_1562 : i32
          %parallel_loop3A_1580 = arith.constant 0 : i32
          %parallel_loop3A_1581 = arith.cmpi ne, %parallel_loop3A_1579, %parallel_loop3A_1580 : i32
          %parallel_loop3A_1582 = arith.andi %parallel_loop3A_1578, %parallel_loop3A_1581 : i1
          %parallel_loop3A_1583 = arith.constant 1 : i32
          %parallel_loop3A_1584 = arith.subi %parallel_loop3A_1563, %parallel_loop3A_1583 : i32
          %parallel_loop3A_1585 = arith.select %parallel_loop3A_1582, %parallel_loop3A_1584, %parallel_loop3A_1563 : i32
          %parallel_loop3A_1586 = arith.constant 8 : i32
          %parallel_loop3A_1587 = arith.constant 0 : i32
          %parallel_loop3A_1588 = arith.cmpi eq, %parallel_loop3A_1586, %parallel_loop3A_1587 : i32
          %parallel_loop3A_1589 = arith.constant 1 : i32
          %parallel_loop3A_1590 = arith.select %parallel_loop3A_1588, %parallel_loop3A_1589, %parallel_loop3A_1586 : i32
          %parallel_loop3A_1591 = arith.remsi %parallel_loop3A_1246, %parallel_loop3A_1590 : i32
          %parallel_loop3A_1592 = arith.constant 0 : i32
          %parallel_loop3A_1593 = arith.cmpi ne, %parallel_loop3A_1591, %parallel_loop3A_1592 : i32
          %parallel_loop3A_1594 = arith.constant 0 : i32
          %parallel_loop3A_1595 = arith.cmpi slt, %parallel_loop3A_1591, %parallel_loop3A_1594 : i32
          %parallel_loop3A_1596 = arith.constant 0 : i32
          %parallel_loop3A_1597 = arith.cmpi slt, %parallel_loop3A_1590, %parallel_loop3A_1596 : i32
          %parallel_loop3A_1598 = arith.xori %parallel_loop3A_1595, %parallel_loop3A_1597 : i1
          %parallel_loop3A_1599 = arith.andi %parallel_loop3A_1598, %parallel_loop3A_1593 : i1
          %parallel_loop3A_1600 = arith.addi %parallel_loop3A_1591, %parallel_loop3A_1590 : i32
          %parallel_loop3A_1601 = arith.select %parallel_loop3A_1599, %parallel_loop3A_1600, %parallel_loop3A_1591 : i32
          %parallel_loop3A_1602 = arith.constant 0 : i32
          %parallel_loop3A_1603 = arith.constant 0 : i32
          %parallel_loop3A_1604 = arith.constant 0 : i32
          %parallel_loop3A_1605 = arith.constant 0 : i32
          %parallel_loop3A_1606 = tpu.memref_slice %arg9[%parallel_loop3A_1112, %parallel_loop3A_1602, %parallel_loop3A_1603, %parallel_loop3A_1604, %parallel_loop3A_1605] : memref<2x5x4x8x128xf32, #tpu.memory_space<vmem>> -> memref<1x5x4x8x128xf32, #tpu.memory_space<vmem>>
          %parallel_loop3A_1607 = tpu.memref_squeeze %parallel_loop3A_1606 : memref<1x5x4x8x128xf32, #tpu.memory_space<vmem>> -> memref<5x4x8x128xf32, #tpu.memory_space<vmem>>
          %parallel_loop3A_1608 = arith.index_cast %parallel_loop3A_1243 : i32 to index
          %parallel_loop3A_1609 = arith.index_cast %parallel_loop3A_1585 : i32 to index
          %parallel_loop3A_1610 = arith.index_cast %parallel_loop3A_1601 : i32 to index
          %parallel_loop3A_1611 = arith.constant 80 : index
          %parallel_loop3A_1612 = tpu.vector_load %parallel_loop3A_1607[%parallel_loop3A_1608, %parallel_loop3A_1609, %parallel_loop3A_1610, %parallel_loop3A_1611] {strides = array<i32>} : memref<5x4x8x128xf32, #tpu.memory_space<vmem>>, vector<16xf32>,
          tpu.vector_store %parallel_loop3A_1607[%parallel_loop3A_1608, %parallel_loop3A_1609, %parallel_loop3A_1610, %parallel_loop3A_1611], %parallel_loop3A_1561 {strides = array<i32>} : memref<5x4x8x128xf32, #tpu.memory_space<vmem>>, vector<16xf32>,
          %parallel_loop3A_1613 = arith.constant 128 : i32
          %parallel_loop3A_1614 = arith.muli %parallel_loop3A_1243, %parallel_loop3A_1613 : i32
          %parallel_loop3A_1615 = arith.constant 96 : i32
          %parallel_loop3A_1616 = arith.addi %parallel_loop3A_1614, %parallel_loop3A_1615 : i32
          %parallel_loop3A_1617 = arith.constant 33 : i32
          %parallel_loop3A_1618 = arith.muli %parallel_loop3A_1616, %parallel_loop3A_1617 : i32
          %parallel_loop3A_1619 = arith.addi %parallel_loop3A_1618, %parallel_loop3A_1246 : i32
          %parallel_loop3A_1620 = vector.broadcast %parallel_loop3A_1619 : i32 to vector<16xi32>
          %parallel_loop3A_1621 = arith.addi %mul3A_5, %parallel_loop3A_1620 : vector<16xi32>
          %parallel_loop3A_1622 = tpu.vector_load_idx %arg8[%parallel_loop3A_1621] : memref<21120xf32, #tpu.memory_space<vmem>>[vector<16xi32>], vector<16xf32>,
          %parallel_loop3A_1623 = arith.constant 8 : i32
          %parallel_loop3A_1624 = arith.divsi %parallel_loop3A_1246, %parallel_loop3A_1623 : i32
          %parallel_loop3A_1625 = arith.constant 0 : i32
          %parallel_loop3A_1626 = arith.cmpi sgt, %parallel_loop3A_1246, %parallel_loop3A_1625 : i32
          %parallel_loop3A_1627 = arith.extui %parallel_loop3A_1626 : i1 to i32
          %parallel_loop3A_1628 = arith.constant 0 : i32
          %parallel_loop3A_1629 = arith.cmpi slt, %parallel_loop3A_1246, %parallel_loop3A_1628 : i32
          %parallel_loop3A_1630 = arith.extui %parallel_loop3A_1629 : i1 to i32
          %parallel_loop3A_1631 = arith.subi %parallel_loop3A_1627, %parallel_loop3A_1630 : i32
          %parallel_loop3A_1632 = arith.constant 0 : i32
          %parallel_loop3A_1633 = arith.cmpi sgt, %parallel_loop3A_1623, %parallel_loop3A_1632 : i32
          %parallel_loop3A_1634 = arith.extui %parallel_loop3A_1633 : i1 to i32
          %parallel_loop3A_1635 = arith.constant 0 : i32
          %parallel_loop3A_1636 = arith.cmpi slt, %parallel_loop3A_1623, %parallel_loop3A_1635 : i32
          %parallel_loop3A_1637 = arith.extui %parallel_loop3A_1636 : i1 to i32
          %parallel_loop3A_1638 = arith.subi %parallel_loop3A_1634, %parallel_loop3A_1637 : i32
          %parallel_loop3A_1639 = arith.cmpi ne, %parallel_loop3A_1631, %parallel_loop3A_1638 : i32
          %parallel_loop3A_1640 = arith.remsi %parallel_loop3A_1246, %parallel_loop3A_1623 : i32
          %parallel_loop3A_1641 = arith.constant 0 : i32
          %parallel_loop3A_1642 = arith.cmpi ne, %parallel_loop3A_1640, %parallel_loop3A_1641 : i32
          %parallel_loop3A_1643 = arith.andi %parallel_loop3A_1639, %parallel_loop3A_1642 : i1
          %parallel_loop3A_1644 = arith.constant 1 : i32
          %parallel_loop3A_1645 = arith.subi %parallel_loop3A_1624, %parallel_loop3A_1644 : i32
          %parallel_loop3A_1646 = arith.select %parallel_loop3A_1643, %parallel_loop3A_1645, %parallel_loop3A_1624 : i32
          %parallel_loop3A_1647 = arith.constant 8 : i32
          %parallel_loop3A_1648 = arith.constant 0 : i32
          %parallel_loop3A_1649 = arith.cmpi eq, %parallel_loop3A_1647, %parallel_loop3A_1648 : i32
          %parallel_loop3A_1650 = arith.constant 1 : i32
          %parallel_loop3A_1651 = arith.select %parallel_loop3A_1649, %parallel_loop3A_1650, %parallel_loop3A_1647 : i32
          %parallel_loop3A_1652 = arith.remsi %parallel_loop3A_1246, %parallel_loop3A_1651 : i32
          %parallel_loop3A_1653 = arith.constant 0 : i32
          %parallel_loop3A_1654 = arith.cmpi ne, %parallel_loop3A_1652, %parallel_loop3A_1653 : i32
          %parallel_loop3A_1655 = arith.constant 0 : i32
          %parallel_loop3A_1656 = arith.cmpi slt, %parallel_loop3A_1652, %parallel_loop3A_1655 : i32
          %parallel_loop3A_1657 = arith.constant 0 : i32
          %parallel_loop3A_1658 = arith.cmpi slt, %parallel_loop3A_1651, %parallel_loop3A_1657 : i32
          %parallel_loop3A_1659 = arith.xori %parallel_loop3A_1656, %parallel_loop3A_1658 : i1
          %parallel_loop3A_1660 = arith.andi %parallel_loop3A_1659, %parallel_loop3A_1654 : i1
          %parallel_loop3A_1661 = arith.addi %parallel_loop3A_1652, %parallel_loop3A_1651 : i32
          %parallel_loop3A_1662 = arith.select %parallel_loop3A_1660, %parallel_loop3A_1661, %parallel_loop3A_1652 : i32
          %parallel_loop3A_1663 = arith.constant 0 : i32
          %parallel_loop3A_1664 = arith.constant 0 : i32
          %parallel_loop3A_1665 = arith.constant 0 : i32
          %parallel_loop3A_1666 = arith.constant 0 : i32
          %parallel_loop3A_1667 = tpu.memref_slice %arg9[%parallel_loop3A_1112, %parallel_loop3A_1663, %parallel_loop3A_1664, %parallel_loop3A_1665, %parallel_loop3A_1666] : memref<2x5x4x8x128xf32, #tpu.memory_space<vmem>> -> memref<1x5x4x8x128xf32, #tpu.memory_space<vmem>>
          %parallel_loop3A_1668 = tpu.memref_squeeze %parallel_loop3A_1667 : memref<1x5x4x8x128xf32, #tpu.memory_space<vmem>> -> memref<5x4x8x128xf32, #tpu.memory_space<vmem>>
          %parallel_loop3A_1669 = arith.index_cast %parallel_loop3A_1243 : i32 to index
          %parallel_loop3A_1670 = arith.index_cast %parallel_loop3A_1646 : i32 to index
          %parallel_loop3A_1671 = arith.index_cast %parallel_loop3A_1662 : i32 to index
          %parallel_loop3A_1672 = arith.constant 96 : index
          %parallel_loop3A_1673 = tpu.vector_load %parallel_loop3A_1668[%parallel_loop3A_1669, %parallel_loop3A_1670, %parallel_loop3A_1671, %parallel_loop3A_1672] {strides = array<i32>} : memref<5x4x8x128xf32, #tpu.memory_space<vmem>>, vector<16xf32>,
          tpu.vector_store %parallel_loop3A_1668[%parallel_loop3A_1669, %parallel_loop3A_1670, %parallel_loop3A_1671, %parallel_loop3A_1672], %parallel_loop3A_1622 {strides = array<i32>} : memref<5x4x8x128xf32, #tpu.memory_space<vmem>>, vector<16xf32>,
          %parallel_loop3A_1674 = arith.constant 128 : i32
          %parallel_loop3A_1675 = arith.muli %parallel_loop3A_1243, %parallel_loop3A_1674 : i32
          %parallel_loop3A_1676 = arith.constant 112 : i32
          %parallel_loop3A_1677 = arith.addi %parallel_loop3A_1675, %parallel_loop3A_1676 : i32
          %parallel_loop3A_1678 = arith.constant 33 : i32
          %parallel_loop3A_1679 = arith.muli %parallel_loop3A_1677, %parallel_loop3A_1678 : i32
          %parallel_loop3A_1680 = arith.addi %parallel_loop3A_1679, %parallel_loop3A_1246 : i32
          %parallel_loop3A_1681 = vector.broadcast %parallel_loop3A_1680 : i32 to vector<16xi32>
          %parallel_loop3A_1682 = arith.addi %mul3A_5, %parallel_loop3A_1681 : vector<16xi32>
          %parallel_loop3A_1683 = tpu.vector_load_idx %arg8[%parallel_loop3A_1682] : memref<21120xf32, #tpu.memory_space<vmem>>[vector<16xi32>], vector<16xf32>,
          %parallel_loop3A_1684 = arith.constant 8 : i32
          %parallel_loop3A_1685 = arith.divsi %parallel_loop3A_1246, %parallel_loop3A_1684 : i32
          %parallel_loop3A_1686 = arith.constant 0 : i32
          %parallel_loop3A_1687 = arith.cmpi sgt, %parallel_loop3A_1246, %parallel_loop3A_1686 : i32
          %parallel_loop3A_1688 = arith.extui %parallel_loop3A_1687 : i1 to i32
          %parallel_loop3A_1689 = arith.constant 0 : i32
          %parallel_loop3A_1690 = arith.cmpi slt, %parallel_loop3A_1246, %parallel_loop3A_1689 : i32
          %parallel_loop3A_1691 = arith.extui %parallel_loop3A_1690 : i1 to i32
          %parallel_loop3A_1692 = arith.subi %parallel_loop3A_1688, %parallel_loop3A_1691 : i32
          %parallel_loop3A_1693 = arith.constant 0 : i32
          %parallel_loop3A_1694 = arith.cmpi sgt, %parallel_loop3A_1684, %parallel_loop3A_1693 : i32
          %parallel_loop3A_1695 = arith.extui %parallel_loop3A_1694 : i1 to i32
          %parallel_loop3A_1696 = arith.constant 0 : i32
          %parallel_loop3A_1697 = arith.cmpi slt, %parallel_loop3A_1684, %parallel_loop3A_1696 : i32
          %parallel_loop3A_1698 = arith.extui %parallel_loop3A_1697 : i1 to i32
          %parallel_loop3A_1699 = arith.subi %parallel_loop3A_1695, %parallel_loop3A_1698 : i32
          %parallel_loop3A_1700 = arith.cmpi ne, %parallel_loop3A_1692, %parallel_loop3A_1699 : i32
          %parallel_loop3A_1701 = arith.remsi %parallel_loop3A_1246, %parallel_loop3A_1684 : i32
          %parallel_loop3A_1702 = arith.constant 0 : i32
          %parallel_loop3A_1703 = arith.cmpi ne, %parallel_loop3A_1701, %parallel_loop3A_1702 : i32
          %parallel_loop3A_1704 = arith.andi %parallel_loop3A_1700, %parallel_loop3A_1703 : i1
          %parallel_loop3A_1705 = arith.constant 1 : i32
          %parallel_loop3A_1706 = arith.subi %parallel_loop3A_1685, %parallel_loop3A_1705 : i32
          %parallel_loop3A_1707 = arith.select %parallel_loop3A_1704, %parallel_loop3A_1706, %parallel_loop3A_1685 : i32
          %parallel_loop3A_1708 = arith.constant 8 : i32
          %parallel_loop3A_1709 = arith.constant 0 : i32
          %parallel_loop3A_1710 = arith.cmpi eq, %parallel_loop3A_1708, %parallel_loop3A_1709 : i32
          %parallel_loop3A_1711 = arith.constant 1 : i32
          %parallel_loop3A_1712 = arith.select %parallel_loop3A_1710, %parallel_loop3A_1711, %parallel_loop3A_1708 : i32
          %parallel_loop3A_1713 = arith.remsi %parallel_loop3A_1246, %parallel_loop3A_1712 : i32
          %parallel_loop3A_1714 = arith.constant 0 : i32
          %parallel_loop3A_1715 = arith.cmpi ne, %parallel_loop3A_1713, %parallel_loop3A_1714 : i32
          %parallel_loop3A_1716 = arith.constant 0 : i32
          %parallel_loop3A_1717 = arith.cmpi slt, %parallel_loop3A_1713, %parallel_loop3A_1716 : i32
          %parallel_loop3A_1718 = arith.constant 0 : i32
          %parallel_loop3A_1719 = arith.cmpi slt, %parallel_loop3A_1712, %parallel_loop3A_1718 : i32
          %parallel_loop3A_1720 = arith.xori %parallel_loop3A_1717, %parallel_loop3A_1719 : i1
          %parallel_loop3A_1721 = arith.andi %parallel_loop3A_1720, %parallel_loop3A_1715 : i1
          %parallel_loop3A_1722 = arith.addi %parallel_loop3A_1713, %parallel_loop3A_1712 : i32
          %parallel_loop3A_1723 = arith.select %parallel_loop3A_1721, %parallel_loop3A_1722, %parallel_loop3A_1713 : i32
          %parallel_loop3A_1724 = arith.constant 0 : i32
          %parallel_loop3A_1725 = arith.constant 0 : i32
          %parallel_loop3A_1726 = arith.constant 0 : i32
          %parallel_loop3A_1727 = arith.constant 0 : i32
          %parallel_loop3A_1728 = tpu.memref_slice %arg9[%parallel_loop3A_1112, %parallel_loop3A_1724, %parallel_loop3A_1725, %parallel_loop3A_1726, %parallel_loop3A_1727] : memref<2x5x4x8x128xf32, #tpu.memory_space<vmem>> -> memref<1x5x4x8x128xf32, #tpu.memory_space<vmem>>
          %parallel_loop3A_1729 = tpu.memref_squeeze %parallel_loop3A_1728 : memref<1x5x4x8x128xf32, #tpu.memory_space<vmem>> -> memref<5x4x8x128xf32, #tpu.memory_space<vmem>>
          %parallel_loop3A_1730 = arith.index_cast %parallel_loop3A_1243 : i32 to index
          %parallel_loop3A_1731 = arith.index_cast %parallel_loop3A_1707 : i32 to index
          %parallel_loop3A_1732 = arith.index_cast %parallel_loop3A_1723 : i32 to index
          %parallel_loop3A_1733 = arith.constant 112 : index
          %parallel_loop3A_1734 = tpu.vector_load %parallel_loop3A_1729[%parallel_loop3A_1730, %parallel_loop3A_1731, %parallel_loop3A_1732, %parallel_loop3A_1733] {strides = array<i32>} : memref<5x4x8x128xf32, #tpu.memory_space<vmem>>, vector<16xf32>,
          tpu.vector_store %parallel_loop3A_1729[%parallel_loop3A_1730, %parallel_loop3A_1731, %parallel_loop3A_1732, %parallel_loop3A_1733], %parallel_loop3A_1683 {strides = array<i32>} : memref<5x4x8x128xf32, #tpu.memory_space<vmem>>, vector<16xf32>,
        } {sc.loop_unroll_factor = 2 : i64, sc.parallel_access}
        %add3A_1113 = arith.addi %mul3A_2, %add3A_1074 : i32
        %jit3A_1114 = arith.constant 10 : i32
        %eq3A_1115 = arith.constant 0 : i32
        %eq3A_1116 = arith.cmpi eq, %jit3A_1114, %eq3A_1115 : i32
        %jit3A_1117 = arith.constant 1 : i32
        %select_n3A_1118 = arith.select %eq3A_1116, %jit3A_1117, %jit3A_1114 : i32
        %rem3A_1119 = arith.remsi %add3A_1113, %select_n3A_1118 : i32
        %ne3A_1120 = arith.constant 0 : i32
        %ne3A_1121 = arith.cmpi ne, %rem3A_1119, %ne3A_1120 : i32
        %lt3A_1122 = arith.constant 0 : i32
        %lt3A_1123 = arith.cmpi slt, %rem3A_1119, %lt3A_1122 : i32
        %lt3A_1124 = arith.constant 0 : i32
        %lt3A_1125 = arith.cmpi slt, %select_n3A_1118, %lt3A_1124 : i32
        %ne3A_1126 = arith.xori %lt3A_1123, %lt3A_1125 : i1
        %and3A_1127 = arith.andi %ne3A_1126, %ne3A_1121 : i1
        %add3A_1128 = arith.addi %rem3A_1119, %select_n3A_1118 : i32
        %select_n3A_1129 = arith.select %and3A_1127, %add3A_1128, %rem3A_1119 : i32
        %jit3A_1130 = arith.constant 10 : i32
        %div3A_1131 = arith.divsi %add3A_1113, %jit3A_1130 : i32
        %sign3A_1132 = arith.constant 0 : i32
        %sign3A_1133 = arith.cmpi sgt, %add3A_1113, %sign3A_1132 : i32
        %sign3A_1134 = arith.extui %sign3A_1133 : i1 to i32
        %sign3A_1135 = arith.constant 0 : i32
        %sign3A_1136 = arith.cmpi slt, %add3A_1113, %sign3A_1135 : i32
        %sign3A_1137 = arith.extui %sign3A_1136 : i1 to i32
        %sign3A_1138 = arith.subi %sign3A_1134, %sign3A_1137 : i32
        %sign3A_1139 = arith.constant 0 : i32
        %sign3A_1140 = arith.cmpi sgt, %jit3A_1130, %sign3A_1139 : i32
        %sign3A_1141 = arith.extui %sign3A_1140 : i1 to i32
        %sign3A_1142 = arith.constant 0 : i32
        %sign3A_1143 = arith.cmpi slt, %jit3A_1130, %sign3A_1142 : i32
        %sign3A_1144 = arith.extui %sign3A_1143 : i1 to i32
        %sign3A_1145 = arith.subi %sign3A_1141, %sign3A_1144 : i32
        %ne3A_1146 = arith.cmpi ne, %sign3A_1138, %sign3A_1145 : i32
        %rem3A_1147 = arith.remsi %add3A_1113, %jit3A_1130 : i32
        %ne3A_1148 = arith.constant 0 : i32
        %ne3A_1149 = arith.cmpi ne, %rem3A_1147, %ne3A_1148 : i32
        %and3A_1150 = arith.andi %ne3A_1146, %ne3A_1149 : i1
        %sub3A_1151 = arith.constant 1 : i32
        %sub3A_1152 = arith.subi %div3A_1131, %sub3A_1151 : i32
        %select_n3A_1153 = arith.select %and3A_1150, %sub3A_1152, %div3A_1131 : i32
        %jit3A_1154 = arith.constant 8 : i32
        %div3A_1155 = arith.divsi %select_n3A_1153, %jit3A_1154 : i32
        %sign3A_1156 = arith.constant 0 : i32
        %sign3A_1157 = arith.cmpi sgt, %select_n3A_1153, %sign3A_1156 : i32
        %sign3A_1158 = arith.extui %sign3A_1157 : i1 to i32
        %sign3A_1159 = arith.constant 0 : i32
        %sign3A_1160 = arith.cmpi slt, %select_n3A_1153, %sign3A_1159 : i32
        %sign3A_1161 = arith.extui %sign3A_1160 : i1 to i32
        %sign3A_1162 = arith.subi %sign3A_1158, %sign3A_1161 : i32
        %sign3A_1163 = arith.constant 0 : i32
        %sign3A_1164 = arith.cmpi sgt, %jit3A_1154, %sign3A_1163 : i32
        %sign3A_1165 = arith.extui %sign3A_1164 : i1 to i32
        %sign3A_1166 = arith.constant 0 : i32
        %sign3A_1167 = arith.cmpi slt, %jit3A_1154, %sign3A_1166 : i32
        %sign3A_1168 = arith.extui %sign3A_1167 : i1 to i32
        %sign3A_1169 = arith.subi %sign3A_1165, %sign3A_1168 : i32
        %ne3A_1170 = arith.cmpi ne, %sign3A_1162, %sign3A_1169 : i32
        %rem3A_1171 = arith.remsi %select_n3A_1153, %jit3A_1154 : i32
        %ne3A_1172 = arith.constant 0 : i32
        %ne3A_1173 = arith.cmpi ne, %rem3A_1171, %ne3A_1172 : i32
        %and3A_1174 = arith.andi %ne3A_1170, %ne3A_1173 : i1
        %sub3A_1175 = arith.constant 1 : i32
        %sub3A_1176 = arith.subi %div3A_1155, %sub3A_1175 : i32
        %select_n3A_1177 = arith.select %and3A_1174, %sub3A_1176, %div3A_1155 : i32
        %jit3A_1178 = arith.constant 8 : i32
        %eq3A_1179 = arith.constant 0 : i32
        %eq3A_1180 = arith.cmpi eq, %jit3A_1178, %eq3A_1179 : i32
        %jit3A_1181 = arith.constant 1 : i32
        %select_n3A_1182 = arith.select %eq3A_1180, %jit3A_1181, %jit3A_1178 : i32
        %rem3A_1183 = arith.remsi %select_n3A_1153, %select_n3A_1182 : i32
        %ne3A_1184 = arith.constant 0 : i32
        %ne3A_1185 = arith.cmpi ne, %rem3A_1183, %ne3A_1184 : i32
        %lt3A_1186 = arith.constant 0 : i32
        %lt3A_1187 = arith.cmpi slt, %rem3A_1183, %lt3A_1186 : i32
        %lt3A_1188 = arith.constant 0 : i32
        %lt3A_1189 = arith.cmpi slt, %select_n3A_1182, %lt3A_1188 : i32
        %ne3A_1190 = arith.xori %lt3A_1187, %lt3A_1189 : i1
        %and3A_1191 = arith.andi %ne3A_1190, %ne3A_1185 : i1
        %add3A_1192 = arith.addi %rem3A_1183, %select_n3A_1182 : i32
        %select_n3A_1193 = arith.select %and3A_1191, %add3A_1192, %rem3A_1183 : i32
        %mul3A_1194 = arith.constant 5 : i32
        %mul3A_1195 = arith.muli %select_n3A_1129, %mul3A_1194 : i32
        %dma_start3A_1196 = arith.constant 1 : i32
        %dma_start3A_1197 = arith.constant 0 : i32
        %dma_start3A_1198 = arith.constant 0 : i32
        %dma_start3A_1199 = arith.constant 0 : i32
        %dma_start3A_1200 = arith.constant 0 : i32
        %dma_start3A_1201 = tpu.memref_slice %arg9[%dma_start3A_1196, %dma_start3A_1197, %dma_start3A_1198, %dma_start3A_1199, %dma_start3A_1200] : memref<2x5x4x8x128xf32, #tpu.memory_space<vmem>> -> memref<1x5x4x8x128xf32, #tpu.memory_space<vmem>>
        %dma_start3A_1202 = tpu.memref_squeeze %dma_start3A_1201 : memref<1x5x4x8x128xf32, #tpu.memory_space<vmem>> -> memref<5x4x8x128xf32, #tpu.memory_space<vmem>>
        %dma_start3A_1203 = arith.constant 0 : i32
        %dma_start3A_1204 = arith.constant 0 : i32
        %dma_start3A_1205 = arith.constant 0 : i32
        %dma_start3A_1206 = tpu.memref_slice %arg4[%select_n3A_1177, %mul3A_1195, %dma_start3A_1203, %select_n3A_1193, %dma_start3A_1204, %dma_start3A_1205] : memref<26x50x4x8x8x128xf32, #tpu.memory_space<hbm>> -> memref<1x5x4x1x8x128xf32, #tpu.memory_space<hbm>>
        %dma_start3A_1207 = tpu.memref_squeeze %dma_start3A_1206 : memref<1x5x4x1x8x128xf32, #tpu.memory_space<hbm>> -> memref<5x4x8x128xf32, #tpu.memory_space<hbm>>
        %dma_start3A_1208 = arith.constant 0 : i32
        %dma_start3A_1209 = arith.constant 0 : i32
        %dma_start3A_1210 = arith.constant 0 : i32
        %dma_start3A_1211 = tpu.memref_slice %arg4[%select_n3A_1177, %mul3A_1195, %dma_start3A_1208, %select_n3A_1193, %dma_start3A_1209, %dma_start3A_1210] : memref<26x50x4x8x8x128xf32, #tpu.memory_space<hbm>> -> memref<1x5x4x1x8x128xf32, #tpu.memory_space<hbm>>
        %dma_start3A_1212 = tpu.memref_squeeze %dma_start3A_1211 : memref<1x5x4x1x8x128xf32, #tpu.memory_space<hbm>> -> memref<5x4x8x128xf32, #tpu.memory_space<hbm>>
        %dma_start3A_1213 = arith.constant 0 : i32
        %dma_start3A_1214 = arith.constant 0 : i32
        %dma_start3A_1215 = arith.constant 0 : i32
        %dma_start3A_1216 = arith.constant 0 : i32
        %dma_start3A_1217 = tpu.memref_slice %arg9[%dma_start3A_1196, %dma_start3A_1213, %dma_start3A_1214, %dma_start3A_1215, %dma_start3A_1216] : memref<2x5x4x8x128xf32, #tpu.memory_space<vmem>> -> memref<1x5x4x8x128xf32, #tpu.memory_space<vmem>>
        %dma_start3A_1218 = tpu.memref_squeeze %dma_start3A_1217 : memref<1x5x4x8x128xf32, #tpu.memory_space<vmem>> -> memref<5x4x8x128xf32, #tpu.memory_space<vmem>>
        tpu.enqueue_dma source(%dma_start3A_1218 : memref<5x4x8x128xf32, #tpu.memory_space<vmem>>) target(%dma_start3A_1212 : memref<5x4x8x128xf32, #tpu.memory_space<hbm>>) target_semaphore(%arg13 : memref<!tpu.dma_semaphore, #tpu.memory_space<semaphore_mem>>)
      } else {
      }
    }
    %scan3A_837 = arith.constant 33 : i32
    %add3A_838 = arith.constant 65 : i32
    %add3A_839 = arith.addi %mul3A_2, %add3A_838 : i32
    %sub3A_840 = arith.constant 2 : i32
    %sub3A_841 = arith.subi %add3A_839, %sub3A_840 : i32
    %jit3A_842 = arith.constant 10 : i32
    %eq3A_843 = arith.constant 0 : i32
    %eq3A_844 = arith.cmpi eq, %jit3A_842, %eq3A_843 : i32
    %jit3A_845 = arith.constant 1 : i32
    %select_n3A_846 = arith.select %eq3A_844, %jit3A_845, %jit3A_842 : i32
    %rem3A_847 = arith.remsi %sub3A_841, %select_n3A_846 : i32
    %ne3A_848 = arith.constant 0 : i32
    %ne3A_849 = arith.cmpi ne, %rem3A_847, %ne3A_848 : i32
    %lt3A_850 = arith.constant 0 : i32
    %lt3A_851 = arith.cmpi slt, %rem3A_847, %lt3A_850 : i32
    %lt3A_852 = arith.constant 0 : i32
    %lt3A_853 = arith.cmpi slt, %select_n3A_846, %lt3A_852 : i32
    %ne3A_854 = arith.xori %lt3A_851, %lt3A_853 : i1
    %and3A_855 = arith.andi %ne3A_854, %ne3A_849 : i1
    %add3A_856 = arith.addi %rem3A_847, %select_n3A_846 : i32
    %select_n3A_857 = arith.select %and3A_855, %add3A_856, %rem3A_847 : i32
    %jit3A_858 = arith.constant 10 : i32
    %div3A_859 = arith.divsi %sub3A_841, %jit3A_858 : i32
    %sign3A_860 = arith.constant 0 : i32
    %sign3A_861 = arith.cmpi sgt, %sub3A_841, %sign3A_860 : i32
    %sign3A_862 = arith.extui %sign3A_861 : i1 to i32
    %sign3A_863 = arith.constant 0 : i32
    %sign3A_864 = arith.cmpi slt, %sub3A_841, %sign3A_863 : i32
    %sign3A_865 = arith.extui %sign3A_864 : i1 to i32
    %sign3A_866 = arith.subi %sign3A_862, %sign3A_865 : i32
    %sign3A_867 = arith.constant 0 : i32
    %sign3A_868 = arith.cmpi sgt, %jit3A_858, %sign3A_867 : i32
    %sign3A_869 = arith.extui %sign3A_868 : i1 to i32
    %sign3A_870 = arith.constant 0 : i32
    %sign3A_871 = arith.cmpi slt, %jit3A_858, %sign3A_870 : i32
    %sign3A_872 = arith.extui %sign3A_871 : i1 to i32
    %sign3A_873 = arith.subi %sign3A_869, %sign3A_872 : i32
    %ne3A_874 = arith.cmpi ne, %sign3A_866, %sign3A_873 : i32
    %rem3A_875 = arith.remsi %sub3A_841, %jit3A_858 : i32
    %ne3A_876 = arith.constant 0 : i32
    %ne3A_877 = arith.cmpi ne, %rem3A_875, %ne3A_876 : i32
    %and3A_878 = arith.andi %ne3A_874, %ne3A_877 : i1
    %sub3A_879 = arith.constant 1 : i32
    %sub3A_880 = arith.subi %div3A_859, %sub3A_879 : i32
    %select_n3A_881 = arith.select %and3A_878, %sub3A_880, %div3A_859 : i32
    %jit3A_882 = arith.constant 8 : i32
    %div3A_883 = arith.divsi %select_n3A_881, %jit3A_882 : i32
    %sign3A_884 = arith.constant 0 : i32
    %sign3A_885 = arith.cmpi sgt, %select_n3A_881, %sign3A_884 : i32
    %sign3A_886 = arith.extui %sign3A_885 : i1 to i32
    %sign3A_887 = arith.constant 0 : i32
    %sign3A_888 = arith.cmpi slt, %select_n3A_881, %sign3A_887 : i32
    %sign3A_889 = arith.extui %sign3A_888 : i1 to i32
    %sign3A_890 = arith.subi %sign3A_886, %sign3A_889 : i32
    %sign3A_891 = arith.constant 0 : i32
    %sign3A_892 = arith.cmpi sgt, %jit3A_882, %sign3A_891 : i32
    %sign3A_893 = arith.extui %sign3A_892 : i1 to i32
    %sign3A_894 = arith.constant 0 : i32
    %sign3A_895 = arith.cmpi slt, %jit3A_882, %sign3A_894 : i32
    %sign3A_896 = arith.extui %sign3A_895 : i1 to i32
    %sign3A_897 = arith.subi %sign3A_893, %sign3A_896 : i32
    %ne3A_898 = arith.cmpi ne, %sign3A_890, %sign3A_897 : i32
    %rem3A_899 = arith.remsi %select_n3A_881, %jit3A_882 : i32
    %ne3A_900 = arith.constant 0 : i32
    %ne3A_901 = arith.cmpi ne, %rem3A_899, %ne3A_900 : i32
    %and3A_902 = arith.andi %ne3A_898, %ne3A_901 : i1
    %sub3A_903 = arith.constant 1 : i32
    %sub3A_904 = arith.subi %div3A_883, %sub3A_903 : i32
    %select_n3A_905 = arith.select %and3A_902, %sub3A_904, %div3A_883 : i32
    %jit3A_906 = arith.constant 8 : i32
    %eq3A_907 = arith.constant 0 : i32
    %eq3A_908 = arith.cmpi eq, %jit3A_906, %eq3A_907 : i32
    %jit3A_909 = arith.constant 1 : i32
    %select_n3A_910 = arith.select %eq3A_908, %jit3A_909, %jit3A_906 : i32
    %rem3A_911 = arith.remsi %select_n3A_881, %select_n3A_910 : i32
    %ne3A_912 = arith.constant 0 : i32
    %ne3A_913 = arith.cmpi ne, %rem3A_911, %ne3A_912 : i32
    %lt3A_914 = arith.constant 0 : i32
    %lt3A_915 = arith.cmpi slt, %rem3A_911, %lt3A_914 : i32
    %lt3A_916 = arith.constant 0 : i32
    %lt3A_917 = arith.cmpi slt, %select_n3A_910, %lt3A_916 : i32
    %ne3A_918 = arith.xori %lt3A_915, %lt3A_917 : i1
    %and3A_919 = arith.andi %ne3A_918, %ne3A_913 : i1
    %add3A_920 = arith.addi %rem3A_911, %select_n3A_910 : i32
    %select_n3A_921 = arith.select %and3A_919, %add3A_920, %rem3A_911 : i32
    %mul3A_922 = arith.constant 5 : i32
    %mul3A_923 = arith.muli %select_n3A_857, %mul3A_922 : i32
    %dma_wait3A_924 = arith.constant 1 : i32
    %dma_wait3A_925 = arith.constant 0 : i32
    %dma_wait3A_926 = arith.constant 0 : i32
    %dma_wait3A_927 = arith.constant 0 : i32
    %dma_wait3A_928 = arith.constant 0 : i32
    %dma_wait3A_929 = tpu.memref_slice %arg9[%dma_wait3A_924, %dma_wait3A_925, %dma_wait3A_926, %dma_wait3A_927, %dma_wait3A_928] : memref<2x5x4x8x128xf32, #tpu.memory_space<vmem>> -> memref<1x5x4x8x128xf32, #tpu.memory_space<vmem>>
    %dma_wait3A_930 = tpu.memref_squeeze %dma_wait3A_929 : memref<1x5x4x8x128xf32, #tpu.memory_space<vmem>> -> memref<5x4x8x128xf32, #tpu.memory_space<vmem>>
    %dma_wait3A_931 = arith.constant 0 : i32
    %dma_wait3A_932 = arith.constant 0 : i32
    %dma_wait3A_933 = arith.constant 0 : i32
    %dma_wait3A_934 = tpu.memref_slice %arg4[%select_n3A_905, %mul3A_923, %dma_wait3A_931, %select_n3A_921, %dma_wait3A_932, %dma_wait3A_933] : memref<26x50x4x8x8x128xf32, #tpu.memory_space<hbm>> -> memref<1x5x4x1x8x128xf32, #tpu.memory_space<hbm>>
    %dma_wait3A_935 = tpu.memref_squeeze %dma_wait3A_934 : memref<1x5x4x1x8x128xf32, #tpu.memory_space<hbm>> -> memref<5x4x8x128xf32, #tpu.memory_space<hbm>>
    %dma_wait3A_936 = arith.constant 0 : i32
    %dma_wait3A_937 = arith.constant 0 : i32
    %dma_wait3A_938 = arith.constant 0 : i32
    %dma_wait3A_939 = tpu.memref_slice %arg4[%select_n3A_905, %mul3A_923, %dma_wait3A_936, %select_n3A_921, %dma_wait3A_937, %dma_wait3A_938] : memref<26x50x4x8x8x128xf32, #tpu.memory_space<hbm>> -> memref<1x5x4x1x8x128xf32, #tpu.memory_space<hbm>>
    %dma_wait3A_940 = tpu.memref_squeeze %dma_wait3A_939 : memref<1x5x4x1x8x128xf32, #tpu.memory_space<hbm>> -> memref<5x4x8x128xf32, #tpu.memory_space<hbm>>
    %dma_wait3A_941 = arith.constant 0 : i32
    %dma_wait3A_942 = arith.constant 0 : i32
    %dma_wait3A_943 = arith.constant 0 : i32
    %dma_wait3A_944 = arith.constant 0 : i32
    %dma_wait3A_945 = tpu.memref_slice %arg9[%dma_wait3A_924, %dma_wait3A_941, %dma_wait3A_942, %dma_wait3A_943, %dma_wait3A_944] : memref<2x5x4x8x128xf32, #tpu.memory_space<vmem>> -> memref<1x5x4x8x128xf32, #tpu.memory_space<vmem>>
    %dma_wait3A_946 = tpu.memref_squeeze %dma_wait3A_945 : memref<1x5x4x8x128xf32, #tpu.memory_space<vmem>> -> memref<5x4x8x128xf32, #tpu.memory_space<vmem>>
    tpu.wait_dma2 semaphore(%arg13 : memref<!tpu.dma_semaphore, #tpu.memory_space<semaphore_mem>>) src(%dma_wait3A_946 : memref<5x4x8x128xf32, #tpu.memory_space<vmem>>) dst(%dma_wait3A_940 : memref<5x4x8x128xf32, #tpu.memory_space<hbm>>)
    %add3A_947 = arith.constant 65 : i32
    %add3A_948 = arith.addi %mul3A_2, %add3A_947 : i32
    %sub3A_949 = arith.constant 1 : i32
    %sub3A_950 = arith.subi %add3A_948, %sub3A_949 : i32
    %jit3A_951 = arith.constant 10 : i32
    %eq3A_952 = arith.constant 0 : i32
    %eq3A_953 = arith.cmpi eq, %jit3A_951, %eq3A_952 : i32
    %jit3A_954 = arith.constant 1 : i32
    %select_n3A_955 = arith.select %eq3A_953, %jit3A_954, %jit3A_951 : i32
    %rem3A_956 = arith.remsi %sub3A_950, %select_n3A_955 : i32
    %ne3A_957 = arith.constant 0 : i32
    %ne3A_958 = arith.cmpi ne, %rem3A_956, %ne3A_957 : i32
    %lt3A_959 = arith.constant 0 : i32
    %lt3A_960 = arith.cmpi slt, %rem3A_956, %lt3A_959 : i32
    %lt3A_961 = arith.constant 0 : i32
    %lt3A_962 = arith.cmpi slt, %select_n3A_955, %lt3A_961 : i32
    %ne3A_963 = arith.xori %lt3A_960, %lt3A_962 : i1
    %and3A_964 = arith.andi %ne3A_963, %ne3A_958 : i1
    %add3A_965 = arith.addi %rem3A_956, %select_n3A_955 : i32
    %select_n3A_966 = arith.select %and3A_964, %add3A_965, %rem3A_956 : i32
    %jit3A_967 = arith.constant 10 : i32
    %div3A_968 = arith.divsi %sub3A_950, %jit3A_967 : i32
    %sign3A_969 = arith.constant 0 : i32
    %sign3A_970 = arith.cmpi sgt, %sub3A_950, %sign3A_969 : i32
    %sign3A_971 = arith.extui %sign3A_970 : i1 to i32
    %sign3A_972 = arith.constant 0 : i32
    %sign3A_973 = arith.cmpi slt, %sub3A_950, %sign3A_972 : i32
    %sign3A_974 = arith.extui %sign3A_973 : i1 to i32
    %sign3A_975 = arith.subi %sign3A_971, %sign3A_974 : i32
    %sign3A_976 = arith.constant 0 : i32
    %sign3A_977 = arith.cmpi sgt, %jit3A_967, %sign3A_976 : i32
    %sign3A_978 = arith.extui %sign3A_977 : i1 to i32
    %sign3A_979 = arith.constant 0 : i32
    %sign3A_980 = arith.cmpi slt, %jit3A_967, %sign3A_979 : i32
    %sign3A_981 = arith.extui %sign3A_980 : i1 to i32
    %sign3A_982 = arith.subi %sign3A_978, %sign3A_981 : i32
    %ne3A_983 = arith.cmpi ne, %sign3A_975, %sign3A_982 : i32
    %rem3A_984 = arith.remsi %sub3A_950, %jit3A_967 : i32
    %ne3A_985 = arith.constant 0 : i32
    %ne3A_986 = arith.cmpi ne, %rem3A_984, %ne3A_985 : i32
    %and3A_987 = arith.andi %ne3A_983, %ne3A_986 : i1
    %sub3A_988 = arith.constant 1 : i32
    %sub3A_989 = arith.subi %div3A_968, %sub3A_988 : i32
    %select_n3A_990 = arith.select %and3A_987, %sub3A_989, %div3A_968 : i32
    %jit3A_991 = arith.constant 8 : i32
    %div3A_992 = arith.divsi %select_n3A_990, %jit3A_991 : i32
    %sign3A_993 = arith.constant 0 : i32
    %sign3A_994 = arith.cmpi sgt, %select_n3A_990, %sign3A_993 : i32
    %sign3A_995 = arith.extui %sign3A_994 : i1 to i32
    %sign3A_996 = arith.constant 0 : i32
    %sign3A_997 = arith.cmpi slt, %select_n3A_990, %sign3A_996 : i32
    %sign3A_998 = arith.extui %sign3A_997 : i1 to i32
    %sign3A_999 = arith.subi %sign3A_995, %sign3A_998 : i32
    %sign3A_1000 = arith.constant 0 : i32
    %sign3A_1001 = arith.cmpi sgt, %jit3A_991, %sign3A_1000 : i32
    %sign3A_1002 = arith.extui %sign3A_1001 : i1 to i32
    %sign3A_1003 = arith.constant 0 : i32
    %sign3A_1004 = arith.cmpi slt, %jit3A_991, %sign3A_1003 : i32
    %sign3A_1005 = arith.extui %sign3A_1004 : i1 to i32
    %sign3A_1006 = arith.subi %sign3A_1002, %sign3A_1005 : i32
    %ne3A_1007 = arith.cmpi ne, %sign3A_999, %sign3A_1006 : i32
    %rem3A_1008 = arith.remsi %select_n3A_990, %jit3A_991 : i32
    %ne3A_1009 = arith.constant 0 : i32
    %ne3A_1010 = arith.cmpi ne, %rem3A_1008, %ne3A_1009 : i32
    %and3A_1011 = arith.andi %ne3A_1007, %ne3A_1010 : i1
    %sub3A_1012 = arith.constant 1 : i32
    %sub3A_1013 = arith.subi %div3A_992, %sub3A_1012 : i32
    %select_n3A_1014 = arith.select %and3A_1011, %sub3A_1013, %div3A_992 : i32
    %jit3A_1015 = arith.constant 8 : i32
    %eq3A_1016 = arith.constant 0 : i32
    %eq3A_1017 = arith.cmpi eq, %jit3A_1015, %eq3A_1016 : i32
    %jit3A_1018 = arith.constant 1 : i32
    %select_n3A_1019 = arith.select %eq3A_1017, %jit3A_1018, %jit3A_1015 : i32
    %rem3A_1020 = arith.remsi %select_n3A_990, %select_n3A_1019 : i32
    %ne3A_1021 = arith.constant 0 : i32
    %ne3A_1022 = arith.cmpi ne, %rem3A_1020, %ne3A_1021 : i32
    %lt3A_1023 = arith.constant 0 : i32
    %lt3A_1024 = arith.cmpi slt, %rem3A_1020, %lt3A_1023 : i32
    %lt3A_1025 = arith.constant 0 : i32
    %lt3A_1026 = arith.cmpi slt, %select_n3A_1019, %lt3A_1025 : i32
    %ne3A_1027 = arith.xori %lt3A_1024, %lt3A_1026 : i1
    %and3A_1028 = arith.andi %ne3A_1027, %ne3A_1022 : i1
    %add3A_1029 = arith.addi %rem3A_1020, %select_n3A_1019 : i32
    %select_n3A_1030 = arith.select %and3A_1028, %add3A_1029, %rem3A_1020 : i32
    %mul3A_1031 = arith.constant 5 : i32
    %mul3A_1032 = arith.muli %select_n3A_966, %mul3A_1031 : i32
    %dma_wait3A_1033 = arith.constant 0 : i32
    %dma_wait3A_1034 = arith.constant 0 : i32
    %dma_wait3A_1035 = arith.constant 0 : i32
    %dma_wait3A_1036 = arith.constant 0 : i32
    %dma_wait3A_1037 = arith.constant 0 : i32
    %dma_wait3A_1038 = tpu.memref_slice %arg9[%dma_wait3A_1033, %dma_wait3A_1034, %dma_wait3A_1035, %dma_wait3A_1036, %dma_wait3A_1037] : memref<2x5x4x8x128xf32, #tpu.memory_space<vmem>> -> memref<1x5x4x8x128xf32, #tpu.memory_space<vmem>>
    %dma_wait3A_1039 = tpu.memref_squeeze %dma_wait3A_1038 : memref<1x5x4x8x128xf32, #tpu.memory_space<vmem>> -> memref<5x4x8x128xf32, #tpu.memory_space<vmem>>
    %dma_wait3A_1040 = arith.constant 0 : i32
    %dma_wait3A_1041 = arith.constant 0 : i32
    %dma_wait3A_1042 = arith.constant 0 : i32
    %dma_wait3A_1043 = tpu.memref_slice %arg4[%select_n3A_1014, %mul3A_1032, %dma_wait3A_1040, %select_n3A_1030, %dma_wait3A_1041, %dma_wait3A_1042] : memref<26x50x4x8x8x128xf32, #tpu.memory_space<hbm>> -> memref<1x5x4x1x8x128xf32, #tpu.memory_space<hbm>>
    %dma_wait3A_1044 = tpu.memref_squeeze %dma_wait3A_1043 : memref<1x5x4x1x8x128xf32, #tpu.memory_space<hbm>> -> memref<5x4x8x128xf32, #tpu.memory_space<hbm>>
    %dma_wait3A_1045 = arith.constant 0 : i32
    %dma_wait3A_1046 = arith.constant 0 : i32
    %dma_wait3A_1047 = arith.constant 0 : i32
    %dma_wait3A_1048 = tpu.memref_slice %arg4[%select_n3A_1014, %mul3A_1032, %dma_wait3A_1045, %select_n3A_1030, %dma_wait3A_1046, %dma_wait3A_1047] : memref<26x50x4x8x8x128xf32, #tpu.memory_space<hbm>> -> memref<1x5x4x1x8x128xf32, #tpu.memory_space<hbm>>
    %dma_wait3A_1049 = tpu.memref_squeeze %dma_wait3A_1048 : memref<1x5x4x1x8x128xf32, #tpu.memory_space<hbm>> -> memref<5x4x8x128xf32, #tpu.memory_space<hbm>>
    %dma_wait3A_1050 = arith.constant 0 : i32
    %dma_wait3A_1051 = arith.constant 0 : i32
    %dma_wait3A_1052 = arith.constant 0 : i32
    %dma_wait3A_1053 = arith.constant 0 : i32
    %dma_wait3A_1054 = tpu.memref_slice %arg9[%dma_wait3A_1033, %dma_wait3A_1050, %dma_wait3A_1051, %dma_wait3A_1052, %dma_wait3A_1053] : memref<2x5x4x8x128xf32, #tpu.memory_space<vmem>> -> memref<1x5x4x8x128xf32, #tpu.memory_space<vmem>>
    %dma_wait3A_1055 = tpu.memref_squeeze %dma_wait3A_1054 : memref<1x5x4x8x128xf32, #tpu.memory_space<vmem>> -> memref<5x4x8x128xf32, #tpu.memory_space<vmem>>
    tpu.wait_dma2 semaphore(%arg12 : memref<!tpu.dma_semaphore, #tpu.memory_space<semaphore_mem>>) src(%dma_wait3A_1055 : memref<5x4x8x128xf32, #tpu.memory_space<vmem>>) dst(%dma_wait3A_1049 : memref<5x4x8x128xf32, #tpu.memory_space<hbm>>)
    return
  }
}

</mosaic_0001>

<sc_bundles>
// kernel: kernel.3.cloned.1.call-start
scs
__scs_entry_jumppad:
0x0: {  	(pc) =	sbr.rel $0x88, $3  }
0x1: {  	(tag) =	ssettag $0x0;
	lr =	simm.s32 $0x1  }
0x2: {  	[smem:$0x3F9F] =	sst lr;
	_ =	strace $0xD0000000  }
0x3: {  	_ = 	snop  }
0x4: {  	_ = 	snop  }
0x5: {  	_ = 	snop  }
0x6: {  	_ = 	snop  }
0x7: {  	_ = 	snop  }
__scs_overlays_trampoline_lowered:
0x8: {  	[smem:$0x3FAE] =	sst s0  }
0x9: {  	[smem:$0x3FAF] =	sst s1  }
0xa: {  	[smem:$0x3FB0] =	sst s2  }
0xb: {  	[smem:$0x3FB1] =	sst s3  }
0xc: {  	[smem:$0x3FB2] =	sst s4  }
0xd: {  	[smem:$0x3FB3] =	sst s5  }
0xe: {  	[smem:$0x3FB4] =	sst s6  }
0xf: {  	[smem:$0x3FB5] =	sst s7  }
0x10: {  	[smem:$0x3FB6] =	sst s8  }
0x11: {  	[smem:$0x3FB7] =	sst s9;
	s0 =	simm.s32 @!p0 $0x0  }
0x12: {  	s1 =	sld [smem:$0x3F9D];
	s0 =	simm.s32 @p0 $0x1  }
0x13: {  	[smem:$0x3FB8] =	sst s0;
	s0 =	simm.s32 @!p1 $0x0  }
0x14: {  	s2 =	sld [smem:$0x3F9C];
	s0 =	simm.s32 @p1 $0x1  }
0x15: {  	[smem:$0x3FB9] =	sst s0;
	s0 =	simm.s32 @!p2 $0x0  }
0x16: {  	s3 =	sld [smem:$0x3FDB];
	s0 =	simm.s32 @p2 $0x1  }
0x17: {  	s4 =	simm.s32 $0x1BF5;
	[smem:$0x3FBB] =	sst s0  }
0x18: {  	s0 =	sld [smem:$0x3F9E];
	_ =	swait.ge [sflag:s4], $0x0  }
0x19: {  	s7 =	sld [smem:$0x3F9F]  }
0x1a: {  	s8 =	sadd.s32 $0xFFFFE003, lr  }
0x1b: {  	s9 =	sadd.s32 $0xFFFFFEF7, lr;
	s5 =	simm.s32 $0xFFFFFFFF;
	p2 =	slt.u32 s8, $0xFFFFF086  }
0x1c: {  	p1 =	slt.u32 s9, $0xF7A;
	s5 =	simm.s32 @!p2 $0x0  }
0x1d: {  	s5 =	simm.s32 @p1 $0x1;
	p0 =	seq.s32 s7, s2  }
0x1e: {  	s7 =	smul.u32 @!p0 $0xF7A, s2;
	p2 =	seq.s32 @!p0 s5, $0x0  }
0x1f: {  	s9 =	smul.u32 $0xF7A, s1;
	s8 =	simm.s32 @!p0 $0x1BF5;
	p2 =	por !p2, p0  }
0x20: {  	[sflag:s8] =	ssyncset.s32 @!p0 $0xFFFFF086;
	s6 =	sadd.s32 @!p0 s3, s7;
	s7 =	simm.s32 @!p0 $0x108  }
0x21: {  	s3 =	sadd.s32 s3, s9;
	s6 =	sadd.s32 @!p0 $0x88, s6;
	s7 =	simm.s32 @p2 $0x1082  }
0x22: {  	[simem:s7], [sflag:s8] =	dma.local @!p0 [hbm:s6], $0xF7A  }
0x23: {  	s9 =	sor.u32 $0xD0000000, s2;
	s6 =	simm.s32 $0x108;
	_ =	swait.ge @!p0 [sflag:s8], $0x0  }
0x24: {  	s3 =	sadd.s32 $0x88, s3;
	s6 =	simm.s32 @!p1 $0x1082;
	[sflag:s4] =	ssyncset.s32 $0xFFFFF086  }
0x25: {  	[simem:s6], [sflag:s4] =	dma.local [hbm:s3], $0xF7A  }
0x26: {  	[smem:$0x3F9F] =	sst s1;
	(tag) =	ssettag s2;
	_ =	strace s9  }
0x27: {  	s1 =	sld [smem:$0x3FAF]  }
0x28: {  	s2 =	sld [smem:$0x3FB0]  }
0x29: {  	s4 =	sld [smem:$0x3FB2]  }
0x2a: {  	p0 =	seq.s32 s5, $0x0;
	s5 =	sld [smem:$0x3FB3]  }
0x2b: {  	s6 =	sld [smem:$0x3FB4]  }
0x2c: {  	s7 =	sld [smem:$0x3FB5]  }
0x2d: {  	s3 =	simm.s32 $0x108;
	s8 =	sld [smem:$0x3FB6]  }
0x2e: {  	s3 =	simm.s32 @!p0 $0x1082;
	s9 =	sld [smem:$0x3FB7]  }
0x2f: {  	lr =	sadd.s32 s0, s3;
	s0 =	sld [smem:$0x3FAE]  }
0x30: {  	s3 =	sld [smem:$0x3FB1]  }
0x31: {  	[smem:$0x3FBA] =	sst s10  }
0x32: {  	s10 =	sld [smem:$0x3FB8];
	_ =	sdelay $0x3  }
0x33: {  	p0 =	seq.s32 s10, $0x1;
	s10 =	sld [smem:$0x3FBA];
	_ =	sdelay $0x3  }
0x34: {  	[smem:$0x3FBA] =	sst s10  }
0x35: {  	s10 =	sld [smem:$0x3FB9];
	_ =	sdelay $0x3  }
0x36: {  	p1 =	seq.s32 s10, $0x1;
	s10 =	sld [smem:$0x3FBA];
	_ =	sdelay $0x3  }
0x37: {  	[smem:$0x3FBA] =	sst s10  }
0x38: {  	s10 =	sld [smem:$0x3FBB]  }
0x39: {  	_ = 	snop;
	(pc) =	sbr.ind lr, $3  }
0x3a: {  	_ = 	snop  }
0x3b: {  	_ = 	snop  }
0x3c: {  	p2 =	seq.s32 s10, $0x1;
	s10 =	sld [smem:$0x3FBA]  }
0x3d: {  	_ =	shalt  }
0x3e: {  	_ =	shalt  }
0x3f: {  	_ =	shalt  }
0x40: {  	_ =	shalt  }
0x41: {  	_ =	shalt  }
0x42: {  	_ =	shalt  }
0x43: {  	_ =	shalt  }
0x44: {  	_ =	shalt  }
0x45: {  	_ =	shalt  }
0x46: {  	_ =	shalt  }
0x47: {  	_ =	shalt  }
0x48: {  	_ =	shalt  }
0x49: {  	_ =	shalt  }
0x4a: {  	_ =	shalt  }
0x4b: {  	_ =	shalt  }
0x4c: {  	_ =	shalt  }
0x4d: {  	_ =	shalt  }
0x4e: {  	_ =	shalt  }
0x4f: {  	_ =	shalt  }
0x50: {  	_ =	shalt  }
0x51: {  	_ =	shalt  }
0x52: {  	_ =	shalt  }
0x53: {  	_ =	shalt  }
0x54: {  	_ =	shalt  }
0x55: {  	_ =	shalt  }
0x56: {  	_ =	shalt  }
0x57: {  	_ =	shalt  }
0x58: {  	_ =	shalt  }
0x59: {  	_ =	shalt  }
0x5a: {  	_ =	shalt  }
0x5b: {  	_ =	shalt  }
0x5c: {  	_ =	shalt  }
0x5d: {  	_ =	shalt  }
0x5e: {  	_ =	shalt  }
0x5f: {  	_ =	shalt  }
0x60: {  	_ =	shalt  }
0x61: {  	_ =	shalt  }
0x62: {  	_ =	shalt  }
0x63: {  	_ =	shalt  }
0x64: {  	_ =	shalt  }
0x65: {  	_ =	shalt  }
0x66: {  	_ =	shalt  }
0x67: {  	_ =	shalt  }
0x68: {  	_ =	shalt  }
0x69: {  	_ =	shalt  }
0x6a: {  	_ =	shalt  }
0x6b: {  	_ =	shalt  }
0x6c: {  	_ =	shalt  }
0x6d: {  	_ =	shalt  }
0x6e: {  	_ =	shalt  }
0x6f: {  	_ =	shalt  }
0x70: {  	_ =	shalt  }
0x71: {  	_ =	shalt  }
0x72: {  	_ =	shalt  }
0x73: {  	_ =	shalt  }
0x74: {  	_ =	shalt  }
0x75: {  	_ =	shalt  }
0x76: {  	_ =	shalt  }
0x77: {  	_ =	shalt  }
0x78: {  	_ =	shalt  }
0x79: {  	_ =	shalt  }
0x7a: {  	_ =	shalt  }
0x7b: {  	_ =	shalt  }
0x7c: {  	_ =	shalt  }
0x7d: {  	_ =	shalt  }
0x7e: {  	_ =	shalt  }
0x7f: {  	_ =	shalt  }
0x80: {  	_ =	shalt  }
0x81: {  	_ =	shalt  }
0x82: {  	_ =	shalt  }
0x83: {  	_ =	shalt  }
0x84: {  	_ =	shalt  }
0x85: {  	_ =	shalt  }
0x86: {  	_ =	shalt  }
0x87: {  	_ =	shalt  }
.Lfunc_end0:
.L_simem_size_0:
called_computation_lowered:
.L_overlay_start_0:
0x88: {  	s2 =	sld [smem:$0x3FD9]  }
0x89: {  	s3 =	sld [smem:$0x3FFE];
	_ =	sdelay $0x1  }
0x8a: {  	s1 =	srdreg.scid  }
0x8b: {  	s0 =	sand.u32 $0x1, s1  }
0x8c: {  	s17 =	sshll.u32 s0, $0xA;
	s2 =	sadd.s32 s3, s2  }
0x8d: {  	s2 =	sadd.s32 s2, s17  }
0x8e: {  	[smem:$0x3FC6] =	sst s2  }
0x8f: {  	_ = 	snop  }
0x90: {  	s2 =	sld [smem:$0x3FD0];
	(tm) =	ssettm $0x1  }
0x91: {  	s18 =	sld [smem:$0x3FFB];
	_ =	sdelay $0x3  }
0x92: {  	_ =	strace s18  }
0x93: {  	s3 =	sld [smem:$0x3FFC];
	_ =	sdelay $0x3  }
0x94: {  	_ =	strace s3  }
0x95: {  	s3 =	sld [smem:$0x3FFD];
	_ =	sdelay $0x3  }
0x96: {  	_ =	strace s3  }
0x97: {  	_ =	strace $0x8FFFFFFF  }
0x98: {  	s19 =	sld [smem:$0x3FDB];
	_ =	sdelay $0x1  }
0x99: {  	s4 =	simm.s32 $_scs_section_size  }
0x9a: {  	s5 =	simm.s32 $_size__tile_overlayer_lowered;
	s6 =	simm.s32 $_tile_overlayer_lowered  }
0x9b: {  	s22 =	simm.s32 $0x1BFF;
	s21 =	sshll.u32 s6, $0x1;
	s3 =	sadd.s32 s4, s19  }
0x9c: {  	s7 =	simm.s32 $0x0;
	s20 =	sshll.u32 s5, $0x1;
	s5 =	sadd.s32 s21, s3  }
0x9d: {  	[timem:s7], [sflag:s22] =	dma.local [hbm:s5], s20  }
0x9e: {  	_ =	swait.ge [sflag:s22], s20  }
0x9f: {  	s4 =	ssub.s32 $0x0, s20;
	[sflag:s22] =	ssyncset.done $0x0  }
0xa0: {  	[sflag:s22] =	ssyncadd.s32 s4;
	_ =	sdelay $0x1  }
0xa1: {  	s23 =	simm.s32 $0x1B8B  }
0xa2: {  	_ =	swait.ge [sflag:s23], $0x1  }
0xa3: {  	[sflag:s23] =	ssyncset.done $0x0  }
0xa4: {  	s25 =	simm.s32 $0x1B8E;
	s24 =	sld [smem:$0x3FFE];
	[sflag:s23] =	ssyncadd.s32 $0xFFFFFFFF  }
0xa5: {  	s26 =	simm.s32 $execute0_lowered;
	[smem:$0x3FD2] =	sst s25  }
0xa6: {  	s5 =	sshll.u32 s26, $0x1;
	_ =	strace $0x80000046;
	[dreg:$0x1] =	wrdreg $0xFFFFFFFF  }
0xa7: {  	s28 =	simm.s32 $_size_execute0_lowered;
	s3 =	sadd.s32 s3, s5;
	[dreg:$0x0] =	wrdreg $0x0  }
0xa8: {  	s5 =	sshll.u32 s28, $0x1;
	[dreg:$0x2] =	wrdreg s3  }
0xa9: {  	[dreg:$0x3] =	wrdreg s5  }
0xaa: {  	[dreg:$0x4] =	wrdreg $0xC0  }
0xab: {  	_ =	task [dreg:s7], $0x5FFFF  }
0xac: {  	[dreg:$0x1] =	wrdreg $0xFFFFFFFF  }
0xad: {  	[dreg:$0x0] =	wrdreg $0x60  }
0xae: {  	[dreg:$0x2] =	wrdreg s24  }
0xaf: {  	[dreg:$0x3] =	wrdreg s2  }
0xb0: {  	[dreg:$0x4] =	wrdreg $0x9  }
0xb1: {  	_ =	task.clear_ibuf [dreg:s7], $0x5FFFF;
	_ =	strace $0x90000046  }
0xb2: {  	s29 =	simm.s32 $0x9;
	_ =	strace $0x80000048  }
0xb3: {  	_ =	swait.ge [sflag:s29], $0x1  }
0xb4: {  	[sflag:s29] =	ssyncadd.s32 $0xFFFFFFFF  }
0xb5: {  	_ =	strace $0x90000048  }
0xb6: {  	_ =	sfence  }
0xb7: {  	s30 =	sld [smem:$0x0];
	_ =	sdelay $0x2  }
0xb8: {  	s31 =	sshll.u32 s1, $0xD;
	s1 =	sshrl.u32 s1, $0x2  }
0xb9: {  	s3 =	sand.u32 $0x4000, s31;
	s1 =	sadd.s32 s1, s30  }
0xba: {  	s0 =	sor.u32 s3, s0;
	s1 =	sshll.u32 s1, $0x11  }
0xbb: {  	s0 =	sor.u32 s1, s0  }
0xbc: {  	s0 =	sadd.s32 $0x8F2B, s0  }
0xbd: {  	[sflag:s0] =	ssyncadd.remote.s32 $0x1  }
0xbe: {  	_ =	sfence.sel $0xFFFF  }
0xbf: {  	[dreg:$0x0] =	wrdreg $0xFFFFFFFF;
	(pc) =	sbr.abs _section_cstart, $3  }
0xc0: {  	[dreg:$0x1] =	wrdreg $0xFFFFFFFF  }
0xc1: {  	_ =	task.clear_ibuf [dreg:s7], $0x2FFFF;
	_ =	strace $0x9FFFFFFF  }
0xc2: {  	(tm) =	ssettm $0x7FFFFFFF  }
0xc3: {  	_ =	shalt  }
tec
execute0_lowered:
.L_overlay_start_1:
0x0: {  	(tag) =	ssettag $0x1  }
0x1: {  	s0 =	srdreg.scid;
	s1 =	stileid.u32  }
0x2: {  	s0 =	sand.u32 $0x1, s0;
	s1 =	sshll.u32 s1, $0x1  }
0x3: {  	s1 =	sor.u32 s0, s1  }
0x4: {  	s2 =	smul.u32 $0x6801A, s1;
	_ =	sdelay $0x1  }
0x5: {  	s3 =	smul.u32 $0x41, s1;
	s2 =	sshrl.u32 s2, $0x10  }
0x6: {  	s5 =	sand.u32 $0x7, s2;
	s2 =	smul.u32 $0xA, s2;
	_ =	sdelay $0x1  }
0x7: {  	v0 =	vlaneseq.u32;
	s2 =	ssub.s32 s3, s2  }
0x8: {  	v1 =	vmul.u32 $0x38, v0;
	s2 =	smul.u32 $0x5, s2;
	_ =	sdelay $0x1  }
0x9: {  	s4 =	simm.s32 $0x0;
	v49 =	vmul.u32 $0x21, v0;
	v2 =	vadd.s32 $0x380, v1;
	v5 =	vadd.s32 $0x700, v1;
	s2 =	sand.u32 $0xFFFF, s2  }
0xa: {  	[smem:$0x7FF] =	sst s4;
	v6 =	vadd.s32 $0xA80, v1;
	v7 =	vadd.s32 $0xE00, v1;
	v3 =	vadd.s32 s2, v1  }
0xb: {  	s6 =	rddreg [dreg:$0x0];
	_ =	strace $0x80000047;
	v11 =	vadd.s32 $0x1180, v1;
	v12 =	vadd.s32 $0x1500, v1;
	s29 =	sadd.s32 $0x1, s2;
	[tilespmem:$0x1FF20] =	vst v3;
	v3 =	vadd.s32 s2, v2  }
0xc: {  	v13 =	vadd.s32 $0x1880, v1;
	s30 =	sadd.s32 $0x2, s2;
	v23 =	vadd.s32 s29, v12;
	[tilespmem:$0x1FF30] =	vst v3;
	v3 =	vadd.s32 s2, v5  }
0xd: {  	v24 =	vadd.s32 s29, v13;
	v25 =	vadd.s32 s30, v1;
	[tilespmem:$0x1FF40] =	vst v3;
	v3 =	vadd.s32 s2, v6  }
0xe: {  	p0 =	seq.s32 s1, $0x0;
	p1 =	sne.s32 s5, $0x0;
	v26 =	vadd.s32 s30, v2;
	v27 =	vadd.s32 s30, v5;
	[tilespmem:$0x1FF50] =	vst v3;
	v3 =	vadd.s32 s2, v7  }
0xf: {  	s1 =	smul.u32 $0x1A027, s1;
	p0 =	por !p0, !p1;
	v28 =	vadd.s32 s30, v6;
	v29 =	vadd.s32 s30, v7;
	[tilespmem:$0x1FF60] =	vst v3;
	v3 =	vadd.s32 s2, v11  }
0x10: {  	s7 =	simm.s32 $0x1;
	p0 =	por !p0, !p0;
	s9 =	sadd.s32 $0x3, s2;
	v30 =	vadd.s32 s30, v11;
	v31 =	vadd.s32 s30, v12;
	[tilespmem:$0x1FF70] =	vst v3;
	v3 =	vadd.s32 s2, v12  }
0x11: {  	s1 =	sshrl.u32 s1, $0x11;
	s7 =	simm.s32 @!p0 $0x0;
	v32 =	vadd.s32 s30, v13;
	v33 =	vadd.s32 s9, v1;
	[tilespmem:$0x1FF80] =	vst v3;
	v3 =	vadd.s32 s2, v13  }
0x12: {  	s13 =	simm.s32 $0x80;
	s8 =	smul.u32 $0x2D800, s5;
	s1 =	ssub.s32 s1, s7;
	v34 =	vadd.s32 s9, v2;
	v35 =	vadd.s32 s9, v5;
	[tilespmem:$0x1FF90] =	vst v3;
	v3 =	vadd.s32 s29, v1  }
0x13: {  	s31 =	simm.s32 $0x2000;
	s0 =	ssub.s32 $0x2, s0;
	s1 =	smul.u32 $0x38, s1;
	v36 =	vadd.s32 s9, v6;
	v37 =	vadd.s32 s9, v7;
	[tilespmem:$0x1FFA0] =	vst v3;
	v3 =	vadd.s32 s29, v2  }
.Ltmp0:
0x14: {  	s28 =	sshrl.u32 s0, $0x1;
	v38 =	vadd.s32 s9, v11;
	v39 =	vadd.s32 s9, v12;
	s2 =	sadd.s32 $0x4, s2;
	[tilespmem:$0x1FFB0] =	vst v3;
	v3 =	vadd.s32 s29, v5;
	(pc) =	sbr.rel .LBB2_1-.Ltmp0, $4  }
0x15: {  	s26 =	sadd.s32 $0x600, s6;
	s0 =	ssub.s32 s0, s28;
	v40 =	vadd.s32 s9, v13;
	s1 =	sadd.s32 s8, s1;
	v41 =	vadd.s32 s2, v1;
	[tilespmem:$0x1FFC0] =	vst v3;
	v3 =	vadd.s32 s29, v6  }
0x16: {  	[dreg:$0x3] =	wrdreg s26;
	s0 =	smax.u32 s0, $0x1;
	s1 =	sshrl.u32 s1, $0x3;
	v42 =	vadd.s32 s2, v2;
	v43 =	vadd.s32 s2, v5;
	[tilespmem:$0x1FFD0] =	vst v3;
	v3 =	vadd.s32 s29, v7  }
0x17: {  	s11 =	simm.s32 $0xC100;
	[dreg:$0x5] =	wrdreg s0;
	s1 =	sadd.s32 s26, s1;
	v44 =	vadd.s32 s2, v6;
	v45 =	vadd.s32 s2, v7;
	[tilespmem:$0x1FFE0] =	vst v3;
	v3 =	vadd.s32 s29, v11  }
0x18: {  	s6 =	sadd.s32 $0xF42A00, s6;
	[dreg:$0x4] =	wrdreg s1;
	v46 =	vadd.s32 s2, v11;
	v47 =	vadd.s32 s2, v12;
	v48 =	vadd.s32 s2, v13;
	s2 =	simm.s32 $0x0;
	[tilespmem:$0x1FFF0] =	vst v3  }
.LBB2_17:
0x19: {  	s0 =	simm.s32 $0x4  }
0x1a: {  	_ =	swait.ge [sflag:s0], $0x5000  }
0x1b: {  	[sflag:s0] =	ssyncset.done $0x0  }
0x1c: {  	s1 =	simm.s32 $0x3;
	[sflag:s0] =	ssyncadd.s32 $0xFFFFB000  }
0x1d: {  	_ =	swait.ge [sflag:s1], $0x5000  }
0x1e: {  	s2 =	rddreg [dreg:$0x6]  }
0x1f: {  	s30 =	rddreg [dreg:$0x5];
	s2 =	sadd.s32 $0x1, s2  }
0x20: {  	p0 =	sne.s32 s2, s30  }
.Ltmp1:
0x21: {  	_ = 	snop;
	(pc) =	sbr.rel @!p0 .LBB2_18-.Ltmp1, $3  }
0x22: {  	_ =	sdelay $0x1  }
0x23: {  	[sflag:s1] =	ssyncset.done $0x0  }
0x24: {  	[sflag:s1] =	ssyncadd.s32 $0xFFFFB000  }
.LBB2_1:
0x25: {  	[dreg:$0x6] =	wrdreg s2  }
0x26: {  	s0 =	rddreg [dreg:$0x4]  }
0x27: {  	s1 =	simm.s32 $0x38;
	s18 =	simm.s32 $0x5B0;
	s19 =	simm.s32 $0x5  }
0x28: {  	[tilespmem:s4], [sflag:$0x5] =	stream.strided.gather [hbm4b:s0+s1], $0x1C00, s18, s1, $0x38;
	[tilespmem:$0x1B380] =	vst v63  }
0x29: {  	_ =	swait.ge [sflag:s19], $0x1C00  }
0x2a: {  	v3 =	vld [tilespmem:$0x1FF20];
	_ =	sdelay $0x5  }
0x2b: {  	[sflag:s19] =	ssyncset.done $0x0  }
0x2c: {  	[sflag:s19] =	ssyncadd.s32 $0xFFFFE400  }
0x2d: {  	v3 =	vld.idx.msk [tilespmem:v3+s4+$0x0], $0xffff;
	_ =	sdelay $0x4  }
0x2e: {  	[tilespmem:$0x1C00] =	vst v3;
	v3 =	vld [tilespmem:$0x1FF30];
	_ =	sdelay $0x7  }
0x2f: {  	v3 =	vld.idx.msk [tilespmem:v3+s4+$0x0], $0xffff;
	_ =	sdelay $0x4  }
0x30: {  	[tilespmem:$0x1C10] =	vst v3;
	v3 =	vld [tilespmem:$0x1FF40];
	_ =	sdelay $0x7  }
0x31: {  	v3 =	vld.idx.msk [tilespmem:v3+s4+$0x0], $0xffff;
	_ =	sdelay $0x4  }
0x32: {  	[tilespmem:$0x1C20] =	vst v3;
	v3 =	vld [tilespmem:$0x1FF50];
	_ =	sdelay $0x7  }
0x33: {  	v3 =	vld.idx.msk [tilespmem:v3+s4+$0x0], $0xffff;
	_ =	sdelay $0x4  }
0x34: {  	[tilespmem:$0x1C30] =	vst v3;
	v3 =	vld [tilespmem:$0x1FF60];
	_ =	sdelay $0x7  }
0x35: {  	v3 =	vld.idx.msk [tilespmem:v3+s4+$0x0], $0xffff;
	_ =	sdelay $0x4  }
0x36: {  	[tilespmem:$0x1C40] =	vst v3;
	v3 =	vld [tilespmem:$0x1FF70];
	_ =	sdelay $0x7  }
0x37: {  	v3 =	vld.idx.msk [tilespmem:v3+s4+$0x0], $0xffff;
	_ =	sdelay $0x4  }
0x38: {  	[tilespmem:$0x1C50] =	vst v3;
	v3 =	vld [tilespmem:$0x1FF80];
	_ =	sdelay $0x7  }
0x39: {  	v3 =	vld.idx.msk [tilespmem:v3+s4+$0x0], $0xffff;
	_ =	sdelay $0x4  }
0x3a: {  	[tilespmem:$0x1C60] =	vst v3;
	v3 =	vld [tilespmem:$0x1FF90];
	_ =	sdelay $0x7  }
0x3b: {  	v3 =	vld.idx.msk [tilespmem:v3+s4+$0x0], $0xffff;
	_ =	sdelay $0x4  }
0x3c: {  	[tilespmem:$0x1C70] =	vst v3;
	v3 =	vld [tilespmem:$0x1FFA0];
	_ =	sdelay $0x7  }
0x3d: {  	v3 =	vld.idx.msk [tilespmem:v3+s4+$0x0], $0xffff;
	_ =	sdelay $0x4  }
0x3e: {  	[tilespmem:$0x1C80] =	vst v3;
	v3 =	vld [tilespmem:$0x1FFB0];
	_ =	sdelay $0x7  }
0x3f: {  	v3 =	vld.idx.msk [tilespmem:v3+s4+$0x0], $0xffff;
	_ =	sdelay $0x4  }
0x40: {  	[tilespmem:$0x1C90] =	vst v3;
	v3 =	vld [tilespmem:$0x1FFC0];
	_ =	sdelay $0x7  }
0x41: {  	v3 =	vld.idx.msk [tilespmem:v3+s4+$0x0], $0xffff;
	_ =	sdelay $0x4  }
0x42: {  	[tilespmem:$0x1CA0] =	vst v3;
	v3 =	vld [tilespmem:$0x1FFD0];
	_ =	sdelay $0x7  }
0x43: {  	v3 =	vld.idx.msk [tilespmem:v3+s4+$0x0], $0xffff;
	_ =	sdelay $0x4  }
0x44: {  	[tilespmem:$0x1CB0] =	vst v3;
	v3 =	vld [tilespmem:$0x1FFE0];
	_ =	sdelay $0x7  }
0x45: {  	v3 =	vld.idx.msk [tilespmem:v3+s4+$0x0], $0xffff;
	_ =	sdelay $0x4  }
0x46: {  	[tilespmem:$0x1CC0] =	vst v3;
	v3 =	vld [tilespmem:$0x1FFF0];
	_ =	sdelay $0x7  }
0x47: {  	v3 =	vld.idx.msk [tilespmem:v3+s4+$0x0], $0xffff;
	_ =	sdelay $0x4  }
0x48: {  	[tilespmem:$0x1CD0] =	vst v3  }
0x49: {  	v3 =	vld.idx.msk [tilespmem:v23+s4+$0x0], $0xffff;
	_ =	sdelay $0x4  }
0x4a: {  	[tilespmem:$0x1CE0] =	vst v3  }
0x4b: {  	v3 =	vld.idx.msk [tilespmem:v24+s4+$0x0], $0xffff;
	_ =	sdelay $0x4  }
0x4c: {  	[tilespmem:$0x1CF0] =	vst v3  }
0x4d: {  	v3 =	vld.idx.msk [tilespmem:v25+s4+$0x0], $0xffff;
	_ =	sdelay $0x4  }
0x4e: {  	[tilespmem:$0x1D00] =	vst v3  }
0x4f: {  	v3 =	vld.idx.msk [tilespmem:v26+s4+$0x0], $0xffff;
	_ =	sdelay $0x4  }
0x50: {  	[tilespmem:$0x1D10] =	vst v3  }
0x51: {  	v3 =	vld.idx.msk [tilespmem:v27+s4+$0x0], $0xffff;
	_ =	sdelay $0x4  }
0x52: {  	[tilespmem:$0x1D20] =	vst v3  }
0x53: {  	v3 =	vld.idx.msk [tilespmem:v28+s4+$0x0], $0xffff;
	_ =	sdelay $0x4  }
0x54: {  	[tilespmem:$0x1D30] =	vst v3  }
0x55: {  	v3 =	vld.idx.msk [tilespmem:v29+s4+$0x0], $0xffff;
	_ =	sdelay $0x4  }
0x56: {  	[tilespmem:$0x1D40] =	vst v3  }
0x57: {  	v3 =	vld.idx.msk [tilespmem:v30+s4+$0x0], $0xffff;
	_ =	sdelay $0x4  }
0x58: {  	[tilespmem:$0x1D50] =	vst v3  }
0x59: {  	v3 =	vld.idx.msk [tilespmem:v31+s4+$0x0], $0xffff;
	_ =	sdelay $0x4  }
0x5a: {  	[tilespmem:$0x1D60] =	vst v3  }
0x5b: {  	v3 =	vld.idx.msk [tilespmem:v32+s4+$0x0], $0xffff;
	_ =	sdelay $0x4  }
0x5c: {  	[tilespmem:$0x1D70] =	vst v3  }
0x5d: {  	v3 =	vld.idx.msk [tilespmem:v33+s4+$0x0], $0xffff;
	_ =	sdelay $0x4  }
0x5e: {  	[tilespmem:$0x1D80] =	vst v3  }
0x5f: {  	v3 =	vld.idx.msk [tilespmem:v34+s4+$0x0], $0xffff;
	_ =	sdelay $0x4  }
0x60: {  	[tilespmem:$0x1D90] =	vst v3  }
0x61: {  	v3 =	vld.idx.msk [tilespmem:v35+s4+$0x0], $0xffff;
	_ =	sdelay $0x4  }
0x62: {  	[tilespmem:$0x1DA0] =	vst v3  }
0x63: {  	v3 =	vld.idx.msk [tilespmem:v36+s4+$0x0], $0xffff;
	_ =	sdelay $0x4  }
0x64: {  	[tilespmem:$0x1DB0] =	vst v3  }
0x65: {  	v3 =	vld.idx.msk [tilespmem:v37+s4+$0x0], $0xffff;
	_ =	sdelay $0x4  }
0x66: {  	[tilespmem:$0x1DC0] =	vst v3  }
0x67: {  	v3 =	vld.idx.msk [tilespmem:v38+s4+$0x0], $0xffff;
	_ =	sdelay $0x4  }
0x68: {  	[tilespmem:$0x1DD0] =	vst v3  }
0x69: {  	v3 =	vld.idx.msk [tilespmem:v39+s4+$0x0], $0xffff;
	_ =	sdelay $0x4  }
0x6a: {  	[tilespmem:$0x1DE0] =	vst v3  }
0x6b: {  	v3 =	vld.idx.msk [tilespmem:v40+s4+$0x0], $0xffff;
	_ =	sdelay $0x4  }
0x6c: {  	[tilespmem:$0x1DF0] =	vst v3  }
0x6d: {  	v3 =	vld.idx.msk [tilespmem:v41+s4+$0x0], $0xffff;
	_ =	sdelay $0x4  }
0x6e: {  	[tilespmem:$0x1E00] =	vst v3  }
0x6f: {  	v3 =	vld.idx.msk [tilespmem:v42+s4+$0x0], $0xffff;
	_ =	sdelay $0x4  }
0x70: {  	[tilespmem:$0x1E10] =	vst v3  }
0x71: {  	v3 =	vld.idx.msk [tilespmem:v43+s4+$0x0], $0xffff;
	_ =	sdelay $0x4  }
0x72: {  	[tilespmem:$0x1E20] =	vst v3  }
0x73: {  	v3 =	vld.idx.msk [tilespmem:v44+s4+$0x0], $0xffff;
	_ =	sdelay $0x4  }
0x74: {  	[tilespmem:$0x1E30] =	vst v3  }
0x75: {  	v3 =	vld.idx.msk [tilespmem:v45+s4+$0x0], $0xffff;
	_ =	sdelay $0x4  }
0x76: {  	[tilespmem:$0x1E40] =	vst v3  }
0x77: {  	v3 =	vld.idx.msk [tilespmem:v46+s4+$0x0], $0xffff;
	_ =	sdelay $0x4  }
0x78: {  	[tilespmem:$0x1E50] =	vst v3  }
0x79: {  	v3 =	vld.idx.msk [tilespmem:v47+s4+$0x0], $0xffff;
	_ =	sdelay $0x4  }
0x7a: {  	[tilespmem:$0x1E60] =	vst v3  }
0x7b: {  	v3 =	vld.idx.msk [tilespmem:v48+s4+$0x0], $0xffff;
	_ =	sdelay $0x4  }
0x7c: {  	s20 =	simm.s32 $0x1C00;
	s21 =	simm.s32 $0x2100;
	[tilespmem:$0x1E70] =	vst v3  }
0x7d: {  	[tilespmem:s21], [sflag:$0x1] =	stream.indirect.gather [hbm4b:s6+s13], $0x20, s20, s13, $0xb8;
	[tilespmem:$0x1B380] =	vst v63  }
0x7e: {  	s22 =	simm.s32 $0x1C80;
	s23 =	simm.s32 $0x3100  }
0x7f: {  	[tilespmem:s23], [sflag:$0x1] =	stream.indirect.gather [hbm4b:s6+s13], $0x20, s22, s13, $0xb8;
	[tilespmem:$0x1B380] =	vst v63  }
0x80: {  	s24 =	simm.s32 $0x1D00;
	s25 =	simm.s32 $0x4100  }
0x81: {  	[tilespmem:s25], [sflag:$0x1] =	stream.indirect.gather [hbm4b:s6+s13], $0x20, s24, s13, $0xb8;
	[tilespmem:$0x1B380] =	vst v63  }
.Ltmp2:
0x82: {  	_ = 	snop;
	(pc) =	sbr.rel .LBB2_2-.Ltmp2, $4  }
0x83: {  	s26 =	simm.s32 $0x1D80;
	s28 =	simm.s32 $0x5100  }
0x84: {  	[tilespmem:s28], [sflag:$0x1] =	stream.indirect.gather [hbm4b:s6+s13], $0x20, s26, s13, $0xb8;
	[tilespmem:$0x1B380] =	vst v63  }
0x85: {  	s29 =	simm.s32 $0x1E00;
	s30 =	simm.s32 $0x6100;
	s25 =	simm.s32 $0x0  }
0x86: {  	[tilespmem:s30], [sflag:$0x1] =	stream.indirect.gather [hbm4b:s6+s13], $0x20, s29, s13, $0xb8;
	[tilespmem:$0x1B380] =	vst v63  }
.LBB2_16:
0x87: {  	s25 =	sadd.s32 $0x1, s25  }
0x88: {  	p0 =	sne.s32 s25, $0x21  }
.Ltmp3:
0x89: {  	_ = 	snop;
	(pc) =	sbr.rel @!p0 .LBB2_17-.Ltmp3, $1  }
0x8a: {  	_ =	sdelay $0x3  }
.LBB2_2:
0x8b: {  	s26 =	sshllo.u32 s25, $0x1  }
0x8c: {  	p0 =	sgt.u32 s26, $0x40  }
.Ltmp4:
0x8d: {  	_ = 	snop;
	(pc) =	sbr.rel @p0 .LBB2_4-.Ltmp4, $3  }
0x8e: {  	_ =	sdelay $0x1  }
0x8f: {  	s0 =	sshll.u32 s25, $0x1  }
0x90: {  	s28 =	sadd.s32 s3, s0  }
0x91: {  	s0 =	sadd.s32 $0x1, s28  }
0x92: {  	s1 =	smulhi.u32 $0x66666667, s0;
	_ =	sdelay $0x1  }
0x93: {  	s1 =	sshrl.u32 s1, $0x2  }
0x94: {  	s1 =	smul.u32 $0xA, s1;
	_ =	sdelay $0x1  }
0x95: {  	s1 =	ssub.s32 s0, s1  }
0x96: {  	p1 =	sne.s32 s1, $0x0  }
0x97: {  	s0 =	smulhi.u32 @!p1 $0x66666667, s0;
	_ =	sdelay $0x1  }
0x98: {  	s2 =	sshrl.u32 @!p1 s0, $0x2  }
0x99: {  	s2 =	sand.u32 @!p1 $0x7, s2  }
0x9a: {  	p2 =	slt.u32 @!p1 s28, $0x9;
	p3 =	sne.s32 @!p1 s2, $0x0  }
0x9b: {  	p2 =	por @!p1 !p2, !p3  }
0x9c: {  	p2 =	por @!p1 !p2, !p2  }
0x9d: {  	s8 =	simm.s32 @!p1 $0x1;
	p2 =	por !p2, p1  }
0x9e: {  	s0 =	sshrl.u32 @!p1 s0, $0x5;
	s8 =	simm.s32 @p2 $0x0  }
0x9f: {  	s2 =	smul.u32 @!p1 $0x2D800, s2;
	s0 =	ssub.s32 @!p1 s0, s8  }
0xa0: {  	s0 =	smul.u32 @!p1 $0x38, s0  }
0xa1: {  	s15 =	smul.u32 $0x5, s1  }
0xa2: {  	s2 =	sadd.s32 @!p1 s2, s0  }
0xa3: {  	s9 =	simm.s32 @!p1 $0x0;
	v3 =	vmov s15;
	s1 =	sshrl.u32 @!p1 s2, $0x3;
	s2 =	rddreg [dreg:$0x3]  }
0xa4: {  	v3 =	vand.u32 $0x7F, v3;
	s8 =	simm.s32 @!p1 $0x5B0;
	s1 =	sadd.s32 @!p1 s2, s1;
	s2 =	simm.s32 @!p1 $0x38  }
0xa5: {  	v4 =	vadd.s32 v1, v3;
	[tilespmem:s9], [sflag:$0x5] =	stream.strided.gather @!p1 [hbm4b:s1+s2], $0x1C00, s8, s2, $0x38;
	[tilespmem:$0x1B380] =	vst v63  }
0xa6: {  	s1 =	simm.s32 @!p1 $0x5  }
0xa7: {  	_ =	swait.ge @!p1 [sflag:s1], $0x1C00  }
0xa8: {  	[sflag:s1] =	ssyncset.done @!p1 $0x0  }
0xa9: {  	[sflag:s1] =	ssyncadd.s32 @!p1 $0xFFFFE400  }
0xaa: {  	v4 =	vld.idx.msk [tilespmem:v4+s4+$0x0], $0xffff  }
0xab: {  	v8 =	vadd.s32 v2, v3;
	_ =	sdelay $0x3  }
0xac: {  	[tilespmem:$0x1E80] =	vst v4  }
0xad: {  	v4 =	vld.idx.msk [tilespmem:v8+s4+$0x0], $0xffff  }
0xae: {  	v8 =	vadd.s32 v5, v3;
	_ =	sdelay $0x3  }
0xaf: {  	[tilespmem:$0x1E90] =	vst v4  }
0xb0: {  	v4 =	vld.idx.msk [tilespmem:v8+s4+$0x0], $0xffff  }
0xb1: {  	v8 =	vadd.s32 v6, v3;
	_ =	sdelay $0x3  }
0xb2: {  	[tilespmem:$0x1EA0] =	vst v4  }
0xb3: {  	v4 =	vld.idx.msk [tilespmem:v8+s4+$0x0], $0xffff  }
0xb4: {  	v8 =	vadd.s32 v7, v3;
	_ =	sdelay $0x3  }
0xb5: {  	[tilespmem:$0x1EB0] =	vst v4  }
0xb6: {  	v4 =	vld.idx.msk [tilespmem:v8+s4+$0x0], $0xffff  }
0xb7: {  	v8 =	vadd.s32 v11, v3;
	_ =	sdelay $0x3  }
0xb8: {  	[tilespmem:$0x1EC0] =	vst v4  }
0xb9: {  	v4 =	vld.idx.msk [tilespmem:v8+s4+$0x0], $0xffff  }
0xba: {  	v8 =	vadd.s32 v12, v3;
	_ =	sdelay $0x3  }
0xbb: {  	[tilespmem:$0x1ED0] =	vst v4  }
0xbc: {  	v4 =	vld.idx.msk [tilespmem:v8+s4+$0x0], $0xffff  }
0xbd: {  	v3 =	vadd.s32 v13, v3;
	_ =	sdelay $0x2  }
0xbe: {  	s16 =	sadd.s32 $0x1, s15  }
0xbf: {  	[tilespmem:$0x1EE0] =	vst v4;
	v4 =	vmov s16  }
0xc0: {  	v3 =	vld.idx.msk [tilespmem:v3+s4+$0x0], $0xffff;
	v4 =	vand.u32 $0xFF, v4  }
0xc1: {  	v8 =	vadd.s32 v1, v4;
	_ =	sdelay $0x3  }
0xc2: {  	[tilespmem:$0x1EF0] =	vst v3  }
0xc3: {  	v3 =	vld.idx.msk [tilespmem:v8+s4+$0x0], $0xffff  }
0xc4: {  	v8 =	vadd.s32 v2, v4;
	_ =	sdelay $0x3  }
0xc5: {  	[tilespmem:$0x1F00] =	vst v3  }
0xc6: {  	v3 =	vld.idx.msk [tilespmem:v8+s4+$0x0], $0xffff  }
0xc7: {  	v8 =	vadd.s32 v5, v4;
	_ =	sdelay $0x3  }
0xc8: {  	[tilespmem:$0x1F10] =	vst v3  }
0xc9: {  	v3 =	vld.idx.msk [tilespmem:v8+s4+$0x0], $0xffff  }
0xca: {  	v8 =	vadd.s32 v6, v4;
	_ =	sdelay $0x3  }
0xcb: {  	[tilespmem:$0x1F20] =	vst v3  }
0xcc: {  	v3 =	vld.idx.msk [tilespmem:v8+s4+$0x0], $0xffff  }
0xcd: {  	v8 =	vadd.s32 v7, v4;
	_ =	sdelay $0x3  }
0xce: {  	[tilespmem:$0x1F30] =	vst v3  }
0xcf: {  	v3 =	vld.idx.msk [tilespmem:v8+s4+$0x0], $0xffff  }
0xd0: {  	v8 =	vadd.s32 v11, v4;
	_ =	sdelay $0x3  }
0xd1: {  	[tilespmem:$0x1F40] =	vst v3  }
0xd2: {  	v3 =	vld.idx.msk [tilespmem:v8+s4+$0x0], $0xffff  }
0xd3: {  	v8 =	vadd.s32 v12, v4;
	_ =	sdelay $0x3  }
0xd4: {  	[tilespmem:$0x1F50] =	vst v3  }
0xd5: {  	v3 =	vld.idx.msk [tilespmem:v8+s4+$0x0], $0xffff  }
0xd6: {  	v4 =	vadd.s32 v13, v4;
	_ =	sdelay $0x2  }
0xd7: {  	s17 =	sadd.s32 $0x2, s15  }
0xd8: {  	[tilespmem:$0x1F60] =	vst v3;
	v3 =	vmov s17  }
0xd9: {  	v4 =	vld.idx.msk [tilespmem:v4+s4+$0x0], $0xffff;
	v3 =	vand.u32 $0xFF, v3  }
0xda: {  	v8 =	vadd.s32 v1, v3;
	_ =	sdelay $0x3  }
0xdb: {  	[tilespmem:$0x1F70] =	vst v4  }
0xdc: {  	v4 =	vld.idx.msk [tilespmem:v8+s4+$0x0], $0xffff  }
0xdd: {  	v8 =	vadd.s32 v2, v3;
	_ =	sdelay $0x3  }
0xde: {  	[tilespmem:$0x1F80] =	vst v4  }
0xdf: {  	v4 =	vld.idx.msk [tilespmem:v8+s4+$0x0], $0xffff  }
0xe0: {  	v8 =	vadd.s32 v5, v3;
	_ =	sdelay $0x3  }
0xe1: {  	[tilespmem:$0x1F90] =	vst v4  }
0xe2: {  	v4 =	vld.idx.msk [tilespmem:v8+s4+$0x0], $0xffff  }
0xe3: {  	v8 =	vadd.s32 v6, v3;
	_ =	sdelay $0x3  }
0xe4: {  	[tilespmem:$0x1FA0] =	vst v4  }
0xe5: {  	v4 =	vld.idx.msk [tilespmem:v8+s4+$0x0], $0xffff  }
0xe6: {  	v8 =	vadd.s32 v7, v3;
	_ =	sdelay $0x3  }
0xe7: {  	[tilespmem:$0x1FB0] =	vst v4  }
0xe8: {  	v4 =	vld.idx.msk [tilespmem:v8+s4+$0x0], $0xffff  }
0xe9: {  	v8 =	vadd.s32 v11, v3;
	_ =	sdelay $0x3  }
0xea: {  	[tilespmem:$0x1FC0] =	vst v4  }
0xeb: {  	v4 =	vld.idx.msk [tilespmem:v8+s4+$0x0], $0xffff  }
0xec: {  	v8 =	vadd.s32 v12, v3;
	_ =	sdelay $0x3  }
0xed: {  	[tilespmem:$0x1FD0] =	vst v4  }
0xee: {  	v4 =	vld.idx.msk [tilespmem:v8+s4+$0x0], $0xffff  }
0xef: {  	v3 =	vadd.s32 v13, v3;
	_ =	sdelay $0x2  }
0xf0: {  	s18 =	sadd.s32 $0x3, s15  }
0xf1: {  	[tilespmem:$0x1FE0] =	vst v4;
	v4 =	vmov s18  }
0xf2: {  	v3 =	vld.idx.msk [tilespmem:v3+s4+$0x0], $0xffff;
	v4 =	vand.u32 $0xFF, v4  }
0xf3: {  	v8 =	vadd.s32 v1, v4;
	_ =	sdelay $0x3  }
0xf4: {  	[tilespmem:$0x1FF0] =	vst v3  }
0xf5: {  	v3 =	vld.idx.msk [tilespmem:v8+s4+$0x0], $0xffff  }
0xf6: {  	v8 =	vadd.s32 v2, v4;
	_ =	sdelay $0x3  }
0xf7: {  	[tilespmem:$0x2000] =	vst v3  }
0xf8: {  	v3 =	vld.idx.msk [tilespmem:v8+s4+$0x0], $0xffff  }
0xf9: {  	v8 =	vadd.s32 v5, v4;
	_ =	sdelay $0x3  }
0xfa: {  	[tilespmem:$0x2010] =	vst v3  }
0xfb: {  	v3 =	vld.idx.msk [tilespmem:v8+s4+$0x0], $0xffff  }
0xfc: {  	v8 =	vadd.s32 v6, v4;
	_ =	sdelay $0x3  }
0xfd: {  	[tilespmem:$0x2020] =	vst v3  }
0xfe: {  	v3 =	vld.idx.msk [tilespmem:v8+s4+$0x0], $0xffff  }
0xff: {  	v8 =	vadd.s32 v7, v4;
	_ =	sdelay $0x3  }
0x100: {  	[tilespmem:$0x2030] =	vst v3  }
0x101: {  	v3 =	vld.idx.msk [tilespmem:v8+s4+$0x0], $0xffff  }
0x102: {  	v8 =	vadd.s32 v11, v4;
	_ =	sdelay $0x3  }
0x103: {  	[tilespmem:$0x2040] =	vst v3  }
0x104: {  	v3 =	vld.idx.msk [tilespmem:v8+s4+$0x0], $0xffff  }
0x105: {  	v8 =	vadd.s32 v12, v4;
	_ =	sdelay $0x3  }
0x106: {  	[tilespmem:$0x2050] =	vst v3  }
0x107: {  	v3 =	vld.idx.msk [tilespmem:v8+s4+$0x0], $0xffff  }
0x108: {  	v4 =	vadd.s32 v13, v4;
	_ =	sdelay $0x2  }
0x109: {  	s0 =	sadd.s32 $0x4, s15  }
0x10a: {  	[tilespmem:$0x2060] =	vst v3;
	v3 =	vmov s0  }
0x10b: {  	v4 =	vld.idx.msk [tilespmem:v4+s4+$0x0], $0xffff;
	v3 =	vand.u32 $0xFF, v3  }
0x10c: {  	v8 =	vadd.s32 v1, v3;
	_ =	sdelay $0x3  }
0x10d: {  	[tilespmem:$0x2070] =	vst v4  }
0x10e: {  	v4 =	vld.idx.msk [tilespmem:v8+s4+$0x0], $0xffff  }
0x10f: {  	v8 =	vadd.s32 v2, v3;
	_ =	sdelay $0x3  }
0x110: {  	[tilespmem:$0x2080] =	vst v4  }
0x111: {  	v4 =	vld.idx.msk [tilespmem:v8+s4+$0x0], $0xffff  }
0x112: {  	v8 =	vadd.s32 v5, v3;
	_ =	sdelay $0x3  }
0x113: {  	[tilespmem:$0x2090] =	vst v4  }
0x114: {  	v4 =	vld.idx.msk [tilespmem:v8+s4+$0x0], $0xffff  }
0x115: {  	v8 =	vadd.s32 v6, v3;
	_ =	sdelay $0x3  }
0x116: {  	[tilespmem:$0x20A0] =	vst v4  }
0x117: {  	v4 =	vld.idx.msk [tilespmem:v8+s4+$0x0], $0xffff  }
0x118: {  	v8 =	vadd.s32 v7, v3;
	_ =	sdelay $0x3  }
0x119: {  	[tilespmem:$0x20B0] =	vst v4  }
0x11a: {  	v4 =	vld.idx.msk [tilespmem:v8+s4+$0x0], $0xffff  }
0x11b: {  	v8 =	vadd.s32 v11, v3;
	_ =	sdelay $0x3  }
0x11c: {  	[tilespmem:$0x20C0] =	vst v4  }
0x11d: {  	v4 =	vld.idx.msk [tilespmem:v8+s4+$0x0], $0xffff  }
0x11e: {  	v8 =	vadd.s32 v12, v3;
	_ =	sdelay $0x3  }
0x11f: {  	[tilespmem:$0x20D0] =	vst v4  }
0x120: {  	v4 =	vld.idx.msk [tilespmem:v8+s4+$0x0], $0xffff  }
0x121: {  	v3 =	vadd.s32 v13, v3;
	_ =	sdelay $0x3  }
0x122: {  	[tilespmem:$0x20E0] =	vst v4  }
0x123: {  	v3 =	vld.idx.msk [tilespmem:v3+s4+$0x0], $0xffff;
	_ =	sdelay $0x4  }
0x124: {  	s19 =	simm.s32 $0x1E80;
	s20 =	simm.s32 $0x7100;
	[tilespmem:$0x20F0] =	vst v3  }
0x125: {  	[tilespmem:s20], [sflag:$0x2] =	stream.indirect.gather [hbm4b:s6+s13], $0x20, s19, s13, $0xb8;
	[tilespmem:$0x1B380] =	vst v63  }
0x126: {  	s21 =	simm.s32 $0x1F00;
	s22 =	simm.s32 $0x8100  }
0x127: {  	[tilespmem:s22], [sflag:$0x2] =	stream.indirect.gather [hbm4b:s6+s13], $0x20, s21, s13, $0xb8;
	[tilespmem:$0x1B380] =	vst v63  }
0x128: {  	s23 =	simm.s32 $0x1F80;
	s24 =	simm.s32 $0x9100  }
0x129: {  	[tilespmem:s24], [sflag:$0x2] =	stream.indirect.gather [hbm4b:s6+s13], $0x20, s23, s13, $0xb8;
	[tilespmem:$0x1B380] =	vst v63  }
0x12a: {  	s29 =	simm.s32 $0xA100  }
0x12b: {  	[tilespmem:s29], [sflag:$0x2] =	stream.indirect.gather [hbm4b:s6+s13], $0x20, s31, s13, $0xb8;
	[tilespmem:$0x1B380] =	vst v63  }
0x12c: {  	s30 =	simm.s32 $0x2080;
	s31 =	simm.s32 $0xB100  }
0x12d: {  	[tilespmem:s31], [sflag:$0x2] =	stream.indirect.gather [hbm4b:s6+s13], $0x20, s30, s13, $0xb8;
	[tilespmem:$0x1B380] =	vst v63  }
.LBB2_4:
0x12e: {  	s0 =	simm.s32 $0x1  }
0x12f: {  	_ =	swait.ge [sflag:s0], $0x5000  }
0x130: {  	p1 =	seq.s32 s25, $0x0;
	[sflag:s0] =	ssyncset.done $0x0  }
0x131: {  	[sflag:s0] =	ssyncadd.s32 $0xFFFFB000;
	s0 =	simm.s32 @!p1 $0x3  }
0x132: {  	_ =	swait.ge @!p1 [sflag:s0], $0x5000  }
0x133: {  	[sflag:s0] =	ssyncset.done @!p1 $0x0  }
0x134: {  	s10 =	simm.s32 $0x0;
	s8 =	simm.s32 $0x2120;
	[sflag:s0] =	ssyncadd.s32 @!p1 $0xFFFFB000  }
0x135: {  	v4 =	vadd.s32 s10, v0;
	v3 =	vld [tilespmem:s8+$0xFFFFFFE0];
	_ =	sdelay $0x1  }
0x136: {  	s30 =	simm.s32 $0x21  }
0x137: {  	v9 =	vadd.s32 s30, v0;
	v8 =	vld [tilespmem:s8+$0x0]  }
0x138: {  	s2 =	simm.s32 $0x2160;
	s31 =	simm.s32 $0x42  }
0x139: {  	s1 =	simm.s32 $0x10;
	v15 =	vadd.s32 s31, v0;
	v10 =	vld [tilespmem:s2+$0xFFFFFFE0];
	[tilespmem:v4+s11+$0x0] =	vst.idx.msk $0xffff, v3  }
0x13a: {  	v51 =	vadd.s32 s1, v0;
	v52 =	vld [tilespmem:s8+$0xFFFFFFF0]  }
0x13b: {  	s18 =	simm.s32 $0x63;
	s14 =	simm.s32 $0x21A0;
	v50 =	vld [tilespmem:s2+$0x0]  }
0x13c: {  	s16 =	simm.s32 $0x31;
	v14 =	vadd.s32 s18, v0;
	[tilespmem:v9+s11+$0x0] =	vst.idx.msk $0xffff, v8;
	v9 =	vld [tilespmem:s14+$0xFFFFFFE0]  }
0x13d: {  	s17 =	simm.s32 $0x52;
	s9 =	simm.s32 $0x73;
	s15 =	simm.s32 $0x4;
	v8 =	vadd.s32 s16, v0;
	v4 =	vld [tilespmem:s8+$0x10]  }
0x13e: {  	s1 =	simm.s32 $0x0;
	s18 =	simm.s32 $0x94;
	v3 =	vadd.s32 s17, v0;
	[tilespmem:v15+s11+$0x0] =	vst.idx.msk $0xffff, v10;
	s17 =	simm.s32 $0x84  }
0x13f: {  	s0 =	simm.s32 $0x2;
	v10 =	vld [tilespmem:s14+$0x0];
	s16 =	simm.s32 $0xB5;
	v15 =	vadd.s32 s17, v0;
	s8 =	simm.s32 $0x21A0;
	[tilespmem:v51+s11+$0x0] =	vst.idx.msk $0xffff, v52  }
.LBB2_5:
0x140: {  	s15 =	sadd.s32 $0x2, s15  }
0x141: {  	v51 =	vadd.s32 s18, v0;
	s18 =	sadd.s32 $0x21, s17;
	v52 =	vld [tilespmem:s2+$0xFFFFFFF0];
	[tilespmem:v14+s11+$0x0] =	vst.idx.msk $0xffff, v50;
	p2 =	slt.u32 s15, $0x27E  }
.Ltmp5:
0x142: {  	s14 =	sadd.s32 $0x40, s14;
	v14 =	vadd.s32 s18, v0;
	[tilespmem:v8+s11+$0x0] =	vst.idx.msk $0xffff, v4;
	v4 =	vld [tilespmem:s2+$0x10];
	v8 =	vadd.s32 s9, v0;
	v50 =	vmov v9;
	(pc) =	sbr.rel @p2 .LBB2_5-.Ltmp5, $4  }
0x143: {  	s2 =	smov.u32 s8;
	s8 =	smov.u32 s14;
	s9 =	smov.u32 s16;
	v9 =	vld [tilespmem:s14+$0xFFFFFFE0]  }
0x144: {  	_ = 	snop  }
0x145: {  	s17 =	sadd.s32 $0x42, s17;
	[tilespmem:v15+s11+$0x0] =	vst.idx.msk $0xffff, v50;
	v50 =	vmov v10  }
0x146: {  	s18 =	sadd.s32 $0x10, s17;
	s16 =	sadd.s32 $0x31, s17;
	v15 =	vadd.s32 s17, v0;
	v10 =	vld [tilespmem:s14+$0x0];
	[tilespmem:v3+s11+$0x0] =	vst.idx.msk $0xffff, v52;
	v3 =	vmov v51  }
0x147: {  	s14 =	sadd.s32 $0x21, s17  }
0x148: {  	v51 =	vadd.s32 s14, v0;
	_ =	sdelay $0x1  }
0x149: {  	s12 =	simm.s32 $0x0  }
0x14a: {  	v52 =	vld [tilespmem:s2+$0xFFFFFFF0];
	[tilespmem:v14+s11+$0x0] =	vst.idx.msk $0xffff, v50;
	s10 =	sand.u32 $0xFFFFFFE0, s10;
	s14 =	smul.u32 $0x1060, s12  }
0x14b: {  	v14 =	vadd.s32 s9, v0;
	v50 =	vld [tilespmem:s2+$0x10];
	[tilespmem:v15+s11+$0x0] =	vst.idx.msk $0xffff, v9;
	s15 =	ssub.s32 $0x0, s10  }
0x14c: {  	v9 =	vadd.s32 s18, v0;
	v15 =	vld [tilespmem:s8+$0xFFFFFFF0];
	s2 =	sadd.s32 $0x1, s15;
	s14 =	sadd.s32 $0x0, s14;
	[tilespmem:v51+s11+$0x0] =	vst.idx.msk $0xffff, v10  }
0x14d: {  	s18 =	sshll.u32 s2, $0x10;
	s17 =	sadd.s32 $0x1, s14;
	v10 =	vadd.s32 s16, v0;
	v51 =	vld [tilespmem:s8+$0x10]  }
0x14e: {  	[tilespmem:v8+s11+$0x0] =	vst.idx.msk $0xffff, v4;
	s19 =	sshra.s32 s18, $0x1F;
	v4 =	vadd.s32 s17, v49  }
0x14f: {  	s20 =	simm.s32 $0x0;
	[tilespmem:v3+s11+$0x0] =	vst.idx.msk $0xffff, v52;
	s8 =	sand.u32 $0x7, s19  }
0x150: {  	s9 =	smul.u32 $0x1080, s20;
	[tilespmem:v14+s11+$0x0] =	vst.idx.msk $0xffff, v50;
	s8 =	sadd.s32 s8, s2  }
0x151: {  	s1 =	sand.u32 $0x1E, s1;
	[tilespmem:v9+s11+$0x0] =	vst.idx.msk $0xffff, v15;
	s8 =	sshll.u32 s8, $0x10  }
0x152: {  	s1 =	sor.u32 s1, s9;
	s2 =	sshra.s32 s2, $0x1F;
	s8 =	sshra.s32 s8, $0x13;
	[tilespmem:v10+s11+$0x0] =	vst.idx.msk $0xffff, v51  }
0x153: {  	s21 =	simm.s32 $0x0;
	s22 =	sadd.s32 $0x211, s14;
	v3 =	vadd.s32 s1, v49;
	s2 =	sadd.s32 s8, s2;
	v4 =	vld.idx.msk [tilespmem:v4+s11+$0x0], $0xffff  }
0x154: {  	s9 =	sand.u32 $0x3FFFF000, s21;
	v8 =	vadd.s32 s22, v49;
	s2 =	sshll.u32 s2, $0xC  }
0x155: {  	s23 =	simm.s32 $0x80;
	s9 =	sadd.s32 $0x11380, s9;
	s2 =	sshra.s32 s2, $0x2  }
0x156: {  	s5 =	simm.s32 $0x2;
	s8 =	sand.u32 $0x380, s23;
	s2 =	sadd.s32 s2, s9  }
0x157: {  	s0 =	sand.u32 $0x1E, s0;
	s15 =	simm.s32 $0x0;
	s16 =	sadd.s32 s8, s2  }
0x158: {  	s12 =	simm.s32 $0x0;
	s15 =	smul.u32 $0x1060, s15;
	s24 =	sadd.s32 $0x210, s1;
	v3 =	vld.idx.msk [tilespmem:v3+s11+$0x0], $0xffff;
	[tilespmem:s16+$0x0] =	vst v4  }
0x159: {  	s31 =	sadd.s32 $0x420, s1;
	s7 =	sadd.s32 $0x421, s14;
	s8 =	sand.u32 $0xFFFFFFE0, s5;
	v4 =	vadd.s32 s24, v49;
	v8 =	vld.idx.msk [tilespmem:v8+s11+$0x0], $0xffff  }
0x15a: {  	s21 =	sadd.s32 $0x840, s1;
	s10 =	sadd.s32 $0xA50, s1;
	v9 =	vadd.s32 s7, v49;
	s8 =	ssub.s32 $0x2, s8  }
0x15b: {  	s17 =	sand.u32 $0xF00, s12;
	s15 =	sadd.s32 $0x2, s15;
	s8 =	sadd.s32 $0x1, s8  }
0x15c: {  	s29 =	sadd.s32 s17, s9;
	s18 =	sadd.s32 $0x1, s15;
	s20 =	sshll.u32 s8, $0x10  }
0x15d: {  	s17 =	sadd.s32 $0xC60, s1;
	s19 =	sadd.s32 $0x630, s1;
	[tilespmem:s29+$0x0] =	vst v3;
	v3 =	vadd.s32 s18, v49;
	s22 =	sshra.s32 s20, $0x1F  }
0x15e: {  	s7 =	simm.s32 $0x100;
	s23 =	simm.s32 $0x0;
	s9 =	sand.u32 $0x7, s22;
	v4 =	vld.idx.msk [tilespmem:v4+s11+$0x0], $0xffff;
	[tilespmem:s16+$0x10] =	vst v8  }
0x15f: {  	s24 =	smul.u32 $0x1080, s23;
	s20 =	sadd.s32 $0x631, s14;
	s9 =	sadd.s32 s9, s8;
	v8 =	vadd.s32 s31, v49;
	v9 =	vld.idx.msk [tilespmem:v9+s11+$0x0], $0xffff  }
0x160: {  	s18 =	sadd.s32 $0xE70, s1;
	s5 =	sshra.s32 s8, $0x1F;
	v10 =	vadd.s32 s20, v49;
	s31 =	sshll.u32 s9, $0x10  }
0x161: {  	s23 =	simm.s32 $0x180;
	s9 =	sor.u32 s0, s24;
	s2 =	sshra.s32 s31, $0x13  }
0x162: {  	s1 =	sand.u32 $0x380, s23;
	s8 =	sadd.s32 $0x211, s15;
	v3 =	vld.idx.msk [tilespmem:v3+s11+$0x0], $0xffff;
	v14 =	vadd.s32 s9, v49;
	s0 =	sadd.s32 s2, s5  }
0x163: {  	s24 =	sadd.s32 $0x841, s14;
	s2 =	sand.u32 $0x3FFFF000, s7;
	s0 =	sshll.u32 s0, $0xC;
	[tilespmem:s29+$0x10] =	vst v4;
	v4 =	vadd.s32 s8, v49  }
0x164: {  	s12 =	sadd.s32 $0x210, s9;
	s22 =	sadd.s32 $0x11380, s2;
	s0 =	sshra.s32 s0, $0x2;
	v8 =	vld.idx.msk [tilespmem:v8+s11+$0x0], $0xffff;
	[tilespmem:s16+$0x20] =	vst v9  }
0x165: {  	s23 =	sadd.s32 $0x420, s9;
	s20 =	sadd.s32 $0x840, s9;
	s0 =	sadd.s32 s0, s22;
	v9 =	vadd.s32 s19, v49;
	v10 =	vld.idx.msk [tilespmem:v10+s11+$0x0], $0xffff  }
0x166: {  	v15 =	vadd.s32 s24, v49;
	s31 =	simm.s32 $0x100;
	s24 =	sadd.s32 $0x421, s15;
	s1 =	sadd.s32 s1, s0  }
0x167: {  	s5 =	simm.s32 $0x4;
	s7 =	simm.s32 $0x0;
	s2 =	sadd.s32 $0x630, s9;
	v14 =	vld.idx.msk [tilespmem:v14+s11+$0x0], $0xffff;
	[tilespmem:s1+$0x0] =	vst v3  }
0x168: {  	s8 =	smul.u32 $0x1060, s7;
	s7 =	simm.s32 $0x4;
	s19 =	sand.u32 $0xFFFFFFE0, s5;
	v3 =	vadd.s32 s12, v49;
	v4 =	vld.idx.msk [tilespmem:v4+s11+$0x0], $0xffff  }
0x169: {  	s0 =	sand.u32 $0xF00, s31;
	s5 =	simm.s32 $0x0;
	s12 =	ssub.s32 $0x4, s19;
	[tilespmem:s29+$0x20] =	vst v8;
	v8 =	vadd.s32 s24, v49  }
0x16a: {  	s19 =	sadd.s32 $0xA50, s9;
	s30 =	sadd.s32 s0, s22;
	s24 =	sadd.s32 $0x1, s12;
	v9 =	vld.idx.msk [tilespmem:v9+s11+$0x0], $0xffff;
	[tilespmem:s16+$0x30] =	vst v10  }
0x16b: {  	s0 =	sadd.s32 $0x4, s8;
	s22 =	sadd.s32 $0xA51, s14;
	s31 =	sshll.u32 s24, $0x10;
	v10 =	vadd.s32 s21, v49;
	v15 =	vld.idx.msk [tilespmem:v15+s11+$0x0], $0xffff  }
0x16c: {  	s5 =	smul.u32 $0x1080, s5;
	s12 =	sadd.s32 $0x1, s0;
	[tilespmem:s30+$0x0] =	vst v14;
	v14 =	vadd.s32 s22, v49;
	s31 =	sshra.s32 s31, $0x1F  }
0x16d: {  	v58 =	vadd.s32 s12, v49;
	s22 =	sadd.s32 $0xC60, s9;
	s12 =	sadd.s32 $0xC61, s14;
	v3 =	vld.idx.msk [tilespmem:v3+s11+$0x0], $0xffff;
	s8 =	sand.u32 $0x7, s31;
	[tilespmem:s1+$0x10] =	vst v4  }
0x16e: {  	s31 =	sadd.s32 $0x631, s15;
	v4 =	vadd.s32 s23, v49;
	s23 =	sand.u32 $0x1E, s7;
	s8 =	sadd.s32 s8, s24;
	v8 =	vld.idx.msk [tilespmem:v8+s11+$0x0], $0xffff  }
0x16f: {  	s21 =	sadd.s32 $0xE70, s9;
	s23 =	sor.u32 s23, s5;
	s7 =	sshll.u32 s8, $0x10;
	[tilespmem:s29+$0x30] =	vst v9;
	v9 =	vadd.s32 s31, v49  }
0x170: {  	v59 =	vadd.s32 s23, v49;
	s8 =	sadd.s32 $0x210, s23;
	s5 =	sshra.s32 s7, $0x13;
	s31 =	sadd.s32 $0x211, s0;
	v10 =	vld.idx.msk [tilespmem:v10+s11+$0x0], $0xffff;
	[tilespmem:s16+$0x40] =	vst v15  }
0x171: {  	v60 =	vadd.s32 s12, v49;
	s12 =	sadd.s32 $0x420, s23;
	v61 =	vadd.s32 s31, v49;
	s31 =	simm.s32 $0x280;
	v15 =	vadd.s32 s10, v49;
	s10 =	sshra.s32 s24, $0x1F;
	v14 =	vld.idx.msk [tilespmem:v14+s11+$0x0], $0xffff  }
0x172: {  	[tilespmem:s30+$0x10] =	vst v3;
	v3 =	vld.idx.msk [tilespmem:v58+s11+$0x0], $0xffff;
	v53 =	vadd.s32 s8, v49;
	s8 =	sadd.s32 $0xE71, s14;
	s24 =	simm.s32 $0x200;
	s5 =	sadd.s32 s5, s10  }
0x173: {  	s14 =	simm.s32 $0x0;
	s7 =	sand.u32 $0x3FFFF000, s24;
	v4 =	vld.idx.msk [tilespmem:v4+s11+$0x0], $0xffff;
	s5 =	sshll.u32 s5, $0xC;
	[tilespmem:s1+$0x20] =	vst v8  }
0x174: {  	s24 =	sadd.s32 $0x11380, s7;
	v8 =	vadd.s32 s2, v49;
	s7 =	sadd.s32 $0x841, s15;
	s10 =	sshra.s32 s5, $0x2;
	v9 =	vld.idx.msk [tilespmem:v9+s11+$0x0], $0xffff  }
0x175: {  	s14 =	smul.u32 $0x1060, s14;
	s5 =	sand.u32 $0x380, s31;
	v62 =	vadd.s32 s7, v49;
	[tilespmem:s29+$0x40] =	vst v10;
	v10 =	vld.idx.msk [tilespmem:v59+s11+$0x0], $0xffff;
	s31 =	sadd.s32 s10, s24  }
0x176: {  	s9 =	sadd.s32 $0x630, s23;
	s2 =	sadd.s32 $0x840, s23;
	s10 =	sadd.s32 s5, s31;
	v15 =	vld.idx.msk [tilespmem:v15+s11+$0x0], $0xffff;
	[tilespmem:s16+$0x50] =	vst v14  }
0x177: {  	s14 =	sadd.s32 $0x6, s14;
	s7 =	simm.s32 $0x200;
	v14 =	vadd.s32 s17, v49;
	[tilespmem:s10+$0x0] =	vst v3;
	s17 =	simm.s32 $0x6;
	v3 =	vld.idx.msk [tilespmem:v60+s11+$0x0], $0xffff  }
0x178: {  	s5 =	sand.u32 $0xF00, s7;
	s7 =	sadd.s32 $0x421, s0;
	[tilespmem:s30+$0x20] =	vst v4;
	v4 =	vadd.s32 s8, v49;
	v63 =	vld.idx.msk [tilespmem:v61+s11+$0x0], $0xffff;
	s31 =	sand.u32 $0xFFFFFFE0, s17  }
0x179: {  	s8 =	sadd.s32 $0xA50, s23;
	s24 =	sadd.s32 s5, s24;
	v18 =	vadd.s32 s7, v49;
	v8 =	vld.idx.msk [tilespmem:v8+s11+$0x0], $0xffff;
	[tilespmem:s1+$0x30] =	vst v9;
	s5 =	ssub.s32 $0x6, s31  }
0x17a: {  	s17 =	sadd.s32 $0xA51, s15;
	v9 =	vadd.s32 s20, v49;
	s20 =	simm.s32 $0x0;
	[tilespmem:s24+$0x0] =	vst v10;
	v10 =	vld.idx.msk [tilespmem:v62+s11+$0x0], $0xffff;
	s5 =	sadd.s32 $0x1, s5  }
0x17b: {  	s7 =	sadd.s32 $0x1, s14;
	s20 =	smul.u32 $0x1080, s20;
	v19 =	vld.idx.msk [tilespmem:v53+s11+$0x0], $0xffff;
	[tilespmem:s29+$0x50] =	vst v15;
	v15 =	vadd.s32 s17, v49;
	s31 =	sshll.u32 s5, $0x10  }
0x17c: {  	s17 =	simm.s32 $0x6;
	v53 =	vadd.s32 s12, v49;
	s12 =	sadd.s32 $0xC60, s23;
	v14 =	vld.idx.msk [tilespmem:v14+s11+$0x0], $0xffff;
	s31 =	sshra.s32 s31, $0x1F;
	[tilespmem:s16+$0x60] =	vst v3  }
0x17d: {  	v57 =	vadd.s32 s18, v49;
	s23 =	sadd.s32 $0xE70, s23;
	v3 =	vadd.s32 s7, v49;
	s7 =	sand.u32 $0x1E, s17;
	[tilespmem:s10+$0x10] =	vst v63;
	s18 =	sand.u32 $0x7, s31;
	v4 =	vld.idx.msk [tilespmem:v4+s11+$0x0], $0xffff  }
0x17e: {  	[tilespmem:s30+$0x30] =	vst v8;
	s31 =	sadd.s32 $0x631, s0;
	v58 =	vld.idx.msk [tilespmem:v18+s11+$0x0], $0xffff;
	s7 =	sor.u32 s7, s20;
	s18 =	sadd.s32 s18, s5  }
0x17f: {  	v52 =	vadd.s32 s22, v49;
	v8 =	vld.idx.msk [tilespmem:v9+s11+$0x0], $0xffff;
	v9 =	vadd.s32 s31, v49;
	s5 =	sshra.s32 s5, $0x1F;
	s31 =	sadd.s32 $0xC61, s15;
	s20 =	sadd.s32 $0x210, s7;
	[tilespmem:s1+$0x40] =	vst v10  }
0x180: {  	v63 =	vadd.s32 s19, v49;
	v10 =	vadd.s32 s7, v49;
	s19 =	sadd.s32 $0x420, s7;
	s22 =	sadd.s32 $0x630, s7;
	s18 =	sshll.u32 s18, $0x10;
	v15 =	vld.idx.msk [tilespmem:v15+s11+$0x0], $0xffff;
	[tilespmem:s24+$0x10] =	vst v19  }
0x181: {  	v50 =	vadd.s32 s21, v49;
	v51 =	vadd.s32 s23, v49;
	v16 =	vadd.s32 s31, v49;
	s31 =	sadd.s32 $0x211, s14;
	s23 =	sadd.s32 $0xC60, s7;
	s21 =	sshra.s32 s18, $0x13;
	v17 =	vld.idx.msk [tilespmem:v53+s11+$0x0], $0xffff  }
0x182: {  	v55 =	vadd.s32 s2, v49;
	s18 =	sadd.s32 $0x840, s7;
	[tilespmem:s29+$0x60] =	vst v14;
	s2 =	sadd.s32 s21, s5;
	s21 =	simm.s32 $0x300;
	v3 =	vld.idx.msk [tilespmem:v3+s11+$0x0], $0xffff  }
0x183: {  	v18 =	vadd.s32 s31, v49;
	v59 =	vadd.s32 s19, v49;
	s19 =	sadd.s32 $0xA50, s7;
	s5 =	sand.u32 $0x3FFFF000, s21;
	s2 =	sshll.u32 s2, $0xC;
	v62 =	vld.idx.msk [tilespmem:v57+s11+$0x0], $0xffff;
	[tilespmem:s10+$0x20] =	vst v58  }
0x184: {  	v56 =	vadd.s32 s9, v49;
	v54 =	vadd.s32 s8, v49;
	[tilespmem:s16+$0x70] =	vst v4;
	s5 =	sadd.s32 $0x11380, s5;
	s2 =	sshra.s32 s2, $0x2;
	s16 =	simm.s32 $0x380;
	v9 =	vld.idx.msk [tilespmem:v9+s11+$0x0], $0xffff  }
0x185: {  	v61 =	vadd.s32 s20, v49;
	s7 =	sadd.s32 $0xE70, s7;
	v53 =	vadd.s32 s12, v49;
	[tilespmem:s30+$0x40] =	vst v8;
	v10 =	vld.idx.msk [tilespmem:v10+s11+$0x0], $0xffff;
	s20 =	sand.u32 $0x380, s16;
	s2 =	sadd.s32 s2, s5  }
0x186: {  	v60 =	vadd.s32 s18, v49;
	s21 =	sadd.s32 $0x841, s0;
	v8 =	vadd.s32 s22, v49;
	s22 =	simm.s32 $0x300;
	v4 =	vld.idx.msk [tilespmem:v63+s11+$0x0], $0xffff;
	s18 =	sadd.s32 s20, s2;
	[tilespmem:s1+$0x50] =	vst v15  }
0x187: {  	v57 =	vadd.s32 s7, v49;
	v14 =	vadd.s32 s21, v49;
	s31 =	sand.u32 $0xF00, s22;
	[tilespmem:s18+$0x0] =	vst v3;
	v3 =	vld.idx.msk [tilespmem:v16+s11+$0x0], $0xffff  }
0x188: {  	v58 =	vadd.s32 s19, v49;
	s19 =	simm.s32 $0x8;
	v63 =	vadd.s32 s23, v49;
	s20 =	sadd.s32 s31, s5;
	s2 =	sadd.s32 $0xE71, s15;
	[tilespmem:s24+$0x20] =	vst v17;
	v15 =	vld.idx.msk [tilespmem:v18+s11+$0x0], $0xffff  }
.LBB2_7:
0x189: {  	s5 =	sshrl.u32 s19, $0x5;
	s7 =	sadd.s32 $0x421, s14;
	s15 =	smov.u32 s0  }
0x18a: {  	v16 =	vld.idx.msk [tilespmem:v56+s11+$0x0], $0xffff;
	v17 =	vadd.s32 s2, v49;
	[tilespmem:s29+$0x70] =	vst v62;
	v56 =	vmov v8;
	s0 =	smov.u32 s14;
	s21 =	smov.u32 s10;
	s10 =	smov.u32 s18  }
0x18b: {  	s29 =	smov.u32 s30;
	s30 =	smov.u32 s24;
	s2 =	smul.u32 $0x1060, s5;
	v8 =	vadd.s32 s7, v49;
	[tilespmem:s21+$0x30] =	vst v9  }
0x18c: {  	s17 =	sadd.s32 $0x2, s17;
	s24 =	smov.u32 s20;
	s5 =	sand.u32 $0xFFFFFFE0, s19;
	[tilespmem:s20+$0x0] =	vst v10;
	v9 =	vld.idx.msk [tilespmem:v14+s11+$0x0], $0xffff  }
0x18d: {  	s14 =	sadd.s32 s17, s2;
	s2 =	ssub.s32 s17, s5;
	v10 =	vld.idx.msk [tilespmem:v61+s11+$0x0], $0xffff;
	s5 =	sadd.s32 $0xA51, s15;
	[tilespmem:s29+$0x50] =	vst v4  }
0x18e: {  	s7 =	sshrl.u32 s17, $0x5;
	s8 =	sadd.s32 $0x1, s2;
	s2 =	sadd.s32 $0x1, s14;
	v4 =	vadd.s32 s5, v49;
	v14 =	vld.idx.msk [tilespmem:v52+s11+$0x0], $0xffff;
	[tilespmem:s1+$0x60] =	vst v3;
	v52 =	vmov v53;
	v53 =	vmov v63  }
0x18f: {  	s7 =	smul.u32 $0x1080, s7;
	s5 =	sand.u32 $0x1E, s17;
	v3 =	vadd.s32 s2, v49;
	s2 =	sshll.u32 s8, $0x10;
	[tilespmem:s10+$0x10] =	vst v15;
	v15 =	vld.idx.msk [tilespmem:v17+s11+$0x0], $0xffff  }
0x190: {  	s16 =	sadd.s32 $0x100, s16;
	p2 =	slt.u32 s17, $0x9E;
	s9 =	sshra.s32 s2, $0x1F;
	v17 =	vld.idx.msk [tilespmem:v8+s11+$0x0], $0xffff;
	[tilespmem:s30+$0x30] =	vst v16  }
0x191: {  	s2 =	sor.u32 s5, s7;
	s7 =	sadd.s32 $0x631, s0;
	s5 =	sand.u32 $0x7, s9;
	v16 =	vld.idx.msk [tilespmem:v55+s11+$0x0], $0xffff;
	v55 =	vmov v60  }
0x192: {  	v18 =	vadd.s32 s2, v49;
	s9 =	sadd.s32 $0x210, s2;
	s12 =	sadd.s32 $0x420, s2;
	v63 =	vadd.s32 s7, v49;
	s5 =	sadd.s32 s5, s8;
	[tilespmem:s21+$0x40] =	vst v9  }
0x193: {  	s7 =	sadd.s32 $0x630, s2;
	v61 =	vadd.s32 s9, v49;
	v9 =	vadd.s32 s12, v49;
	s9 =	sadd.s32 $0x840, s2;
	s5 =	sshll.u32 s5, $0x10;
	[tilespmem:s24+$0x10] =	vst v10;
	v19 =	vld.idx.msk [tilespmem:v4+s11+$0x0], $0xffff  }
0x194: {  	v8 =	vadd.s32 s7, v49;
	s7 =	sshra.s32 s8, $0x1F;
	s8 =	sadd.s32 $0xC61, s15;
	v60 =	vadd.s32 s9, v49;
	v3 =	vld.idx.msk [tilespmem:v3+s11+$0x0], $0xffff;
	s5 =	sshra.s32 s5, $0x13;
	[tilespmem:s29+$0x60] =	vst v14  }
0x195: {  	s9 =	sshll.u32 s17, $0x7;
	v21 =	vadd.s32 s8, v49;
	s5 =	sadd.s32 s5, s7;
	s7 =	sadd.s32 $0x211, s14;
	v20 =	vld.idx.msk [tilespmem:v59+s11+$0x0], $0xffff;
	[tilespmem:s1+$0x70] =	vst v15;
	v59 =	vmov v9  }
0x196: {  	s8 =	sadd.s32 $0xA50, s2;
	s1 =	sand.u32 $0x3FFFF000, s9;
	s5 =	sshll.u32 s5, $0xC;
	v15 =	vadd.s32 s7, v49;
	[tilespmem:s10+$0x20] =	vst v17;
	v62 =	vld.idx.msk [tilespmem:v50+s11+$0x0], $0xffff;
	v50 =	vmov v51;
	v51 =	vmov v57  }
.Ltmp6:
0x197: {  	s7 =	sadd.s32 $0x11380, s1;
	v17 =	vadd.s32 s8, v49;
	s1 =	sshra.s32 s5, $0x2;
	v9 =	vld.idx.msk [tilespmem:v63+s11+$0x0], $0xffff;
	[tilespmem:s30+$0x40] =	vst v16;
	(pc) =	sbr.rel @p2 .LBB2_7-.Ltmp6, $4  }
0x198: {  	s8 =	sadd.s32 $0x841, s0;
	s5 =	sand.u32 $0x380, s16;
	v10 =	vld.idx.msk [tilespmem:v18+s11+$0x0], $0xffff;
	s1 =	sadd.s32 s1, s7  }
0x199: {  	s12 =	sadd.s32 $0xC60, s2;
	s9 =	sadd.s32 $0xFFFFFF80, s16;
	v14 =	vadd.s32 s8, v49;
	s18 =	sadd.s32 s5, s1;
	v4 =	vld.idx.msk [tilespmem:v54+s11+$0x0], $0xffff;
	[tilespmem:s21+$0x50] =	vst v19;
	v54 =	vmov v58;
	v58 =	vmov v17  }
0x19a: {  	s2 =	sadd.s32 $0xE70, s2;
	v63 =	vadd.s32 s12, v49;
	s5 =	sand.u32 $0xF00, s9;
	s1 =	smov.u32 s21;
	[tilespmem:s18+$0x0] =	vst v3;
	v3 =	vld.idx.msk [tilespmem:v21+s11+$0x0], $0xffff  }
0x19b: {  	s19 =	sadd.s32 $0x2, s19;
	v57 =	vadd.s32 s2, v49;
	s2 =	sadd.s32 $0xE71, s15;
	s20 =	sadd.s32 s5, s7;
	v15 =	vld.idx.msk [tilespmem:v15+s11+$0x0], $0xffff;
	[tilespmem:s24+$0x20] =	vst v20  }
0x19c: {  	_ =	sdelay $0x2  }
0x19d: {  	s5 =	sadd.s32 $0x421, s14;
	[tilespmem:s20+$0x0] =	vst v10  }
0x19e: {  	v10 =	vadd.s32 s5, v49;
	v16 =	vld.idx.msk [tilespmem:v61+s11+$0x0], $0xffff;
	_ =	sdelay $0x3  }
0x19f: {  	[tilespmem:s18+$0x10] =	vst v15  }
0x1a0: {  	s7 =	sadd.s32 $0x631, s14;
	v10 =	vld.idx.msk [tilespmem:v10+s11+$0x0], $0xffff;
	[tilespmem:s20+$0x10] =	vst v16  }
0x1a1: {  	v15 =	vadd.s32 s7, v49;
	v16 =	vld.idx.msk [tilespmem:v59+s11+$0x0], $0xffff;
	_ =	sdelay $0x2  }
0x1a2: {  	v17 =	vld.idx.msk [tilespmem:v56+s11+$0x0], $0xffff  }
0x1a3: {  	[tilespmem:s18+$0x20] =	vst v10  }
0x1a4: {  	s8 =	sadd.s32 $0x841, s14;
	v10 =	vld.idx.msk [tilespmem:v15+s11+$0x0], $0xffff;
	[tilespmem:s20+$0x20] =	vst v16  }
0x1a5: {  	v15 =	vadd.s32 s8, v49;
	v8 =	vld.idx.msk [tilespmem:v8+s11+$0x0], $0xffff  }
0x1a6: {  	[tilespmem:s10+$0x30] =	vst v9  }
0x1a7: {  	s9 =	sadd.s32 $0xA51, s0;
	v9 =	vld.idx.msk [tilespmem:v14+s11+$0x0], $0xffff;
	[tilespmem:s24+$0x30] =	vst v17  }
0x1a8: {  	v14 =	vadd.s32 s9, v49;
	v61 =	vld.idx.msk [tilespmem:v55+s11+$0x0], $0xffff  }
0x1a9: {  	[tilespmem:s18+$0x30] =	vst v10  }
0x1aa: {  	s12 =	sadd.s32 $0xA51, s14;
	v10 =	vld.idx.msk [tilespmem:v15+s11+$0x0], $0xffff;
	[tilespmem:s20+$0x30] =	vst v8  }
0x1ab: {  	v8 =	vadd.s32 s12, v49;
	v15 =	vld.idx.msk [tilespmem:v60+s11+$0x0], $0xffff  }
0x1ac: {  	[tilespmem:s10+$0x40] =	vst v9  }
0x1ad: {  	s15 =	sadd.s32 $0xC61, s0;
	v9 =	vld.idx.msk [tilespmem:v14+s11+$0x0], $0xffff;
	[tilespmem:s24+$0x40] =	vst v61  }
0x1ae: {  	v14 =	vadd.s32 s15, v49;
	v16 =	vld.idx.msk [tilespmem:v54+s11+$0x0], $0xffff  }
0x1af: {  	[tilespmem:s18+$0x40] =	vst v10  }
0x1b0: {  	s16 =	sadd.s32 $0xC61, s14;
	v8 =	vld.idx.msk [tilespmem:v8+s11+$0x0], $0xffff;
	[tilespmem:s20+$0x40] =	vst v15  }
0x1b1: {  	[tilespmem:s30+$0x50] =	vst v4;
	v10 =	vadd.s32 s16, v49;
	v15 =	vld.idx.msk [tilespmem:v58+s11+$0x0], $0xffff  }
0x1b2: {  	[tilespmem:s10+$0x50] =	vst v9  }
0x1b3: {  	s19 =	sadd.s32 $0xE71, s0;
	v4 =	vadd.s32 s2, v49;
	v9 =	vld.idx.msk [tilespmem:v14+s11+$0x0], $0xffff;
	[tilespmem:s24+$0x50] =	vst v16  }
0x1b4: {  	[tilespmem:s29+$0x70] =	vst v62;
	s17 =	smulhi.u32 $0x66666667, s28;
	v14 =	vadd.s32 s19, v49;
	v16 =	vld.idx.msk [tilespmem:v53+s11+$0x0], $0xffff  }
0x1b5: {  	v62 =	vld.idx.msk [tilespmem:v52+s11+$0x0], $0xffff;
	[tilespmem:s18+$0x50] =	vst v8  }
0x1b6: {  	s22 =	sadd.s32 $0xE71, s14;
	s21 =	sshrl.u32 s17, $0x2;
	v8 =	vld.idx.msk [tilespmem:v10+s11+$0x0], $0xffff;
	[tilespmem:s20+$0x50] =	vst v15  }
0x1b7: {  	[tilespmem:s1+$0x60] =	vst v3;
	v3 =	vadd.s32 s22, v49;
	s7 =	sand.u32 $0x7, s21;
	v10 =	vld.idx.msk [tilespmem:v63+s11+$0x0], $0xffff  }
0x1b8: {  	p2 =	slt.u32 s28, $0xA;
	p3 =	sne.s32 s7, $0x0;
	v4 =	vld.idx.msk [tilespmem:v4+s11+$0x0], $0xffff;
	[tilespmem:s10+$0x60] =	vst v9  }
0x1b9: {  	s0 =	smul.u32 $0xA, s21;
	p2 =	por !p2, !p3;
	v9 =	vld.idx.msk [tilespmem:v14+s11+$0x0], $0xffff;
	[tilespmem:s24+$0x60] =	vst v16  }
0x1ba: {  	s5 =	simm.s32 $0x1;
	p2 =	por !p2, !p2;
	[tilespmem:s30+$0x60] =	vst v62;
	v14 =	vld.idx.msk [tilespmem:v51+s11+$0x0], $0xffff  }
0x1bb: {  	s2 =	sshrl.u32 s17, $0x5;
	s0 =	ssub.s32 s28, s0;
	s5 =	simm.s32 @!p2 $0x0;
	v15 =	vld.idx.msk [tilespmem:v50+s11+$0x0], $0xffff;
	[tilespmem:s18+$0x60] =	vst v8  }
0x1bc: {  	s0 =	smul.u32 $0x28000, s0;
	s2 =	ssub.s32 s2, s5;
	v3 =	vld.idx.msk [tilespmem:v3+s11+$0x0], $0xffff;
	[tilespmem:s20+$0x60] =	vst v10  }
0x1bd: {  	s2 =	smul.u32 $0x190000, s2;
	[tilespmem:s1+$0x70] =	vst v4;
	v4 =	vld.idx.msk [tilespmem:v57+s11+$0x0], $0xffff  }
0x1be: {  	p2 =	seq.s32 s25, $0x20;
	[tilespmem:s10+$0x70] =	vst v9  }
.Ltmp7:
0x1bf: {  	s23 =	sshll.u32 s7, $0xA;
	s0 =	sadd.s32 s0, s2;
	[tilespmem:s24+$0x70] =	vst v14;
	(pc) =	sbr.rel @p2 .LBB2_10-.Ltmp7, $4  }
0x1c0: {  	s0 =	sor.u32 s23, s0;
	[tilespmem:s30+$0x70] =	vst v15  }
0x1c1: {  	s31 =	simm.s32 $0x2000;
	s28 =	rddreg [dreg:$0x1];
	s0 =	sshrl.u32 s0, $0x3;
	[tilespmem:s18+$0x70] =	vst v3  }
0x1c2: {  	s29 =	simm.s32 $0x400;
	s0 =	sadd.s32 s28, s0;
	s30 =	simm.s32 $0x11380;
	[tilespmem:s20+$0x70] =	vst v4  }
0x1c3: {  	[hbm4b:s0+s29] =	stream.strided.scatter [tilespmem:s30], [sflag:$0x3], $0x5000, s31, s29, $0x38;
	[tilespmem:$0x1B380] =	vst v63  }
0x1c4: {  	s0 =	sadd.s32 s3, s26  }
0x1c5: {  	s1 =	sadd.s32 $0x1, s0  }
0x1c6: {  	s2 =	smulhi.u32 $0x66666667, s1;
	_ =	sdelay $0x1  }
0x1c7: {  	s2 =	sshrl.u32 s2, $0x2  }
0x1c8: {  	s2 =	smul.u32 $0xA, s2;
	_ =	sdelay $0x1  }
0x1c9: {  	s2 =	ssub.s32 s1, s2  }
0x1ca: {  	p2 =	sne.s32 s2, $0x0  }
0x1cb: {  	s1 =	smulhi.u32 @!p2 $0x66666667, s1;
	_ =	sdelay $0x1  }
0x1cc: {  	s5 =	sshrl.u32 @!p2 s1, $0x2  }
0x1cd: {  	s5 =	sand.u32 @!p2 $0x7, s5  }
0x1ce: {  	p3 =	slt.u32 @!p2 s0, $0x9;
	p4 =	sne.s32 @!p2 s5, $0x0  }
0x1cf: {  	p3 =	por @!p2 !p3, !p4  }
0x1d0: {  	p3 =	por @!p2 !p3, !p3  }
0x1d1: {  	s0 =	simm.s32 @!p2 $0x1;
	p3 =	por !p3, p2  }
0x1d2: {  	s1 =	sshrl.u32 @!p2 s1, $0x5;
	s0 =	simm.s32 @p3 $0x0  }
0x1d3: {  	s5 =	smul.u32 @!p2 $0x2D800, s5;
	s0 =	ssub.s32 @!p2 s1, s0  }
0x1d4: {  	s0 =	smul.u32 @!p2 $0x38, s0  }
0x1d5: {  	s14 =	smul.u32 $0x5, s2  }
0x1d6: {  	s1 =	sadd.s32 @!p2 s5, s0  }
0x1d7: {  	s2 =	rddreg [dreg:$0x3];
	s7 =	simm.s32 @!p2 $0x0;
	v3 =	vmov s14;
	s1 =	sshrl.u32 @!p2 s1, $0x3  }
0x1d8: {  	v3 =	vand.u32 $0x7F, v3;
	s5 =	simm.s32 @!p2 $0x5B0;
	s1 =	sadd.s32 @!p2 s2, s1;
	s2 =	simm.s32 @!p2 $0x38  }
0x1d9: {  	v4 =	vadd.s32 v1, v3;
	[tilespmem:s7], [sflag:$0x5] =	stream.strided.gather @!p2 [hbm4b:s1+s2], $0x1C00, s5, s2, $0x38;
	[tilespmem:$0x1B380] =	vst v63  }
0x1da: {  	s1 =	simm.s32 @!p2 $0x5  }
0x1db: {  	_ =	swait.ge @!p2 [sflag:s1], $0x1C00  }
0x1dc: {  	[sflag:s1] =	ssyncset.done @!p2 $0x0  }
0x1dd: {  	[sflag:s1] =	ssyncadd.s32 @!p2 $0xFFFFE400  }
0x1de: {  	v4 =	vld.idx.msk [tilespmem:v4+s4+$0x0], $0xffff  }
0x1df: {  	v8 =	vadd.s32 v2, v3;
	_ =	sdelay $0x3  }
0x1e0: {  	[tilespmem:$0x1C00] =	vst v4  }
0x1e1: {  	v4 =	vld.idx.msk [tilespmem:v8+s4+$0x0], $0xffff  }
0x1e2: {  	v8 =	vadd.s32 v5, v3;
	_ =	sdelay $0x3  }
0x1e3: {  	[tilespmem:$0x1C10] =	vst v4  }
0x1e4: {  	v4 =	vld.idx.msk [tilespmem:v8+s4+$0x0], $0xffff  }
0x1e5: {  	v8 =	vadd.s32 v6, v3;
	_ =	sdelay $0x3  }
0x1e6: {  	[tilespmem:$0x1C20] =	vst v4  }
0x1e7: {  	v4 =	vld.idx.msk [tilespmem:v8+s4+$0x0], $0xffff  }
0x1e8: {  	v8 =	vadd.s32 v7, v3;
	_ =	sdelay $0x3  }
0x1e9: {  	[tilespmem:$0x1C30] =	vst v4  }
0x1ea: {  	v4 =	vld.idx.msk [tilespmem:v8+s4+$0x0], $0xffff  }
0x1eb: {  	v8 =	vadd.s32 v11, v3;
	_ =	sdelay $0x3  }
0x1ec: {  	[tilespmem:$0x1C40] =	vst v4  }
0x1ed: {  	v4 =	vld.idx.msk [tilespmem:v8+s4+$0x0], $0xffff  }
0x1ee: {  	v8 =	vadd.s32 v12, v3;
	_ =	sdelay $0x3  }
0x1ef: {  	[tilespmem:$0x1C50] =	vst v4  }
0x1f0: {  	v4 =	vld.idx.msk [tilespmem:v8+s4+$0x0], $0xffff  }
0x1f1: {  	v3 =	vadd.s32 v13, v3;
	_ =	sdelay $0x2  }
0x1f2: {  	s15 =	sadd.s32 $0x1, s14  }
0x1f3: {  	[tilespmem:$0x1C60] =	vst v4;
	v4 =	vmov s15  }
0x1f4: {  	v3 =	vld.idx.msk [tilespmem:v3+s4+$0x0], $0xffff;
	v4 =	vand.u32 $0xFF, v4  }
0x1f5: {  	v8 =	vadd.s32 v1, v4;
	_ =	sdelay $0x3  }
0x1f6: {  	[tilespmem:$0x1C70] =	vst v3  }
0x1f7: {  	v3 =	vld.idx.msk [tilespmem:v8+s4+$0x0], $0xffff  }
0x1f8: {  	v8 =	vadd.s32 v2, v4;
	_ =	sdelay $0x3  }
0x1f9: {  	[tilespmem:$0x1C80] =	vst v3  }
0x1fa: {  	v3 =	vld.idx.msk [tilespmem:v8+s4+$0x0], $0xffff  }
0x1fb: {  	v8 =	vadd.s32 v5, v4;
	_ =	sdelay $0x3  }
0x1fc: {  	[tilespmem:$0x1C90] =	vst v3  }
0x1fd: {  	v3 =	vld.idx.msk [tilespmem:v8+s4+$0x0], $0xffff  }
0x1fe: {  	v8 =	vadd.s32 v6, v4;
	_ =	sdelay $0x3  }
0x1ff: {  	[tilespmem:$0x1CA0] =	vst v3  }
0x200: {  	v3 =	vld.idx.msk [tilespmem:v8+s4+$0x0], $0xffff  }
0x201: {  	v8 =	vadd.s32 v7, v4;
	_ =	sdelay $0x3  }
0x202: {  	[tilespmem:$0x1CB0] =	vst v3  }
0x203: {  	v3 =	vld.idx.msk [tilespmem:v8+s4+$0x0], $0xffff  }
0x204: {  	v8 =	vadd.s32 v11, v4;
	_ =	sdelay $0x3  }
0x205: {  	[tilespmem:$0x1CC0] =	vst v3  }
0x206: {  	v3 =	vld.idx.msk [tilespmem:v8+s4+$0x0], $0xffff  }
0x207: {  	v8 =	vadd.s32 v12, v4;
	_ =	sdelay $0x3  }
0x208: {  	[tilespmem:$0x1CD0] =	vst v3  }
0x209: {  	v3 =	vld.idx.msk [tilespmem:v8+s4+$0x0], $0xffff  }
0x20a: {  	v4 =	vadd.s32 v13, v4;
	_ =	sdelay $0x2  }
0x20b: {  	s16 =	sadd.s32 $0x2, s14  }
0x20c: {  	[tilespmem:$0x1CE0] =	vst v3;
	v3 =	vmov s16  }
0x20d: {  	v4 =	vld.idx.msk [tilespmem:v4+s4+$0x0], $0xffff;
	v3 =	vand.u32 $0xFF, v3  }
0x20e: {  	v8 =	vadd.s32 v1, v3;
	_ =	sdelay $0x3  }
0x20f: {  	[tilespmem:$0x1CF0] =	vst v4  }
0x210: {  	v4 =	vld.idx.msk [tilespmem:v8+s4+$0x0], $0xffff  }
0x211: {  	v8 =	vadd.s32 v2, v3;
	_ =	sdelay $0x3  }
0x212: {  	[tilespmem:$0x1D00] =	vst v4  }
0x213: {  	v4 =	vld.idx.msk [tilespmem:v8+s4+$0x0], $0xffff  }
0x214: {  	v8 =	vadd.s32 v5, v3;
	_ =	sdelay $0x3  }
0x215: {  	[tilespmem:$0x1D10] =	vst v4  }
0x216: {  	v4 =	vld.idx.msk [tilespmem:v8+s4+$0x0], $0xffff  }
0x217: {  	v8 =	vadd.s32 v6, v3;
	_ =	sdelay $0x3  }
0x218: {  	[tilespmem:$0x1D20] =	vst v4  }
0x219: {  	v4 =	vld.idx.msk [tilespmem:v8+s4+$0x0], $0xffff  }
0x21a: {  	v8 =	vadd.s32 v7, v3;
	_ =	sdelay $0x3  }
0x21b: {  	[tilespmem:$0x1D30] =	vst v4  }
0x21c: {  	v4 =	vld.idx.msk [tilespmem:v8+s4+$0x0], $0xffff  }
0x21d: {  	v8 =	vadd.s32 v11, v3;
	_ =	sdelay $0x3  }
0x21e: {  	[tilespmem:$0x1D40] =	vst v4  }
0x21f: {  	v4 =	vld.idx.msk [tilespmem:v8+s4+$0x0], $0xffff  }
0x220: {  	v8 =	vadd.s32 v12, v3;
	_ =	sdelay $0x3  }
0x221: {  	[tilespmem:$0x1D50] =	vst v4  }
0x222: {  	v4 =	vld.idx.msk [tilespmem:v8+s4+$0x0], $0xffff  }
0x223: {  	v3 =	vadd.s32 v13, v3;
	_ =	sdelay $0x2  }
0x224: {  	s17 =	sadd.s32 $0x3, s14  }
0x225: {  	[tilespmem:$0x1D60] =	vst v4;
	v4 =	vmov s17  }
0x226: {  	v3 =	vld.idx.msk [tilespmem:v3+s4+$0x0], $0xffff;
	v4 =	vand.u32 $0xFF, v4  }
0x227: {  	v8 =	vadd.s32 v1, v4;
	_ =	sdelay $0x3  }
0x228: {  	[tilespmem:$0x1D70] =	vst v3  }
0x229: {  	v3 =	vld.idx.msk [tilespmem:v8+s4+$0x0], $0xffff  }
0x22a: {  	v8 =	vadd.s32 v2, v4;
	_ =	sdelay $0x3  }
0x22b: {  	[tilespmem:$0x1D80] =	vst v3  }
0x22c: {  	v3 =	vld.idx.msk [tilespmem:v8+s4+$0x0], $0xffff  }
0x22d: {  	v8 =	vadd.s32 v5, v4;
	_ =	sdelay $0x3  }
0x22e: {  	[tilespmem:$0x1D90] =	vst v3  }
0x22f: {  	v3 =	vld.idx.msk [tilespmem:v8+s4+$0x0], $0xffff  }
0x230: {  	v8 =	vadd.s32 v6, v4;
	_ =	sdelay $0x3  }
0x231: {  	[tilespmem:$0x1DA0] =	vst v3  }
0x232: {  	v3 =	vld.idx.msk [tilespmem:v8+s4+$0x0], $0xffff  }
0x233: {  	v8 =	vadd.s32 v7, v4;
	_ =	sdelay $0x3  }
0x234: {  	[tilespmem:$0x1DB0] =	vst v3  }
0x235: {  	v3 =	vld.idx.msk [tilespmem:v8+s4+$0x0], $0xffff  }
0x236: {  	v8 =	vadd.s32 v11, v4;
	_ =	sdelay $0x3  }
0x237: {  	[tilespmem:$0x1DC0] =	vst v3  }
0x238: {  	v3 =	vld.idx.msk [tilespmem:v8+s4+$0x0], $0xffff  }
0x239: {  	v8 =	vadd.s32 v12, v4;
	_ =	sdelay $0x3  }
0x23a: {  	[tilespmem:$0x1DD0] =	vst v3  }
0x23b: {  	v3 =	vld.idx.msk [tilespmem:v8+s4+$0x0], $0xffff  }
0x23c: {  	v4 =	vadd.s32 v13, v4;
	_ =	sdelay $0x2  }
0x23d: {  	s0 =	sadd.s32 $0x4, s14  }
0x23e: {  	[tilespmem:$0x1DE0] =	vst v3;
	v3 =	vmov s0  }
0x23f: {  	v4 =	vld.idx.msk [tilespmem:v4+s4+$0x0], $0xffff;
	v3 =	vand.u32 $0xFF, v3  }
0x240: {  	v8 =	vadd.s32 v1, v3;
	_ =	sdelay $0x3  }
0x241: {  	[tilespmem:$0x1DF0] =	vst v4  }
0x242: {  	v4 =	vld.idx.msk [tilespmem:v8+s4+$0x0], $0xffff  }
0x243: {  	v8 =	vadd.s32 v2, v3;
	_ =	sdelay $0x3  }
0x244: {  	[tilespmem:$0x1E00] =	vst v4  }
0x245: {  	v4 =	vld.idx.msk [tilespmem:v8+s4+$0x0], $0xffff  }
0x246: {  	v8 =	vadd.s32 v5, v3;
	_ =	sdelay $0x3  }
0x247: {  	[tilespmem:$0x1E10] =	vst v4  }
0x248: {  	v4 =	vld.idx.msk [tilespmem:v8+s4+$0x0], $0xffff  }
0x249: {  	v8 =	vadd.s32 v6, v3;
	_ =	sdelay $0x3  }
0x24a: {  	[tilespmem:$0x1E20] =	vst v4  }
0x24b: {  	v4 =	vld.idx.msk [tilespmem:v8+s4+$0x0], $0xffff  }
0x24c: {  	v8 =	vadd.s32 v7, v3;
	_ =	sdelay $0x3  }
0x24d: {  	[tilespmem:$0x1E30] =	vst v4  }
0x24e: {  	v4 =	vld.idx.msk [tilespmem:v8+s4+$0x0], $0xffff  }
0x24f: {  	v8 =	vadd.s32 v11, v3;
	_ =	sdelay $0x3  }
0x250: {  	[tilespmem:$0x1E40] =	vst v4  }
0x251: {  	v4 =	vld.idx.msk [tilespmem:v8+s4+$0x0], $0xffff  }
0x252: {  	v8 =	vadd.s32 v12, v3;
	_ =	sdelay $0x3  }
0x253: {  	[tilespmem:$0x1E50] =	vst v4  }
0x254: {  	v4 =	vld.idx.msk [tilespmem:v8+s4+$0x0], $0xffff  }
0x255: {  	v3 =	vadd.s32 v13, v3;
	_ =	sdelay $0x3  }
0x256: {  	[tilespmem:$0x1E60] =	vst v4  }
0x257: {  	v3 =	vld.idx.msk [tilespmem:v3+s4+$0x0], $0xffff;
	_ =	sdelay $0x4  }
0x258: {  	s18 =	simm.s32 $0x1C00;
	s19 =	simm.s32 $0x2100;
	[tilespmem:$0x1E70] =	vst v3  }
0x259: {  	[tilespmem:s19], [sflag:$0x1] =	stream.indirect.gather [hbm4b:s6+s13], $0x20, s18, s13, $0xb8;
	[tilespmem:$0x1B380] =	vst v63  }
0x25a: {  	s20 =	simm.s32 $0x1C80;
	s21 =	simm.s32 $0x3100  }
0x25b: {  	[tilespmem:s21], [sflag:$0x1] =	stream.indirect.gather [hbm4b:s6+s13], $0x20, s20, s13, $0xb8;
	[tilespmem:$0x1B380] =	vst v63  }
0x25c: {  	s22 =	simm.s32 $0x1D00;
	s23 =	simm.s32 $0x4100  }
0x25d: {  	[tilespmem:s23], [sflag:$0x1] =	stream.indirect.gather [hbm4b:s6+s13], $0x20, s22, s13, $0xb8;
	[tilespmem:$0x1B380] =	vst v63  }
0x25e: {  	s24 =	simm.s32 $0x1D80;
	s28 =	simm.s32 $0x5100  }
0x25f: {  	[tilespmem:s28], [sflag:$0x1] =	stream.indirect.gather [hbm4b:s6+s13], $0x20, s24, s13, $0xb8;
	[tilespmem:$0x1B380] =	vst v63  }
0x260: {  	s29 =	simm.s32 $0x1E00;
	s30 =	simm.s32 $0x6100  }
0x261: {  	[tilespmem:s30], [sflag:$0x1] =	stream.indirect.gather [hbm4b:s6+s13], $0x20, s29, s13, $0xb8;
	[tilespmem:$0x1B380] =	vst v63  }
.LBB2_10:
.Ltmp8:
0x262: {  	(pc) =	sbr.rel @p0 .LBB2_16-.Ltmp8, $1  }
0x263: {  	_ =	sdelay $0x3  }
0x264: {  	s0 =	simm.s32 $0x2  }
0x265: {  	_ =	swait.ge [sflag:s0], $0x5000  }
0x266: {  	[sflag:s0] =	ssyncset.done $0x0  }
0x267: {  	[sflag:s0] =	ssyncadd.s32 $0xFFFFB000;
	s0 =	simm.s32 @!p1 $0x4  }
0x268: {  	_ =	swait.ge @!p1 [sflag:s0], $0x5000  }
0x269: {  	[sflag:s0] =	ssyncset.done @!p1 $0x0  }
0x26a: {  	s2 =	simm.s32 $0x7130;
	s28 =	simm.s32 $0x0;
	[sflag:s0] =	ssyncadd.s32 @!p1 $0xFFFFB000  }
0x26b: {  	s29 =	simm.s32 $0x21;
	v3 =	vadd.s32 s28, v0;
	v4 =	vld [tilespmem:s2+$0xFFFFFFD0]  }
0x26c: {  	v8 =	vadd.s32 s29, v0;
	v9 =	vld [tilespmem:s2+$0xFFFFFFF0];
	_ =	sdelay $0x2  }
0x26d: {  	s9 =	simm.s32 $0x7170;
	s7 =	simm.s32 $0x42  }
0x26e: {  	s30 =	simm.s32 $0x10;
	v50 =	vadd.s32 s7, v0;
	v10 =	vld [tilespmem:s9+$0xFFFFFFD0];
	[tilespmem:v3+s11+$0x0] =	vst.idx.msk $0xffff, v4  }
0x26f: {  	s5 =	simm.s32 $0x31;
	s10 =	simm.s32 $0x63;
	[tilespmem:v8+s11+$0x0] =	vst.idx.msk $0xffff, v9;
	v9 =	vadd.s32 s30, v0;
	v3 =	vld [tilespmem:s2+$0xFFFFFFE0]  }
0x270: {  	s1 =	simm.s32 $0x0;
	s8 =	simm.s32 $0x73;
	s14 =	simm.s32 $0x4;
	v14 =	vadd.s32 s10, v0;
	v15 =	vld [tilespmem:s9+$0xFFFFFFF0]  }
0x271: {  	s10 =	simm.s32 $0x7170;
	s0 =	simm.s32 $0x2;
	v4 =	vadd.s32 s5, v0;
	v8 =	vld [tilespmem:s2+$0x0];
	s2 =	simm.s32 $0xB5  }
.LBB2_12:
0x272: {  	s5 =	sadd.s32 $0xFFFFFFCF, s2;
	s14 =	sadd.s32 $0x2, s14  }
0x273: {  	s7 =	sadd.s32 $0xFFFFFFF0, s2;
	[tilespmem:v50+s11+$0x0] =	vst.idx.msk $0xffff, v10;
	s9 =	sadd.s32 $0x40, s9;
	p0 =	slt.u32 s14, $0x27E  }
.Ltmp9:
0x274: {  	v50 =	vadd.s32 s5, v0;
	v10 =	vld [tilespmem:s9+$0xFFFFFFD0];
	v16 =	vadd.s32 s7, v0;
	s5 =	sadd.s32 $0xFFFFFFDF, s8;
	[tilespmem:v9+s11+$0x0] =	vst.idx.msk $0xffff, v3;
	(pc) =	sbr.rel @p0 .LBB2_12-.Ltmp9, $4  }
0x275: {  	v9 =	vadd.s32 s5, v0;
	v3 =	vld [tilespmem:s10+$0xFFFFFFE0];
	[tilespmem:v14+s11+$0x0] =	vst.idx.msk $0xffff, v15;
	v14 =	vmov v16  }
0x276: {  	v15 =	vld [tilespmem:s9+$0xFFFFFFF0];
	[tilespmem:v4+s11+$0x0] =	vst.idx.msk $0xffff, v8;
	v4 =	vadd.s32 s8, v0;
	s8 =	smov.u32 s2  }
0x277: {  	v8 =	vld [tilespmem:s10+$0x0];
	s10 =	smov.u32 s9  }
0x278: {  	s2 =	sadd.s32 $0x42, s2  }
0x279: {  	s5 =	sadd.s32 $0xFFFFFFCF, s2;
	s7 =	sadd.s32 $0x40, s9  }
0x27a: {  	s21 =	sadd.s32 $0xFFFFFFF0, s2;
	v16 =	vadd.s32 s5, v0;
	v17 =	vld [tilespmem:s7+$0xFFFFFFD0]  }
0x27b: {  	v18 =	vadd.s32 s21, v0;
	v19 =	vld [tilespmem:s7+$0xFFFFFFF0];
	_ =	sdelay $0x1  }
0x27c: {  	[tilespmem:v50+s11+$0x0] =	vst.idx.msk $0xffff, v10;
	s22 =	sadd.s32 $0xFFFFFFDF, s8;
	s23 =	simm.s32 $0x0;
	s12 =	simm.s32 $0x0  }
0x27d: {  	v10 =	vadd.s32 s22, v0;
	v20 =	vld [tilespmem:s10+$0xFFFFFFE0];
	s24 =	smul.u32 $0x1060, s12;
	s9 =	sand.u32 $0xFFFFFFE0, s23;
	[tilespmem:v14+s11+$0x0] =	vst.idx.msk $0xffff, v15  }
0x27e: {  	v14 =	vadd.s32 s8, v0;
	s9 =	ssub.s32 $0x0, s9;
	v15 =	vld [tilespmem:s10+$0x0];
	s10 =	sadd.s32 $0xFFFFFFDF, s2;
	[tilespmem:v16+s11+$0x0] =	vst.idx.msk $0xffff, v17  }
0x27f: {  	s12 =	sadd.s32 $0x1, s9;
	v16 =	vadd.s32 s10, v0;
	[tilespmem:v18+s11+$0x0] =	vst.idx.msk $0xffff, v19;
	s10 =	sadd.s32 $0x0, s24;
	v17 =	vld [tilespmem:s7+$0xFFFFFFE0]  }
0x280: {  	[tilespmem:v9+s11+$0x0] =	vst.idx.msk $0xffff, v3;
	v3 =	vadd.s32 s2, v0;
	s15 =	sshll.u32 s12, $0x10;
	v9 =	vld [tilespmem:s7+$0x0];
	s14 =	sadd.s32 $0x1, s10  }
0x281: {  	[tilespmem:v4+s11+$0x0] =	vst.idx.msk $0xffff, v8;
	s16 =	sshra.s32 s15, $0x1F;
	v4 =	vadd.s32 s14, v49  }
0x282: {  	s17 =	simm.s32 $0x0;
	[tilespmem:v10+s11+$0x0] =	vst.idx.msk $0xffff, v20;
	s2 =	sand.u32 $0x7, s16  }
0x283: {  	s7 =	smul.u32 $0x1080, s17;
	s2 =	sadd.s32 s2, s12;
	[tilespmem:v14+s11+$0x0] =	vst.idx.msk $0xffff, v15  }
0x284: {  	s1 =	sand.u32 $0x1E, s1;
	s2 =	sshll.u32 s2, $0x10;
	[tilespmem:v16+s11+$0x0] =	vst.idx.msk $0xffff, v17  }
0x285: {  	s19 =	sshra.s32 s12, $0x1F;
	s7 =	sor.u32 s1, s7;
	s18 =	sshra.s32 s2, $0x13;
	[tilespmem:v3+s11+$0x0] =	vst.idx.msk $0xffff, v9  }
0x286: {  	s20 =	simm.s32 $0x0;
	s21 =	sadd.s32 $0x211, s10;
	s1 =	sadd.s32 s18, s19;
	v3 =	vadd.s32 s7, v49;
	v4 =	vld.idx.msk [tilespmem:v4+s11+$0x0], $0xffff  }
0x287: {  	s5 =	sand.u32 $0x3FFFF000, s20;
	v8 =	vadd.s32 s21, v49;
	s1 =	sshll.u32 s1, $0xC  }
0x288: {  	s22 =	simm.s32 $0x80;
	s5 =	sadd.s32 $0x16380, s5;
	s1 =	sshra.s32 s1, $0x2  }
0x289: {  	s2 =	sand.u32 $0x380, s22;
	s1 =	sadd.s32 s1, s5  }
0x28a: {  	s0 =	sand.u32 $0x1E, s0;
	s15 =	sadd.s32 s2, s1  }
0x28b: {  	s12 =	simm.s32 $0x2;
	s14 =	simm.s32 $0x0;
	s23 =	sadd.s32 $0x210, s7;
	v3 =	vld.idx.msk [tilespmem:v3+s11+$0x0], $0xffff;
	[tilespmem:s15+$0x0] =	vst v4  }
0x28c: {  	s16 =	sadd.s32 $0x421, s10;
	s9 =	smul.u32 $0x1060, s14;
	s1 =	sand.u32 $0xFFFFFFE0, s12;
	v4 =	vadd.s32 s23, v49;
	v8 =	vld.idx.msk [tilespmem:v8+s11+$0x0], $0xffff  }
0x28d: {  	s21 =	simm.s32 $0x0;
	s14 =	simm.s32 $0x0;
	v9 =	vadd.s32 s16, v49;
	s1 =	ssub.s32 $0x2, s1  }
0x28e: {  	s17 =	sand.u32 $0xF00, s14;
	s14 =	sadd.s32 $0x2, s9;
	s9 =	sadd.s32 $0x1, s1  }
0x28f: {  	s28 =	sadd.s32 s17, s5;
	s18 =	sadd.s32 $0x1, s14;
	s19 =	sshll.u32 s9, $0x10  }
0x290: {  	s24 =	sadd.s32 $0x420, s7;
	s22 =	sadd.s32 $0xA50, s7;
	s20 =	sshra.s32 s19, $0x1F;
	[tilespmem:s28+$0x0] =	vst v3;
	v3 =	vadd.s32 s18, v49  }
0x291: {  	s17 =	sadd.s32 $0xE70, s7;
	s16 =	sadd.s32 $0xC60, s7;
	s5 =	sand.u32 $0x7, s20;
	v4 =	vld.idx.msk [tilespmem:v4+s11+$0x0], $0xffff;
	[tilespmem:s15+$0x10] =	vst v8  }
0x292: {  	s23 =	smul.u32 $0x1080, s21;
	s5 =	sadd.s32 s5, s9;
	v8 =	vadd.s32 s24, v49;
	s24 =	sadd.s32 $0x631, s10;
	v9 =	vld.idx.msk [tilespmem:v9+s11+$0x0], $0xffff  }
0x293: {  	s12 =	sadd.s32 $0x630, s7;
	s1 =	sadd.s32 $0x840, s7;
	s5 =	sshll.u32 s5, $0x10;
	v10 =	vadd.s32 s24, v49  }
0x294: {  	s0 =	sor.u32 s0, s23;
	s8 =	sshra.s32 s5, $0x13;
	s18 =	sshra.s32 s9, $0x1F  }
0x295: {  	s19 =	simm.s32 $0x100;
	s20 =	sadd.s32 $0x211, s14;
	v14 =	vadd.s32 s0, v49;
	s2 =	sadd.s32 s8, s18;
	v3 =	vld.idx.msk [tilespmem:v3+s11+$0x0], $0xffff  }
0x296: {  	s21 =	simm.s32 $0x180;
	s7 =	sand.u32 $0x3FFFF000, s19;
	s2 =	sshll.u32 s2, $0xC;
	[tilespmem:s28+$0x10] =	vst v4;
	v4 =	vadd.s32 s20, v49  }
0x297: {  	s5 =	sadd.s32 $0x16380, s7;
	s7 =	sand.u32 $0x380, s21;
	s2 =	sshra.s32 s2, $0x2;
	v8 =	vld.idx.msk [tilespmem:v8+s11+$0x0], $0xffff;
	[tilespmem:s15+$0x20] =	vst v9  }
0x298: {  	s21 =	simm.s32 $0x4;
	s24 =	sadd.s32 $0x841, s10;
	s23 =	sadd.s32 s2, s5;
	v9 =	vadd.s32 s12, v49;
	v10 =	vld.idx.msk [tilespmem:v10+s11+$0x0], $0xffff  }
0x299: {  	s19 =	sadd.s32 $0x840, s0;
	s9 =	sand.u32 $0xFFFFFFE0, s21;
	v15 =	vadd.s32 s24, v49;
	s30 =	sadd.s32 s7, s23  }
0x29a: {  	s8 =	sadd.s32 $0x210, s0;
	s18 =	simm.s32 $0x100;
	s9 =	ssub.s32 $0x4, s9;
	v14 =	vld.idx.msk [tilespmem:v14+s11+$0x0], $0xffff;
	[tilespmem:s30+$0x0] =	vst v3  }
0x29b: {  	s24 =	sadd.s32 $0x421, s14;
	s23 =	simm.s32 $0x0;
	s7 =	sand.u32 $0xF00, s18;
	v3 =	vadd.s32 s8, v49;
	v4 =	vld.idx.msk [tilespmem:v4+s11+$0x0], $0xffff  }
0x29c: {  	s29 =	sadd.s32 s7, s5;
	s5 =	sadd.s32 $0x1, s9;
	s8 =	smul.u32 $0x1060, s23;
	[tilespmem:s28+$0x20] =	vst v8;
	v8 =	vadd.s32 s24, v49  }
0x29d: {  	s2 =	sadd.s32 $0x630, s0;
	s20 =	sadd.s32 $0x420, s0;
	s9 =	sshll.u32 s5, $0x10;
	v9 =	vld.idx.msk [tilespmem:v9+s11+$0x0], $0xffff;
	[tilespmem:s15+$0x30] =	vst v10  }
0x29e: {  	s21 =	sshra.s32 s9, $0x1F;
	v10 =	vadd.s32 s1, v49;
	s1 =	sadd.s32 $0x4, s8;
	s8 =	sadd.s32 $0xA51, s10;
	v15 =	vld.idx.msk [tilespmem:v15+s11+$0x0], $0xffff  }
0x29f: {  	s12 =	simm.s32 $0x0;
	[tilespmem:s29+$0x0] =	vst v14;
	s7 =	sand.u32 $0x7, s21;
	s24 =	sadd.s32 $0x1, s1;
	v14 =	vadd.s32 s8, v49  }
0x2a0: {  	s9 =	smul.u32 $0x1080, s12;
	s23 =	simm.s32 $0x4;
	s7 =	sadd.s32 s7, s5;
	v3 =	vld.idx.msk [tilespmem:v3+s11+$0x0], $0xffff;
	v16 =	vadd.s32 s24, v49;
	[tilespmem:s30+$0x10] =	vst v4  }
0x2a1: {  	s7 =	sshll.u32 s7, $0x10;
	s8 =	sand.u32 $0x1E, s23;
	v4 =	vadd.s32 s20, v49;
	s24 =	sadd.s32 $0x631, s14;
	v8 =	vld.idx.msk [tilespmem:v8+s11+$0x0], $0xffff  }
0x2a2: {  	s5 =	sshra.s32 s5, $0x1F;
	s7 =	sshra.s32 s7, $0x13;
	s23 =	sor.u32 s8, s9;
	[tilespmem:s28+$0x30] =	vst v9;
	v9 =	vadd.s32 s24, v49  }
0x2a3: {  	s18 =	sadd.s32 $0xA50, s0;
	s21 =	sadd.s32 $0xC60, s0;
	s5 =	sadd.s32 s7, s5;
	v17 =	vadd.s32 s23, v49;
	v10 =	vld.idx.msk [tilespmem:v10+s11+$0x0], $0xffff;
	[tilespmem:s15+$0x40] =	vst v15  }
0x2a4: {  	s12 =	simm.s32 $0x200;
	s5 =	sshll.u32 s5, $0xC;
	s9 =	sadd.s32 $0xC61, s10;
	v15 =	vadd.s32 s22, v49;
	v14 =	vld.idx.msk [tilespmem:v14+s11+$0x0], $0xffff  }
0x2a5: {  	s20 =	sadd.s32 $0xE70, s0;
	s8 =	sshra.s32 s5, $0x2;
	[tilespmem:s29+$0x10] =	vst v3;
	s22 =	sadd.s32 $0x211, s1;
	v3 =	vld.idx.msk [tilespmem:v16+s11+$0x0], $0xffff;
	v16 =	vadd.s32 s9, v49  }
0x2a6: {  	s10 =	sadd.s32 $0xE71, s10;
	s0 =	sadd.s32 $0x210, s23;
	s24 =	sand.u32 $0x3FFFF000, s12;
	v4 =	vld.idx.msk [tilespmem:v4+s11+$0x0], $0xffff;
	v60 =	vadd.s32 s22, v49;
	[tilespmem:s30+$0x20] =	vst v8  }
0x2a7: {  	s7 =	sadd.s32 $0x16380, s24;
	s24 =	sadd.s32 $0x841, s14;
	s22 =	simm.s32 $0x280;
	v8 =	vadd.s32 s2, v49;
	v9 =	vld.idx.msk [tilespmem:v9+s11+$0x0], $0xffff  }
0x2a8: {  	s12 =	sadd.s32 $0x420, s23;
	s5 =	sand.u32 $0x380, s22;
	s22 =	sadd.s32 s8, s7;
	[tilespmem:s28+$0x40] =	vst v10;
	v10 =	vld.idx.msk [tilespmem:v17+s11+$0x0], $0xffff;
	v17 =	vadd.s32 s24, v49  }
0x2a9: {  	v61 =	vadd.s32 s0, v49;
	v63 =	vadd.s32 s12, v49;
	s12 =	sadd.s32 $0xC60, s23;
	s0 =	sadd.s32 s5, s22;
	s24 =	simm.s32 $0x200;
	v15 =	vld.idx.msk [tilespmem:v15+s11+$0x0], $0xffff;
	[tilespmem:s15+$0x50] =	vst v14  }
0x2aa: {  	s9 =	sadd.s32 $0x630, s23;
	s5 =	sand.u32 $0xF00, s24;
	s24 =	simm.s32 $0x0;
	v14 =	vadd.s32 s16, v49;
	[tilespmem:s0+$0x0] =	vst v3;
	v3 =	vld.idx.msk [tilespmem:v16+s11+$0x0], $0xffff  }
0x2ab: {  	s22 =	sadd.s32 $0x421, s1;
	s16 =	simm.s32 $0x6;
	[tilespmem:s29+$0x20] =	vst v4;
	v4 =	vadd.s32 s10, v49;
	s24 =	smul.u32 $0x1060, s24;
	v16 =	vld.idx.msk [tilespmem:v60+s11+$0x0], $0xffff  }
0x2ac: {  	s2 =	sadd.s32 $0x840, s23;
	v62 =	vadd.s32 s22, v49;
	s10 =	sadd.s32 s5, s7;
	v8 =	vld.idx.msk [tilespmem:v8+s11+$0x0], $0xffff;
	s7 =	sand.u32 $0xFFFFFFE0, s16;
	[tilespmem:s30+$0x30] =	vst v9  }
0x2ad: {  	s16 =	sadd.s32 $0xA51, s14;
	v9 =	vadd.s32 s19, v49;
	s24 =	sadd.s32 $0x6, s24;
	s5 =	ssub.s32 $0x6, s7;
	[tilespmem:s10+$0x0] =	vst v10;
	v10 =	vld.idx.msk [tilespmem:v17+s11+$0x0], $0xffff  }
0x2ae: {  	s19 =	simm.s32 $0x0;
	s5 =	sadd.s32 $0x1, s5;
	s22 =	sadd.s32 $0x1, s24;
	v17 =	vld.idx.msk [tilespmem:v61+s11+$0x0], $0xffff;
	[tilespmem:s28+$0x50] =	vst v15;
	v15 =	vadd.s32 s16, v49  }
0x2af: {  	s7 =	smul.u32 $0x1080, s19;
	s16 =	simm.s32 $0x6;
	s19 =	sshll.u32 s5, $0x10;
	v14 =	vld.idx.msk [tilespmem:v14+s11+$0x0], $0xffff;
	[tilespmem:s15+$0x60] =	vst v3  }
0x2b0: {  	s8 =	sadd.s32 $0xA50, s23;
	s19 =	sshra.s32 s19, $0x1F;
	v3 =	vadd.s32 s22, v49;
	s22 =	sand.u32 $0x1E, s16;
	[tilespmem:s0+$0x10] =	vst v16;
	v4 =	vld.idx.msk [tilespmem:v4+s11+$0x0], $0xffff  }
0x2b1: {  	v16 =	vadd.s32 s17, v49;
	[tilespmem:s29+$0x30] =	vst v8;
	s17 =	sand.u32 $0x7, s19;
	s19 =	sadd.s32 $0x631, s1;
	v18 =	vld.idx.msk [tilespmem:v62+s11+$0x0], $0xffff;
	s7 =	sor.u32 s22, s7  }
0x2b2: {  	s22 =	sadd.s32 $0xE70, s23;
	v8 =	vld.idx.msk [tilespmem:v9+s11+$0x0], $0xffff;
	v9 =	vadd.s32 s19, v49;
	s17 =	sadd.s32 s17, s5;
	s5 =	sshra.s32 s5, $0x1F;
	[tilespmem:s30+$0x40] =	vst v10  }
0x2b3: {  	v20 =	vadd.s32 s18, v49;
	s23 =	sadd.s32 $0xC61, s14;
	s19 =	sadd.s32 $0x210, s7;
	v10 =	vadd.s32 s7, v49;
	s17 =	sshll.u32 s17, $0x10;
	v15 =	vld.idx.msk [tilespmem:v15+s11+$0x0], $0xffff;
	[tilespmem:s10+$0x10] =	vst v17  }
0x2b4: {  	v52 =	vadd.s32 s21, v49;
	v50 =	vadd.s32 s20, v49;
	v53 =	vadd.s32 s12, v49;
	s18 =	sadd.s32 $0x420, s7;
	s21 =	sadd.s32 $0x630, s7;
	s20 =	sshra.s32 s17, $0x13;
	v19 =	vld.idx.msk [tilespmem:v63+s11+$0x0], $0xffff  }
0x2b5: {  	v55 =	vadd.s32 s2, v49;
	v17 =	vadd.s32 s23, v49;
	s23 =	sadd.s32 $0x211, s24;
	[tilespmem:s28+$0x60] =	vst v14;
	s2 =	sadd.s32 s20, s5;
	s20 =	simm.s32 $0x300;
	v3 =	vld.idx.msk [tilespmem:v3+s11+$0x0], $0xffff  }
0x2b6: {  	v56 =	vadd.s32 s9, v49;
	s17 =	sadd.s32 $0x840, s7;
	v21 =	vadd.s32 s23, v49;
	s5 =	sand.u32 $0x3FFFF000, s20;
	s2 =	sshll.u32 s2, $0xC;
	v62 =	vld.idx.msk [tilespmem:v16+s11+$0x0], $0xffff;
	[tilespmem:s0+$0x20] =	vst v18  }
0x2b7: {  	v54 =	vadd.s32 s8, v49;
	v51 =	vadd.s32 s22, v49;
	[tilespmem:s15+$0x70] =	vst v4;
	s5 =	sadd.s32 $0x16380, s5;
	s2 =	sshra.s32 s2, $0x2;
	s15 =	simm.s32 $0x380;
	v9 =	vld.idx.msk [tilespmem:v9+s11+$0x0], $0xffff  }
0x2b8: {  	v61 =	vadd.s32 s19, v49;
	v59 =	vadd.s32 s18, v49;
	s18 =	sadd.s32 $0xA50, s7;
	[tilespmem:s29+$0x40] =	vst v8;
	v10 =	vld.idx.msk [tilespmem:v10+s11+$0x0], $0xffff;
	s19 =	sand.u32 $0x380, s15;
	s2 =	sadd.s32 s2, s5  }
0x2b9: {  	v60 =	vadd.s32 s17, v49;
	s20 =	sadd.s32 $0x841, s1;
	v8 =	vadd.s32 s21, v49;
	s21 =	simm.s32 $0x300;
	v4 =	vld.idx.msk [tilespmem:v20+s11+$0x0], $0xffff;
	s17 =	sadd.s32 s19, s2;
	[tilespmem:s30+$0x50] =	vst v15  }
0x2ba: {  	s22 =	sadd.s32 $0xC60, s7;
	s7 =	sadd.s32 $0xE70, s7;
	v58 =	vadd.s32 s18, v49;
	v14 =	vadd.s32 s20, v49;
	s23 =	sand.u32 $0xF00, s21;
	[tilespmem:s17+$0x0] =	vst v3;
	v3 =	vld.idx.msk [tilespmem:v17+s11+$0x0], $0xffff  }
0x2bb: {  	v63 =	vadd.s32 s22, v49;
	v57 =	vadd.s32 s7, v49;
	s18 =	simm.s32 $0x8;
	s19 =	sadd.s32 s23, s5;
	s2 =	sadd.s32 $0xE71, s14;
	[tilespmem:s10+$0x20] =	vst v19;
	v15 =	vld.idx.msk [tilespmem:v21+s11+$0x0], $0xffff  }
.LBB2_14:
0x2bc: {  	s5 =	sshrl.u32 s18, $0x5;
	s7 =	sadd.s32 $0x421, s24;
	s14 =	smov.u32 s1  }
0x2bd: {  	v16 =	vld.idx.msk [tilespmem:v56+s11+$0x0], $0xffff;
	v17 =	vadd.s32 s2, v49;
	[tilespmem:s28+$0x70] =	vst v62;
	v56 =	vmov v8;
	s1 =	smov.u32 s24;
	s20 =	smov.u32 s0;
	s0 =	smov.u32 s17  }
0x2be: {  	s28 =	smov.u32 s29;
	s29 =	smov.u32 s10;
	s2 =	smul.u32 $0x1060, s5;
	v8 =	vadd.s32 s7, v49;
	[tilespmem:s20+$0x30] =	vst v9  }
0x2bf: {  	s16 =	sadd.s32 $0x2, s16;
	s10 =	smov.u32 s19;
	s5 =	sand.u32 $0xFFFFFFE0, s18;
	[tilespmem:s19+$0x0] =	vst v10;
	v9 =	vld.idx.msk [tilespmem:v14+s11+$0x0], $0xffff  }
0x2c0: {  	s24 =	sadd.s32 s16, s2;
	s2 =	ssub.s32 s16, s5;
	v10 =	vld.idx.msk [tilespmem:v61+s11+$0x0], $0xffff;
	s5 =	sadd.s32 $0xA51, s14;
	[tilespmem:s28+$0x50] =	vst v4  }
0x2c1: {  	s7 =	sshrl.u32 s16, $0x5;
	s8 =	sadd.s32 $0x1, s2;
	s2 =	sadd.s32 $0x1, s24;
	v4 =	vadd.s32 s5, v49;
	v14 =	vld.idx.msk [tilespmem:v52+s11+$0x0], $0xffff;
	[tilespmem:s30+$0x60] =	vst v3;
	v52 =	vmov v53;
	v53 =	vmov v63  }
0x2c2: {  	s7 =	smul.u32 $0x1080, s7;
	s5 =	sand.u32 $0x1E, s16;
	v3 =	vadd.s32 s2, v49;
	s2 =	sshll.u32 s8, $0x10;
	[tilespmem:s0+$0x10] =	vst v15;
	v15 =	vld.idx.msk [tilespmem:v17+s11+$0x0], $0xffff  }
0x2c3: {  	s15 =	sadd.s32 $0x100, s15;
	p0 =	slt.u32 s16, $0x9E;
	s9 =	sshra.s32 s2, $0x1F;
	v17 =	vld.idx.msk [tilespmem:v8+s11+$0x0], $0xffff;
	[tilespmem:s29+$0x30] =	vst v16  }
0x2c4: {  	s2 =	sor.u32 s5, s7;
	s7 =	sadd.s32 $0x631, s1;
	s5 =	sand.u32 $0x7, s9;
	v16 =	vld.idx.msk [tilespmem:v55+s11+$0x0], $0xffff;
	v55 =	vmov v60  }
0x2c5: {  	v18 =	vadd.s32 s2, v49;
	s9 =	sadd.s32 $0x210, s2;
	s12 =	sadd.s32 $0x420, s2;
	v19 =	vadd.s32 s7, v49;
	s5 =	sadd.s32 s5, s8;
	[tilespmem:s20+$0x40] =	vst v9  }
0x2c6: {  	s7 =	sadd.s32 $0x630, s2;
	v61 =	vadd.s32 s9, v49;
	v9 =	vadd.s32 s12, v49;
	s9 =	sadd.s32 $0x840, s2;
	s5 =	sshll.u32 s5, $0x10;
	[tilespmem:s10+$0x10] =	vst v10;
	v20 =	vld.idx.msk [tilespmem:v4+s11+$0x0], $0xffff  }
0x2c7: {  	v8 =	vadd.s32 s7, v49;
	s7 =	sshra.s32 s8, $0x1F;
	s8 =	sadd.s32 $0xC61, s14;
	v60 =	vadd.s32 s9, v49;
	v3 =	vld.idx.msk [tilespmem:v3+s11+$0x0], $0xffff;
	s5 =	sshra.s32 s5, $0x13;
	[tilespmem:s28+$0x60] =	vst v14  }
0x2c8: {  	s9 =	sshll.u32 s16, $0x7;
	v22 =	vadd.s32 s8, v49;
	s5 =	sadd.s32 s5, s7;
	s7 =	sadd.s32 $0x211, s24;
	v21 =	vld.idx.msk [tilespmem:v59+s11+$0x0], $0xffff;
	[tilespmem:s30+$0x70] =	vst v15;
	v59 =	vmov v9  }
0x2c9: {  	s8 =	sand.u32 $0x3FFFF000, s9;
	s9 =	sadd.s32 $0xA50, s2;
	s5 =	sshll.u32 s5, $0xC;
	v15 =	vadd.s32 s7, v49;
	[tilespmem:s0+$0x20] =	vst v17;
	v62 =	vld.idx.msk [tilespmem:v50+s11+$0x0], $0xffff;
	v50 =	vmov v51;
	v51 =	vmov v57  }
.Ltmp10:
0x2ca: {  	s7 =	sadd.s32 $0x16380, s8;
	v17 =	vadd.s32 s9, v49;
	s5 =	sshra.s32 s5, $0x2;
	v9 =	vld.idx.msk [tilespmem:v19+s11+$0x0], $0xffff;
	[tilespmem:s29+$0x40] =	vst v16;
	(pc) =	sbr.rel @p0 .LBB2_14-.Ltmp10, $4  }
0x2cb: {  	s8 =	sand.u32 $0x380, s15;
	s9 =	sadd.s32 $0x841, s1;
	v10 =	vld.idx.msk [tilespmem:v18+s11+$0x0], $0xffff;
	s5 =	sadd.s32 s5, s7  }
0x2cc: {  	s19 =	sadd.s32 $0xC60, s2;
	s12 =	sadd.s32 $0xFFFFFF80, s15;
	v14 =	vadd.s32 s9, v49;
	s17 =	sadd.s32 s8, s5;
	v4 =	vld.idx.msk [tilespmem:v54+s11+$0x0], $0xffff;
	[tilespmem:s20+$0x50] =	vst v20;
	v54 =	vmov v58;
	v58 =	vmov v17  }
0x2cd: {  	v63 =	vadd.s32 s19, v49;
	s2 =	sadd.s32 $0xE70, s2;
	s30 =	smov.u32 s20;
	s5 =	sand.u32 $0xF00, s12;
	[tilespmem:s17+$0x0] =	vst v3;
	v3 =	vld.idx.msk [tilespmem:v22+s11+$0x0], $0xffff  }
0x2ce: {  	s18 =	sadd.s32 $0x2, s18;
	v57 =	vadd.s32 s2, v49;
	s2 =	sadd.s32 $0xE71, s14;
	s19 =	sadd.s32 s5, s7;
	v15 =	vld.idx.msk [tilespmem:v15+s11+$0x0], $0xffff;
	[tilespmem:s10+$0x20] =	vst v21  }
0x2cf: {  	_ =	sdelay $0x2  }
0x2d0: {  	s5 =	sadd.s32 $0x421, s24;
	[tilespmem:s19+$0x0] =	vst v10  }
0x2d1: {  	v10 =	vadd.s32 s5, v49;
	v16 =	vld.idx.msk [tilespmem:v61+s11+$0x0], $0xffff;
	_ =	sdelay $0x3  }
0x2d2: {  	[tilespmem:s17+$0x10] =	vst v15  }
0x2d3: {  	s9 =	sadd.s32 $0x631, s24;
	v10 =	vld.idx.msk [tilespmem:v10+s11+$0x0], $0xffff;
	[tilespmem:s19+$0x10] =	vst v16  }
0x2d4: {  	v15 =	vadd.s32 s9, v49;
	v16 =	vld.idx.msk [tilespmem:v59+s11+$0x0], $0xffff;
	_ =	sdelay $0x2  }
0x2d5: {  	v17 =	vld.idx.msk [tilespmem:v56+s11+$0x0], $0xffff  }
0x2d6: {  	[tilespmem:s17+$0x20] =	vst v10  }
0x2d7: {  	s12 =	sadd.s32 $0x841, s24;
	v10 =	vld.idx.msk [tilespmem:v15+s11+$0x0], $0xffff;
	[tilespmem:s19+$0x20] =	vst v16  }
0x2d8: {  	v15 =	vadd.s32 s12, v49;
	v8 =	vld.idx.msk [tilespmem:v8+s11+$0x0], $0xffff  }
0x2d9: {  	[tilespmem:s0+$0x30] =	vst v9  }
0x2da: {  	s14 =	sadd.s32 $0xA51, s1;
	v9 =	vld.idx.msk [tilespmem:v14+s11+$0x0], $0xffff;
	[tilespmem:s10+$0x30] =	vst v17  }
0x2db: {  	v14 =	vadd.s32 s14, v49;
	v61 =	vld.idx.msk [tilespmem:v55+s11+$0x0], $0xffff  }
0x2dc: {  	[tilespmem:s17+$0x30] =	vst v10  }
0x2dd: {  	s15 =	sadd.s32 $0xA51, s24;
	v10 =	vld.idx.msk [tilespmem:v15+s11+$0x0], $0xffff;
	[tilespmem:s19+$0x30] =	vst v8  }
0x2de: {  	v8 =	vadd.s32 s15, v49;
	v15 =	vld.idx.msk [tilespmem:v60+s11+$0x0], $0xffff  }
0x2df: {  	[tilespmem:s0+$0x40] =	vst v9  }
0x2e0: {  	s16 =	sadd.s32 $0xC61, s1;
	v9 =	vld.idx.msk [tilespmem:v14+s11+$0x0], $0xffff;
	[tilespmem:s10+$0x40] =	vst v61  }
0x2e1: {  	v14 =	vadd.s32 s16, v49;
	v16 =	vld.idx.msk [tilespmem:v54+s11+$0x0], $0xffff  }
0x2e2: {  	[tilespmem:s17+$0x40] =	vst v10  }
0x2e3: {  	s18 =	sadd.s32 $0xC61, s24;
	v8 =	vld.idx.msk [tilespmem:v8+s11+$0x0], $0xffff;
	[tilespmem:s19+$0x40] =	vst v15  }
0x2e4: {  	[tilespmem:s29+$0x50] =	vst v4;
	v10 =	vadd.s32 s18, v49;
	v15 =	vld.idx.msk [tilespmem:v58+s11+$0x0], $0xffff  }
0x2e5: {  	[tilespmem:s0+$0x50] =	vst v9  }
0x2e6: {  	s20 =	sadd.s32 s3, s26;
	s22 =	sadd.s32 $0xE71, s1;
	v4 =	vadd.s32 s2, v49;
	v9 =	vld.idx.msk [tilespmem:v14+s11+$0x0], $0xffff;
	[tilespmem:s10+$0x50] =	vst v16  }
0x2e7: {  	[tilespmem:s28+$0x70] =	vst v62;
	s21 =	smulhi.u32 $0x66666667, s20;
	v14 =	vadd.s32 s22, v49;
	v16 =	vld.idx.msk [tilespmem:v53+s11+$0x0], $0xffff  }
0x2e8: {  	v62 =	vld.idx.msk [tilespmem:v52+s11+$0x0], $0xffff;
	[tilespmem:s17+$0x50] =	vst v8  }
0x2e9: {  	s7 =	sadd.s32 $0xE71, s24;
	s23 =	sshrl.u32 s21, $0x2;
	v8 =	vld.idx.msk [tilespmem:v10+s11+$0x0], $0xffff;
	[tilespmem:s19+$0x50] =	vst v15  }
0x2ea: {  	[tilespmem:s30+$0x60] =	vst v3;
	v3 =	vadd.s32 s7, v49;
	s8 =	sand.u32 $0x7, s23;
	v10 =	vld.idx.msk [tilespmem:v63+s11+$0x0], $0xffff  }
0x2eb: {  	p0 =	slt.u32 s20, $0xA;
	p1 =	sne.s32 s8, $0x0;
	v4 =	vld.idx.msk [tilespmem:v4+s11+$0x0], $0xffff;
	[tilespmem:s0+$0x60] =	vst v9  }
0x2ec: {  	s1 =	smul.u32 $0xA, s23;
	p0 =	por !p0, !p1;
	v9 =	vld.idx.msk [tilespmem:v14+s11+$0x0], $0xffff;
	[tilespmem:s10+$0x60] =	vst v16  }
0x2ed: {  	s7 =	simm.s32 $0x1;
	p0 =	por !p0, !p0;
	[tilespmem:s29+$0x60] =	vst v62;
	v14 =	vld.idx.msk [tilespmem:v51+s11+$0x0], $0xffff  }
0x2ee: {  	s2 =	sshrl.u32 s21, $0x5;
	s1 =	ssub.s32 s20, s1;
	s7 =	simm.s32 @!p0 $0x0;
	v15 =	vld.idx.msk [tilespmem:v50+s11+$0x0], $0xffff;
	[tilespmem:s17+$0x60] =	vst v8  }
0x2ef: {  	s1 =	smul.u32 $0x28000, s1;
	s2 =	ssub.s32 s2, s7;
	v3 =	vld.idx.msk [tilespmem:v3+s11+$0x0], $0xffff;
	[tilespmem:s19+$0x60] =	vst v10  }
0x2f0: {  	s2 =	smul.u32 $0x190000, s2;
	[tilespmem:s30+$0x70] =	vst v4;
	v4 =	vld.idx.msk [tilespmem:v57+s11+$0x0], $0xffff  }
0x2f1: {  	[tilespmem:s0+$0x70] =	vst v9  }
.Ltmp11:
0x2f2: {  	s26 =	sshll.u32 s8, $0xA;
	s24 =	sadd.s32 s1, s2;
	[tilespmem:s10+$0x70] =	vst v14;
	(pc) =	sbr.rel .LBB2_16-.Ltmp11, $4  }
0x2f3: {  	s0 =	sor.u32 s26, s24;
	[tilespmem:s29+$0x70] =	vst v15  }
0x2f4: {  	s28 =	rddreg [dreg:$0x1];
	s0 =	sshrl.u32 s0, $0x3;
	[tilespmem:s17+$0x70] =	vst v3  }
0x2f5: {  	s30 =	simm.s32 $0x16380;
	s0 =	sadd.s32 s28, s0;
	s29 =	simm.s32 $0x400;
	[tilespmem:s19+$0x70] =	vst v4  }
0x2f6: {  	[hbm4b:s0+s29] =	stream.strided.scatter [tilespmem:s30], [sflag:$0x4], $0x5000, s31, s29, $0x38;
	[tilespmem:$0x1B380] =	vst v63  }
.LBB2_18:
0x2f7: {  	_ =	sfence.sel $0x180000  }
0x2f8: {  	[bflag:$0x0] =	sbarrier.arrive $0xFFFF  }
0x2f9: {  	_ =	strace $0x90000047  }
0x2fa: {  	s0 =	stileid.u32;
	[bflag:$0x2] =	sbarrier.arrive $0xFFFF  }
0x2fb: {  	p0 =	sne.s32 s0, $0x0;
	s0 =	rddreg [dreg:$0x2]  }
0x2fc: {  	s0 =	sadd.s32 @!p0 $0x100000, s0  }
0x2fd: {  	[sflag:s0] =	ssyncadd.tile.s32 @!p0 $0x1;
	_ =	shalt  }
.Lfunc_end2:
_tile_overlayer_lowered:
.L_overlay_start_2:
0x2fe: {  	(tag) =	ssettag $0x2  }
0x2ff: {  	s0 =	rddreg [dreg:$0x0];
	s2 =	stileid.u32  }
0x300: {  	s1 =	rddreg [dreg:$0x1];
	p0 =	sne.s32 s2, $0x0  }
0x301: {  	s3 =	rddreg [dreg:$0x2];
	[bflag:$0x3] =	sbarrier.arrive $0xFFFF;
	s2 =	simm.s32 @!p0 $0x1C06  }
0x302: {  	[timem:s3], [sflag:s2] =	dma.local @!p0 [hbm:s0], s1  }
0x303: {  	s0 =	simm.s32 @!p0 $0x6  }
0x304: {  	_ =	swait.ge @!p0 [sflag:s0], s1  }
0x305: {  	s1 =	ssub.s32 @!p0 $0x0, s1;
	[sflag:s0] =	ssyncset.done @!p0 $0x0  }
0x306: {  	[sflag:s0] =	ssyncadd.s32 @!p0 s1  }
0x307: {  	[bflag:$0x3] =	sbarrier.arrive $0xFFFF  }
0x308: {  	_ =	shalt  }

</sc_bundles>
